<compile_context>
chip_gen: v7x
topology: tpu7x:2x2x1
jax: 0.10.2.dev20260603
libtpu: 0.0.44.dev20260713+nightly
codegen_flags: <defaults>
</compile_context>

<pallas_src>
import functools

import jax
import jax.numpy as jnp
from jax import lax
from jax.experimental import pallas as pl
from jax.experimental.pallas import tpu as pltpu
from jax.experimental.pallas import tpu_sc as plsc

_HIDDEN = 32
_BATCH = 4096
_T = 200
_NC = 2
_NS = 16
_NW = _NC * _NS
_LB = _BATCH // _NW
_RH = _HIDDEN // 8
_NPH = _T // 2


def _transpose2(rows, outb, idx):
    qv, i1, i2 = idx
    def grp(i, carry):
        for u in range(8):
            lb = i * 8 + u
            lbv = jnp.zeros((16,), jnp.int32) + lb
            for q in (0, 1):
                v1 = rows[q * _LB + lb, pl.ds(0, 16)]
                v2 = rows[q * _LB + lb, pl.ds(16, 16)]
                plsc.store_scatter(outb, [qv[q], i1[0], i2[0], lbv], v1)
                plsc.store_scatter(outb, [qv[q], i1[1], i2[1], lbv], v2)
        return carry

    lax.fori_loop(0, _LB // 8, grp, 0)


def _emb_body(ids_hbm, table_hbm, out_hbm,
              idx_v, rows_a, rows_b, out_a, out_b,
              gsem_a, gsem_b, osem_a, osem_b):
    wid = lax.axis_index("s") * _NC + lax.axis_index("c")
    pltpu.sync_copy(ids_hbm.at[:, pl.ds(wid * _LB, _LB)], idx_v)

    iota = jnp.arange(16, dtype=jnp.int32)
    zeros = jnp.zeros((16,), jnp.int32)
    idx = ([zeros, zeros + 1],
           [iota // 8, (iota + 16) // 8],
           [iota % 8, (iota + 16) % 8])

    def fire_g(j, rows, sem):
        pltpu.make_async_copy(
            table_hbm.at[idx_v.at[2 * j]], rows.at[pl.ds(0, _LB)], sem
        ).start()
        pltpu.make_async_copy(
            table_hbm.at[idx_v.at[2 * j + 1]], rows.at[pl.ds(_LB, _LB)], sem
        ).start()

    def wait_g(j, rows, sem):
        pltpu.make_async_copy(
            table_hbm.at[idx_v.at[2 * j]], rows.at[pl.ds(0, _LB)], sem
        ).wait()
        pltpu.make_async_copy(
            table_hbm.at[idx_v.at[2 * j + 1]], rows.at[pl.ds(_LB, _LB)], sem
        ).wait()

    def fire_s(j, outb, sem):
        pltpu.make_async_copy(
            outb.at[:, :, :, pl.ds(0, _LB)], out_hbm.at[j, :, :, wid], sem
        ).start()

    def wait_s(j, outb, sem):
        pltpu.make_async_copy(
            outb.at[:, :, :, pl.ds(0, _LB)], out_hbm.at[j, :, :, wid], sem
        ).wait()

    fire_g(0, rows_a, gsem_a)
    fire_g(1, rows_b, gsem_b)
    wait_g(0, rows_a, gsem_a)
    _transpose2(rows_a, out_a, idx)
    fire_s(0, out_a, osem_a)
    fire_g(2, rows_a, gsem_a)
    wait_g(1, rows_b, gsem_b)
    _transpose2(rows_b, out_b, idx)
    fire_s(1, out_b, osem_b)
    fire_g(3, rows_b, gsem_b)

    def pair(p, carry):
        je = 2 * p
        jo = 2 * p + 1
        wait_g(je, rows_a, gsem_a)
        wait_s(je - 2, out_a, osem_a)
        _transpose2(rows_a, out_a, idx)
        fire_s(je, out_a, osem_a)
        fire_g(je + 2, rows_a, gsem_a)
        wait_g(jo, rows_b, gsem_b)
        wait_s(jo - 2, out_b, osem_b)
        _transpose2(rows_b, out_b, idx)
        fire_s(jo, out_b, osem_b)
        fire_g(jo + 2, rows_b, gsem_b)
        return carry

    lax.fori_loop(1, _NPH // 2 - 1, pair, 0)

    je, jo = _NPH - 2, _NPH - 1
    wait_g(je, rows_a, gsem_a)
    wait_s(je - 2, out_a, osem_a)
    _transpose2(rows_a, out_a, idx)
    fire_s(je, out_a, osem_a)
    wait_g(jo, rows_b, gsem_b)
    wait_s(jo - 2, out_b, osem_b)
    _transpose2(rows_b, out_b, idx)
    fire_s(jo, out_b, osem_b)
    wait_s(je, out_a, osem_a)
    wait_s(jo, out_b, osem_b)


@jax.jit
def _run(ids_t, table):
    mesh = plsc.VectorSubcoreMesh(core_axis_name="c", subcore_axis_name="s")
    f = functools.partial(
        pl.kernel,
        mesh=mesh,
        compiler_params=pltpu.CompilerParams(
            use_tc_tiling_on_sc=False, needs_layout_passes=False),
        out_type=jax.ShapeDtypeStruct((_NPH, 2, _RH, _NW, 8, _LB),
                                      jnp.float32),
        scratch_types=[
            pltpu.VMEM((_T, _LB), jnp.int32),
            pltpu.VMEM((2 * _LB, _HIDDEN), jnp.float32),
            pltpu.VMEM((2 * _LB, _HIDDEN), jnp.float32),
            pltpu.VMEM((2, _RH, 8, 129), jnp.float32),
            pltpu.VMEM((2, _RH, 8, 129), jnp.float32),
            pltpu.SemaphoreType.DMA,
            pltpu.SemaphoreType.DMA,
            pltpu.SemaphoreType.DMA,
            pltpu.SemaphoreType.DMA,
        ],
    )(_emb_body)
    return f(ids_t, table)


def kernel(input_ids, embed_table):
    ids_t = input_ids.T.astype(jnp.int32)
    raw = _run(ids_t, embed_table)
    return (raw.reshape(_T, _RH, _NW, 8, _LB)
            .transpose(2, 4, 0, 1, 3)
            .reshape(_BATCH, _T, _HIDDEN))

# --- scband reference (transcript-rebuilt; emitter-appended) ---
"""Pipeline reference for scband-fake-backbone-50749333569877 (READ-ONLY COPY).

The authoritative reference and input builder live on the scoring server;
editing this copy changes nothing except your own understanding.
"""

import jax, jax.numpy as jnp
import numpy as np

VOCAB = 1000000
HIDDEN = 32
BATCH = 4096
HIST = 200


def setup_inputs(seed: int = 0) -> dict:
    key = jax.random.key(seed)
    k_ids, k_emb = jax.random.split(key)
    input_ids = jax.random.randint(k_ids, (BATCH, HIST), 0, VOCAB, dtype=jnp.int64 if jax.config.jax_enable_x64 else jnp.int32)
    embed_table = jax.random.normal(k_emb, (VOCAB, HIDDEN), dtype=jnp.float32)
    return {"input_ids": input_ids, "embed_table": embed_table}


def reference(input_ids, embed_table):
    # FakeBackbone.forward with input_ids path: h = self.embed(input_ids)
    # returns _FakeOutput(last_hidden_state=h); we return the array itself.
    h = jnp.take(embed_table, input_ids, axis=0)
    return h

if __name__ == "__main__":
    import jax
    _d = setup_inputs()
    print(jax.jit(kernel)(*tuple(_d.values())))

</pallas_src>

<mosaic_0001>
#map = affine_map<(d0, d1) -> (0, 0)>
#map1 = affine_map<(d0, d1) -> (0, 0, 0, 0, 0, 0)>
module attributes {stable_mosaic.version = 14 : i64} {
  func.func @_emb_body(%arg0: i32, %arg1: i32, %arg2: memref<200x4096xi32, #tpu.memory_space<hbm>>, %arg3: memref<1000000x32xf32, #tpu.memory_space<hbm>>, %arg4: memref<100x2x4x32x8x128xf32, #tpu.memory_space<hbm>>, %arg5: memref<200x128xi32, #tpu.memory_space<vmem>>, %arg6: memref<256x32xf32, #tpu.memory_space<vmem>>, %arg7: memref<256x32xf32, #tpu.memory_space<vmem>>, %arg8: memref<2x4x8x129xf32, #tpu.memory_space<vmem>>, %arg9: memref<2x4x8x129xf32, #tpu.memory_space<vmem>>, %arg10: memref<!tpu.dma_semaphore, #tpu.memory_space<semaphore_mem>>, %arg11: memref<!tpu.dma_semaphore, #tpu.memory_space<semaphore_mem>>, %arg12: memref<!tpu.dma_semaphore, #tpu.memory_space<semaphore_mem>>, %arg13: memref<!tpu.dma_semaphore, #tpu.memory_space<semaphore_mem>>) attributes {dimension_semantics = [#tpu.dimension_semantics<core_parallel>, #tpu.dimension_semantics<subcore_parallel>], iteration_bounds = array<i64: 2, 16>, scalar_prefetch = 0 : i64, scratch_operands = 9 : i64, tpu.core_type = #tpu.core_type<sc_vector_subcore>, window_params = [{transform_indices = #map}, {transform_indices = #map}, {transform_indices = #map1}]} {
    %mul3A = arith.constant 2 : i32
    %mul3A_0 = arith.muli %arg1, %mul3A : i32
    %add3A = arith.addi %mul3A_0, %arg0 : i32
    %mul3A_1 = arith.constant 128 : i32
    %mul3A_2 = arith.muli %add3A, %mul3A_1 : i32
    "tpu.region"() ({
      %run_scoped3A = tpu.sem_alloc : memref<!tpu.dma_semaphore, #tpu.memory_space<semaphore_mem>>
      %dma_start3A_480 = arith.constant 0 : i32
      %dma_start3A_481 = tpu.memref_slice %arg2[%dma_start3A_480, %mul3A_2] : memref<200x4096xi32, #tpu.memory_space<hbm>> -> memref<200x128xi32, #tpu.memory_space<hbm>>
      %dma_start3A_482 = arith.constant 0 : i32
      %dma_start3A_483 = tpu.memref_slice %arg2[%dma_start3A_482, %mul3A_2] : memref<200x4096xi32, #tpu.memory_space<hbm>> -> memref<200x128xi32, #tpu.memory_space<hbm>>
      tpu.enqueue_dma source(%dma_start3A_483 : memref<200x128xi32, #tpu.memory_space<hbm>>) target(%arg5 : memref<200x128xi32, #tpu.memory_space<vmem>>) target_semaphore(%run_scoped3A : memref<!tpu.dma_semaphore, #tpu.memory_space<semaphore_mem>>)
      %dma_wait3A_484 = arith.constant 0 : i32
      %dma_wait3A_485 = tpu.memref_slice %arg2[%dma_wait3A_484, %mul3A_2] : memref<200x4096xi32, #tpu.memory_space<hbm>> -> memref<200x128xi32, #tpu.memory_space<hbm>>
      %dma_wait3A_486 = arith.constant 0 : i32
      %dma_wait3A_487 = tpu.memref_slice %arg2[%dma_wait3A_486, %mul3A_2] : memref<200x4096xi32, #tpu.memory_space<hbm>> -> memref<200x128xi32, #tpu.memory_space<hbm>>
      tpu.wait_dma2 semaphore(%run_scoped3A : memref<!tpu.dma_semaphore, #tpu.memory_space<semaphore_mem>>) src(%dma_wait3A_487 : memref<200x128xi32, #tpu.memory_space<hbm>>) dst(%arg5 : memref<200x128xi32, #tpu.memory_space<vmem>>)
      tpu.yield
    }) : () -> ()
    %iota3A = tpu.iota {dimensions = array<i32: 0>} : vector<16xi32>
    %broadcast_in_dim3A = arith.constant 0 : i32
    %broadcast_in_dim3A_3 = vector.broadcast %broadcast_in_dim3A : i32 to vector<16xi32>
    %add3A_4 = arith.constant 1 : i32
    %add3A_5 = vector.broadcast %add3A_4 : i32 to vector<16xi32>
    %add3A_6 = arith.addi %broadcast_in_dim3A_3, %add3A_5 : vector<16xi32>
    %jit3A = arith.constant 8 : i32
    %div3A = vector.broadcast %jit3A : i32 to vector<16xi32>
    %div3A_7 = arith.divsi %iota3A, %div3A : vector<16xi32>
    %sign3A = arith.constant 0 : i32
    %sign3A_8 = vector.broadcast %sign3A : i32 to vector<16xi32>
    %sign3A_9 = arith.cmpi sgt, %iota3A, %sign3A_8 : vector<16xi32>
    %sign3A_10 = arith.extui %sign3A_9 : vector<16xi1> to vector<16xi32>
    %sign3A_11 = arith.constant 0 : i32
    %sign3A_12 = vector.broadcast %sign3A_11 : i32 to vector<16xi32>
    %sign3A_13 = arith.cmpi slt, %iota3A, %sign3A_12 : vector<16xi32>
    %sign3A_14 = arith.extui %sign3A_13 : vector<16xi1> to vector<16xi32>
    %sign3A_15 = arith.subi %sign3A_10, %sign3A_14 : vector<16xi32>
    %sign3A_16 = arith.constant 0 : i32
    %sign3A_17 = arith.cmpi sgt, %jit3A, %sign3A_16 : i32
    %sign3A_18 = arith.extui %sign3A_17 : i1 to i32
    %sign3A_19 = arith.constant 0 : i32
    %sign3A_20 = arith.cmpi slt, %jit3A, %sign3A_19 : i32
    %sign3A_21 = arith.extui %sign3A_20 : i1 to i32
    %sign3A_22 = arith.subi %sign3A_18, %sign3A_21 : i32
    %ne3A = vector.broadcast %sign3A_22 : i32 to vector<16xi32>
    %ne3A_23 = arith.cmpi ne, %sign3A_15, %ne3A : vector<16xi32>
    %rem3A = vector.broadcast %jit3A : i32 to vector<16xi32>
    %rem3A_24 = arith.remsi %iota3A, %rem3A : vector<16xi32>
    %ne3A_25 = arith.constant 0 : i32
    %ne3A_26 = vector.broadcast %ne3A_25 : i32 to vector<16xi32>
    %ne3A_27 = arith.cmpi ne, %rem3A_24, %ne3A_26 : vector<16xi32>
    %and3A = arith.andi %ne3A_23, %ne3A_27 : vector<16xi1>
    %sub3A = arith.constant 1 : i32
    %sub3A_28 = vector.broadcast %sub3A : i32 to vector<16xi32>
    %sub3A_29 = arith.subi %div3A_7, %sub3A_28 : vector<16xi32>
    %select_n3A = arith.select %and3A, %sub3A_29, %div3A_7 : vector<16xi1>, vector<16xi32>
    %add3A_30 = arith.constant 16 : i32
    %add3A_31 = vector.broadcast %add3A_30 : i32 to vector<16xi32>
    %add3A_32 = arith.addi %iota3A, %add3A_31 : vector<16xi32>
    %jit3A_33 = arith.constant 8 : i32
    %div3A_34 = vector.broadcast %jit3A_33 : i32 to vector<16xi32>
    %div3A_35 = arith.divsi %add3A_32, %div3A_34 : vector<16xi32>
    %sign3A_36 = arith.constant 0 : i32
    %sign3A_37 = vector.broadcast %sign3A_36 : i32 to vector<16xi32>
    %sign3A_38 = arith.cmpi sgt, %add3A_32, %sign3A_37 : vector<16xi32>
    %sign3A_39 = arith.extui %sign3A_38 : vector<16xi1> to vector<16xi32>
    %sign3A_40 = arith.constant 0 : i32
    %sign3A_41 = vector.broadcast %sign3A_40 : i32 to vector<16xi32>
    %sign3A_42 = arith.cmpi slt, %add3A_32, %sign3A_41 : vector<16xi32>
    %sign3A_43 = arith.extui %sign3A_42 : vector<16xi1> to vector<16xi32>
    %sign3A_44 = arith.subi %sign3A_39, %sign3A_43 : vector<16xi32>
    %sign3A_45 = arith.constant 0 : i32
    %sign3A_46 = arith.cmpi sgt, %jit3A_33, %sign3A_45 : i32
    %sign3A_47 = arith.extui %sign3A_46 : i1 to i32
    %sign3A_48 = arith.constant 0 : i32
    %sign3A_49 = arith.cmpi slt, %jit3A_33, %sign3A_48 : i32
    %sign3A_50 = arith.extui %sign3A_49 : i1 to i32
    %sign3A_51 = arith.subi %sign3A_47, %sign3A_50 : i32
    %ne3A_52 = vector.broadcast %sign3A_51 : i32 to vector<16xi32>
    %ne3A_53 = arith.cmpi ne, %sign3A_44, %ne3A_52 : vector<16xi32>
    %rem3A_54 = vector.broadcast %jit3A_33 : i32 to vector<16xi32>
    %rem3A_55 = arith.remsi %add3A_32, %rem3A_54 : vector<16xi32>
    %ne3A_56 = arith.constant 0 : i32
    %ne3A_57 = vector.broadcast %ne3A_56 : i32 to vector<16xi32>
    %ne3A_58 = arith.cmpi ne, %rem3A_55, %ne3A_57 : vector<16xi32>
    %and3A_59 = arith.andi %ne3A_53, %ne3A_58 : vector<16xi1>
    %sub3A_60 = arith.constant 1 : i32
    %sub3A_61 = vector.broadcast %sub3A_60 : i32 to vector<16xi32>
    %sub3A_62 = arith.subi %div3A_35, %sub3A_61 : vector<16xi32>
    %select_n3A_63 = arith.select %and3A_59, %sub3A_62, %div3A_35 : vector<16xi1>, vector<16xi32>
    %jit3A_64 = arith.constant 8 : i32
    %eq3A = arith.constant 0 : i32
    %eq3A_65 = arith.cmpi eq, %jit3A_64, %eq3A : i32
    %jit3A_66 = arith.constant 1 : i32
    %select_n3A_67 = arith.select %eq3A_65, %jit3A_66, %jit3A_64 : i32
    %rem3A_68 = vector.broadcast %select_n3A_67 : i32 to vector<16xi32>
    %rem3A_69 = arith.remsi %iota3A, %rem3A_68 : vector<16xi32>
    %ne3A_70 = arith.constant 0 : i32
    %ne3A_71 = vector.broadcast %ne3A_70 : i32 to vector<16xi32>
    %ne3A_72 = arith.cmpi ne, %rem3A_69, %ne3A_71 : vector<16xi32>
    %lt3A = arith.constant 0 : i32
    %lt3A_73 = vector.broadcast %lt3A : i32 to vector<16xi32>
    %lt3A_74 = arith.cmpi slt, %rem3A_69, %lt3A_73 : vector<16xi32>
    %lt3A_75 = arith.constant 0 : i32
    %lt3A_76 = arith.cmpi slt, %select_n3A_67, %lt3A_75 : i32
    %ne3A_77 = vector.broadcast %lt3A_76 : i1 to vector<16xi1>
    %ne3A_78 = vector.broadcast %ne3A_77 : vector<16xi1> to vector<16xi1>
    %ne3A_79 = arith.xori %lt3A_74, %ne3A_78 : vector<16xi1>
    %and3A_80 = arith.andi %ne3A_79, %ne3A_72 : vector<16xi1>
    %add3A_81 = vector.broadcast %select_n3A_67 : i32 to vector<16xi32>
    %add3A_82 = arith.addi %rem3A_69, %add3A_81 : vector<16xi32>
    %select_n3A_83 = arith.select %and3A_80, %add3A_82, %rem3A_69 : vector<16xi1>, vector<16xi32>
    %add3A_84 = arith.constant 16 : i32
    %add3A_85 = vector.broadcast %add3A_84 : i32 to vector<16xi32>
    %add3A_86 = arith.addi %iota3A, %add3A_85 : vector<16xi32>
    %jit3A_87 = arith.constant 8 : i32
    %eq3A_88 = arith.constant 0 : i32
    %eq3A_89 = arith.cmpi eq, %jit3A_87, %eq3A_88 : i32
    %jit3A_90 = arith.constant 1 : i32
    %select_n3A_91 = arith.select %eq3A_89, %jit3A_90, %jit3A_87 : i32
    %rem3A_92 = vector.broadcast %select_n3A_91 : i32 to vector<16xi32>
    %rem3A_93 = arith.remsi %add3A_86, %rem3A_92 : vector<16xi32>
    %ne3A_94 = arith.constant 0 : i32
    %ne3A_95 = vector.broadcast %ne3A_94 : i32 to vector<16xi32>
    %ne3A_96 = arith.cmpi ne, %rem3A_93, %ne3A_95 : vector<16xi32>
    %lt3A_97 = arith.constant 0 : i32
    %lt3A_98 = vector.broadcast %lt3A_97 : i32 to vector<16xi32>
    %lt3A_99 = arith.cmpi slt, %rem3A_93, %lt3A_98 : vector<16xi32>
    %lt3A_100 = arith.constant 0 : i32
    %lt3A_101 = arith.cmpi slt, %select_n3A_91, %lt3A_100 : i32
    %ne3A_102 = vector.broadcast %lt3A_101 : i1 to vector<16xi1>
    %ne3A_103 = vector.broadcast %ne3A_102 : vector<16xi1> to vector<16xi1>
    %ne3A_104 = arith.xori %lt3A_99, %ne3A_103 : vector<16xi1>
    %and3A_105 = arith.andi %ne3A_104, %ne3A_96 : vector<16xi1>
    %add3A_106 = vector.broadcast %select_n3A_91 : i32 to vector<16xi32>
    %add3A_107 = arith.addi %rem3A_93, %add3A_106 : vector<16xi32>
    %select_n3A_108 = arith.select %and3A_105, %add3A_107, %rem3A_93 : vector<16xi1>, vector<16xi32>
    %dma_start3A = arith.constant 0 : i32
    %dma_start3A_109 = arith.constant 0 : i32
    %dma_start3A_110 = arith.constant 0 : i32
    %dma_start3A_111 = tpu.memref_slice %arg6[%dma_start3A_109, %dma_start3A_110] : memref<256x32xf32, #tpu.memory_space<vmem>> -> memref<128x32xf32, #tpu.memory_space<vmem>>
    %dma_start3A_112 = arith.constant 0 : i32
    %dma_start3A_113 = tpu.memref_slice %arg5[%dma_start3A, %dma_start3A_112] : memref<200x128xi32, #tpu.memory_space<vmem>> -> memref<1x128xi32, #tpu.memory_space<vmem>>
    %dma_start3A_114 = tpu.memref_squeeze %dma_start3A_113 : memref<1x128xi32, #tpu.memory_space<vmem>> -> memref<128xi32, #tpu.memory_space<vmem>>
    %dma_start3A_115 = arith.constant 0 : i32
    %dma_start3A_116 = arith.constant 0 : i32
    %dma_start3A_117 = tpu.memref_slice %arg3[%dma_start3A_115, %dma_start3A_116] : memref<1000000x32xf32, #tpu.memory_space<hbm>> -> memref<1000000x32xf32, #tpu.memory_space<hbm>>
    tpu.enqueue_indirect_dma source(%dma_start3A_117 : memref<1000000x32xf32, #tpu.memory_space<hbm>>) target(%dma_start3A_111 : memref<128x32xf32, #tpu.memory_space<vmem>>) offsets(%dma_start3A_114 : memref<128xi32, #tpu.memory_space<vmem>>) semaphore(%arg10 : memref<!tpu.dma_semaphore, #tpu.memory_space<semaphore_mem>>)
    %dma_start3A_118 = arith.constant 1 : i32
    %dma_start3A_119 = arith.constant 128 : i32
    %dma_start3A_120 = arith.constant 0 : i32
    %dma_start3A_121 = tpu.memref_slice %arg6[%dma_start3A_119, %dma_start3A_120] : memref<256x32xf32, #tpu.memory_space<vmem>> -> memref<128x32xf32, #tpu.memory_space<vmem>>
    %dma_start3A_122 = arith.constant 0 : i32
    %dma_start3A_123 = tpu.memref_slice %arg5[%dma_start3A_118, %dma_start3A_122] : memref<200x128xi32, #tpu.memory_space<vmem>> -> memref<1x128xi32, #tpu.memory_space<vmem>>
    %dma_start3A_124 = tpu.memref_squeeze %dma_start3A_123 : memref<1x128xi32, #tpu.memory_space<vmem>> -> memref<128xi32, #tpu.memory_space<vmem>>
    %dma_start3A_125 = arith.constant 0 : i32
    %dma_start3A_126 = arith.constant 0 : i32
    %dma_start3A_127 = tpu.memref_slice %arg3[%dma_start3A_125, %dma_start3A_126] : memref<1000000x32xf32, #tpu.memory_space<hbm>> -> memref<1000000x32xf32, #tpu.memory_space<hbm>>
    tpu.enqueue_indirect_dma source(%dma_start3A_127 : memref<1000000x32xf32, #tpu.memory_space<hbm>>) target(%dma_start3A_121 : memref<128x32xf32, #tpu.memory_space<vmem>>) offsets(%dma_start3A_124 : memref<128xi32, #tpu.memory_space<vmem>>) semaphore(%arg10 : memref<!tpu.dma_semaphore, #tpu.memory_space<semaphore_mem>>)
    %dma_start3A_128 = arith.constant 2 : i32
    %dma_start3A_129 = arith.constant 0 : i32
    %dma_start3A_130 = arith.constant 0 : i32
    %dma_start3A_131 = tpu.memref_slice %arg7[%dma_start3A_129, %dma_start3A_130] : memref<256x32xf32, #tpu.memory_space<vmem>> -> memref<128x32xf32, #tpu.memory_space<vmem>>
    %dma_start3A_132 = arith.constant 0 : i32
    %dma_start3A_133 = tpu.memref_slice %arg5[%dma_start3A_128, %dma_start3A_132] : memref<200x128xi32, #tpu.memory_space<vmem>> -> memref<1x128xi32, #tpu.memory_space<vmem>>
    %dma_start3A_134 = tpu.memref_squeeze %dma_start3A_133 : memref<1x128xi32, #tpu.memory_space<vmem>> -> memref<128xi32, #tpu.memory_space<vmem>>
    %dma_start3A_135 = arith.constant 0 : i32
    %dma_start3A_136 = arith.constant 0 : i32
    %dma_start3A_137 = tpu.memref_slice %arg3[%dma_start3A_135, %dma_start3A_136] : memref<1000000x32xf32, #tpu.memory_space<hbm>> -> memref<1000000x32xf32, #tpu.memory_space<hbm>>
    tpu.enqueue_indirect_dma source(%dma_start3A_137 : memref<1000000x32xf32, #tpu.memory_space<hbm>>) target(%dma_start3A_131 : memref<128x32xf32, #tpu.memory_space<vmem>>) offsets(%dma_start3A_134 : memref<128xi32, #tpu.memory_space<vmem>>) semaphore(%arg11 : memref<!tpu.dma_semaphore, #tpu.memory_space<semaphore_mem>>)
    %dma_start3A_138 = arith.constant 3 : i32
    %dma_start3A_139 = arith.constant 128 : i32
    %dma_start3A_140 = arith.constant 0 : i32
    %dma_start3A_141 = tpu.memref_slice %arg7[%dma_start3A_139, %dma_start3A_140] : memref<256x32xf32, #tpu.memory_space<vmem>> -> memref<128x32xf32, #tpu.memory_space<vmem>>
    %dma_start3A_142 = arith.constant 0 : i32
    %dma_start3A_143 = tpu.memref_slice %arg5[%dma_start3A_138, %dma_start3A_142] : memref<200x128xi32, #tpu.memory_space<vmem>> -> memref<1x128xi32, #tpu.memory_space<vmem>>
    %dma_start3A_144 = tpu.memref_squeeze %dma_start3A_143 : memref<1x128xi32, #tpu.memory_space<vmem>> -> memref<128xi32, #tpu.memory_space<vmem>>
    %dma_start3A_145 = arith.constant 0 : i32
    %dma_start3A_146 = arith.constant 0 : i32
    %dma_start3A_147 = tpu.memref_slice %arg3[%dma_start3A_145, %dma_start3A_146] : memref<1000000x32xf32, #tpu.memory_space<hbm>> -> memref<1000000x32xf32, #tpu.memory_space<hbm>>
    tpu.enqueue_indirect_dma source(%dma_start3A_147 : memref<1000000x32xf32, #tpu.memory_space<hbm>>) target(%dma_start3A_141 : memref<128x32xf32, #tpu.memory_space<vmem>>) offsets(%dma_start3A_144 : memref<128xi32, #tpu.memory_space<vmem>>) semaphore(%arg11 : memref<!tpu.dma_semaphore, #tpu.memory_space<semaphore_mem>>)
    %dma_wait3A = arith.constant 0 : i32
    %dma_wait3A_148 = arith.constant 0 : i32
    %dma_wait3A_149 = arith.constant 0 : i32
    %dma_wait3A_150 = tpu.memref_slice %arg6[%dma_wait3A_148, %dma_wait3A_149] : memref<256x32xf32, #tpu.memory_space<vmem>> -> memref<128x32xf32, #tpu.memory_space<vmem>>
    %dma_wait3A_151 = arith.constant 0 : i32
    %dma_wait3A_152 = tpu.memref_slice %arg5[%dma_wait3A, %dma_wait3A_151] : memref<200x128xi32, #tpu.memory_space<vmem>> -> memref<1x128xi32, #tpu.memory_space<vmem>>
    %dma_wait3A_153 = tpu.memref_squeeze %dma_wait3A_152 : memref<1x128xi32, #tpu.memory_space<vmem>> -> memref<128xi32, #tpu.memory_space<vmem>>
    %dma_wait3A_154 = arith.constant 0 : i32
    %dma_wait3A_155 = arith.constant 0 : i32
    %dma_wait3A_156 = tpu.memref_slice %arg3[%dma_wait3A_154, %dma_wait3A_155] : memref<1000000x32xf32, #tpu.memory_space<hbm>> -> memref<1000000x32xf32, #tpu.memory_space<hbm>>
    tpu.wait_indirect_dma semaphore(%arg10 : memref<!tpu.dma_semaphore, #tpu.memory_space<semaphore_mem>>) src(%dma_wait3A_156 : memref<1000000x32xf32, #tpu.memory_space<hbm>>) dst(%dma_wait3A_150 : memref<128x32xf32, #tpu.memory_space<vmem>>)
    %dma_wait3A_157 = arith.constant 1 : i32
    %dma_wait3A_158 = arith.constant 128 : i32
    %dma_wait3A_159 = arith.constant 0 : i32
    %dma_wait3A_160 = tpu.memref_slice %arg6[%dma_wait3A_158, %dma_wait3A_159] : memref<256x32xf32, #tpu.memory_space<vmem>> -> memref<128x32xf32, #tpu.memory_space<vmem>>
    %dma_wait3A_161 = arith.constant 0 : i32
    %dma_wait3A_162 = tpu.memref_slice %arg5[%dma_wait3A_157, %dma_wait3A_161] : memref<200x128xi32, #tpu.memory_space<vmem>> -> memref<1x128xi32, #tpu.memory_space<vmem>>
    %dma_wait3A_163 = tpu.memref_squeeze %dma_wait3A_162 : memref<1x128xi32, #tpu.memory_space<vmem>> -> memref<128xi32, #tpu.memory_space<vmem>>
    %dma_wait3A_164 = arith.constant 0 : i32
    %dma_wait3A_165 = arith.constant 0 : i32
    %dma_wait3A_166 = tpu.memref_slice %arg3[%dma_wait3A_164, %dma_wait3A_165] : memref<1000000x32xf32, #tpu.memory_space<hbm>> -> memref<1000000x32xf32, #tpu.memory_space<hbm>>
    tpu.wait_indirect_dma semaphore(%arg10 : memref<!tpu.dma_semaphore, #tpu.memory_space<semaphore_mem>>) src(%dma_wait3A_166 : memref<1000000x32xf32, #tpu.memory_space<hbm>>) dst(%dma_wait3A_160 : memref<128x32xf32, #tpu.memory_space<vmem>>)
    %scan3A = arith.constant 0 : i32
    %scan3A_167 = arith.constant 0 : i32
    %scan3A_168 = arith.constant 16 : i32
    %scan3A_169 = arith.addi %scan3A_167, %scan3A_168 : i32
    %scan3A_170 = arith.constant 1 : i32
    scf.for %scan3A_480 = %scan3A_167 to %scan3A_169 step %scan3A_170  : i32 {
      %mul3A_481 = arith.constant 8 : i32
      %mul3A_482 = arith.muli %scan3A_480, %mul3A_481 : i32
      %add3A_483 = arith.constant 0 : i32
      %add3A_484 = arith.addi %mul3A_482, %add3A_483 : i32
      %broadcast_in_dim3A_485 = arith.constant 0 : i32
      %broadcast_in_dim3A_486 = vector.broadcast %broadcast_in_dim3A_485 : i32 to vector<16xi32>
      %add3A_487 = vector.broadcast %add3A_484 : i32 to vector<16xi32>
      %add3A_488 = arith.addi %broadcast_in_dim3A_486, %add3A_487 : vector<16xi32>
      %add3A_489 = arith.constant 0 : i32
      %add3A_490 = arith.addi %add3A_489, %add3A_484 : i32
      %get3A = arith.index_cast %add3A_490 : i32 to index
      %get3A_491 = arith.constant 0 : index
      %get3A_492 = tpu.vector_load %arg6[%get3A, %get3A_491] {strides = array<i32>} : memref<256x32xf32, #tpu.memory_space<vmem>>, vector<16xf32>,
      %add3A_493 = arith.constant 0 : i32
      %add3A_494 = arith.addi %add3A_493, %add3A_484 : i32
      %get3A_495 = arith.index_cast %add3A_494 : i32 to index
      %get3A_496 = arith.constant 16 : index
      %get3A_497 = tpu.vector_load %arg6[%get3A_495, %get3A_496] {strides = array<i32>} : memref<256x32xf32, #tpu.memory_space<vmem>>, vector<16xf32>,
      tpu.vector_store_idx %arg8[%broadcast_in_dim3A_3, %select_n3A, %select_n3A_83, %add3A_488], %get3A_492 : memref<2x4x8x129xf32, #tpu.memory_space<vmem>>[vector<16xi32>, vector<16xi32>, vector<16xi32>, vector<16xi32>], vector<16xf32>,
      tpu.vector_store_idx %arg8[%broadcast_in_dim3A_3, %select_n3A_63, %select_n3A_108, %add3A_488], %get3A_497 : memref<2x4x8x129xf32, #tpu.memory_space<vmem>>[vector<16xi32>, vector<16xi32>, vector<16xi32>, vector<16xi32>], vector<16xf32>,
      %add3A_498 = arith.constant 128 : i32
      %add3A_499 = arith.addi %add3A_498, %add3A_484 : i32
      %get3A_500 = arith.index_cast %add3A_499 : i32 to index
      %get3A_501 = arith.constant 0 : index
      %get3A_502 = tpu.vector_load %arg6[%get3A_500, %get3A_501] {strides = array<i32>} : memref<256x32xf32, #tpu.memory_space<vmem>>, vector<16xf32>,
      %add3A_503 = arith.constant 128 : i32
      %add3A_504 = arith.addi %add3A_503, %add3A_484 : i32
      %get3A_505 = arith.index_cast %add3A_504 : i32 to index
      %get3A_506 = arith.constant 16 : index
      %get3A_507 = tpu.vector_load %arg6[%get3A_505, %get3A_506] {strides = array<i32>} : memref<256x32xf32, #tpu.memory_space<vmem>>, vector<16xf32>,
      tpu.vector_store_idx %arg8[%add3A_6, %select_n3A, %select_n3A_83, %add3A_488], %get3A_502 : memref<2x4x8x129xf32, #tpu.memory_space<vmem>>[vector<16xi32>, vector<16xi32>, vector<16xi32>, vector<16xi32>], vector<16xf32>,
      tpu.vector_store_idx %arg8[%add3A_6, %select_n3A_63, %select_n3A_108, %add3A_488], %get3A_507 : memref<2x4x8x129xf32, #tpu.memory_space<vmem>>[vector<16xi32>, vector<16xi32>, vector<16xi32>, vector<16xi32>], vector<16xf32>,
      %mul3A_508 = arith.constant 8 : i32
      %mul3A_509 = arith.muli %scan3A_480, %mul3A_508 : i32
      %add3A_510 = arith.constant 1 : i32
      %add3A_511 = arith.addi %mul3A_509, %add3A_510 : i32
      %broadcast_in_dim3A_512 = arith.constant 0 : i32
      %broadcast_in_dim3A_513 = vector.broadcast %broadcast_in_dim3A_512 : i32 to vector<16xi32>
      %add3A_514 = vector.broadcast %add3A_511 : i32 to vector<16xi32>
      %add3A_515 = arith.addi %broadcast_in_dim3A_513, %add3A_514 : vector<16xi32>
      %add3A_516 = arith.constant 0 : i32
      %add3A_517 = arith.addi %add3A_516, %add3A_511 : i32
      %get3A_518 = arith.index_cast %add3A_517 : i32 to index
      %get3A_519 = arith.constant 0 : index
      %get3A_520 = tpu.vector_load %arg6[%get3A_518, %get3A_519] {strides = array<i32>} : memref<256x32xf32, #tpu.memory_space<vmem>>, vector<16xf32>,
      %add3A_521 = arith.constant 0 : i32
      %add3A_522 = arith.addi %add3A_521, %add3A_511 : i32
      %get3A_523 = arith.index_cast %add3A_522 : i32 to index
      %get3A_524 = arith.constant 16 : index
      %get3A_525 = tpu.vector_load %arg6[%get3A_523, %get3A_524] {strides = array<i32>} : memref<256x32xf32, #tpu.memory_space<vmem>>, vector<16xf32>,
      tpu.vector_store_idx %arg8[%broadcast_in_dim3A_3, %select_n3A, %select_n3A_83, %add3A_515], %get3A_520 : memref<2x4x8x129xf32, #tpu.memory_space<vmem>>[vector<16xi32>, vector<16xi32>, vector<16xi32>, vector<16xi32>], vector<16xf32>,
      tpu.vector_store_idx %arg8[%broadcast_in_dim3A_3, %select_n3A_63, %select_n3A_108, %add3A_515], %get3A_525 : memref<2x4x8x129xf32, #tpu.memory_space<vmem>>[vector<16xi32>, vector<16xi32>, vector<16xi32>, vector<16xi32>], vector<16xf32>,
      %add3A_526 = arith.constant 128 : i32
      %add3A_527 = arith.addi %add3A_526, %add3A_511 : i32
      %get3A_528 = arith.index_cast %add3A_527 : i32 to index
      %get3A_529 = arith.constant 0 : index
      %get3A_530 = tpu.vector_load %arg6[%get3A_528, %get3A_529] {strides = array<i32>} : memref<256x32xf32, #tpu.memory_space<vmem>>, vector<16xf32>,
      %add3A_531 = arith.constant 128 : i32
      %add3A_532 = arith.addi %add3A_531, %add3A_511 : i32
      %get3A_533 = arith.index_cast %add3A_532 : i32 to index
      %get3A_534 = arith.constant 16 : index
      %get3A_535 = tpu.vector_load %arg6[%get3A_533, %get3A_534] {strides = array<i32>} : memref<256x32xf32, #tpu.memory_space<vmem>>, vector<16xf32>,
      tpu.vector_store_idx %arg8[%add3A_6, %select_n3A, %select_n3A_83, %add3A_515], %get3A_530 : memref<2x4x8x129xf32, #tpu.memory_space<vmem>>[vector<16xi32>, vector<16xi32>, vector<16xi32>, vector<16xi32>], vector<16xf32>,
      tpu.vector_store_idx %arg8[%add3A_6, %select_n3A_63, %select_n3A_108, %add3A_515], %get3A_535 : memref<2x4x8x129xf32, #tpu.memory_space<vmem>>[vector<16xi32>, vector<16xi32>, vector<16xi32>, vector<16xi32>], vector<16xf32>,
      %mul3A_536 = arith.constant 8 : i32
      %mul3A_537 = arith.muli %scan3A_480, %mul3A_536 : i32
      %add3A_538 = arith.constant 2 : i32
      %add3A_539 = arith.addi %mul3A_537, %add3A_538 : i32
      %broadcast_in_dim3A_540 = arith.constant 0 : i32
      %broadcast_in_dim3A_541 = vector.broadcast %broadcast_in_dim3A_540 : i32 to vector<16xi32>
      %add3A_542 = vector.broadcast %add3A_539 : i32 to vector<16xi32>
      %add3A_543 = arith.addi %broadcast_in_dim3A_541, %add3A_542 : vector<16xi32>
      %add3A_544 = arith.constant 0 : i32
      %add3A_545 = arith.addi %add3A_544, %add3A_539 : i32
      %get3A_546 = arith.index_cast %add3A_545 : i32 to index
      %get3A_547 = arith.constant 0 : index
      %get3A_548 = tpu.vector_load %arg6[%get3A_546, %get3A_547] {strides = array<i32>} : memref<256x32xf32, #tpu.memory_space<vmem>>, vector<16xf32>,
      %add3A_549 = arith.constant 0 : i32
      %add3A_550 = arith.addi %add3A_549, %add3A_539 : i32
      %get3A_551 = arith.index_cast %add3A_550 : i32 to index
      %get3A_552 = arith.constant 16 : index
      %get3A_553 = tpu.vector_load %arg6[%get3A_551, %get3A_552] {strides = array<i32>} : memref<256x32xf32, #tpu.memory_space<vmem>>, vector<16xf32>,
      tpu.vector_store_idx %arg8[%broadcast_in_dim3A_3, %select_n3A, %select_n3A_83, %add3A_543], %get3A_548 : memref<2x4x8x129xf32, #tpu.memory_space<vmem>>[vector<16xi32>, vector<16xi32>, vector<16xi32>, vector<16xi32>], vector<16xf32>,
      tpu.vector_store_idx %arg8[%broadcast_in_dim3A_3, %select_n3A_63, %select_n3A_108, %add3A_543], %get3A_553 : memref<2x4x8x129xf32, #tpu.memory_space<vmem>>[vector<16xi32>, vector<16xi32>, vector<16xi32>, vector<16xi32>], vector<16xf32>,
      %add3A_554 = arith.constant 128 : i32
      %add3A_555 = arith.addi %add3A_554, %add3A_539 : i32
      %get3A_556 = arith.index_cast %add3A_555 : i32 to index
      %get3A_557 = arith.constant 0 : index
      %get3A_558 = tpu.vector_load %arg6[%get3A_556, %get3A_557] {strides = array<i32>} : memref<256x32xf32, #tpu.memory_space<vmem>>, vector<16xf32>,
      %add3A_559 = arith.constant 128 : i32
      %add3A_560 = arith.addi %add3A_559, %add3A_539 : i32
      %get3A_561 = arith.index_cast %add3A_560 : i32 to index
      %get3A_562 = arith.constant 16 : index
      %get3A_563 = tpu.vector_load %arg6[%get3A_561, %get3A_562] {strides = array<i32>} : memref<256x32xf32, #tpu.memory_space<vmem>>, vector<16xf32>,
      tpu.vector_store_idx %arg8[%add3A_6, %select_n3A, %select_n3A_83, %add3A_543], %get3A_558 : memref<2x4x8x129xf32, #tpu.memory_space<vmem>>[vector<16xi32>, vector<16xi32>, vector<16xi32>, vector<16xi32>], vector<16xf32>,
      tpu.vector_store_idx %arg8[%add3A_6, %select_n3A_63, %select_n3A_108, %add3A_543], %get3A_563 : memref<2x4x8x129xf32, #tpu.memory_space<vmem>>[vector<16xi32>, vector<16xi32>, vector<16xi32>, vector<16xi32>], vector<16xf32>,
      %mul3A_564 = arith.constant 8 : i32
      %mul3A_565 = arith.muli %scan3A_480, %mul3A_564 : i32
      %add3A_566 = arith.constant 3 : i32
      %add3A_567 = arith.addi %mul3A_565, %add3A_566 : i32
      %broadcast_in_dim3A_568 = arith.constant 0 : i32
      %broadcast_in_dim3A_569 = vector.broadcast %broadcast_in_dim3A_568 : i32 to vector<16xi32>
      %add3A_570 = vector.broadcast %add3A_567 : i32 to vector<16xi32>
      %add3A_571 = arith.addi %broadcast_in_dim3A_569, %add3A_570 : vector<16xi32>
      %add3A_572 = arith.constant 0 : i32
      %add3A_573 = arith.addi %add3A_572, %add3A_567 : i32
      %get3A_574 = arith.index_cast %add3A_573 : i32 to index
      %get3A_575 = arith.constant 0 : index
      %get3A_576 = tpu.vector_load %arg6[%get3A_574, %get3A_575] {strides = array<i32>} : memref<256x32xf32, #tpu.memory_space<vmem>>, vector<16xf32>,
      %add3A_577 = arith.constant 0 : i32
      %add3A_578 = arith.addi %add3A_577, %add3A_567 : i32
      %get3A_579 = arith.index_cast %add3A_578 : i32 to index
      %get3A_580 = arith.constant 16 : index
      %get3A_581 = tpu.vector_load %arg6[%get3A_579, %get3A_580] {strides = array<i32>} : memref<256x32xf32, #tpu.memory_space<vmem>>, vector<16xf32>,
      tpu.vector_store_idx %arg8[%broadcast_in_dim3A_3, %select_n3A, %select_n3A_83, %add3A_571], %get3A_576 : memref<2x4x8x129xf32, #tpu.memory_space<vmem>>[vector<16xi32>, vector<16xi32>, vector<16xi32>, vector<16xi32>], vector<16xf32>,
      tpu.vector_store_idx %arg8[%broadcast_in_dim3A_3, %select_n3A_63, %select_n3A_108, %add3A_571], %get3A_581 : memref<2x4x8x129xf32, #tpu.memory_space<vmem>>[vector<16xi32>, vector<16xi32>, vector<16xi32>, vector<16xi32>], vector<16xf32>,
      %add3A_582 = arith.constant 128 : i32
      %add3A_583 = arith.addi %add3A_582, %add3A_567 : i32
      %get3A_584 = arith.index_cast %add3A_583 : i32 to index
      %get3A_585 = arith.constant 0 : index
      %get3A_586 = tpu.vector_load %arg6[%get3A_584, %get3A_585] {strides = array<i32>} : memref<256x32xf32, #tpu.memory_space<vmem>>, vector<16xf32>,
      %add3A_587 = arith.constant 128 : i32
      %add3A_588 = arith.addi %add3A_587, %add3A_567 : i32
      %get3A_589 = arith.index_cast %add3A_588 : i32 to index
      %get3A_590 = arith.constant 16 : index
      %get3A_591 = tpu.vector_load %arg6[%get3A_589, %get3A_590] {strides = array<i32>} : memref<256x32xf32, #tpu.memory_space<vmem>>, vector<16xf32>,
      tpu.vector_store_idx %arg8[%add3A_6, %select_n3A, %select_n3A_83, %add3A_571], %get3A_586 : memref<2x4x8x129xf32, #tpu.memory_space<vmem>>[vector<16xi32>, vector<16xi32>, vector<16xi32>, vector<16xi32>], vector<16xf32>,
      tpu.vector_store_idx %arg8[%add3A_6, %select_n3A_63, %select_n3A_108, %add3A_571], %get3A_591 : memref<2x4x8x129xf32, #tpu.memory_space<vmem>>[vector<16xi32>, vector<16xi32>, vector<16xi32>, vector<16xi32>], vector<16xf32>,
      %mul3A_592 = arith.constant 8 : i32
      %mul3A_593 = arith.muli %scan3A_480, %mul3A_592 : i32
      %add3A_594 = arith.constant 4 : i32
      %add3A_595 = arith.addi %mul3A_593, %add3A_594 : i32
      %broadcast_in_dim3A_596 = arith.constant 0 : i32
      %broadcast_in_dim3A_597 = vector.broadcast %broadcast_in_dim3A_596 : i32 to vector<16xi32>
      %add3A_598 = vector.broadcast %add3A_595 : i32 to vector<16xi32>
      %add3A_599 = arith.addi %broadcast_in_dim3A_597, %add3A_598 : vector<16xi32>
      %add3A_600 = arith.constant 0 : i32
      %add3A_601 = arith.addi %add3A_600, %add3A_595 : i32
      %get3A_602 = arith.index_cast %add3A_601 : i32 to index
      %get3A_603 = arith.constant 0 : index
      %get3A_604 = tpu.vector_load %arg6[%get3A_602, %get3A_603] {strides = array<i32>} : memref<256x32xf32, #tpu.memory_space<vmem>>, vector<16xf32>,
      %add3A_605 = arith.constant 0 : i32
      %add3A_606 = arith.addi %add3A_605, %add3A_595 : i32
      %get3A_607 = arith.index_cast %add3A_606 : i32 to index
      %get3A_608 = arith.constant 16 : index
      %get3A_609 = tpu.vector_load %arg6[%get3A_607, %get3A_608] {strides = array<i32>} : memref<256x32xf32, #tpu.memory_space<vmem>>, vector<16xf32>,
      tpu.vector_store_idx %arg8[%broadcast_in_dim3A_3, %select_n3A, %select_n3A_83, %add3A_599], %get3A_604 : memref<2x4x8x129xf32, #tpu.memory_space<vmem>>[vector<16xi32>, vector<16xi32>, vector<16xi32>, vector<16xi32>], vector<16xf32>,
      tpu.vector_store_idx %arg8[%broadcast_in_dim3A_3, %select_n3A_63, %select_n3A_108, %add3A_599], %get3A_609 : memref<2x4x8x129xf32, #tpu.memory_space<vmem>>[vector<16xi32>, vector<16xi32>, vector<16xi32>, vector<16xi32>], vector<16xf32>,
      %add3A_610 = arith.constant 128 : i32
      %add3A_611 = arith.addi %add3A_610, %add3A_595 : i32
      %get3A_612 = arith.index_cast %add3A_611 : i32 to index
      %get3A_613 = arith.constant 0 : index
      %get3A_614 = tpu.vector_load %arg6[%get3A_612, %get3A_613] {strides = array<i32>} : memref<256x32xf32, #tpu.memory_space<vmem>>, vector<16xf32>,
      %add3A_615 = arith.constant 128 : i32
      %add3A_616 = arith.addi %add3A_615, %add3A_595 : i32
      %get3A_617 = arith.index_cast %add3A_616 : i32 to index
      %get3A_618 = arith.constant 16 : index
      %get3A_619 = tpu.vector_load %arg6[%get3A_617, %get3A_618] {strides = array<i32>} : memref<256x32xf32, #tpu.memory_space<vmem>>, vector<16xf32>,
      tpu.vector_store_idx %arg8[%add3A_6, %select_n3A, %select_n3A_83, %add3A_599], %get3A_614 : memref<2x4x8x129xf32, #tpu.memory_space<vmem>>[vector<16xi32>, vector<16xi32>, vector<16xi32>, vector<16xi32>], vector<16xf32>,
      tpu.vector_store_idx %arg8[%add3A_6, %select_n3A_63, %select_n3A_108, %add3A_599], %get3A_619 : memref<2x4x8x129xf32, #tpu.memory_space<vmem>>[vector<16xi32>, vector<16xi32>, vector<16xi32>, vector<16xi32>], vector<16xf32>,
      %mul3A_620 = arith.constant 8 : i32
      %mul3A_621 = arith.muli %scan3A_480, %mul3A_620 : i32
      %add3A_622 = arith.constant 5 : i32
      %add3A_623 = arith.addi %mul3A_621, %add3A_622 : i32
      %broadcast_in_dim3A_624 = arith.constant 0 : i32
      %broadcast_in_dim3A_625 = vector.broadcast %broadcast_in_dim3A_624 : i32 to vector<16xi32>
      %add3A_626 = vector.broadcast %add3A_623 : i32 to vector<16xi32>
      %add3A_627 = arith.addi %broadcast_in_dim3A_625, %add3A_626 : vector<16xi32>
      %add3A_628 = arith.constant 0 : i32
      %add3A_629 = arith.addi %add3A_628, %add3A_623 : i32
      %get3A_630 = arith.index_cast %add3A_629 : i32 to index
      %get3A_631 = arith.constant 0 : index
      %get3A_632 = tpu.vector_load %arg6[%get3A_630, %get3A_631] {strides = array<i32>} : memref<256x32xf32, #tpu.memory_space<vmem>>, vector<16xf32>,
      %add3A_633 = arith.constant 0 : i32
      %add3A_634 = arith.addi %add3A_633, %add3A_623 : i32
      %get3A_635 = arith.index_cast %add3A_634 : i32 to index
      %get3A_636 = arith.constant 16 : index
      %get3A_637 = tpu.vector_load %arg6[%get3A_635, %get3A_636] {strides = array<i32>} : memref<256x32xf32, #tpu.memory_space<vmem>>, vector<16xf32>,
      tpu.vector_store_idx %arg8[%broadcast_in_dim3A_3, %select_n3A, %select_n3A_83, %add3A_627], %get3A_632 : memref<2x4x8x129xf32, #tpu.memory_space<vmem>>[vector<16xi32>, vector<16xi32>, vector<16xi32>, vector<16xi32>], vector<16xf32>,
      tpu.vector_store_idx %arg8[%broadcast_in_dim3A_3, %select_n3A_63, %select_n3A_108, %add3A_627], %get3A_637 : memref<2x4x8x129xf32, #tpu.memory_space<vmem>>[vector<16xi32>, vector<16xi32>, vector<16xi32>, vector<16xi32>], vector<16xf32>,
      %add3A_638 = arith.constant 128 : i32
      %add3A_639 = arith.addi %add3A_638, %add3A_623 : i32
      %get3A_640 = arith.index_cast %add3A_639 : i32 to index
      %get3A_641 = arith.constant 0 : index
      %get3A_642 = tpu.vector_load %arg6[%get3A_640, %get3A_641] {strides = array<i32>} : memref<256x32xf32, #tpu.memory_space<vmem>>, vector<16xf32>,
      %add3A_643 = arith.constant 128 : i32
      %add3A_644 = arith.addi %add3A_643, %add3A_623 : i32
      %get3A_645 = arith.index_cast %add3A_644 : i32 to index
      %get3A_646 = arith.constant 16 : index
      %get3A_647 = tpu.vector_load %arg6[%get3A_645, %get3A_646] {strides = array<i32>} : memref<256x32xf32, #tpu.memory_space<vmem>>, vector<16xf32>,
      tpu.vector_store_idx %arg8[%add3A_6, %select_n3A, %select_n3A_83, %add3A_627], %get3A_642 : memref<2x4x8x129xf32, #tpu.memory_space<vmem>>[vector<16xi32>, vector<16xi32>, vector<16xi32>, vector<16xi32>], vector<16xf32>,
      tpu.vector_store_idx %arg8[%add3A_6, %select_n3A_63, %select_n3A_108, %add3A_627], %get3A_647 : memref<2x4x8x129xf32, #tpu.memory_space<vmem>>[vector<16xi32>, vector<16xi32>, vector<16xi32>, vector<16xi32>], vector<16xf32>,
      %mul3A_648 = arith.constant 8 : i32
      %mul3A_649 = arith.muli %scan3A_480, %mul3A_648 : i32
      %add3A_650 = arith.constant 6 : i32
      %add3A_651 = arith.addi %mul3A_649, %add3A_650 : i32
      %broadcast_in_dim3A_652 = arith.constant 0 : i32
      %broadcast_in_dim3A_653 = vector.broadcast %broadcast_in_dim3A_652 : i32 to vector<16xi32>
      %add3A_654 = vector.broadcast %add3A_651 : i32 to vector<16xi32>
      %add3A_655 = arith.addi %broadcast_in_dim3A_653, %add3A_654 : vector<16xi32>
      %add3A_656 = arith.constant 0 : i32
      %add3A_657 = arith.addi %add3A_656, %add3A_651 : i32
      %get3A_658 = arith.index_cast %add3A_657 : i32 to index
      %get3A_659 = arith.constant 0 : index
      %get3A_660 = tpu.vector_load %arg6[%get3A_658, %get3A_659] {strides = array<i32>} : memref<256x32xf32, #tpu.memory_space<vmem>>, vector<16xf32>,
      %add3A_661 = arith.constant 0 : i32
      %add3A_662 = arith.addi %add3A_661, %add3A_651 : i32
      %get3A_663 = arith.index_cast %add3A_662 : i32 to index
      %get3A_664 = arith.constant 16 : index
      %get3A_665 = tpu.vector_load %arg6[%get3A_663, %get3A_664] {strides = array<i32>} : memref<256x32xf32, #tpu.memory_space<vmem>>, vector<16xf32>,
      tpu.vector_store_idx %arg8[%broadcast_in_dim3A_3, %select_n3A, %select_n3A_83, %add3A_655], %get3A_660 : memref<2x4x8x129xf32, #tpu.memory_space<vmem>>[vector<16xi32>, vector<16xi32>, vector<16xi32>, vector<16xi32>], vector<16xf32>,
      tpu.vector_store_idx %arg8[%broadcast_in_dim3A_3, %select_n3A_63, %select_n3A_108, %add3A_655], %get3A_665 : memref<2x4x8x129xf32, #tpu.memory_space<vmem>>[vector<16xi32>, vector<16xi32>, vector<16xi32>, vector<16xi32>], vector<16xf32>,
      %add3A_666 = arith.constant 128 : i32
      %add3A_667 = arith.addi %add3A_666, %add3A_651 : i32
      %get3A_668 = arith.index_cast %add3A_667 : i32 to index
      %get3A_669 = arith.constant 0 : index
      %get3A_670 = tpu.vector_load %arg6[%get3A_668, %get3A_669] {strides = array<i32>} : memref<256x32xf32, #tpu.memory_space<vmem>>, vector<16xf32>,
      %add3A_671 = arith.constant 128 : i32
      %add3A_672 = arith.addi %add3A_671, %add3A_651 : i32
      %get3A_673 = arith.index_cast %add3A_672 : i32 to index
      %get3A_674 = arith.constant 16 : index
      %get3A_675 = tpu.vector_load %arg6[%get3A_673, %get3A_674] {strides = array<i32>} : memref<256x32xf32, #tpu.memory_space<vmem>>, vector<16xf32>,
      tpu.vector_store_idx %arg8[%add3A_6, %select_n3A, %select_n3A_83, %add3A_655], %get3A_670 : memref<2x4x8x129xf32, #tpu.memory_space<vmem>>[vector<16xi32>, vector<16xi32>, vector<16xi32>, vector<16xi32>], vector<16xf32>,
      tpu.vector_store_idx %arg8[%add3A_6, %select_n3A_63, %select_n3A_108, %add3A_655], %get3A_675 : memref<2x4x8x129xf32, #tpu.memory_space<vmem>>[vector<16xi32>, vector<16xi32>, vector<16xi32>, vector<16xi32>], vector<16xf32>,
      %mul3A_676 = arith.constant 8 : i32
      %mul3A_677 = arith.muli %scan3A_480, %mul3A_676 : i32
      %add3A_678 = arith.constant 7 : i32
      %add3A_679 = arith.addi %mul3A_677, %add3A_678 : i32
      %broadcast_in_dim3A_680 = arith.constant 0 : i32
      %broadcast_in_dim3A_681 = vector.broadcast %broadcast_in_dim3A_680 : i32 to vector<16xi32>
      %add3A_682 = vector.broadcast %add3A_679 : i32 to vector<16xi32>
      %add3A_683 = arith.addi %broadcast_in_dim3A_681, %add3A_682 : vector<16xi32>
      %add3A_684 = arith.constant 0 : i32
      %add3A_685 = arith.addi %add3A_684, %add3A_679 : i32
      %get3A_686 = arith.index_cast %add3A_685 : i32 to index
      %get3A_687 = arith.constant 0 : index
      %get3A_688 = tpu.vector_load %arg6[%get3A_686, %get3A_687] {strides = array<i32>} : memref<256x32xf32, #tpu.memory_space<vmem>>, vector<16xf32>,
      %add3A_689 = arith.constant 0 : i32
      %add3A_690 = arith.addi %add3A_689, %add3A_679 : i32
      %get3A_691 = arith.index_cast %add3A_690 : i32 to index
      %get3A_692 = arith.constant 16 : index
      %get3A_693 = tpu.vector_load %arg6[%get3A_691, %get3A_692] {strides = array<i32>} : memref<256x32xf32, #tpu.memory_space<vmem>>, vector<16xf32>,
      tpu.vector_store_idx %arg8[%broadcast_in_dim3A_3, %select_n3A, %select_n3A_83, %add3A_683], %get3A_688 : memref<2x4x8x129xf32, #tpu.memory_space<vmem>>[vector<16xi32>, vector<16xi32>, vector<16xi32>, vector<16xi32>], vector<16xf32>,
      tpu.vector_store_idx %arg8[%broadcast_in_dim3A_3, %select_n3A_63, %select_n3A_108, %add3A_683], %get3A_693 : memref<2x4x8x129xf32, #tpu.memory_space<vmem>>[vector<16xi32>, vector<16xi32>, vector<16xi32>, vector<16xi32>], vector<16xf32>,
      %add3A_694 = arith.constant 128 : i32
      %add3A_695 = arith.addi %add3A_694, %add3A_679 : i32
      %get3A_696 = arith.index_cast %add3A_695 : i32 to index
      %get3A_697 = arith.constant 0 : index
      %get3A_698 = tpu.vector_load %arg6[%get3A_696, %get3A_697] {strides = array<i32>} : memref<256x32xf32, #tpu.memory_space<vmem>>, vector<16xf32>,
      %add3A_699 = arith.constant 128 : i32
      %add3A_700 = arith.addi %add3A_699, %add3A_679 : i32
      %get3A_701 = arith.index_cast %add3A_700 : i32 to index
      %get3A_702 = arith.constant 16 : index
      %get3A_703 = tpu.vector_load %arg6[%get3A_701, %get3A_702] {strides = array<i32>} : memref<256x32xf32, #tpu.memory_space<vmem>>, vector<16xf32>,
      tpu.vector_store_idx %arg8[%add3A_6, %select_n3A, %select_n3A_83, %add3A_683], %get3A_698 : memref<2x4x8x129xf32, #tpu.memory_space<vmem>>[vector<16xi32>, vector<16xi32>, vector<16xi32>, vector<16xi32>], vector<16xf32>,
      tpu.vector_store_idx %arg8[%add3A_6, %select_n3A_63, %select_n3A_108, %add3A_683], %get3A_703 : memref<2x4x8x129xf32, #tpu.memory_space<vmem>>[vector<16xi32>, vector<16xi32>, vector<16xi32>, vector<16xi32>], vector<16xf32>,
    }
    %scan3A_171 = arith.constant 16 : i32
    %dma_start3A_172 = arith.constant 0 : i32
    %dma_start3A_173 = arith.constant 0 : i32
    %dma_start3A_174 = arith.constant 0 : i32
    %dma_start3A_175 = arith.constant 0 : i32
    %dma_start3A_176 = arith.constant 0 : i32
    %dma_start3A_177 = tpu.memref_slice %arg8[%dma_start3A_173, %dma_start3A_174, %dma_start3A_175, %dma_start3A_176] : memref<2x4x8x129xf32, #tpu.memory_space<vmem>> -> memref<2x4x8x128xf32, #tpu.memory_space<vmem>>
    %dma_start3A_178 = arith.constant 0 : i32
    %dma_start3A_179 = arith.constant 0 : i32
    %dma_start3A_180 = arith.constant 0 : i32
    %dma_start3A_181 = arith.constant 0 : i32
    %dma_start3A_182 = tpu.memref_slice %arg4[%dma_start3A_172, %dma_start3A_178, %dma_start3A_179, %add3A, %dma_start3A_180, %dma_start3A_181] : memref<100x2x4x32x8x128xf32, #tpu.memory_space<hbm>> -> memref<1x2x4x1x8x128xf32, #tpu.memory_space<hbm>>
    %dma_start3A_183 = tpu.memref_squeeze %dma_start3A_182 : memref<1x2x4x1x8x128xf32, #tpu.memory_space<hbm>> -> memref<2x4x8x128xf32, #tpu.memory_space<hbm>>
    %dma_start3A_184 = arith.constant 0 : i32
    %dma_start3A_185 = arith.constant 0 : i32
    %dma_start3A_186 = arith.constant 0 : i32
    %dma_start3A_187 = arith.constant 0 : i32
    %dma_start3A_188 = tpu.memref_slice %arg4[%dma_start3A_172, %dma_start3A_184, %dma_start3A_185, %add3A, %dma_start3A_186, %dma_start3A_187] : memref<100x2x4x32x8x128xf32, #tpu.memory_space<hbm>> -> memref<1x2x4x1x8x128xf32, #tpu.memory_space<hbm>>
    %dma_start3A_189 = tpu.memref_squeeze %dma_start3A_188 : memref<1x2x4x1x8x128xf32, #tpu.memory_space<hbm>> -> memref<2x4x8x128xf32, #tpu.memory_space<hbm>>
    %dma_start3A_190 = arith.constant 0 : i32
    %dma_start3A_191 = arith.constant 0 : i32
    %dma_start3A_192 = arith.constant 0 : i32
    %dma_start3A_193 = arith.constant 0 : i32
    %dma_start3A_194 = tpu.memref_slice %arg8[%dma_start3A_190, %dma_start3A_191, %dma_start3A_192, %dma_start3A_193] : memref<2x4x8x129xf32, #tpu.memory_space<vmem>> -> memref<2x4x8x128xf32, #tpu.memory_space<vmem>>
    tpu.enqueue_dma source(%dma_start3A_194 : memref<2x4x8x128xf32, #tpu.memory_space<vmem>>) target(%dma_start3A_189 : memref<2x4x8x128xf32, #tpu.memory_space<hbm>>) target_semaphore(%arg12 : memref<!tpu.dma_semaphore, #tpu.memory_space<semaphore_mem>>)
    %dma_start3A_195 = arith.constant 4 : i32
    %dma_start3A_196 = arith.constant 0 : i32
    %dma_start3A_197 = arith.constant 0 : i32
    %dma_start3A_198 = tpu.memref_slice %arg6[%dma_start3A_196, %dma_start3A_197] : memref<256x32xf32, #tpu.memory_space<vmem>> -> memref<128x32xf32, #tpu.memory_space<vmem>>
    %dma_start3A_199 = arith.constant 0 : i32
    %dma_start3A_200 = tpu.memref_slice %arg5[%dma_start3A_195, %dma_start3A_199] : memref<200x128xi32, #tpu.memory_space<vmem>> -> memref<1x128xi32, #tpu.memory_space<vmem>>
    %dma_start3A_201 = tpu.memref_squeeze %dma_start3A_200 : memref<1x128xi32, #tpu.memory_space<vmem>> -> memref<128xi32, #tpu.memory_space<vmem>>
    %dma_start3A_202 = arith.constant 0 : i32
    %dma_start3A_203 = arith.constant 0 : i32
    %dma_start3A_204 = tpu.memref_slice %arg3[%dma_start3A_202, %dma_start3A_203] : memref<1000000x32xf32, #tpu.memory_space<hbm>> -> memref<1000000x32xf32, #tpu.memory_space<hbm>>
    tpu.enqueue_indirect_dma source(%dma_start3A_204 : memref<1000000x32xf32, #tpu.memory_space<hbm>>) target(%dma_start3A_198 : memref<128x32xf32, #tpu.memory_space<vmem>>) offsets(%dma_start3A_201 : memref<128xi32, #tpu.memory_space<vmem>>) semaphore(%arg10 : memref<!tpu.dma_semaphore, #tpu.memory_space<semaphore_mem>>)
    %dma_start3A_205 = arith.constant 5 : i32
    %dma_start3A_206 = arith.constant 128 : i32
    %dma_start3A_207 = arith.constant 0 : i32
    %dma_start3A_208 = tpu.memref_slice %arg6[%dma_start3A_206, %dma_start3A_207] : memref<256x32xf32, #tpu.memory_space<vmem>> -> memref<128x32xf32, #tpu.memory_space<vmem>>
    %dma_start3A_209 = arith.constant 0 : i32
    %dma_start3A_210 = tpu.memref_slice %arg5[%dma_start3A_205, %dma_start3A_209] : memref<200x128xi32, #tpu.memory_space<vmem>> -> memref<1x128xi32, #tpu.memory_space<vmem>>
    %dma_start3A_211 = tpu.memref_squeeze %dma_start3A_210 : memref<1x128xi32, #tpu.memory_space<vmem>> -> memref<128xi32, #tpu.memory_space<vmem>>
    %dma_start3A_212 = arith.constant 0 : i32
    %dma_start3A_213 = arith.constant 0 : i32
    %dma_start3A_214 = tpu.memref_slice %arg3[%dma_start3A_212, %dma_start3A_213] : memref<1000000x32xf32, #tpu.memory_space<hbm>> -> memref<1000000x32xf32, #tpu.memory_space<hbm>>
    tpu.enqueue_indirect_dma source(%dma_start3A_214 : memref<1000000x32xf32, #tpu.memory_space<hbm>>) target(%dma_start3A_208 : memref<128x32xf32, #tpu.memory_space<vmem>>) offsets(%dma_start3A_211 : memref<128xi32, #tpu.memory_space<vmem>>) semaphore(%arg10 : memref<!tpu.dma_semaphore, #tpu.memory_space<semaphore_mem>>)
    %dma_wait3A_215 = arith.constant 2 : i32
    %dma_wait3A_216 = arith.constant 0 : i32
    %dma_wait3A_217 = arith.constant 0 : i32
    %dma_wait3A_218 = tpu.memref_slice %arg7[%dma_wait3A_216, %dma_wait3A_217] : memref<256x32xf32, #tpu.memory_space<vmem>> -> memref<128x32xf32, #tpu.memory_space<vmem>>
    %dma_wait3A_219 = arith.constant 0 : i32
    %dma_wait3A_220 = tpu.memref_slice %arg5[%dma_wait3A_215, %dma_wait3A_219] : memref<200x128xi32, #tpu.memory_space<vmem>> -> memref<1x128xi32, #tpu.memory_space<vmem>>
    %dma_wait3A_221 = tpu.memref_squeeze %dma_wait3A_220 : memref<1x128xi32, #tpu.memory_space<vmem>> -> memref<128xi32, #tpu.memory_space<vmem>>
    %dma_wait3A_222 = arith.constant 0 : i32
    %dma_wait3A_223 = arith.constant 0 : i32
    %dma_wait3A_224 = tpu.memref_slice %arg3[%dma_wait3A_222, %dma_wait3A_223] : memref<1000000x32xf32, #tpu.memory_space<hbm>> -> memref<1000000x32xf32, #tpu.memory_space<hbm>>
    tpu.wait_indirect_dma semaphore(%arg11 : memref<!tpu.dma_semaphore, #tpu.memory_space<semaphore_mem>>) src(%dma_wait3A_224 : memref<1000000x32xf32, #tpu.memory_space<hbm>>) dst(%dma_wait3A_218 : memref<128x32xf32, #tpu.memory_space<vmem>>)
    %dma_wait3A_225 = arith.constant 3 : i32
    %dma_wait3A_226 = arith.constant 128 : i32
    %dma_wait3A_227 = arith.constant 0 : i32
    %dma_wait3A_228 = tpu.memref_slice %arg7[%dma_wait3A_226, %dma_wait3A_227] : memref<256x32xf32, #tpu.memory_space<vmem>> -> memref<128x32xf32, #tpu.memory_space<vmem>>
    %dma_wait3A_229 = arith.constant 0 : i32
    %dma_wait3A_230 = tpu.memref_slice %arg5[%dma_wait3A_225, %dma_wait3A_229] : memref<200x128xi32, #tpu.memory_space<vmem>> -> memref<1x128xi32, #tpu.memory_space<vmem>>
    %dma_wait3A_231 = tpu.memref_squeeze %dma_wait3A_230 : memref<1x128xi32, #tpu.memory_space<vmem>> -> memref<128xi32, #tpu.memory_space<vmem>>
    %dma_wait3A_232 = arith.constant 0 : i32
    %dma_wait3A_233 = arith.constant 0 : i32
    %dma_wait3A_234 = tpu.memref_slice %arg3[%dma_wait3A_232, %dma_wait3A_233] : memref<1000000x32xf32, #tpu.memory_space<hbm>> -> memref<1000000x32xf32, #tpu.memory_space<hbm>>
    tpu.wait_indirect_dma semaphore(%arg11 : memref<!tpu.dma_semaphore, #tpu.memory_space<semaphore_mem>>) src(%dma_wait3A_234 : memref<1000000x32xf32, #tpu.memory_space<hbm>>) dst(%dma_wait3A_228 : memref<128x32xf32, #tpu.memory_space<vmem>>)
    %scan3A_235 = arith.constant 0 : i32
    %scan3A_236 = arith.constant 0 : i32
    %scan3A_237 = arith.constant 16 : i32
    %scan3A_238 = arith.addi %scan3A_236, %scan3A_237 : i32
    %scan3A_239 = arith.constant 1 : i32
    scf.for %scan3A_480 = %scan3A_236 to %scan3A_238 step %scan3A_239  : i32 {
      %mul3A_481 = arith.constant 8 : i32
      %mul3A_482 = arith.muli %scan3A_480, %mul3A_481 : i32
      %add3A_483 = arith.constant 0 : i32
      %add3A_484 = arith.addi %mul3A_482, %add3A_483 : i32
      %broadcast_in_dim3A_485 = arith.constant 0 : i32
      %broadcast_in_dim3A_486 = vector.broadcast %broadcast_in_dim3A_485 : i32 to vector<16xi32>
      %add3A_487 = vector.broadcast %add3A_484 : i32 to vector<16xi32>
      %add3A_488 = arith.addi %broadcast_in_dim3A_486, %add3A_487 : vector<16xi32>
      %add3A_489 = arith.constant 0 : i32
      %add3A_490 = arith.addi %add3A_489, %add3A_484 : i32
      %get3A = arith.index_cast %add3A_490 : i32 to index
      %get3A_491 = arith.constant 0 : index
      %get3A_492 = tpu.vector_load %arg7[%get3A, %get3A_491] {strides = array<i32>} : memref<256x32xf32, #tpu.memory_space<vmem>>, vector<16xf32>,
      %add3A_493 = arith.constant 0 : i32
      %add3A_494 = arith.addi %add3A_493, %add3A_484 : i32
      %get3A_495 = arith.index_cast %add3A_494 : i32 to index
      %get3A_496 = arith.constant 16 : index
      %get3A_497 = tpu.vector_load %arg7[%get3A_495, %get3A_496] {strides = array<i32>} : memref<256x32xf32, #tpu.memory_space<vmem>>, vector<16xf32>,
      tpu.vector_store_idx %arg9[%broadcast_in_dim3A_3, %select_n3A, %select_n3A_83, %add3A_488], %get3A_492 : memref<2x4x8x129xf32, #tpu.memory_space<vmem>>[vector<16xi32>, vector<16xi32>, vector<16xi32>, vector<16xi32>], vector<16xf32>,
      tpu.vector_store_idx %arg9[%broadcast_in_dim3A_3, %select_n3A_63, %select_n3A_108, %add3A_488], %get3A_497 : memref<2x4x8x129xf32, #tpu.memory_space<vmem>>[vector<16xi32>, vector<16xi32>, vector<16xi32>, vector<16xi32>], vector<16xf32>,
      %add3A_498 = arith.constant 128 : i32
      %add3A_499 = arith.addi %add3A_498, %add3A_484 : i32
      %get3A_500 = arith.index_cast %add3A_499 : i32 to index
      %get3A_501 = arith.constant 0 : index
      %get3A_502 = tpu.vector_load %arg7[%get3A_500, %get3A_501] {strides = array<i32>} : memref<256x32xf32, #tpu.memory_space<vmem>>, vector<16xf32>,
      %add3A_503 = arith.constant 128 : i32
      %add3A_504 = arith.addi %add3A_503, %add3A_484 : i32
      %get3A_505 = arith.index_cast %add3A_504 : i32 to index
      %get3A_506 = arith.constant 16 : index
      %get3A_507 = tpu.vector_load %arg7[%get3A_505, %get3A_506] {strides = array<i32>} : memref<256x32xf32, #tpu.memory_space<vmem>>, vector<16xf32>,
      tpu.vector_store_idx %arg9[%add3A_6, %select_n3A, %select_n3A_83, %add3A_488], %get3A_502 : memref<2x4x8x129xf32, #tpu.memory_space<vmem>>[vector<16xi32>, vector<16xi32>, vector<16xi32>, vector<16xi32>], vector<16xf32>,
      tpu.vector_store_idx %arg9[%add3A_6, %select_n3A_63, %select_n3A_108, %add3A_488], %get3A_507 : memref<2x4x8x129xf32, #tpu.memory_space<vmem>>[vector<16xi32>, vector<16xi32>, vector<16xi32>, vector<16xi32>], vector<16xf32>,
      %mul3A_508 = arith.constant 8 : i32
      %mul3A_509 = arith.muli %scan3A_480, %mul3A_508 : i32
      %add3A_510 = arith.constant 1 : i32
      %add3A_511 = arith.addi %mul3A_509, %add3A_510 : i32
      %broadcast_in_dim3A_512 = arith.constant 0 : i32
      %broadcast_in_dim3A_513 = vector.broadcast %broadcast_in_dim3A_512 : i32 to vector<16xi32>
      %add3A_514 = vector.broadcast %add3A_511 : i32 to vector<16xi32>
      %add3A_515 = arith.addi %broadcast_in_dim3A_513, %add3A_514 : vector<16xi32>
      %add3A_516 = arith.constant 0 : i32
      %add3A_517 = arith.addi %add3A_516, %add3A_511 : i32
      %get3A_518 = arith.index_cast %add3A_517 : i32 to index
      %get3A_519 = arith.constant 0 : index
      %get3A_520 = tpu.vector_load %arg7[%get3A_518, %get3A_519] {strides = array<i32>} : memref<256x32xf32, #tpu.memory_space<vmem>>, vector<16xf32>,
      %add3A_521 = arith.constant 0 : i32
      %add3A_522 = arith.addi %add3A_521, %add3A_511 : i32
      %get3A_523 = arith.index_cast %add3A_522 : i32 to index
      %get3A_524 = arith.constant 16 : index
      %get3A_525 = tpu.vector_load %arg7[%get3A_523, %get3A_524] {strides = array<i32>} : memref<256x32xf32, #tpu.memory_space<vmem>>, vector<16xf32>,
      tpu.vector_store_idx %arg9[%broadcast_in_dim3A_3, %select_n3A, %select_n3A_83, %add3A_515], %get3A_520 : memref<2x4x8x129xf32, #tpu.memory_space<vmem>>[vector<16xi32>, vector<16xi32>, vector<16xi32>, vector<16xi32>], vector<16xf32>,
      tpu.vector_store_idx %arg9[%broadcast_in_dim3A_3, %select_n3A_63, %select_n3A_108, %add3A_515], %get3A_525 : memref<2x4x8x129xf32, #tpu.memory_space<vmem>>[vector<16xi32>, vector<16xi32>, vector<16xi32>, vector<16xi32>], vector<16xf32>,
      %add3A_526 = arith.constant 128 : i32
      %add3A_527 = arith.addi %add3A_526, %add3A_511 : i32
      %get3A_528 = arith.index_cast %add3A_527 : i32 to index
      %get3A_529 = arith.constant 0 : index
      %get3A_530 = tpu.vector_load %arg7[%get3A_528, %get3A_529] {strides = array<i32>} : memref<256x32xf32, #tpu.memory_space<vmem>>, vector<16xf32>,
      %add3A_531 = arith.constant 128 : i32
      %add3A_532 = arith.addi %add3A_531, %add3A_511 : i32
      %get3A_533 = arith.index_cast %add3A_532 : i32 to index
      %get3A_534 = arith.constant 16 : index
      %get3A_535 = tpu.vector_load %arg7[%get3A_533, %get3A_534] {strides = array<i32>} : memref<256x32xf32, #tpu.memory_space<vmem>>, vector<16xf32>,
      tpu.vector_store_idx %arg9[%add3A_6, %select_n3A, %select_n3A_83, %add3A_515], %get3A_530 : memref<2x4x8x129xf32, #tpu.memory_space<vmem>>[vector<16xi32>, vector<16xi32>, vector<16xi32>, vector<16xi32>], vector<16xf32>,
      tpu.vector_store_idx %arg9[%add3A_6, %select_n3A_63, %select_n3A_108, %add3A_515], %get3A_535 : memref<2x4x8x129xf32, #tpu.memory_space<vmem>>[vector<16xi32>, vector<16xi32>, vector<16xi32>, vector<16xi32>], vector<16xf32>,
      %mul3A_536 = arith.constant 8 : i32
      %mul3A_537 = arith.muli %scan3A_480, %mul3A_536 : i32
      %add3A_538 = arith.constant 2 : i32
      %add3A_539 = arith.addi %mul3A_537, %add3A_538 : i32
      %broadcast_in_dim3A_540 = arith.constant 0 : i32
      %broadcast_in_dim3A_541 = vector.broadcast %broadcast_in_dim3A_540 : i32 to vector<16xi32>
      %add3A_542 = vector.broadcast %add3A_539 : i32 to vector<16xi32>
      %add3A_543 = arith.addi %broadcast_in_dim3A_541, %add3A_542 : vector<16xi32>
      %add3A_544 = arith.constant 0 : i32
      %add3A_545 = arith.addi %add3A_544, %add3A_539 : i32
      %get3A_546 = arith.index_cast %add3A_545 : i32 to index
      %get3A_547 = arith.constant 0 : index
      %get3A_548 = tpu.vector_load %arg7[%get3A_546, %get3A_547] {strides = array<i32>} : memref<256x32xf32, #tpu.memory_space<vmem>>, vector<16xf32>,
      %add3A_549 = arith.constant 0 : i32
      %add3A_550 = arith.addi %add3A_549, %add3A_539 : i32
      %get3A_551 = arith.index_cast %add3A_550 : i32 to index
      %get3A_552 = arith.constant 16 : index
      %get3A_553 = tpu.vector_load %arg7[%get3A_551, %get3A_552] {strides = array<i32>} : memref<256x32xf32, #tpu.memory_space<vmem>>, vector<16xf32>,
      tpu.vector_store_idx %arg9[%broadcast_in_dim3A_3, %select_n3A, %select_n3A_83, %add3A_543], %get3A_548 : memref<2x4x8x129xf32, #tpu.memory_space<vmem>>[vector<16xi32>, vector<16xi32>, vector<16xi32>, vector<16xi32>], vector<16xf32>,
      tpu.vector_store_idx %arg9[%broadcast_in_dim3A_3, %select_n3A_63, %select_n3A_108, %add3A_543], %get3A_553 : memref<2x4x8x129xf32, #tpu.memory_space<vmem>>[vector<16xi32>, vector<16xi32>, vector<16xi32>, vector<16xi32>], vector<16xf32>,
      %add3A_554 = arith.constant 128 : i32
      %add3A_555 = arith.addi %add3A_554, %add3A_539 : i32
      %get3A_556 = arith.index_cast %add3A_555 : i32 to index
      %get3A_557 = arith.constant 0 : index
      %get3A_558 = tpu.vector_load %arg7[%get3A_556, %get3A_557] {strides = array<i32>} : memref<256x32xf32, #tpu.memory_space<vmem>>, vector<16xf32>,
      %add3A_559 = arith.constant 128 : i32
      %add3A_560 = arith.addi %add3A_559, %add3A_539 : i32
      %get3A_561 = arith.index_cast %add3A_560 : i32 to index
      %get3A_562 = arith.constant 16 : index
      %get3A_563 = tpu.vector_load %arg7[%get3A_561, %get3A_562] {strides = array<i32>} : memref<256x32xf32, #tpu.memory_space<vmem>>, vector<16xf32>,
      tpu.vector_store_idx %arg9[%add3A_6, %select_n3A, %select_n3A_83, %add3A_543], %get3A_558 : memref<2x4x8x129xf32, #tpu.memory_space<vmem>>[vector<16xi32>, vector<16xi32>, vector<16xi32>, vector<16xi32>], vector<16xf32>,
      tpu.vector_store_idx %arg9[%add3A_6, %select_n3A_63, %select_n3A_108, %add3A_543], %get3A_563 : memref<2x4x8x129xf32, #tpu.memory_space<vmem>>[vector<16xi32>, vector<16xi32>, vector<16xi32>, vector<16xi32>], vector<16xf32>,
      %mul3A_564 = arith.constant 8 : i32
      %mul3A_565 = arith.muli %scan3A_480, %mul3A_564 : i32
      %add3A_566 = arith.constant 3 : i32
      %add3A_567 = arith.addi %mul3A_565, %add3A_566 : i32
      %broadcast_in_dim3A_568 = arith.constant 0 : i32
      %broadcast_in_dim3A_569 = vector.broadcast %broadcast_in_dim3A_568 : i32 to vector<16xi32>
      %add3A_570 = vector.broadcast %add3A_567 : i32 to vector<16xi32>
      %add3A_571 = arith.addi %broadcast_in_dim3A_569, %add3A_570 : vector<16xi32>
      %add3A_572 = arith.constant 0 : i32
      %add3A_573 = arith.addi %add3A_572, %add3A_567 : i32
      %get3A_574 = arith.index_cast %add3A_573 : i32 to index
      %get3A_575 = arith.constant 0 : index
      %get3A_576 = tpu.vector_load %arg7[%get3A_574, %get3A_575] {strides = array<i32>} : memref<256x32xf32, #tpu.memory_space<vmem>>, vector<16xf32>,
      %add3A_577 = arith.constant 0 : i32
      %add3A_578 = arith.addi %add3A_577, %add3A_567 : i32
      %get3A_579 = arith.index_cast %add3A_578 : i32 to index
      %get3A_580 = arith.constant 16 : index
      %get3A_581 = tpu.vector_load %arg7[%get3A_579, %get3A_580] {strides = array<i32>} : memref<256x32xf32, #tpu.memory_space<vmem>>, vector<16xf32>,
      tpu.vector_store_idx %arg9[%broadcast_in_dim3A_3, %select_n3A, %select_n3A_83, %add3A_571], %get3A_576 : memref<2x4x8x129xf32, #tpu.memory_space<vmem>>[vector<16xi32>, vector<16xi32>, vector<16xi32>, vector<16xi32>], vector<16xf32>,
      tpu.vector_store_idx %arg9[%broadcast_in_dim3A_3, %select_n3A_63, %select_n3A_108, %add3A_571], %get3A_581 : memref<2x4x8x129xf32, #tpu.memory_space<vmem>>[vector<16xi32>, vector<16xi32>, vector<16xi32>, vector<16xi32>], vector<16xf32>,
      %add3A_582 = arith.constant 128 : i32
      %add3A_583 = arith.addi %add3A_582, %add3A_567 : i32
      %get3A_584 = arith.index_cast %add3A_583 : i32 to index
      %get3A_585 = arith.constant 0 : index
      %get3A_586 = tpu.vector_load %arg7[%get3A_584, %get3A_585] {strides = array<i32>} : memref<256x32xf32, #tpu.memory_space<vmem>>, vector<16xf32>,
      %add3A_587 = arith.constant 128 : i32
      %add3A_588 = arith.addi %add3A_587, %add3A_567 : i32
      %get3A_589 = arith.index_cast %add3A_588 : i32 to index
      %get3A_590 = arith.constant 16 : index
      %get3A_591 = tpu.vector_load %arg7[%get3A_589, %get3A_590] {strides = array<i32>} : memref<256x32xf32, #tpu.memory_space<vmem>>, vector<16xf32>,
      tpu.vector_store_idx %arg9[%add3A_6, %select_n3A, %select_n3A_83, %add3A_571], %get3A_586 : memref<2x4x8x129xf32, #tpu.memory_space<vmem>>[vector<16xi32>, vector<16xi32>, vector<16xi32>, vector<16xi32>], vector<16xf32>,
      tpu.vector_store_idx %arg9[%add3A_6, %select_n3A_63, %select_n3A_108, %add3A_571], %get3A_591 : memref<2x4x8x129xf32, #tpu.memory_space<vmem>>[vector<16xi32>, vector<16xi32>, vector<16xi32>, vector<16xi32>], vector<16xf32>,
      %mul3A_592 = arith.constant 8 : i32
      %mul3A_593 = arith.muli %scan3A_480, %mul3A_592 : i32
      %add3A_594 = arith.constant 4 : i32
      %add3A_595 = arith.addi %mul3A_593, %add3A_594 : i32
      %broadcast_in_dim3A_596 = arith.constant 0 : i32
      %broadcast_in_dim3A_597 = vector.broadcast %broadcast_in_dim3A_596 : i32 to vector<16xi32>
      %add3A_598 = vector.broadcast %add3A_595 : i32 to vector<16xi32>
      %add3A_599 = arith.addi %broadcast_in_dim3A_597, %add3A_598 : vector<16xi32>
      %add3A_600 = arith.constant 0 : i32
      %add3A_601 = arith.addi %add3A_600, %add3A_595 : i32
      %get3A_602 = arith.index_cast %add3A_601 : i32 to index
      %get3A_603 = arith.constant 0 : index
      %get3A_604 = tpu.vector_load %arg7[%get3A_602, %get3A_603] {strides = array<i32>} : memref<256x32xf32, #tpu.memory_space<vmem>>, vector<16xf32>,
      %add3A_605 = arith.constant 0 : i32
      %add3A_606 = arith.addi %add3A_605, %add3A_595 : i32
      %get3A_607 = arith.index_cast %add3A_606 : i32 to index
      %get3A_608 = arith.constant 16 : index
      %get3A_609 = tpu.vector_load %arg7[%get3A_607, %get3A_608] {strides = array<i32>} : memref<256x32xf32, #tpu.memory_space<vmem>>, vector<16xf32>,
      tpu.vector_store_idx %arg9[%broadcast_in_dim3A_3, %select_n3A, %select_n3A_83, %add3A_599], %get3A_604 : memref<2x4x8x129xf32, #tpu.memory_space<vmem>>[vector<16xi32>, vector<16xi32>, vector<16xi32>, vector<16xi32>], vector<16xf32>,
      tpu.vector_store_idx %arg9[%broadcast_in_dim3A_3, %select_n3A_63, %select_n3A_108, %add3A_599], %get3A_609 : memref<2x4x8x129xf32, #tpu.memory_space<vmem>>[vector<16xi32>, vector<16xi32>, vector<16xi32>, vector<16xi32>], vector<16xf32>,
      %add3A_610 = arith.constant 128 : i32
      %add3A_611 = arith.addi %add3A_610, %add3A_595 : i32
      %get3A_612 = arith.index_cast %add3A_611 : i32 to index
      %get3A_613 = arith.constant 0 : index
      %get3A_614 = tpu.vector_load %arg7[%get3A_612, %get3A_613] {strides = array<i32>} : memref<256x32xf32, #tpu.memory_space<vmem>>, vector<16xf32>,
      %add3A_615 = arith.constant 128 : i32
      %add3A_616 = arith.addi %add3A_615, %add3A_595 : i32
      %get3A_617 = arith.index_cast %add3A_616 : i32 to index
      %get3A_618 = arith.constant 16 : index
      %get3A_619 = tpu.vector_load %arg7[%get3A_617, %get3A_618] {strides = array<i32>} : memref<256x32xf32, #tpu.memory_space<vmem>>, vector<16xf32>,
      tpu.vector_store_idx %arg9[%add3A_6, %select_n3A, %select_n3A_83, %add3A_599], %get3A_614 : memref<2x4x8x129xf32, #tpu.memory_space<vmem>>[vector<16xi32>, vector<16xi32>, vector<16xi32>, vector<16xi32>], vector<16xf32>,
      tpu.vector_store_idx %arg9[%add3A_6, %select_n3A_63, %select_n3A_108, %add3A_599], %get3A_619 : memref<2x4x8x129xf32, #tpu.memory_space<vmem>>[vector<16xi32>, vector<16xi32>, vector<16xi32>, vector<16xi32>], vector<16xf32>,
      %mul3A_620 = arith.constant 8 : i32
      %mul3A_621 = arith.muli %scan3A_480, %mul3A_620 : i32
      %add3A_622 = arith.constant 5 : i32
      %add3A_623 = arith.addi %mul3A_621, %add3A_622 : i32
      %broadcast_in_dim3A_624 = arith.constant 0 : i32
      %broadcast_in_dim3A_625 = vector.broadcast %broadcast_in_dim3A_624 : i32 to vector<16xi32>
      %add3A_626 = vector.broadcast %add3A_623 : i32 to vector<16xi32>
      %add3A_627 = arith.addi %broadcast_in_dim3A_625, %add3A_626 : vector<16xi32>
      %add3A_628 = arith.constant 0 : i32
      %add3A_629 = arith.addi %add3A_628, %add3A_623 : i32
      %get3A_630 = arith.index_cast %add3A_629 : i32 to index
      %get3A_631 = arith.constant 0 : index
      %get3A_632 = tpu.vector_load %arg7[%get3A_630, %get3A_631] {strides = array<i32>} : memref<256x32xf32, #tpu.memory_space<vmem>>, vector<16xf32>,
      %add3A_633 = arith.constant 0 : i32
      %add3A_634 = arith.addi %add3A_633, %add3A_623 : i32
      %get3A_635 = arith.index_cast %add3A_634 : i32 to index
      %get3A_636 = arith.constant 16 : index
      %get3A_637 = tpu.vector_load %arg7[%get3A_635, %get3A_636] {strides = array<i32>} : memref<256x32xf32, #tpu.memory_space<vmem>>, vector<16xf32>,
      tpu.vector_store_idx %arg9[%broadcast_in_dim3A_3, %select_n3A, %select_n3A_83, %add3A_627], %get3A_632 : memref<2x4x8x129xf32, #tpu.memory_space<vmem>>[vector<16xi32>, vector<16xi32>, vector<16xi32>, vector<16xi32>], vector<16xf32>,
      tpu.vector_store_idx %arg9[%broadcast_in_dim3A_3, %select_n3A_63, %select_n3A_108, %add3A_627], %get3A_637 : memref<2x4x8x129xf32, #tpu.memory_space<vmem>>[vector<16xi32>, vector<16xi32>, vector<16xi32>, vector<16xi32>], vector<16xf32>,
      %add3A_638 = arith.constant 128 : i32
      %add3A_639 = arith.addi %add3A_638, %add3A_623 : i32
      %get3A_640 = arith.index_cast %add3A_639 : i32 to index
      %get3A_641 = arith.constant 0 : index
      %get3A_642 = tpu.vector_load %arg7[%get3A_640, %get3A_641] {strides = array<i32>} : memref<256x32xf32, #tpu.memory_space<vmem>>, vector<16xf32>,
      %add3A_643 = arith.constant 128 : i32
      %add3A_644 = arith.addi %add3A_643, %add3A_623 : i32
      %get3A_645 = arith.index_cast %add3A_644 : i32 to index
      %get3A_646 = arith.constant 16 : index
      %get3A_647 = tpu.vector_load %arg7[%get3A_645, %get3A_646] {strides = array<i32>} : memref<256x32xf32, #tpu.memory_space<vmem>>, vector<16xf32>,
      tpu.vector_store_idx %arg9[%add3A_6, %select_n3A, %select_n3A_83, %add3A_627], %get3A_642 : memref<2x4x8x129xf32, #tpu.memory_space<vmem>>[vector<16xi32>, vector<16xi32>, vector<16xi32>, vector<16xi32>], vector<16xf32>,
      tpu.vector_store_idx %arg9[%add3A_6, %select_n3A_63, %select_n3A_108, %add3A_627], %get3A_647 : memref<2x4x8x129xf32, #tpu.memory_space<vmem>>[vector<16xi32>, vector<16xi32>, vector<16xi32>, vector<16xi32>], vector<16xf32>,
      %mul3A_648 = arith.constant 8 : i32
      %mul3A_649 = arith.muli %scan3A_480, %mul3A_648 : i32
      %add3A_650 = arith.constant 6 : i32
      %add3A_651 = arith.addi %mul3A_649, %add3A_650 : i32
      %broadcast_in_dim3A_652 = arith.constant 0 : i32
      %broadcast_in_dim3A_653 = vector.broadcast %broadcast_in_dim3A_652 : i32 to vector<16xi32>
      %add3A_654 = vector.broadcast %add3A_651 : i32 to vector<16xi32>
      %add3A_655 = arith.addi %broadcast_in_dim3A_653, %add3A_654 : vector<16xi32>
      %add3A_656 = arith.constant 0 : i32
      %add3A_657 = arith.addi %add3A_656, %add3A_651 : i32
      %get3A_658 = arith.index_cast %add3A_657 : i32 to index
      %get3A_659 = arith.constant 0 : index
      %get3A_660 = tpu.vector_load %arg7[%get3A_658, %get3A_659] {strides = array<i32>} : memref<256x32xf32, #tpu.memory_space<vmem>>, vector<16xf32>,
      %add3A_661 = arith.constant 0 : i32
      %add3A_662 = arith.addi %add3A_661, %add3A_651 : i32
      %get3A_663 = arith.index_cast %add3A_662 : i32 to index
      %get3A_664 = arith.constant 16 : index
      %get3A_665 = tpu.vector_load %arg7[%get3A_663, %get3A_664] {strides = array<i32>} : memref<256x32xf32, #tpu.memory_space<vmem>>, vector<16xf32>,
      tpu.vector_store_idx %arg9[%broadcast_in_dim3A_3, %select_n3A, %select_n3A_83, %add3A_655], %get3A_660 : memref<2x4x8x129xf32, #tpu.memory_space<vmem>>[vector<16xi32>, vector<16xi32>, vector<16xi32>, vector<16xi32>], vector<16xf32>,
      tpu.vector_store_idx %arg9[%broadcast_in_dim3A_3, %select_n3A_63, %select_n3A_108, %add3A_655], %get3A_665 : memref<2x4x8x129xf32, #tpu.memory_space<vmem>>[vector<16xi32>, vector<16xi32>, vector<16xi32>, vector<16xi32>], vector<16xf32>,
      %add3A_666 = arith.constant 128 : i32
      %add3A_667 = arith.addi %add3A_666, %add3A_651 : i32
      %get3A_668 = arith.index_cast %add3A_667 : i32 to index
      %get3A_669 = arith.constant 0 : index
      %get3A_670 = tpu.vector_load %arg7[%get3A_668, %get3A_669] {strides = array<i32>} : memref<256x32xf32, #tpu.memory_space<vmem>>, vector<16xf32>,
      %add3A_671 = arith.constant 128 : i32
      %add3A_672 = arith.addi %add3A_671, %add3A_651 : i32
      %get3A_673 = arith.index_cast %add3A_672 : i32 to index
      %get3A_674 = arith.constant 16 : index
      %get3A_675 = tpu.vector_load %arg7[%get3A_673, %get3A_674] {strides = array<i32>} : memref<256x32xf32, #tpu.memory_space<vmem>>, vector<16xf32>,
      tpu.vector_store_idx %arg9[%add3A_6, %select_n3A, %select_n3A_83, %add3A_655], %get3A_670 : memref<2x4x8x129xf32, #tpu.memory_space<vmem>>[vector<16xi32>, vector<16xi32>, vector<16xi32>, vector<16xi32>], vector<16xf32>,
      tpu.vector_store_idx %arg9[%add3A_6, %select_n3A_63, %select_n3A_108, %add3A_655], %get3A_675 : memref<2x4x8x129xf32, #tpu.memory_space<vmem>>[vector<16xi32>, vector<16xi32>, vector<16xi32>, vector<16xi32>], vector<16xf32>,
      %mul3A_676 = arith.constant 8 : i32
      %mul3A_677 = arith.muli %scan3A_480, %mul3A_676 : i32
      %add3A_678 = arith.constant 7 : i32
      %add3A_679 = arith.addi %mul3A_677, %add3A_678 : i32
      %broadcast_in_dim3A_680 = arith.constant 0 : i32
      %broadcast_in_dim3A_681 = vector.broadcast %broadcast_in_dim3A_680 : i32 to vector<16xi32>
      %add3A_682 = vector.broadcast %add3A_679 : i32 to vector<16xi32>
      %add3A_683 = arith.addi %broadcast_in_dim3A_681, %add3A_682 : vector<16xi32>
      %add3A_684 = arith.constant 0 : i32
      %add3A_685 = arith.addi %add3A_684, %add3A_679 : i32
      %get3A_686 = arith.index_cast %add3A_685 : i32 to index
      %get3A_687 = arith.constant 0 : index
      %get3A_688 = tpu.vector_load %arg7[%get3A_686, %get3A_687] {strides = array<i32>} : memref<256x32xf32, #tpu.memory_space<vmem>>, vector<16xf32>,
      %add3A_689 = arith.constant 0 : i32
      %add3A_690 = arith.addi %add3A_689, %add3A_679 : i32
      %get3A_691 = arith.index_cast %add3A_690 : i32 to index
      %get3A_692 = arith.constant 16 : index
      %get3A_693 = tpu.vector_load %arg7[%get3A_691, %get3A_692] {strides = array<i32>} : memref<256x32xf32, #tpu.memory_space<vmem>>, vector<16xf32>,
      tpu.vector_store_idx %arg9[%broadcast_in_dim3A_3, %select_n3A, %select_n3A_83, %add3A_683], %get3A_688 : memref<2x4x8x129xf32, #tpu.memory_space<vmem>>[vector<16xi32>, vector<16xi32>, vector<16xi32>, vector<16xi32>], vector<16xf32>,
      tpu.vector_store_idx %arg9[%broadcast_in_dim3A_3, %select_n3A_63, %select_n3A_108, %add3A_683], %get3A_693 : memref<2x4x8x129xf32, #tpu.memory_space<vmem>>[vector<16xi32>, vector<16xi32>, vector<16xi32>, vector<16xi32>], vector<16xf32>,
      %add3A_694 = arith.constant 128 : i32
      %add3A_695 = arith.addi %add3A_694, %add3A_679 : i32
      %get3A_696 = arith.index_cast %add3A_695 : i32 to index
      %get3A_697 = arith.constant 0 : index
      %get3A_698 = tpu.vector_load %arg7[%get3A_696, %get3A_697] {strides = array<i32>} : memref<256x32xf32, #tpu.memory_space<vmem>>, vector<16xf32>,
      %add3A_699 = arith.constant 128 : i32
      %add3A_700 = arith.addi %add3A_699, %add3A_679 : i32
      %get3A_701 = arith.index_cast %add3A_700 : i32 to index
      %get3A_702 = arith.constant 16 : index
      %get3A_703 = tpu.vector_load %arg7[%get3A_701, %get3A_702] {strides = array<i32>} : memref<256x32xf32, #tpu.memory_space<vmem>>, vector<16xf32>,
      tpu.vector_store_idx %arg9[%add3A_6, %select_n3A, %select_n3A_83, %add3A_683], %get3A_698 : memref<2x4x8x129xf32, #tpu.memory_space<vmem>>[vector<16xi32>, vector<16xi32>, vector<16xi32>, vector<16xi32>], vector<16xf32>,
      tpu.vector_store_idx %arg9[%add3A_6, %select_n3A_63, %select_n3A_108, %add3A_683], %get3A_703 : memref<2x4x8x129xf32, #tpu.memory_space<vmem>>[vector<16xi32>, vector<16xi32>, vector<16xi32>, vector<16xi32>], vector<16xf32>,
    }
    %scan3A_240 = arith.constant 16 : i32
    %dma_start3A_241 = arith.constant 1 : i32
    %dma_start3A_242 = arith.constant 0 : i32
    %dma_start3A_243 = arith.constant 0 : i32
    %dma_start3A_244 = arith.constant 0 : i32
    %dma_start3A_245 = arith.constant 0 : i32
    %dma_start3A_246 = tpu.memref_slice %arg9[%dma_start3A_242, %dma_start3A_243, %dma_start3A_244, %dma_start3A_245] : memref<2x4x8x129xf32, #tpu.memory_space<vmem>> -> memref<2x4x8x128xf32, #tpu.memory_space<vmem>>
    %dma_start3A_247 = arith.constant 0 : i32
    %dma_start3A_248 = arith.constant 0 : i32
    %dma_start3A_249 = arith.constant 0 : i32
    %dma_start3A_250 = arith.constant 0 : i32
    %dma_start3A_251 = tpu.memref_slice %arg4[%dma_start3A_241, %dma_start3A_247, %dma_start3A_248, %add3A, %dma_start3A_249, %dma_start3A_250] : memref<100x2x4x32x8x128xf32, #tpu.memory_space<hbm>> -> memref<1x2x4x1x8x128xf32, #tpu.memory_space<hbm>>
    %dma_start3A_252 = tpu.memref_squeeze %dma_start3A_251 : memref<1x2x4x1x8x128xf32, #tpu.memory_space<hbm>> -> memref<2x4x8x128xf32, #tpu.memory_space<hbm>>
    %dma_start3A_253 = arith.constant 0 : i32
    %dma_start3A_254 = arith.constant 0 : i32
    %dma_start3A_255 = arith.constant 0 : i32
    %dma_start3A_256 = arith.constant 0 : i32
    %dma_start3A_257 = tpu.memref_slice %arg4[%dma_start3A_241, %dma_start3A_253, %dma_start3A_254, %add3A, %dma_start3A_255, %dma_start3A_256] : memref<100x2x4x32x8x128xf32, #tpu.memory_space<hbm>> -> memref<1x2x4x1x8x128xf32, #tpu.memory_space<hbm>>
    %dma_start3A_258 = tpu.memref_squeeze %dma_start3A_257 : memref<1x2x4x1x8x128xf32, #tpu.memory_space<hbm>> -> memref<2x4x8x128xf32, #tpu.memory_space<hbm>>
    %dma_start3A_259 = arith.constant 0 : i32
    %dma_start3A_260 = arith.constant 0 : i32
    %dma_start3A_261 = arith.constant 0 : i32
    %dma_start3A_262 = arith.constant 0 : i32
    %dma_start3A_263 = tpu.memref_slice %arg9[%dma_start3A_259, %dma_start3A_260, %dma_start3A_261, %dma_start3A_262] : memref<2x4x8x129xf32, #tpu.memory_space<vmem>> -> memref<2x4x8x128xf32, #tpu.memory_space<vmem>>
    tpu.enqueue_dma source(%dma_start3A_263 : memref<2x4x8x128xf32, #tpu.memory_space<vmem>>) target(%dma_start3A_258 : memref<2x4x8x128xf32, #tpu.memory_space<hbm>>) target_semaphore(%arg13 : memref<!tpu.dma_semaphore, #tpu.memory_space<semaphore_mem>>)
    %dma_start3A_264 = arith.constant 6 : i32
    %dma_start3A_265 = arith.constant 0 : i32
    %dma_start3A_266 = arith.constant 0 : i32
    %dma_start3A_267 = tpu.memref_slice %arg7[%dma_start3A_265, %dma_start3A_266] : memref<256x32xf32, #tpu.memory_space<vmem>> -> memref<128x32xf32, #tpu.memory_space<vmem>>
    %dma_start3A_268 = arith.constant 0 : i32
    %dma_start3A_269 = tpu.memref_slice %arg5[%dma_start3A_264, %dma_start3A_268] : memref<200x128xi32, #tpu.memory_space<vmem>> -> memref<1x128xi32, #tpu.memory_space<vmem>>
    %dma_start3A_270 = tpu.memref_squeeze %dma_start3A_269 : memref<1x128xi32, #tpu.memory_space<vmem>> -> memref<128xi32, #tpu.memory_space<vmem>>
    %dma_start3A_271 = arith.constant 0 : i32
    %dma_start3A_272 = arith.constant 0 : i32
    %dma_start3A_273 = tpu.memref_slice %arg3[%dma_start3A_271, %dma_start3A_272] : memref<1000000x32xf32, #tpu.memory_space<hbm>> -> memref<1000000x32xf32, #tpu.memory_space<hbm>>
    tpu.enqueue_indirect_dma source(%dma_start3A_273 : memref<1000000x32xf32, #tpu.memory_space<hbm>>) target(%dma_start3A_267 : memref<128x32xf32, #tpu.memory_space<vmem>>) offsets(%dma_start3A_270 : memref<128xi32, #tpu.memory_space<vmem>>) semaphore(%arg11 : memref<!tpu.dma_semaphore, #tpu.memory_space<semaphore_mem>>)
    %dma_start3A_274 = arith.constant 7 : i32
    %dma_start3A_275 = arith.constant 128 : i32
    %dma_start3A_276 = arith.constant 0 : i32
    %dma_start3A_277 = tpu.memref_slice %arg7[%dma_start3A_275, %dma_start3A_276] : memref<256x32xf32, #tpu.memory_space<vmem>> -> memref<128x32xf32, #tpu.memory_space<vmem>>
    %dma_start3A_278 = arith.constant 0 : i32
    %dma_start3A_279 = tpu.memref_slice %arg5[%dma_start3A_274, %dma_start3A_278] : memref<200x128xi32, #tpu.memory_space<vmem>> -> memref<1x128xi32, #tpu.memory_space<vmem>>
    %dma_start3A_280 = tpu.memref_squeeze %dma_start3A_279 : memref<1x128xi32, #tpu.memory_space<vmem>> -> memref<128xi32, #tpu.memory_space<vmem>>
    %dma_start3A_281 = arith.constant 0 : i32
    %dma_start3A_282 = arith.constant 0 : i32
    %dma_start3A_283 = tpu.memref_slice %arg3[%dma_start3A_281, %dma_start3A_282] : memref<1000000x32xf32, #tpu.memory_space<hbm>> -> memref<1000000x32xf32, #tpu.memory_space<hbm>>
    tpu.enqueue_indirect_dma source(%dma_start3A_283 : memref<1000000x32xf32, #tpu.memory_space<hbm>>) target(%dma_start3A_277 : memref<128x32xf32, #tpu.memory_space<vmem>>) offsets(%dma_start3A_280 : memref<128xi32, #tpu.memory_space<vmem>>) semaphore(%arg11 : memref<!tpu.dma_semaphore, #tpu.memory_space<semaphore_mem>>)
    %scan3A_284 = arith.constant 0 : i32
    %scan3A_285 = arith.constant 1 : i32
    %scan3A_286 = arith.constant 48 : i32
    %scan3A_287 = arith.addi %scan3A_285, %scan3A_286 : i32
    %scan3A_288 = arith.constant 1 : i32
    scf.for %scan3A_480 = %scan3A_285 to %scan3A_287 step %scan3A_288  : i32 {
      %mul3A_481 = arith.constant 2 : i32
      %mul3A_482 = arith.muli %mul3A_481, %scan3A_480 : i32
      %mul3A_483 = arith.constant 2 : i32
      %mul3A_484 = arith.muli %mul3A_483, %scan3A_480 : i32
      %add3A_485 = arith.constant 1 : i32
      %add3A_486 = arith.addi %mul3A_484, %add3A_485 : i32
      %mul3A_487 = arith.constant 2 : i32
      %mul3A_488 = arith.muli %mul3A_487, %mul3A_482 : i32
      %dma_wait3A_489 = arith.constant 0 : i32
      %dma_wait3A_490 = arith.constant 0 : i32
      %dma_wait3A_491 = tpu.memref_slice %arg6[%dma_wait3A_489, %dma_wait3A_490] : memref<256x32xf32, #tpu.memory_space<vmem>> -> memref<128x32xf32, #tpu.memory_space<vmem>>
      %dma_wait3A_492 = arith.constant 0 : i32
      %dma_wait3A_493 = tpu.memref_slice %arg5[%mul3A_488, %dma_wait3A_492] : memref<200x128xi32, #tpu.memory_space<vmem>> -> memref<1x128xi32, #tpu.memory_space<vmem>>
      %dma_wait3A_494 = tpu.memref_squeeze %dma_wait3A_493 : memref<1x128xi32, #tpu.memory_space<vmem>> -> memref<128xi32, #tpu.memory_space<vmem>>
      %dma_wait3A_495 = arith.constant 0 : i32
      %dma_wait3A_496 = arith.constant 0 : i32
      %dma_wait3A_497 = tpu.memref_slice %arg3[%dma_wait3A_495, %dma_wait3A_496] : memref<1000000x32xf32, #tpu.memory_space<hbm>> -> memref<1000000x32xf32, #tpu.memory_space<hbm>>
      tpu.wait_indirect_dma semaphore(%arg10 : memref<!tpu.dma_semaphore, #tpu.memory_space<semaphore_mem>>) src(%dma_wait3A_497 : memref<1000000x32xf32, #tpu.memory_space<hbm>>) dst(%dma_wait3A_491 : memref<128x32xf32, #tpu.memory_space<vmem>>)
      %mul3A_498 = arith.constant 2 : i32
      %mul3A_499 = arith.muli %mul3A_498, %mul3A_482 : i32
      %add3A_500 = arith.constant 1 : i32
      %add3A_501 = arith.addi %mul3A_499, %add3A_500 : i32
      %dma_wait3A_502 = arith.constant 128 : i32
      %dma_wait3A_503 = arith.constant 0 : i32
      %dma_wait3A_504 = tpu.memref_slice %arg6[%dma_wait3A_502, %dma_wait3A_503] : memref<256x32xf32, #tpu.memory_space<vmem>> -> memref<128x32xf32, #tpu.memory_space<vmem>>
      %dma_wait3A_505 = arith.constant 0 : i32
      %dma_wait3A_506 = tpu.memref_slice %arg5[%add3A_501, %dma_wait3A_505] : memref<200x128xi32, #tpu.memory_space<vmem>> -> memref<1x128xi32, #tpu.memory_space<vmem>>
      %dma_wait3A_507 = tpu.memref_squeeze %dma_wait3A_506 : memref<1x128xi32, #tpu.memory_space<vmem>> -> memref<128xi32, #tpu.memory_space<vmem>>
      %dma_wait3A_508 = arith.constant 0 : i32
      %dma_wait3A_509 = arith.constant 0 : i32
      %dma_wait3A_510 = tpu.memref_slice %arg3[%dma_wait3A_508, %dma_wait3A_509] : memref<1000000x32xf32, #tpu.memory_space<hbm>> -> memref<1000000x32xf32, #tpu.memory_space<hbm>>
      tpu.wait_indirect_dma semaphore(%arg10 : memref<!tpu.dma_semaphore, #tpu.memory_space<semaphore_mem>>) src(%dma_wait3A_510 : memref<1000000x32xf32, #tpu.memory_space<hbm>>) dst(%dma_wait3A_504 : memref<128x32xf32, #tpu.memory_space<vmem>>)
      %sub3A_511 = arith.constant 2 : i32
      %sub3A_512 = arith.subi %mul3A_482, %sub3A_511 : i32
      %dma_wait3A_513 = arith.constant 0 : i32
      %dma_wait3A_514 = arith.constant 0 : i32
      %dma_wait3A_515 = arith.constant 0 : i32
      %dma_wait3A_516 = arith.constant 0 : i32
      %dma_wait3A_517 = tpu.memref_slice %arg8[%dma_wait3A_513, %dma_wait3A_514, %dma_wait3A_515, %dma_wait3A_516] : memref<2x4x8x129xf32, #tpu.memory_space<vmem>> -> memref<2x4x8x128xf32, #tpu.memory_space<vmem>>
      %dma_wait3A_518 = arith.constant 0 : i32
      %dma_wait3A_519 = arith.constant 0 : i32
      %dma_wait3A_520 = arith.constant 0 : i32
      %dma_wait3A_521 = arith.constant 0 : i32
      %dma_wait3A_522 = tpu.memref_slice %arg4[%sub3A_512, %dma_wait3A_518, %dma_wait3A_519, %add3A, %dma_wait3A_520, %dma_wait3A_521] : memref<100x2x4x32x8x128xf32, #tpu.memory_space<hbm>> -> memref<1x2x4x1x8x128xf32, #tpu.memory_space<hbm>>
      %dma_wait3A_523 = tpu.memref_squeeze %dma_wait3A_522 : memref<1x2x4x1x8x128xf32, #tpu.memory_space<hbm>> -> memref<2x4x8x128xf32, #tpu.memory_space<hbm>>
      %dma_wait3A_524 = arith.constant 0 : i32
      %dma_wait3A_525 = arith.constant 0 : i32
      %dma_wait3A_526 = arith.constant 0 : i32
      %dma_wait3A_527 = arith.constant 0 : i32
      %dma_wait3A_528 = tpu.memref_slice %arg4[%sub3A_512, %dma_wait3A_524, %dma_wait3A_525, %add3A, %dma_wait3A_526, %dma_wait3A_527] : memref<100x2x4x32x8x128xf32, #tpu.memory_space<hbm>> -> memref<1x2x4x1x8x128xf32, #tpu.memory_space<hbm>>
      %dma_wait3A_529 = tpu.memref_squeeze %dma_wait3A_528 : memref<1x2x4x1x8x128xf32, #tpu.memory_space<hbm>> -> memref<2x4x8x128xf32, #tpu.memory_space<hbm>>
      %dma_wait3A_530 = arith.constant 0 : i32
      %dma_wait3A_531 = arith.constant 0 : i32
      %dma_wait3A_532 = arith.constant 0 : i32
      %dma_wait3A_533 = arith.constant 0 : i32
      %dma_wait3A_534 = tpu.memref_slice %arg8[%dma_wait3A_530, %dma_wait3A_531, %dma_wait3A_532, %dma_wait3A_533] : memref<2x4x8x129xf32, #tpu.memory_space<vmem>> -> memref<2x4x8x128xf32, #tpu.memory_space<vmem>>
      tpu.wait_dma2 semaphore(%arg12 : memref<!tpu.dma_semaphore, #tpu.memory_space<semaphore_mem>>) src(%dma_wait3A_534 : memref<2x4x8x128xf32, #tpu.memory_space<vmem>>) dst(%dma_wait3A_529 : memref<2x4x8x128xf32, #tpu.memory_space<hbm>>)
      %scan3A_535 = arith.constant 0 : i32
      %scan3A_536 = arith.constant 0 : i32
      %scan3A_537 = arith.constant 16 : i32
      %scan3A_538 = arith.addi %scan3A_536, %scan3A_537 : i32
      %scan3A_539 = arith.constant 1 : i32
      scf.for %scan3A_691 = %scan3A_536 to %scan3A_538 step %scan3A_539  : i32 {
        %mul3A_692 = arith.constant 8 : i32
        %mul3A_693 = arith.muli %scan3A_691, %mul3A_692 : i32
        %add3A_694 = arith.constant 0 : i32
        %add3A_695 = arith.addi %mul3A_693, %add3A_694 : i32
        %broadcast_in_dim3A_696 = arith.constant 0 : i32
        %broadcast_in_dim3A_697 = vector.broadcast %broadcast_in_dim3A_696 : i32 to vector<16xi32>
        %add3A_698 = vector.broadcast %add3A_695 : i32 to vector<16xi32>
        %add3A_699 = arith.addi %broadcast_in_dim3A_697, %add3A_698 : vector<16xi32>
        %add3A_700 = arith.constant 0 : i32
        %add3A_701 = arith.addi %add3A_700, %add3A_695 : i32
        %get3A = arith.index_cast %add3A_701 : i32 to index
        %get3A_702 = arith.constant 0 : index
        %get3A_703 = tpu.vector_load %arg6[%get3A, %get3A_702] {strides = array<i32>} : memref<256x32xf32, #tpu.memory_space<vmem>>, vector<16xf32>,
        %add3A_704 = arith.constant 0 : i32
        %add3A_705 = arith.addi %add3A_704, %add3A_695 : i32
        %get3A_706 = arith.index_cast %add3A_705 : i32 to index
        %get3A_707 = arith.constant 16 : index
        %get3A_708 = tpu.vector_load %arg6[%get3A_706, %get3A_707] {strides = array<i32>} : memref<256x32xf32, #tpu.memory_space<vmem>>, vector<16xf32>,
        tpu.vector_store_idx %arg8[%broadcast_in_dim3A_3, %select_n3A, %select_n3A_83, %add3A_699], %get3A_703 : memref<2x4x8x129xf32, #tpu.memory_space<vmem>>[vector<16xi32>, vector<16xi32>, vector<16xi32>, vector<16xi32>], vector<16xf32>,
        tpu.vector_store_idx %arg8[%broadcast_in_dim3A_3, %select_n3A_63, %select_n3A_108, %add3A_699], %get3A_708 : memref<2x4x8x129xf32, #tpu.memory_space<vmem>>[vector<16xi32>, vector<16xi32>, vector<16xi32>, vector<16xi32>], vector<16xf32>,
        %add3A_709 = arith.constant 128 : i32
        %add3A_710 = arith.addi %add3A_709, %add3A_695 : i32
        %get3A_711 = arith.index_cast %add3A_710 : i32 to index
        %get3A_712 = arith.constant 0 : index
        %get3A_713 = tpu.vector_load %arg6[%get3A_711, %get3A_712] {strides = array<i32>} : memref<256x32xf32, #tpu.memory_space<vmem>>, vector<16xf32>,
        %add3A_714 = arith.constant 128 : i32
        %add3A_715 = arith.addi %add3A_714, %add3A_695 : i32
        %get3A_716 = arith.index_cast %add3A_715 : i32 to index
        %get3A_717 = arith.constant 16 : index
        %get3A_718 = tpu.vector_load %arg6[%get3A_716, %get3A_717] {strides = array<i32>} : memref<256x32xf32, #tpu.memory_space<vmem>>, vector<16xf32>,
        tpu.vector_store_idx %arg8[%add3A_6, %select_n3A, %select_n3A_83, %add3A_699], %get3A_713 : memref<2x4x8x129xf32, #tpu.memory_space<vmem>>[vector<16xi32>, vector<16xi32>, vector<16xi32>, vector<16xi32>], vector<16xf32>,
        tpu.vector_store_idx %arg8[%add3A_6, %select_n3A_63, %select_n3A_108, %add3A_699], %get3A_718 : memref<2x4x8x129xf32, #tpu.memory_space<vmem>>[vector<16xi32>, vector<16xi32>, vector<16xi32>, vector<16xi32>], vector<16xf32>,
        %mul3A_719 = arith.constant 8 : i32
        %mul3A_720 = arith.muli %scan3A_691, %mul3A_719 : i32
        %add3A_721 = arith.constant 1 : i32
        %add3A_722 = arith.addi %mul3A_720, %add3A_721 : i32
        %broadcast_in_dim3A_723 = arith.constant 0 : i32
        %broadcast_in_dim3A_724 = vector.broadcast %broadcast_in_dim3A_723 : i32 to vector<16xi32>
        %add3A_725 = vector.broadcast %add3A_722 : i32 to vector<16xi32>
        %add3A_726 = arith.addi %broadcast_in_dim3A_724, %add3A_725 : vector<16xi32>
        %add3A_727 = arith.constant 0 : i32
        %add3A_728 = arith.addi %add3A_727, %add3A_722 : i32
        %get3A_729 = arith.index_cast %add3A_728 : i32 to index
        %get3A_730 = arith.constant 0 : index
        %get3A_731 = tpu.vector_load %arg6[%get3A_729, %get3A_730] {strides = array<i32>} : memref<256x32xf32, #tpu.memory_space<vmem>>, vector<16xf32>,
        %add3A_732 = arith.constant 0 : i32
        %add3A_733 = arith.addi %add3A_732, %add3A_722 : i32
        %get3A_734 = arith.index_cast %add3A_733 : i32 to index
        %get3A_735 = arith.constant 16 : index
        %get3A_736 = tpu.vector_load %arg6[%get3A_734, %get3A_735] {strides = array<i32>} : memref<256x32xf32, #tpu.memory_space<vmem>>, vector<16xf32>,
        tpu.vector_store_idx %arg8[%broadcast_in_dim3A_3, %select_n3A, %select_n3A_83, %add3A_726], %get3A_731 : memref<2x4x8x129xf32, #tpu.memory_space<vmem>>[vector<16xi32>, vector<16xi32>, vector<16xi32>, vector<16xi32>], vector<16xf32>,
        tpu.vector_store_idx %arg8[%broadcast_in_dim3A_3, %select_n3A_63, %select_n3A_108, %add3A_726], %get3A_736 : memref<2x4x8x129xf32, #tpu.memory_space<vmem>>[vector<16xi32>, vector<16xi32>, vector<16xi32>, vector<16xi32>], vector<16xf32>,
        %add3A_737 = arith.constant 128 : i32
        %add3A_738 = arith.addi %add3A_737, %add3A_722 : i32
        %get3A_739 = arith.index_cast %add3A_738 : i32 to index
        %get3A_740 = arith.constant 0 : index
        %get3A_741 = tpu.vector_load %arg6[%get3A_739, %get3A_740] {strides = array<i32>} : memref<256x32xf32, #tpu.memory_space<vmem>>, vector<16xf32>,
        %add3A_742 = arith.constant 128 : i32
        %add3A_743 = arith.addi %add3A_742, %add3A_722 : i32
        %get3A_744 = arith.index_cast %add3A_743 : i32 to index
        %get3A_745 = arith.constant 16 : index
        %get3A_746 = tpu.vector_load %arg6[%get3A_744, %get3A_745] {strides = array<i32>} : memref<256x32xf32, #tpu.memory_space<vmem>>, vector<16xf32>,
        tpu.vector_store_idx %arg8[%add3A_6, %select_n3A, %select_n3A_83, %add3A_726], %get3A_741 : memref<2x4x8x129xf32, #tpu.memory_space<vmem>>[vector<16xi32>, vector<16xi32>, vector<16xi32>, vector<16xi32>], vector<16xf32>,
        tpu.vector_store_idx %arg8[%add3A_6, %select_n3A_63, %select_n3A_108, %add3A_726], %get3A_746 : memref<2x4x8x129xf32, #tpu.memory_space<vmem>>[vector<16xi32>, vector<16xi32>, vector<16xi32>, vector<16xi32>], vector<16xf32>,
        %mul3A_747 = arith.constant 8 : i32
        %mul3A_748 = arith.muli %scan3A_691, %mul3A_747 : i32
        %add3A_749 = arith.constant 2 : i32
        %add3A_750 = arith.addi %mul3A_748, %add3A_749 : i32
        %broadcast_in_dim3A_751 = arith.constant 0 : i32
        %broadcast_in_dim3A_752 = vector.broadcast %broadcast_in_dim3A_751 : i32 to vector<16xi32>
        %add3A_753 = vector.broadcast %add3A_750 : i32 to vector<16xi32>
        %add3A_754 = arith.addi %broadcast_in_dim3A_752, %add3A_753 : vector<16xi32>
        %add3A_755 = arith.constant 0 : i32
        %add3A_756 = arith.addi %add3A_755, %add3A_750 : i32
        %get3A_757 = arith.index_cast %add3A_756 : i32 to index
        %get3A_758 = arith.constant 0 : index
        %get3A_759 = tpu.vector_load %arg6[%get3A_757, %get3A_758] {strides = array<i32>} : memref<256x32xf32, #tpu.memory_space<vmem>>, vector<16xf32>,
        %add3A_760 = arith.constant 0 : i32
        %add3A_761 = arith.addi %add3A_760, %add3A_750 : i32
        %get3A_762 = arith.index_cast %add3A_761 : i32 to index
        %get3A_763 = arith.constant 16 : index
        %get3A_764 = tpu.vector_load %arg6[%get3A_762, %get3A_763] {strides = array<i32>} : memref<256x32xf32, #tpu.memory_space<vmem>>, vector<16xf32>,
        tpu.vector_store_idx %arg8[%broadcast_in_dim3A_3, %select_n3A, %select_n3A_83, %add3A_754], %get3A_759 : memref<2x4x8x129xf32, #tpu.memory_space<vmem>>[vector<16xi32>, vector<16xi32>, vector<16xi32>, vector<16xi32>], vector<16xf32>,
        tpu.vector_store_idx %arg8[%broadcast_in_dim3A_3, %select_n3A_63, %select_n3A_108, %add3A_754], %get3A_764 : memref<2x4x8x129xf32, #tpu.memory_space<vmem>>[vector<16xi32>, vector<16xi32>, vector<16xi32>, vector<16xi32>], vector<16xf32>,
        %add3A_765 = arith.constant 128 : i32
        %add3A_766 = arith.addi %add3A_765, %add3A_750 : i32
        %get3A_767 = arith.index_cast %add3A_766 : i32 to index
        %get3A_768 = arith.constant 0 : index
        %get3A_769 = tpu.vector_load %arg6[%get3A_767, %get3A_768] {strides = array<i32>} : memref<256x32xf32, #tpu.memory_space<vmem>>, vector<16xf32>,
        %add3A_770 = arith.constant 128 : i32
        %add3A_771 = arith.addi %add3A_770, %add3A_750 : i32
        %get3A_772 = arith.index_cast %add3A_771 : i32 to index
        %get3A_773 = arith.constant 16 : index
        %get3A_774 = tpu.vector_load %arg6[%get3A_772, %get3A_773] {strides = array<i32>} : memref<256x32xf32, #tpu.memory_space<vmem>>, vector<16xf32>,
        tpu.vector_store_idx %arg8[%add3A_6, %select_n3A, %select_n3A_83, %add3A_754], %get3A_769 : memref<2x4x8x129xf32, #tpu.memory_space<vmem>>[vector<16xi32>, vector<16xi32>, vector<16xi32>, vector<16xi32>], vector<16xf32>,
        tpu.vector_store_idx %arg8[%add3A_6, %select_n3A_63, %select_n3A_108, %add3A_754], %get3A_774 : memref<2x4x8x129xf32, #tpu.memory_space<vmem>>[vector<16xi32>, vector<16xi32>, vector<16xi32>, vector<16xi32>], vector<16xf32>,
        %mul3A_775 = arith.constant 8 : i32
        %mul3A_776 = arith.muli %scan3A_691, %mul3A_775 : i32
        %add3A_777 = arith.constant 3 : i32
        %add3A_778 = arith.addi %mul3A_776, %add3A_777 : i32
        %broadcast_in_dim3A_779 = arith.constant 0 : i32
        %broadcast_in_dim3A_780 = vector.broadcast %broadcast_in_dim3A_779 : i32 to vector<16xi32>
        %add3A_781 = vector.broadcast %add3A_778 : i32 to vector<16xi32>
        %add3A_782 = arith.addi %broadcast_in_dim3A_780, %add3A_781 : vector<16xi32>
        %add3A_783 = arith.constant 0 : i32
        %add3A_784 = arith.addi %add3A_783, %add3A_778 : i32
        %get3A_785 = arith.index_cast %add3A_784 : i32 to index
        %get3A_786 = arith.constant 0 : index
        %get3A_787 = tpu.vector_load %arg6[%get3A_785, %get3A_786] {strides = array<i32>} : memref<256x32xf32, #tpu.memory_space<vmem>>, vector<16xf32>,
        %add3A_788 = arith.constant 0 : i32
        %add3A_789 = arith.addi %add3A_788, %add3A_778 : i32
        %get3A_790 = arith.index_cast %add3A_789 : i32 to index
        %get3A_791 = arith.constant 16 : index
        %get3A_792 = tpu.vector_load %arg6[%get3A_790, %get3A_791] {strides = array<i32>} : memref<256x32xf32, #tpu.memory_space<vmem>>, vector<16xf32>,
        tpu.vector_store_idx %arg8[%broadcast_in_dim3A_3, %select_n3A, %select_n3A_83, %add3A_782], %get3A_787 : memref<2x4x8x129xf32, #tpu.memory_space<vmem>>[vector<16xi32>, vector<16xi32>, vector<16xi32>, vector<16xi32>], vector<16xf32>,
        tpu.vector_store_idx %arg8[%broadcast_in_dim3A_3, %select_n3A_63, %select_n3A_108, %add3A_782], %get3A_792 : memref<2x4x8x129xf32, #tpu.memory_space<vmem>>[vector<16xi32>, vector<16xi32>, vector<16xi32>, vector<16xi32>], vector<16xf32>,
        %add3A_793 = arith.constant 128 : i32
        %add3A_794 = arith.addi %add3A_793, %add3A_778 : i32
        %get3A_795 = arith.index_cast %add3A_794 : i32 to index
        %get3A_796 = arith.constant 0 : index
        %get3A_797 = tpu.vector_load %arg6[%get3A_795, %get3A_796] {strides = array<i32>} : memref<256x32xf32, #tpu.memory_space<vmem>>, vector<16xf32>,
        %add3A_798 = arith.constant 128 : i32
        %add3A_799 = arith.addi %add3A_798, %add3A_778 : i32
        %get3A_800 = arith.index_cast %add3A_799 : i32 to index
        %get3A_801 = arith.constant 16 : index
        %get3A_802 = tpu.vector_load %arg6[%get3A_800, %get3A_801] {strides = array<i32>} : memref<256x32xf32, #tpu.memory_space<vmem>>, vector<16xf32>,
        tpu.vector_store_idx %arg8[%add3A_6, %select_n3A, %select_n3A_83, %add3A_782], %get3A_797 : memref<2x4x8x129xf32, #tpu.memory_space<vmem>>[vector<16xi32>, vector<16xi32>, vector<16xi32>, vector<16xi32>], vector<16xf32>,
        tpu.vector_store_idx %arg8[%add3A_6, %select_n3A_63, %select_n3A_108, %add3A_782], %get3A_802 : memref<2x4x8x129xf32, #tpu.memory_space<vmem>>[vector<16xi32>, vector<16xi32>, vector<16xi32>, vector<16xi32>], vector<16xf32>,
        %mul3A_803 = arith.constant 8 : i32
        %mul3A_804 = arith.muli %scan3A_691, %mul3A_803 : i32
        %add3A_805 = arith.constant 4 : i32
        %add3A_806 = arith.addi %mul3A_804, %add3A_805 : i32
        %broadcast_in_dim3A_807 = arith.constant 0 : i32
        %broadcast_in_dim3A_808 = vector.broadcast %broadcast_in_dim3A_807 : i32 to vector<16xi32>
        %add3A_809 = vector.broadcast %add3A_806 : i32 to vector<16xi32>
        %add3A_810 = arith.addi %broadcast_in_dim3A_808, %add3A_809 : vector<16xi32>
        %add3A_811 = arith.constant 0 : i32
        %add3A_812 = arith.addi %add3A_811, %add3A_806 : i32
        %get3A_813 = arith.index_cast %add3A_812 : i32 to index
        %get3A_814 = arith.constant 0 : index
        %get3A_815 = tpu.vector_load %arg6[%get3A_813, %get3A_814] {strides = array<i32>} : memref<256x32xf32, #tpu.memory_space<vmem>>, vector<16xf32>,
        %add3A_816 = arith.constant 0 : i32
        %add3A_817 = arith.addi %add3A_816, %add3A_806 : i32
        %get3A_818 = arith.index_cast %add3A_817 : i32 to index
        %get3A_819 = arith.constant 16 : index
        %get3A_820 = tpu.vector_load %arg6[%get3A_818, %get3A_819] {strides = array<i32>} : memref<256x32xf32, #tpu.memory_space<vmem>>, vector<16xf32>,
        tpu.vector_store_idx %arg8[%broadcast_in_dim3A_3, %select_n3A, %select_n3A_83, %add3A_810], %get3A_815 : memref<2x4x8x129xf32, #tpu.memory_space<vmem>>[vector<16xi32>, vector<16xi32>, vector<16xi32>, vector<16xi32>], vector<16xf32>,
        tpu.vector_store_idx %arg8[%broadcast_in_dim3A_3, %select_n3A_63, %select_n3A_108, %add3A_810], %get3A_820 : memref<2x4x8x129xf32, #tpu.memory_space<vmem>>[vector<16xi32>, vector<16xi32>, vector<16xi32>, vector<16xi32>], vector<16xf32>,
        %add3A_821 = arith.constant 128 : i32
        %add3A_822 = arith.addi %add3A_821, %add3A_806 : i32
        %get3A_823 = arith.index_cast %add3A_822 : i32 to index
        %get3A_824 = arith.constant 0 : index
        %get3A_825 = tpu.vector_load %arg6[%get3A_823, %get3A_824] {strides = array<i32>} : memref<256x32xf32, #tpu.memory_space<vmem>>, vector<16xf32>,
        %add3A_826 = arith.constant 128 : i32
        %add3A_827 = arith.addi %add3A_826, %add3A_806 : i32
        %get3A_828 = arith.index_cast %add3A_827 : i32 to index
        %get3A_829 = arith.constant 16 : index
        %get3A_830 = tpu.vector_load %arg6[%get3A_828, %get3A_829] {strides = array<i32>} : memref<256x32xf32, #tpu.memory_space<vmem>>, vector<16xf32>,
        tpu.vector_store_idx %arg8[%add3A_6, %select_n3A, %select_n3A_83, %add3A_810], %get3A_825 : memref<2x4x8x129xf32, #tpu.memory_space<vmem>>[vector<16xi32>, vector<16xi32>, vector<16xi32>, vector<16xi32>], vector<16xf32>,
        tpu.vector_store_idx %arg8[%add3A_6, %select_n3A_63, %select_n3A_108, %add3A_810], %get3A_830 : memref<2x4x8x129xf32, #tpu.memory_space<vmem>>[vector<16xi32>, vector<16xi32>, vector<16xi32>, vector<16xi32>], vector<16xf32>,
        %mul3A_831 = arith.constant 8 : i32
        %mul3A_832 = arith.muli %scan3A_691, %mul3A_831 : i32
        %add3A_833 = arith.constant 5 : i32
        %add3A_834 = arith.addi %mul3A_832, %add3A_833 : i32
        %broadcast_in_dim3A_835 = arith.constant 0 : i32
        %broadcast_in_dim3A_836 = vector.broadcast %broadcast_in_dim3A_835 : i32 to vector<16xi32>
        %add3A_837 = vector.broadcast %add3A_834 : i32 to vector<16xi32>
        %add3A_838 = arith.addi %broadcast_in_dim3A_836, %add3A_837 : vector<16xi32>
        %add3A_839 = arith.constant 0 : i32
        %add3A_840 = arith.addi %add3A_839, %add3A_834 : i32
        %get3A_841 = arith.index_cast %add3A_840 : i32 to index
        %get3A_842 = arith.constant 0 : index
        %get3A_843 = tpu.vector_load %arg6[%get3A_841, %get3A_842] {strides = array<i32>} : memref<256x32xf32, #tpu.memory_space<vmem>>, vector<16xf32>,
        %add3A_844 = arith.constant 0 : i32
        %add3A_845 = arith.addi %add3A_844, %add3A_834 : i32
        %get3A_846 = arith.index_cast %add3A_845 : i32 to index
        %get3A_847 = arith.constant 16 : index
        %get3A_848 = tpu.vector_load %arg6[%get3A_846, %get3A_847] {strides = array<i32>} : memref<256x32xf32, #tpu.memory_space<vmem>>, vector<16xf32>,
        tpu.vector_store_idx %arg8[%broadcast_in_dim3A_3, %select_n3A, %select_n3A_83, %add3A_838], %get3A_843 : memref<2x4x8x129xf32, #tpu.memory_space<vmem>>[vector<16xi32>, vector<16xi32>, vector<16xi32>, vector<16xi32>], vector<16xf32>,
        tpu.vector_store_idx %arg8[%broadcast_in_dim3A_3, %select_n3A_63, %select_n3A_108, %add3A_838], %get3A_848 : memref<2x4x8x129xf32, #tpu.memory_space<vmem>>[vector<16xi32>, vector<16xi32>, vector<16xi32>, vector<16xi32>], vector<16xf32>,
        %add3A_849 = arith.constant 128 : i32
        %add3A_850 = arith.addi %add3A_849, %add3A_834 : i32
        %get3A_851 = arith.index_cast %add3A_850 : i32 to index
        %get3A_852 = arith.constant 0 : index
        %get3A_853 = tpu.vector_load %arg6[%get3A_851, %get3A_852] {strides = array<i32>} : memref<256x32xf32, #tpu.memory_space<vmem>>, vector<16xf32>,
        %add3A_854 = arith.constant 128 : i32
        %add3A_855 = arith.addi %add3A_854, %add3A_834 : i32
        %get3A_856 = arith.index_cast %add3A_855 : i32 to index
        %get3A_857 = arith.constant 16 : index
        %get3A_858 = tpu.vector_load %arg6[%get3A_856, %get3A_857] {strides = array<i32>} : memref<256x32xf32, #tpu.memory_space<vmem>>, vector<16xf32>,
        tpu.vector_store_idx %arg8[%add3A_6, %select_n3A, %select_n3A_83, %add3A_838], %get3A_853 : memref<2x4x8x129xf32, #tpu.memory_space<vmem>>[vector<16xi32>, vector<16xi32>, vector<16xi32>, vector<16xi32>], vector<16xf32>,
        tpu.vector_store_idx %arg8[%add3A_6, %select_n3A_63, %select_n3A_108, %add3A_838], %get3A_858 : memref<2x4x8x129xf32, #tpu.memory_space<vmem>>[vector<16xi32>, vector<16xi32>, vector<16xi32>, vector<16xi32>], vector<16xf32>,
        %mul3A_859 = arith.constant 8 : i32
        %mul3A_860 = arith.muli %scan3A_691, %mul3A_859 : i32
        %add3A_861 = arith.constant 6 : i32
        %add3A_862 = arith.addi %mul3A_860, %add3A_861 : i32
        %broadcast_in_dim3A_863 = arith.constant 0 : i32
        %broadcast_in_dim3A_864 = vector.broadcast %broadcast_in_dim3A_863 : i32 to vector<16xi32>
        %add3A_865 = vector.broadcast %add3A_862 : i32 to vector<16xi32>
        %add3A_866 = arith.addi %broadcast_in_dim3A_864, %add3A_865 : vector<16xi32>
        %add3A_867 = arith.constant 0 : i32
        %add3A_868 = arith.addi %add3A_867, %add3A_862 : i32
        %get3A_869 = arith.index_cast %add3A_868 : i32 to index
        %get3A_870 = arith.constant 0 : index
        %get3A_871 = tpu.vector_load %arg6[%get3A_869, %get3A_870] {strides = array<i32>} : memref<256x32xf32, #tpu.memory_space<vmem>>, vector<16xf32>,
        %add3A_872 = arith.constant 0 : i32
        %add3A_873 = arith.addi %add3A_872, %add3A_862 : i32
        %get3A_874 = arith.index_cast %add3A_873 : i32 to index
        %get3A_875 = arith.constant 16 : index
        %get3A_876 = tpu.vector_load %arg6[%get3A_874, %get3A_875] {strides = array<i32>} : memref<256x32xf32, #tpu.memory_space<vmem>>, vector<16xf32>,
        tpu.vector_store_idx %arg8[%broadcast_in_dim3A_3, %select_n3A, %select_n3A_83, %add3A_866], %get3A_871 : memref<2x4x8x129xf32, #tpu.memory_space<vmem>>[vector<16xi32>, vector<16xi32>, vector<16xi32>, vector<16xi32>], vector<16xf32>,
        tpu.vector_store_idx %arg8[%broadcast_in_dim3A_3, %select_n3A_63, %select_n3A_108, %add3A_866], %get3A_876 : memref<2x4x8x129xf32, #tpu.memory_space<vmem>>[vector<16xi32>, vector<16xi32>, vector<16xi32>, vector<16xi32>], vector<16xf32>,
        %add3A_877 = arith.constant 128 : i32
        %add3A_878 = arith.addi %add3A_877, %add3A_862 : i32
        %get3A_879 = arith.index_cast %add3A_878 : i32 to index
        %get3A_880 = arith.constant 0 : index
        %get3A_881 = tpu.vector_load %arg6[%get3A_879, %get3A_880] {strides = array<i32>} : memref<256x32xf32, #tpu.memory_space<vmem>>, vector<16xf32>,
        %add3A_882 = arith.constant 128 : i32
        %add3A_883 = arith.addi %add3A_882, %add3A_862 : i32
        %get3A_884 = arith.index_cast %add3A_883 : i32 to index
        %get3A_885 = arith.constant 16 : index
        %get3A_886 = tpu.vector_load %arg6[%get3A_884, %get3A_885] {strides = array<i32>} : memref<256x32xf32, #tpu.memory_space<vmem>>, vector<16xf32>,
        tpu.vector_store_idx %arg8[%add3A_6, %select_n3A, %select_n3A_83, %add3A_866], %get3A_881 : memref<2x4x8x129xf32, #tpu.memory_space<vmem>>[vector<16xi32>, vector<16xi32>, vector<16xi32>, vector<16xi32>], vector<16xf32>,
        tpu.vector_store_idx %arg8[%add3A_6, %select_n3A_63, %select_n3A_108, %add3A_866], %get3A_886 : memref<2x4x8x129xf32, #tpu.memory_space<vmem>>[vector<16xi32>, vector<16xi32>, vector<16xi32>, vector<16xi32>], vector<16xf32>,
        %mul3A_887 = arith.constant 8 : i32
        %mul3A_888 = arith.muli %scan3A_691, %mul3A_887 : i32
        %add3A_889 = arith.constant 7 : i32
        %add3A_890 = arith.addi %mul3A_888, %add3A_889 : i32
        %broadcast_in_dim3A_891 = arith.constant 0 : i32
        %broadcast_in_dim3A_892 = vector.broadcast %broadcast_in_dim3A_891 : i32 to vector<16xi32>
        %add3A_893 = vector.broadcast %add3A_890 : i32 to vector<16xi32>
        %add3A_894 = arith.addi %broadcast_in_dim3A_892, %add3A_893 : vector<16xi32>
        %add3A_895 = arith.constant 0 : i32
        %add3A_896 = arith.addi %add3A_895, %add3A_890 : i32
        %get3A_897 = arith.index_cast %add3A_896 : i32 to index
        %get3A_898 = arith.constant 0 : index
        %get3A_899 = tpu.vector_load %arg6[%get3A_897, %get3A_898] {strides = array<i32>} : memref<256x32xf32, #tpu.memory_space<vmem>>, vector<16xf32>,
        %add3A_900 = arith.constant 0 : i32
        %add3A_901 = arith.addi %add3A_900, %add3A_890 : i32
        %get3A_902 = arith.index_cast %add3A_901 : i32 to index
        %get3A_903 = arith.constant 16 : index
        %get3A_904 = tpu.vector_load %arg6[%get3A_902, %get3A_903] {strides = array<i32>} : memref<256x32xf32, #tpu.memory_space<vmem>>, vector<16xf32>,
        tpu.vector_store_idx %arg8[%broadcast_in_dim3A_3, %select_n3A, %select_n3A_83, %add3A_894], %get3A_899 : memref<2x4x8x129xf32, #tpu.memory_space<vmem>>[vector<16xi32>, vector<16xi32>, vector<16xi32>, vector<16xi32>], vector<16xf32>,
        tpu.vector_store_idx %arg8[%broadcast_in_dim3A_3, %select_n3A_63, %select_n3A_108, %add3A_894], %get3A_904 : memref<2x4x8x129xf32, #tpu.memory_space<vmem>>[vector<16xi32>, vector<16xi32>, vector<16xi32>, vector<16xi32>], vector<16xf32>,
        %add3A_905 = arith.constant 128 : i32
        %add3A_906 = arith.addi %add3A_905, %add3A_890 : i32
        %get3A_907 = arith.index_cast %add3A_906 : i32 to index
        %get3A_908 = arith.constant 0 : index
        %get3A_909 = tpu.vector_load %arg6[%get3A_907, %get3A_908] {strides = array<i32>} : memref<256x32xf32, #tpu.memory_space<vmem>>, vector<16xf32>,
        %add3A_910 = arith.constant 128 : i32
        %add3A_911 = arith.addi %add3A_910, %add3A_890 : i32
        %get3A_912 = arith.index_cast %add3A_911 : i32 to index
        %get3A_913 = arith.constant 16 : index
        %get3A_914 = tpu.vector_load %arg6[%get3A_912, %get3A_913] {strides = array<i32>} : memref<256x32xf32, #tpu.memory_space<vmem>>, vector<16xf32>,
        tpu.vector_store_idx %arg8[%add3A_6, %select_n3A, %select_n3A_83, %add3A_894], %get3A_909 : memref<2x4x8x129xf32, #tpu.memory_space<vmem>>[vector<16xi32>, vector<16xi32>, vector<16xi32>, vector<16xi32>], vector<16xf32>,
        tpu.vector_store_idx %arg8[%add3A_6, %select_n3A_63, %select_n3A_108, %add3A_894], %get3A_914 : memref<2x4x8x129xf32, #tpu.memory_space<vmem>>[vector<16xi32>, vector<16xi32>, vector<16xi32>, vector<16xi32>], vector<16xf32>,
      }
      %scan3A_540 = arith.constant 16 : i32
      %dma_start3A_541 = arith.constant 0 : i32
      %dma_start3A_542 = arith.constant 0 : i32
      %dma_start3A_543 = arith.constant 0 : i32
      %dma_start3A_544 = arith.constant 0 : i32
      %dma_start3A_545 = tpu.memref_slice %arg8[%dma_start3A_541, %dma_start3A_542, %dma_start3A_543, %dma_start3A_544] : memref<2x4x8x129xf32, #tpu.memory_space<vmem>> -> memref<2x4x8x128xf32, #tpu.memory_space<vmem>>
      %dma_start3A_546 = arith.constant 0 : i32
      %dma_start3A_547 = arith.constant 0 : i32
      %dma_start3A_548 = arith.constant 0 : i32
      %dma_start3A_549 = arith.constant 0 : i32
      %dma_start3A_550 = tpu.memref_slice %arg4[%mul3A_482, %dma_start3A_546, %dma_start3A_547, %add3A, %dma_start3A_548, %dma_start3A_549] : memref<100x2x4x32x8x128xf32, #tpu.memory_space<hbm>> -> memref<1x2x4x1x8x128xf32, #tpu.memory_space<hbm>>
      %dma_start3A_551 = tpu.memref_squeeze %dma_start3A_550 : memref<1x2x4x1x8x128xf32, #tpu.memory_space<hbm>> -> memref<2x4x8x128xf32, #tpu.memory_space<hbm>>
      %dma_start3A_552 = arith.constant 0 : i32
      %dma_start3A_553 = arith.constant 0 : i32
      %dma_start3A_554 = arith.constant 0 : i32
      %dma_start3A_555 = arith.constant 0 : i32
      %dma_start3A_556 = tpu.memref_slice %arg4[%mul3A_482, %dma_start3A_552, %dma_start3A_553, %add3A, %dma_start3A_554, %dma_start3A_555] : memref<100x2x4x32x8x128xf32, #tpu.memory_space<hbm>> -> memref<1x2x4x1x8x128xf32, #tpu.memory_space<hbm>>
      %dma_start3A_557 = tpu.memref_squeeze %dma_start3A_556 : memref<1x2x4x1x8x128xf32, #tpu.memory_space<hbm>> -> memref<2x4x8x128xf32, #tpu.memory_space<hbm>>
      %dma_start3A_558 = arith.constant 0 : i32
      %dma_start3A_559 = arith.constant 0 : i32
      %dma_start3A_560 = arith.constant 0 : i32
      %dma_start3A_561 = arith.constant 0 : i32
      %dma_start3A_562 = tpu.memref_slice %arg8[%dma_start3A_558, %dma_start3A_559, %dma_start3A_560, %dma_start3A_561] : memref<2x4x8x129xf32, #tpu.memory_space<vmem>> -> memref<2x4x8x128xf32, #tpu.memory_space<vmem>>
      tpu.enqueue_dma source(%dma_start3A_562 : memref<2x4x8x128xf32, #tpu.memory_space<vmem>>) target(%dma_start3A_557 : memref<2x4x8x128xf32, #tpu.memory_space<hbm>>) target_semaphore(%arg12 : memref<!tpu.dma_semaphore, #tpu.memory_space<semaphore_mem>>)
      %add3A_563 = arith.constant 2 : i32
      %add3A_564 = arith.addi %mul3A_482, %add3A_563 : i32
      %mul3A_565 = arith.constant 2 : i32
      %mul3A_566 = arith.muli %mul3A_565, %add3A_564 : i32
      %dma_start3A_567 = arith.constant 0 : i32
      %dma_start3A_568 = arith.constant 0 : i32
      %dma_start3A_569 = tpu.memref_slice %arg6[%dma_start3A_567, %dma_start3A_568] : memref<256x32xf32, #tpu.memory_space<vmem>> -> memref<128x32xf32, #tpu.memory_space<vmem>>
      %dma_start3A_570 = arith.constant 0 : i32
      %dma_start3A_571 = tpu.memref_slice %arg5[%mul3A_566, %dma_start3A_570] : memref<200x128xi32, #tpu.memory_space<vmem>> -> memref<1x128xi32, #tpu.memory_space<vmem>>
      %dma_start3A_572 = tpu.memref_squeeze %dma_start3A_571 : memref<1x128xi32, #tpu.memory_space<vmem>> -> memref<128xi32, #tpu.memory_space<vmem>>
      %dma_start3A_573 = arith.constant 0 : i32
      %dma_start3A_574 = arith.constant 0 : i32
      %dma_start3A_575 = tpu.memref_slice %arg3[%dma_start3A_573, %dma_start3A_574] : memref<1000000x32xf32, #tpu.memory_space<hbm>> -> memref<1000000x32xf32, #tpu.memory_space<hbm>>
      tpu.enqueue_indirect_dma source(%dma_start3A_575 : memref<1000000x32xf32, #tpu.memory_space<hbm>>) target(%dma_start3A_569 : memref<128x32xf32, #tpu.memory_space<vmem>>) offsets(%dma_start3A_572 : memref<128xi32, #tpu.memory_space<vmem>>) semaphore(%arg10 : memref<!tpu.dma_semaphore, #tpu.memory_space<semaphore_mem>>)
      %mul3A_576 = arith.constant 2 : i32
      %mul3A_577 = arith.muli %mul3A_576, %add3A_564 : i32
      %add3A_578 = arith.constant 1 : i32
      %add3A_579 = arith.addi %mul3A_577, %add3A_578 : i32
      %dma_start3A_580 = arith.constant 128 : i32
      %dma_start3A_581 = arith.constant 0 : i32
      %dma_start3A_582 = tpu.memref_slice %arg6[%dma_start3A_580, %dma_start3A_581] : memref<256x32xf32, #tpu.memory_space<vmem>> -> memref<128x32xf32, #tpu.memory_space<vmem>>
      %dma_start3A_583 = arith.constant 0 : i32
      %dma_start3A_584 = tpu.memref_slice %arg5[%add3A_579, %dma_start3A_583] : memref<200x128xi32, #tpu.memory_space<vmem>> -> memref<1x128xi32, #tpu.memory_space<vmem>>
      %dma_start3A_585 = tpu.memref_squeeze %dma_start3A_584 : memref<1x128xi32, #tpu.memory_space<vmem>> -> memref<128xi32, #tpu.memory_space<vmem>>
      %dma_start3A_586 = arith.constant 0 : i32
      %dma_start3A_587 = arith.constant 0 : i32
      %dma_start3A_588 = tpu.memref_slice %arg3[%dma_start3A_586, %dma_start3A_587] : memref<1000000x32xf32, #tpu.memory_space<hbm>> -> memref<1000000x32xf32, #tpu.memory_space<hbm>>
      tpu.enqueue_indirect_dma source(%dma_start3A_588 : memref<1000000x32xf32, #tpu.memory_space<hbm>>) target(%dma_start3A_582 : memref<128x32xf32, #tpu.memory_space<vmem>>) offsets(%dma_start3A_585 : memref<128xi32, #tpu.memory_space<vmem>>) semaphore(%arg10 : memref<!tpu.dma_semaphore, #tpu.memory_space<semaphore_mem>>)
      %mul3A_589 = arith.constant 2 : i32
      %mul3A_590 = arith.muli %mul3A_589, %add3A_486 : i32
      %dma_wait3A_591 = arith.constant 0 : i32
      %dma_wait3A_592 = arith.constant 0 : i32
      %dma_wait3A_593 = tpu.memref_slice %arg7[%dma_wait3A_591, %dma_wait3A_592] : memref<256x32xf32, #tpu.memory_space<vmem>> -> memref<128x32xf32, #tpu.memory_space<vmem>>
      %dma_wait3A_594 = arith.constant 0 : i32
      %dma_wait3A_595 = tpu.memref_slice %arg5[%mul3A_590, %dma_wait3A_594] : memref<200x128xi32, #tpu.memory_space<vmem>> -> memref<1x128xi32, #tpu.memory_space<vmem>>
      %dma_wait3A_596 = tpu.memref_squeeze %dma_wait3A_595 : memref<1x128xi32, #tpu.memory_space<vmem>> -> memref<128xi32, #tpu.memory_space<vmem>>
      %dma_wait3A_597 = arith.constant 0 : i32
      %dma_wait3A_598 = arith.constant 0 : i32
      %dma_wait3A_599 = tpu.memref_slice %arg3[%dma_wait3A_597, %dma_wait3A_598] : memref<1000000x32xf32, #tpu.memory_space<hbm>> -> memref<1000000x32xf32, #tpu.memory_space<hbm>>
      tpu.wait_indirect_dma semaphore(%arg11 : memref<!tpu.dma_semaphore, #tpu.memory_space<semaphore_mem>>) src(%dma_wait3A_599 : memref<1000000x32xf32, #tpu.memory_space<hbm>>) dst(%dma_wait3A_593 : memref<128x32xf32, #tpu.memory_space<vmem>>)
      %mul3A_600 = arith.constant 2 : i32
      %mul3A_601 = arith.muli %mul3A_600, %add3A_486 : i32
      %add3A_602 = arith.constant 1 : i32
      %add3A_603 = arith.addi %mul3A_601, %add3A_602 : i32
      %dma_wait3A_604 = arith.constant 128 : i32
      %dma_wait3A_605 = arith.constant 0 : i32
      %dma_wait3A_606 = tpu.memref_slice %arg7[%dma_wait3A_604, %dma_wait3A_605] : memref<256x32xf32, #tpu.memory_space<vmem>> -> memref<128x32xf32, #tpu.memory_space<vmem>>
      %dma_wait3A_607 = arith.constant 0 : i32
      %dma_wait3A_608 = tpu.memref_slice %arg5[%add3A_603, %dma_wait3A_607] : memref<200x128xi32, #tpu.memory_space<vmem>> -> memref<1x128xi32, #tpu.memory_space<vmem>>
      %dma_wait3A_609 = tpu.memref_squeeze %dma_wait3A_608 : memref<1x128xi32, #tpu.memory_space<vmem>> -> memref<128xi32, #tpu.memory_space<vmem>>
      %dma_wait3A_610 = arith.constant 0 : i32
      %dma_wait3A_611 = arith.constant 0 : i32
      %dma_wait3A_612 = tpu.memref_slice %arg3[%dma_wait3A_610, %dma_wait3A_611] : memref<1000000x32xf32, #tpu.memory_space<hbm>> -> memref<1000000x32xf32, #tpu.memory_space<hbm>>
      tpu.wait_indirect_dma semaphore(%arg11 : memref<!tpu.dma_semaphore, #tpu.memory_space<semaphore_mem>>) src(%dma_wait3A_612 : memref<1000000x32xf32, #tpu.memory_space<hbm>>) dst(%dma_wait3A_606 : memref<128x32xf32, #tpu.memory_space<vmem>>)
      %sub3A_613 = arith.constant 2 : i32
      %sub3A_614 = arith.subi %add3A_486, %sub3A_613 : i32
      %dma_wait3A_615 = arith.constant 0 : i32
      %dma_wait3A_616 = arith.constant 0 : i32
      %dma_wait3A_617 = arith.constant 0 : i32
      %dma_wait3A_618 = arith.constant 0 : i32
      %dma_wait3A_619 = tpu.memref_slice %arg9[%dma_wait3A_615, %dma_wait3A_616, %dma_wait3A_617, %dma_wait3A_618] : memref<2x4x8x129xf32, #tpu.memory_space<vmem>> -> memref<2x4x8x128xf32, #tpu.memory_space<vmem>>
      %dma_wait3A_620 = arith.constant 0 : i32
      %dma_wait3A_621 = arith.constant 0 : i32
      %dma_wait3A_622 = arith.constant 0 : i32
      %dma_wait3A_623 = arith.constant 0 : i32
      %dma_wait3A_624 = tpu.memref_slice %arg4[%sub3A_614, %dma_wait3A_620, %dma_wait3A_621, %add3A, %dma_wait3A_622, %dma_wait3A_623] : memref<100x2x4x32x8x128xf32, #tpu.memory_space<hbm>> -> memref<1x2x4x1x8x128xf32, #tpu.memory_space<hbm>>
      %dma_wait3A_625 = tpu.memref_squeeze %dma_wait3A_624 : memref<1x2x4x1x8x128xf32, #tpu.memory_space<hbm>> -> memref<2x4x8x128xf32, #tpu.memory_space<hbm>>
      %dma_wait3A_626 = arith.constant 0 : i32
      %dma_wait3A_627 = arith.constant 0 : i32
      %dma_wait3A_628 = arith.constant 0 : i32
      %dma_wait3A_629 = arith.constant 0 : i32
      %dma_wait3A_630 = tpu.memref_slice %arg4[%sub3A_614, %dma_wait3A_626, %dma_wait3A_627, %add3A, %dma_wait3A_628, %dma_wait3A_629] : memref<100x2x4x32x8x128xf32, #tpu.memory_space<hbm>> -> memref<1x2x4x1x8x128xf32, #tpu.memory_space<hbm>>
      %dma_wait3A_631 = tpu.memref_squeeze %dma_wait3A_630 : memref<1x2x4x1x8x128xf32, #tpu.memory_space<hbm>> -> memref<2x4x8x128xf32, #tpu.memory_space<hbm>>
      %dma_wait3A_632 = arith.constant 0 : i32
      %dma_wait3A_633 = arith.constant 0 : i32
      %dma_wait3A_634 = arith.constant 0 : i32
      %dma_wait3A_635 = arith.constant 0 : i32
      %dma_wait3A_636 = tpu.memref_slice %arg9[%dma_wait3A_632, %dma_wait3A_633, %dma_wait3A_634, %dma_wait3A_635] : memref<2x4x8x129xf32, #tpu.memory_space<vmem>> -> memref<2x4x8x128xf32, #tpu.memory_space<vmem>>
      tpu.wait_dma2 semaphore(%arg13 : memref<!tpu.dma_semaphore, #tpu.memory_space<semaphore_mem>>) src(%dma_wait3A_636 : memref<2x4x8x128xf32, #tpu.memory_space<vmem>>) dst(%dma_wait3A_631 : memref<2x4x8x128xf32, #tpu.memory_space<hbm>>)
      %scan3A_637 = arith.constant 0 : i32
      %scan3A_638 = arith.constant 0 : i32
      %scan3A_639 = arith.constant 16 : i32
      %scan3A_640 = arith.addi %scan3A_638, %scan3A_639 : i32
      %scan3A_641 = arith.constant 1 : i32
      scf.for %scan3A_691 = %scan3A_638 to %scan3A_640 step %scan3A_641  : i32 {
        %mul3A_692 = arith.constant 8 : i32
        %mul3A_693 = arith.muli %scan3A_691, %mul3A_692 : i32
        %add3A_694 = arith.constant 0 : i32
        %add3A_695 = arith.addi %mul3A_693, %add3A_694 : i32
        %broadcast_in_dim3A_696 = arith.constant 0 : i32
        %broadcast_in_dim3A_697 = vector.broadcast %broadcast_in_dim3A_696 : i32 to vector<16xi32>
        %add3A_698 = vector.broadcast %add3A_695 : i32 to vector<16xi32>
        %add3A_699 = arith.addi %broadcast_in_dim3A_697, %add3A_698 : vector<16xi32>
        %add3A_700 = arith.constant 0 : i32
        %add3A_701 = arith.addi %add3A_700, %add3A_695 : i32
        %get3A = arith.index_cast %add3A_701 : i32 to index
        %get3A_702 = arith.constant 0 : index
        %get3A_703 = tpu.vector_load %arg7[%get3A, %get3A_702] {strides = array<i32>} : memref<256x32xf32, #tpu.memory_space<vmem>>, vector<16xf32>,
        %add3A_704 = arith.constant 0 : i32
        %add3A_705 = arith.addi %add3A_704, %add3A_695 : i32
        %get3A_706 = arith.index_cast %add3A_705 : i32 to index
        %get3A_707 = arith.constant 16 : index
        %get3A_708 = tpu.vector_load %arg7[%get3A_706, %get3A_707] {strides = array<i32>} : memref<256x32xf32, #tpu.memory_space<vmem>>, vector<16xf32>,
        tpu.vector_store_idx %arg9[%broadcast_in_dim3A_3, %select_n3A, %select_n3A_83, %add3A_699], %get3A_703 : memref<2x4x8x129xf32, #tpu.memory_space<vmem>>[vector<16xi32>, vector<16xi32>, vector<16xi32>, vector<16xi32>], vector<16xf32>,
        tpu.vector_store_idx %arg9[%broadcast_in_dim3A_3, %select_n3A_63, %select_n3A_108, %add3A_699], %get3A_708 : memref<2x4x8x129xf32, #tpu.memory_space<vmem>>[vector<16xi32>, vector<16xi32>, vector<16xi32>, vector<16xi32>], vector<16xf32>,
        %add3A_709 = arith.constant 128 : i32
        %add3A_710 = arith.addi %add3A_709, %add3A_695 : i32
        %get3A_711 = arith.index_cast %add3A_710 : i32 to index
        %get3A_712 = arith.constant 0 : index
        %get3A_713 = tpu.vector_load %arg7[%get3A_711, %get3A_712] {strides = array<i32>} : memref<256x32xf32, #tpu.memory_space<vmem>>, vector<16xf32>,
        %add3A_714 = arith.constant 128 : i32
        %add3A_715 = arith.addi %add3A_714, %add3A_695 : i32
        %get3A_716 = arith.index_cast %add3A_715 : i32 to index
        %get3A_717 = arith.constant 16 : index
        %get3A_718 = tpu.vector_load %arg7[%get3A_716, %get3A_717] {strides = array<i32>} : memref<256x32xf32, #tpu.memory_space<vmem>>, vector<16xf32>,
        tpu.vector_store_idx %arg9[%add3A_6, %select_n3A, %select_n3A_83, %add3A_699], %get3A_713 : memref<2x4x8x129xf32, #tpu.memory_space<vmem>>[vector<16xi32>, vector<16xi32>, vector<16xi32>, vector<16xi32>], vector<16xf32>,
        tpu.vector_store_idx %arg9[%add3A_6, %select_n3A_63, %select_n3A_108, %add3A_699], %get3A_718 : memref<2x4x8x129xf32, #tpu.memory_space<vmem>>[vector<16xi32>, vector<16xi32>, vector<16xi32>, vector<16xi32>], vector<16xf32>,
        %mul3A_719 = arith.constant 8 : i32
        %mul3A_720 = arith.muli %scan3A_691, %mul3A_719 : i32
        %add3A_721 = arith.constant 1 : i32
        %add3A_722 = arith.addi %mul3A_720, %add3A_721 : i32
        %broadcast_in_dim3A_723 = arith.constant 0 : i32
        %broadcast_in_dim3A_724 = vector.broadcast %broadcast_in_dim3A_723 : i32 to vector<16xi32>
        %add3A_725 = vector.broadcast %add3A_722 : i32 to vector<16xi32>
        %add3A_726 = arith.addi %broadcast_in_dim3A_724, %add3A_725 : vector<16xi32>
        %add3A_727 = arith.constant 0 : i32
        %add3A_728 = arith.addi %add3A_727, %add3A_722 : i32
        %get3A_729 = arith.index_cast %add3A_728 : i32 to index
        %get3A_730 = arith.constant 0 : index
        %get3A_731 = tpu.vector_load %arg7[%get3A_729, %get3A_730] {strides = array<i32>} : memref<256x32xf32, #tpu.memory_space<vmem>>, vector<16xf32>,
        %add3A_732 = arith.constant 0 : i32
        %add3A_733 = arith.addi %add3A_732, %add3A_722 : i32
        %get3A_734 = arith.index_cast %add3A_733 : i32 to index
        %get3A_735 = arith.constant 16 : index
        %get3A_736 = tpu.vector_load %arg7[%get3A_734, %get3A_735] {strides = array<i32>} : memref<256x32xf32, #tpu.memory_space<vmem>>, vector<16xf32>,
        tpu.vector_store_idx %arg9[%broadcast_in_dim3A_3, %select_n3A, %select_n3A_83, %add3A_726], %get3A_731 : memref<2x4x8x129xf32, #tpu.memory_space<vmem>>[vector<16xi32>, vector<16xi32>, vector<16xi32>, vector<16xi32>], vector<16xf32>,
        tpu.vector_store_idx %arg9[%broadcast_in_dim3A_3, %select_n3A_63, %select_n3A_108, %add3A_726], %get3A_736 : memref<2x4x8x129xf32, #tpu.memory_space<vmem>>[vector<16xi32>, vector<16xi32>, vector<16xi32>, vector<16xi32>], vector<16xf32>,
        %add3A_737 = arith.constant 128 : i32
        %add3A_738 = arith.addi %add3A_737, %add3A_722 : i32
        %get3A_739 = arith.index_cast %add3A_738 : i32 to index
        %get3A_740 = arith.constant 0 : index
        %get3A_741 = tpu.vector_load %arg7[%get3A_739, %get3A_740] {strides = array<i32>} : memref<256x32xf32, #tpu.memory_space<vmem>>, vector<16xf32>,
        %add3A_742 = arith.constant 128 : i32
        %add3A_743 = arith.addi %add3A_742, %add3A_722 : i32
        %get3A_744 = arith.index_cast %add3A_743 : i32 to index
        %get3A_745 = arith.constant 16 : index
        %get3A_746 = tpu.vector_load %arg7[%get3A_744, %get3A_745] {strides = array<i32>} : memref<256x32xf32, #tpu.memory_space<vmem>>, vector<16xf32>,
        tpu.vector_store_idx %arg9[%add3A_6, %select_n3A, %select_n3A_83, %add3A_726], %get3A_741 : memref<2x4x8x129xf32, #tpu.memory_space<vmem>>[vector<16xi32>, vector<16xi32>, vector<16xi32>, vector<16xi32>], vector<16xf32>,
        tpu.vector_store_idx %arg9[%add3A_6, %select_n3A_63, %select_n3A_108, %add3A_726], %get3A_746 : memref<2x4x8x129xf32, #tpu.memory_space<vmem>>[vector<16xi32>, vector<16xi32>, vector<16xi32>, vector<16xi32>], vector<16xf32>,
        %mul3A_747 = arith.constant 8 : i32
        %mul3A_748 = arith.muli %scan3A_691, %mul3A_747 : i32
        %add3A_749 = arith.constant 2 : i32
        %add3A_750 = arith.addi %mul3A_748, %add3A_749 : i32
        %broadcast_in_dim3A_751 = arith.constant 0 : i32
        %broadcast_in_dim3A_752 = vector.broadcast %broadcast_in_dim3A_751 : i32 to vector<16xi32>
        %add3A_753 = vector.broadcast %add3A_750 : i32 to vector<16xi32>
        %add3A_754 = arith.addi %broadcast_in_dim3A_752, %add3A_753 : vector<16xi32>
        %add3A_755 = arith.constant 0 : i32
        %add3A_756 = arith.addi %add3A_755, %add3A_750 : i32
        %get3A_757 = arith.index_cast %add3A_756 : i32 to index
        %get3A_758 = arith.constant 0 : index
        %get3A_759 = tpu.vector_load %arg7[%get3A_757, %get3A_758] {strides = array<i32>} : memref<256x32xf32, #tpu.memory_space<vmem>>, vector<16xf32>,
        %add3A_760 = arith.constant 0 : i32
        %add3A_761 = arith.addi %add3A_760, %add3A_750 : i32
        %get3A_762 = arith.index_cast %add3A_761 : i32 to index
        %get3A_763 = arith.constant 16 : index
        %get3A_764 = tpu.vector_load %arg7[%get3A_762, %get3A_763] {strides = array<i32>} : memref<256x32xf32, #tpu.memory_space<vmem>>, vector<16xf32>,
        tpu.vector_store_idx %arg9[%broadcast_in_dim3A_3, %select_n3A, %select_n3A_83, %add3A_754], %get3A_759 : memref<2x4x8x129xf32, #tpu.memory_space<vmem>>[vector<16xi32>, vector<16xi32>, vector<16xi32>, vector<16xi32>], vector<16xf32>,
        tpu.vector_store_idx %arg9[%broadcast_in_dim3A_3, %select_n3A_63, %select_n3A_108, %add3A_754], %get3A_764 : memref<2x4x8x129xf32, #tpu.memory_space<vmem>>[vector<16xi32>, vector<16xi32>, vector<16xi32>, vector<16xi32>], vector<16xf32>,
        %add3A_765 = arith.constant 128 : i32
        %add3A_766 = arith.addi %add3A_765, %add3A_750 : i32
        %get3A_767 = arith.index_cast %add3A_766 : i32 to index
        %get3A_768 = arith.constant 0 : index
        %get3A_769 = tpu.vector_load %arg7[%get3A_767, %get3A_768] {strides = array<i32>} : memref<256x32xf32, #tpu.memory_space<vmem>>, vector<16xf32>,
        %add3A_770 = arith.constant 128 : i32
        %add3A_771 = arith.addi %add3A_770, %add3A_750 : i32
        %get3A_772 = arith.index_cast %add3A_771 : i32 to index
        %get3A_773 = arith.constant 16 : index
        %get3A_774 = tpu.vector_load %arg7[%get3A_772, %get3A_773] {strides = array<i32>} : memref<256x32xf32, #tpu.memory_space<vmem>>, vector<16xf32>,
        tpu.vector_store_idx %arg9[%add3A_6, %select_n3A, %select_n3A_83, %add3A_754], %get3A_769 : memref<2x4x8x129xf32, #tpu.memory_space<vmem>>[vector<16xi32>, vector<16xi32>, vector<16xi32>, vector<16xi32>], vector<16xf32>,
        tpu.vector_store_idx %arg9[%add3A_6, %select_n3A_63, %select_n3A_108, %add3A_754], %get3A_774 : memref<2x4x8x129xf32, #tpu.memory_space<vmem>>[vector<16xi32>, vector<16xi32>, vector<16xi32>, vector<16xi32>], vector<16xf32>,
        %mul3A_775 = arith.constant 8 : i32
        %mul3A_776 = arith.muli %scan3A_691, %mul3A_775 : i32
        %add3A_777 = arith.constant 3 : i32
        %add3A_778 = arith.addi %mul3A_776, %add3A_777 : i32
        %broadcast_in_dim3A_779 = arith.constant 0 : i32
        %broadcast_in_dim3A_780 = vector.broadcast %broadcast_in_dim3A_779 : i32 to vector<16xi32>
        %add3A_781 = vector.broadcast %add3A_778 : i32 to vector<16xi32>
        %add3A_782 = arith.addi %broadcast_in_dim3A_780, %add3A_781 : vector<16xi32>
        %add3A_783 = arith.constant 0 : i32
        %add3A_784 = arith.addi %add3A_783, %add3A_778 : i32
        %get3A_785 = arith.index_cast %add3A_784 : i32 to index
        %get3A_786 = arith.constant 0 : index
        %get3A_787 = tpu.vector_load %arg7[%get3A_785, %get3A_786] {strides = array<i32>} : memref<256x32xf32, #tpu.memory_space<vmem>>, vector<16xf32>,
        %add3A_788 = arith.constant 0 : i32
        %add3A_789 = arith.addi %add3A_788, %add3A_778 : i32
        %get3A_790 = arith.index_cast %add3A_789 : i32 to index
        %get3A_791 = arith.constant 16 : index
        %get3A_792 = tpu.vector_load %arg7[%get3A_790, %get3A_791] {strides = array<i32>} : memref<256x32xf32, #tpu.memory_space<vmem>>, vector<16xf32>,
        tpu.vector_store_idx %arg9[%broadcast_in_dim3A_3, %select_n3A, %select_n3A_83, %add3A_782], %get3A_787 : memref<2x4x8x129xf32, #tpu.memory_space<vmem>>[vector<16xi32>, vector<16xi32>, vector<16xi32>, vector<16xi32>], vector<16xf32>,
        tpu.vector_store_idx %arg9[%broadcast_in_dim3A_3, %select_n3A_63, %select_n3A_108, %add3A_782], %get3A_792 : memref<2x4x8x129xf32, #tpu.memory_space<vmem>>[vector<16xi32>, vector<16xi32>, vector<16xi32>, vector<16xi32>], vector<16xf32>,
        %add3A_793 = arith.constant 128 : i32
        %add3A_794 = arith.addi %add3A_793, %add3A_778 : i32
        %get3A_795 = arith.index_cast %add3A_794 : i32 to index
        %get3A_796 = arith.constant 0 : index
        %get3A_797 = tpu.vector_load %arg7[%get3A_795, %get3A_796] {strides = array<i32>} : memref<256x32xf32, #tpu.memory_space<vmem>>, vector<16xf32>,
        %add3A_798 = arith.constant 128 : i32
        %add3A_799 = arith.addi %add3A_798, %add3A_778 : i32
        %get3A_800 = arith.index_cast %add3A_799 : i32 to index
        %get3A_801 = arith.constant 16 : index
        %get3A_802 = tpu.vector_load %arg7[%get3A_800, %get3A_801] {strides = array<i32>} : memref<256x32xf32, #tpu.memory_space<vmem>>, vector<16xf32>,
        tpu.vector_store_idx %arg9[%add3A_6, %select_n3A, %select_n3A_83, %add3A_782], %get3A_797 : memref<2x4x8x129xf32, #tpu.memory_space<vmem>>[vector<16xi32>, vector<16xi32>, vector<16xi32>, vector<16xi32>], vector<16xf32>,
        tpu.vector_store_idx %arg9[%add3A_6, %select_n3A_63, %select_n3A_108, %add3A_782], %get3A_802 : memref<2x4x8x129xf32, #tpu.memory_space<vmem>>[vector<16xi32>, vector<16xi32>, vector<16xi32>, vector<16xi32>], vector<16xf32>,
        %mul3A_803 = arith.constant 8 : i32
        %mul3A_804 = arith.muli %scan3A_691, %mul3A_803 : i32
        %add3A_805 = arith.constant 4 : i32
        %add3A_806 = arith.addi %mul3A_804, %add3A_805 : i32
        %broadcast_in_dim3A_807 = arith.constant 0 : i32
        %broadcast_in_dim3A_808 = vector.broadcast %broadcast_in_dim3A_807 : i32 to vector<16xi32>
        %add3A_809 = vector.broadcast %add3A_806 : i32 to vector<16xi32>
        %add3A_810 = arith.addi %broadcast_in_dim3A_808, %add3A_809 : vector<16xi32>
        %add3A_811 = arith.constant 0 : i32
        %add3A_812 = arith.addi %add3A_811, %add3A_806 : i32
        %get3A_813 = arith.index_cast %add3A_812 : i32 to index
        %get3A_814 = arith.constant 0 : index
        %get3A_815 = tpu.vector_load %arg7[%get3A_813, %get3A_814] {strides = array<i32>} : memref<256x32xf32, #tpu.memory_space<vmem>>, vector<16xf32>,
        %add3A_816 = arith.constant 0 : i32
        %add3A_817 = arith.addi %add3A_816, %add3A_806 : i32
        %get3A_818 = arith.index_cast %add3A_817 : i32 to index
        %get3A_819 = arith.constant 16 : index
        %get3A_820 = tpu.vector_load %arg7[%get3A_818, %get3A_819] {strides = array<i32>} : memref<256x32xf32, #tpu.memory_space<vmem>>, vector<16xf32>,
        tpu.vector_store_idx %arg9[%broadcast_in_dim3A_3, %select_n3A, %select_n3A_83, %add3A_810], %get3A_815 : memref<2x4x8x129xf32, #tpu.memory_space<vmem>>[vector<16xi32>, vector<16xi32>, vector<16xi32>, vector<16xi32>], vector<16xf32>,
        tpu.vector_store_idx %arg9[%broadcast_in_dim3A_3, %select_n3A_63, %select_n3A_108, %add3A_810], %get3A_820 : memref<2x4x8x129xf32, #tpu.memory_space<vmem>>[vector<16xi32>, vector<16xi32>, vector<16xi32>, vector<16xi32>], vector<16xf32>,
        %add3A_821 = arith.constant 128 : i32
        %add3A_822 = arith.addi %add3A_821, %add3A_806 : i32
        %get3A_823 = arith.index_cast %add3A_822 : i32 to index
        %get3A_824 = arith.constant 0 : index
        %get3A_825 = tpu.vector_load %arg7[%get3A_823, %get3A_824] {strides = array<i32>} : memref<256x32xf32, #tpu.memory_space<vmem>>, vector<16xf32>,
        %add3A_826 = arith.constant 128 : i32
        %add3A_827 = arith.addi %add3A_826, %add3A_806 : i32
        %get3A_828 = arith.index_cast %add3A_827 : i32 to index
        %get3A_829 = arith.constant 16 : index
        %get3A_830 = tpu.vector_load %arg7[%get3A_828, %get3A_829] {strides = array<i32>} : memref<256x32xf32, #tpu.memory_space<vmem>>, vector<16xf32>,
        tpu.vector_store_idx %arg9[%add3A_6, %select_n3A, %select_n3A_83, %add3A_810], %get3A_825 : memref<2x4x8x129xf32, #tpu.memory_space<vmem>>[vector<16xi32>, vector<16xi32>, vector<16xi32>, vector<16xi32>], vector<16xf32>,
        tpu.vector_store_idx %arg9[%add3A_6, %select_n3A_63, %select_n3A_108, %add3A_810], %get3A_830 : memref<2x4x8x129xf32, #tpu.memory_space<vmem>>[vector<16xi32>, vector<16xi32>, vector<16xi32>, vector<16xi32>], vector<16xf32>,
        %mul3A_831 = arith.constant 8 : i32
        %mul3A_832 = arith.muli %scan3A_691, %mul3A_831 : i32
        %add3A_833 = arith.constant 5 : i32
        %add3A_834 = arith.addi %mul3A_832, %add3A_833 : i32
        %broadcast_in_dim3A_835 = arith.constant 0 : i32
        %broadcast_in_dim3A_836 = vector.broadcast %broadcast_in_dim3A_835 : i32 to vector<16xi32>
        %add3A_837 = vector.broadcast %add3A_834 : i32 to vector<16xi32>
        %add3A_838 = arith.addi %broadcast_in_dim3A_836, %add3A_837 : vector<16xi32>
        %add3A_839 = arith.constant 0 : i32
        %add3A_840 = arith.addi %add3A_839, %add3A_834 : i32
        %get3A_841 = arith.index_cast %add3A_840 : i32 to index
        %get3A_842 = arith.constant 0 : index
        %get3A_843 = tpu.vector_load %arg7[%get3A_841, %get3A_842] {strides = array<i32>} : memref<256x32xf32, #tpu.memory_space<vmem>>, vector<16xf32>,
        %add3A_844 = arith.constant 0 : i32
        %add3A_845 = arith.addi %add3A_844, %add3A_834 : i32
        %get3A_846 = arith.index_cast %add3A_845 : i32 to index
        %get3A_847 = arith.constant 16 : index
        %get3A_848 = tpu.vector_load %arg7[%get3A_846, %get3A_847] {strides = array<i32>} : memref<256x32xf32, #tpu.memory_space<vmem>>, vector<16xf32>,
        tpu.vector_store_idx %arg9[%broadcast_in_dim3A_3, %select_n3A, %select_n3A_83, %add3A_838], %get3A_843 : memref<2x4x8x129xf32, #tpu.memory_space<vmem>>[vector<16xi32>, vector<16xi32>, vector<16xi32>, vector<16xi32>], vector<16xf32>,
        tpu.vector_store_idx %arg9[%broadcast_in_dim3A_3, %select_n3A_63, %select_n3A_108, %add3A_838], %get3A_848 : memref<2x4x8x129xf32, #tpu.memory_space<vmem>>[vector<16xi32>, vector<16xi32>, vector<16xi32>, vector<16xi32>], vector<16xf32>,
        %add3A_849 = arith.constant 128 : i32
        %add3A_850 = arith.addi %add3A_849, %add3A_834 : i32
        %get3A_851 = arith.index_cast %add3A_850 : i32 to index
        %get3A_852 = arith.constant 0 : index
        %get3A_853 = tpu.vector_load %arg7[%get3A_851, %get3A_852] {strides = array<i32>} : memref<256x32xf32, #tpu.memory_space<vmem>>, vector<16xf32>,
        %add3A_854 = arith.constant 128 : i32
        %add3A_855 = arith.addi %add3A_854, %add3A_834 : i32
        %get3A_856 = arith.index_cast %add3A_855 : i32 to index
        %get3A_857 = arith.constant 16 : index
        %get3A_858 = tpu.vector_load %arg7[%get3A_856, %get3A_857] {strides = array<i32>} : memref<256x32xf32, #tpu.memory_space<vmem>>, vector<16xf32>,
        tpu.vector_store_idx %arg9[%add3A_6, %select_n3A, %select_n3A_83, %add3A_838], %get3A_853 : memref<2x4x8x129xf32, #tpu.memory_space<vmem>>[vector<16xi32>, vector<16xi32>, vector<16xi32>, vector<16xi32>], vector<16xf32>,
        tpu.vector_store_idx %arg9[%add3A_6, %select_n3A_63, %select_n3A_108, %add3A_838], %get3A_858 : memref<2x4x8x129xf32, #tpu.memory_space<vmem>>[vector<16xi32>, vector<16xi32>, vector<16xi32>, vector<16xi32>], vector<16xf32>,
        %mul3A_859 = arith.constant 8 : i32
        %mul3A_860 = arith.muli %scan3A_691, %mul3A_859 : i32
        %add3A_861 = arith.constant 6 : i32
        %add3A_862 = arith.addi %mul3A_860, %add3A_861 : i32
        %broadcast_in_dim3A_863 = arith.constant 0 : i32
        %broadcast_in_dim3A_864 = vector.broadcast %broadcast_in_dim3A_863 : i32 to vector<16xi32>
        %add3A_865 = vector.broadcast %add3A_862 : i32 to vector<16xi32>
        %add3A_866 = arith.addi %broadcast_in_dim3A_864, %add3A_865 : vector<16xi32>
        %add3A_867 = arith.constant 0 : i32
        %add3A_868 = arith.addi %add3A_867, %add3A_862 : i32
        %get3A_869 = arith.index_cast %add3A_868 : i32 to index
        %get3A_870 = arith.constant 0 : index
        %get3A_871 = tpu.vector_load %arg7[%get3A_869, %get3A_870] {strides = array<i32>} : memref<256x32xf32, #tpu.memory_space<vmem>>, vector<16xf32>,
        %add3A_872 = arith.constant 0 : i32
        %add3A_873 = arith.addi %add3A_872, %add3A_862 : i32
        %get3A_874 = arith.index_cast %add3A_873 : i32 to index
        %get3A_875 = arith.constant 16 : index
        %get3A_876 = tpu.vector_load %arg7[%get3A_874, %get3A_875] {strides = array<i32>} : memref<256x32xf32, #tpu.memory_space<vmem>>, vector<16xf32>,
        tpu.vector_store_idx %arg9[%broadcast_in_dim3A_3, %select_n3A, %select_n3A_83, %add3A_866], %get3A_871 : memref<2x4x8x129xf32, #tpu.memory_space<vmem>>[vector<16xi32>, vector<16xi32>, vector<16xi32>, vector<16xi32>], vector<16xf32>,
        tpu.vector_store_idx %arg9[%broadcast_in_dim3A_3, %select_n3A_63, %select_n3A_108, %add3A_866], %get3A_876 : memref<2x4x8x129xf32, #tpu.memory_space<vmem>>[vector<16xi32>, vector<16xi32>, vector<16xi32>, vector<16xi32>], vector<16xf32>,
        %add3A_877 = arith.constant 128 : i32
        %add3A_878 = arith.addi %add3A_877, %add3A_862 : i32
        %get3A_879 = arith.index_cast %add3A_878 : i32 to index
        %get3A_880 = arith.constant 0 : index
        %get3A_881 = tpu.vector_load %arg7[%get3A_879, %get3A_880] {strides = array<i32>} : memref<256x32xf32, #tpu.memory_space<vmem>>, vector<16xf32>,
        %add3A_882 = arith.constant 128 : i32
        %add3A_883 = arith.addi %add3A_882, %add3A_862 : i32
        %get3A_884 = arith.index_cast %add3A_883 : i32 to index
        %get3A_885 = arith.constant 16 : index
        %get3A_886 = tpu.vector_load %arg7[%get3A_884, %get3A_885] {strides = array<i32>} : memref<256x32xf32, #tpu.memory_space<vmem>>, vector<16xf32>,
        tpu.vector_store_idx %arg9[%add3A_6, %select_n3A, %select_n3A_83, %add3A_866], %get3A_881 : memref<2x4x8x129xf32, #tpu.memory_space<vmem>>[vector<16xi32>, vector<16xi32>, vector<16xi32>, vector<16xi32>], vector<16xf32>,
        tpu.vector_store_idx %arg9[%add3A_6, %select_n3A_63, %select_n3A_108, %add3A_866], %get3A_886 : memref<2x4x8x129xf32, #tpu.memory_space<vmem>>[vector<16xi32>, vector<16xi32>, vector<16xi32>, vector<16xi32>], vector<16xf32>,
        %mul3A_887 = arith.constant 8 : i32
        %mul3A_888 = arith.muli %scan3A_691, %mul3A_887 : i32
        %add3A_889 = arith.constant 7 : i32
        %add3A_890 = arith.addi %mul3A_888, %add3A_889 : i32
        %broadcast_in_dim3A_891 = arith.constant 0 : i32
        %broadcast_in_dim3A_892 = vector.broadcast %broadcast_in_dim3A_891 : i32 to vector<16xi32>
        %add3A_893 = vector.broadcast %add3A_890 : i32 to vector<16xi32>
        %add3A_894 = arith.addi %broadcast_in_dim3A_892, %add3A_893 : vector<16xi32>
        %add3A_895 = arith.constant 0 : i32
        %add3A_896 = arith.addi %add3A_895, %add3A_890 : i32
        %get3A_897 = arith.index_cast %add3A_896 : i32 to index
        %get3A_898 = arith.constant 0 : index
        %get3A_899 = tpu.vector_load %arg7[%get3A_897, %get3A_898] {strides = array<i32>} : memref<256x32xf32, #tpu.memory_space<vmem>>, vector<16xf32>,
        %add3A_900 = arith.constant 0 : i32
        %add3A_901 = arith.addi %add3A_900, %add3A_890 : i32
        %get3A_902 = arith.index_cast %add3A_901 : i32 to index
        %get3A_903 = arith.constant 16 : index
        %get3A_904 = tpu.vector_load %arg7[%get3A_902, %get3A_903] {strides = array<i32>} : memref<256x32xf32, #tpu.memory_space<vmem>>, vector<16xf32>,
        tpu.vector_store_idx %arg9[%broadcast_in_dim3A_3, %select_n3A, %select_n3A_83, %add3A_894], %get3A_899 : memref<2x4x8x129xf32, #tpu.memory_space<vmem>>[vector<16xi32>, vector<16xi32>, vector<16xi32>, vector<16xi32>], vector<16xf32>,
        tpu.vector_store_idx %arg9[%broadcast_in_dim3A_3, %select_n3A_63, %select_n3A_108, %add3A_894], %get3A_904 : memref<2x4x8x129xf32, #tpu.memory_space<vmem>>[vector<16xi32>, vector<16xi32>, vector<16xi32>, vector<16xi32>], vector<16xf32>,
        %add3A_905 = arith.constant 128 : i32
        %add3A_906 = arith.addi %add3A_905, %add3A_890 : i32
        %get3A_907 = arith.index_cast %add3A_906 : i32 to index
        %get3A_908 = arith.constant 0 : index
        %get3A_909 = tpu.vector_load %arg7[%get3A_907, %get3A_908] {strides = array<i32>} : memref<256x32xf32, #tpu.memory_space<vmem>>, vector<16xf32>,
        %add3A_910 = arith.constant 128 : i32
        %add3A_911 = arith.addi %add3A_910, %add3A_890 : i32
        %get3A_912 = arith.index_cast %add3A_911 : i32 to index
        %get3A_913 = arith.constant 16 : index
        %get3A_914 = tpu.vector_load %arg7[%get3A_912, %get3A_913] {strides = array<i32>} : memref<256x32xf32, #tpu.memory_space<vmem>>, vector<16xf32>,
        tpu.vector_store_idx %arg9[%add3A_6, %select_n3A, %select_n3A_83, %add3A_894], %get3A_909 : memref<2x4x8x129xf32, #tpu.memory_space<vmem>>[vector<16xi32>, vector<16xi32>, vector<16xi32>, vector<16xi32>], vector<16xf32>,
        tpu.vector_store_idx %arg9[%add3A_6, %select_n3A_63, %select_n3A_108, %add3A_894], %get3A_914 : memref<2x4x8x129xf32, #tpu.memory_space<vmem>>[vector<16xi32>, vector<16xi32>, vector<16xi32>, vector<16xi32>], vector<16xf32>,
      }
      %scan3A_642 = arith.constant 16 : i32
      %dma_start3A_643 = arith.constant 0 : i32
      %dma_start3A_644 = arith.constant 0 : i32
      %dma_start3A_645 = arith.constant 0 : i32
      %dma_start3A_646 = arith.constant 0 : i32
      %dma_start3A_647 = tpu.memref_slice %arg9[%dma_start3A_643, %dma_start3A_644, %dma_start3A_645, %dma_start3A_646] : memref<2x4x8x129xf32, #tpu.memory_space<vmem>> -> memref<2x4x8x128xf32, #tpu.memory_space<vmem>>
      %dma_start3A_648 = arith.constant 0 : i32
      %dma_start3A_649 = arith.constant 0 : i32
      %dma_start3A_650 = arith.constant 0 : i32
      %dma_start3A_651 = arith.constant 0 : i32
      %dma_start3A_652 = tpu.memref_slice %arg4[%add3A_486, %dma_start3A_648, %dma_start3A_649, %add3A, %dma_start3A_650, %dma_start3A_651] : memref<100x2x4x32x8x128xf32, #tpu.memory_space<hbm>> -> memref<1x2x4x1x8x128xf32, #tpu.memory_space<hbm>>
      %dma_start3A_653 = tpu.memref_squeeze %dma_start3A_652 : memref<1x2x4x1x8x128xf32, #tpu.memory_space<hbm>> -> memref<2x4x8x128xf32, #tpu.memory_space<hbm>>
      %dma_start3A_654 = arith.constant 0 : i32
      %dma_start3A_655 = arith.constant 0 : i32
      %dma_start3A_656 = arith.constant 0 : i32
      %dma_start3A_657 = arith.constant 0 : i32
      %dma_start3A_658 = tpu.memref_slice %arg4[%add3A_486, %dma_start3A_654, %dma_start3A_655, %add3A, %dma_start3A_656, %dma_start3A_657] : memref<100x2x4x32x8x128xf32, #tpu.memory_space<hbm>> -> memref<1x2x4x1x8x128xf32, #tpu.memory_space<hbm>>
      %dma_start3A_659 = tpu.memref_squeeze %dma_start3A_658 : memref<1x2x4x1x8x128xf32, #tpu.memory_space<hbm>> -> memref<2x4x8x128xf32, #tpu.memory_space<hbm>>
      %dma_start3A_660 = arith.constant 0 : i32
      %dma_start3A_661 = arith.constant 0 : i32
      %dma_start3A_662 = arith.constant 0 : i32
      %dma_start3A_663 = arith.constant 0 : i32
      %dma_start3A_664 = tpu.memref_slice %arg9[%dma_start3A_660, %dma_start3A_661, %dma_start3A_662, %dma_start3A_663] : memref<2x4x8x129xf32, #tpu.memory_space<vmem>> -> memref<2x4x8x128xf32, #tpu.memory_space<vmem>>
      tpu.enqueue_dma source(%dma_start3A_664 : memref<2x4x8x128xf32, #tpu.memory_space<vmem>>) target(%dma_start3A_659 : memref<2x4x8x128xf32, #tpu.memory_space<hbm>>) target_semaphore(%arg13 : memref<!tpu.dma_semaphore, #tpu.memory_space<semaphore_mem>>)
      %add3A_665 = arith.constant 2 : i32
      %add3A_666 = arith.addi %add3A_486, %add3A_665 : i32
      %mul3A_667 = arith.constant 2 : i32
      %mul3A_668 = arith.muli %mul3A_667, %add3A_666 : i32
      %dma_start3A_669 = arith.constant 0 : i32
      %dma_start3A_670 = arith.constant 0 : i32
      %dma_start3A_671 = tpu.memref_slice %arg7[%dma_start3A_669, %dma_start3A_670] : memref<256x32xf32, #tpu.memory_space<vmem>> -> memref<128x32xf32, #tpu.memory_space<vmem>>
      %dma_start3A_672 = arith.constant 0 : i32
      %dma_start3A_673 = tpu.memref_slice %arg5[%mul3A_668, %dma_start3A_672] : memref<200x128xi32, #tpu.memory_space<vmem>> -> memref<1x128xi32, #tpu.memory_space<vmem>>
      %dma_start3A_674 = tpu.memref_squeeze %dma_start3A_673 : memref<1x128xi32, #tpu.memory_space<vmem>> -> memref<128xi32, #tpu.memory_space<vmem>>
      %dma_start3A_675 = arith.constant 0 : i32
      %dma_start3A_676 = arith.constant 0 : i32
      %dma_start3A_677 = tpu.memref_slice %arg3[%dma_start3A_675, %dma_start3A_676] : memref<1000000x32xf32, #tpu.memory_space<hbm>> -> memref<1000000x32xf32, #tpu.memory_space<hbm>>
      tpu.enqueue_indirect_dma source(%dma_start3A_677 : memref<1000000x32xf32, #tpu.memory_space<hbm>>) target(%dma_start3A_671 : memref<128x32xf32, #tpu.memory_space<vmem>>) offsets(%dma_start3A_674 : memref<128xi32, #tpu.memory_space<vmem>>) semaphore(%arg11 : memref<!tpu.dma_semaphore, #tpu.memory_space<semaphore_mem>>)
      %mul3A_678 = arith.constant 2 : i32
      %mul3A_679 = arith.muli %mul3A_678, %add3A_666 : i32
      %add3A_680 = arith.constant 1 : i32
      %add3A_681 = arith.addi %mul3A_679, %add3A_680 : i32
      %dma_start3A_682 = arith.constant 128 : i32
      %dma_start3A_683 = arith.constant 0 : i32
      %dma_start3A_684 = tpu.memref_slice %arg7[%dma_start3A_682, %dma_start3A_683] : memref<256x32xf32, #tpu.memory_space<vmem>> -> memref<128x32xf32, #tpu.memory_space<vmem>>
      %dma_start3A_685 = arith.constant 0 : i32
      %dma_start3A_686 = tpu.memref_slice %arg5[%add3A_681, %dma_start3A_685] : memref<200x128xi32, #tpu.memory_space<vmem>> -> memref<1x128xi32, #tpu.memory_space<vmem>>
      %dma_start3A_687 = tpu.memref_squeeze %dma_start3A_686 : memref<1x128xi32, #tpu.memory_space<vmem>> -> memref<128xi32, #tpu.memory_space<vmem>>
      %dma_start3A_688 = arith.constant 0 : i32
      %dma_start3A_689 = arith.constant 0 : i32
      %dma_start3A_690 = tpu.memref_slice %arg3[%dma_start3A_688, %dma_start3A_689] : memref<1000000x32xf32, #tpu.memory_space<hbm>> -> memref<1000000x32xf32, #tpu.memory_space<hbm>>
      tpu.enqueue_indirect_dma source(%dma_start3A_690 : memref<1000000x32xf32, #tpu.memory_space<hbm>>) target(%dma_start3A_684 : memref<128x32xf32, #tpu.memory_space<vmem>>) offsets(%dma_start3A_687 : memref<128xi32, #tpu.memory_space<vmem>>) semaphore(%arg11 : memref<!tpu.dma_semaphore, #tpu.memory_space<semaphore_mem>>)
    }
    %scan3A_289 = arith.constant 48 : i32
    %dma_wait3A_290 = arith.constant 196 : i32
    %dma_wait3A_291 = arith.constant 0 : i32
    %dma_wait3A_292 = arith.constant 0 : i32
    %dma_wait3A_293 = tpu.memref_slice %arg6[%dma_wait3A_291, %dma_wait3A_292] : memref<256x32xf32, #tpu.memory_space<vmem>> -> memref<128x32xf32, #tpu.memory_space<vmem>>
    %dma_wait3A_294 = arith.constant 0 : i32
    %dma_wait3A_295 = tpu.memref_slice %arg5[%dma_wait3A_290, %dma_wait3A_294] : memref<200x128xi32, #tpu.memory_space<vmem>> -> memref<1x128xi32, #tpu.memory_space<vmem>>
    %dma_wait3A_296 = tpu.memref_squeeze %dma_wait3A_295 : memref<1x128xi32, #tpu.memory_space<vmem>> -> memref<128xi32, #tpu.memory_space<vmem>>
    %dma_wait3A_297 = arith.constant 0 : i32
    %dma_wait3A_298 = arith.constant 0 : i32
    %dma_wait3A_299 = tpu.memref_slice %arg3[%dma_wait3A_297, %dma_wait3A_298] : memref<1000000x32xf32, #tpu.memory_space<hbm>> -> memref<1000000x32xf32, #tpu.memory_space<hbm>>
    tpu.wait_indirect_dma semaphore(%arg10 : memref<!tpu.dma_semaphore, #tpu.memory_space<semaphore_mem>>) src(%dma_wait3A_299 : memref<1000000x32xf32, #tpu.memory_space<hbm>>) dst(%dma_wait3A_293 : memref<128x32xf32, #tpu.memory_space<vmem>>)
    %dma_wait3A_300 = arith.constant 197 : i32
    %dma_wait3A_301 = arith.constant 128 : i32
    %dma_wait3A_302 = arith.constant 0 : i32
    %dma_wait3A_303 = tpu.memref_slice %arg6[%dma_wait3A_301, %dma_wait3A_302] : memref<256x32xf32, #tpu.memory_space<vmem>> -> memref<128x32xf32, #tpu.memory_space<vmem>>
    %dma_wait3A_304 = arith.constant 0 : i32
    %dma_wait3A_305 = tpu.memref_slice %arg5[%dma_wait3A_300, %dma_wait3A_304] : memref<200x128xi32, #tpu.memory_space<vmem>> -> memref<1x128xi32, #tpu.memory_space<vmem>>
    %dma_wait3A_306 = tpu.memref_squeeze %dma_wait3A_305 : memref<1x128xi32, #tpu.memory_space<vmem>> -> memref<128xi32, #tpu.memory_space<vmem>>
    %dma_wait3A_307 = arith.constant 0 : i32
    %dma_wait3A_308 = arith.constant 0 : i32
    %dma_wait3A_309 = tpu.memref_slice %arg3[%dma_wait3A_307, %dma_wait3A_308] : memref<1000000x32xf32, #tpu.memory_space<hbm>> -> memref<1000000x32xf32, #tpu.memory_space<hbm>>
    tpu.wait_indirect_dma semaphore(%arg10 : memref<!tpu.dma_semaphore, #tpu.memory_space<semaphore_mem>>) src(%dma_wait3A_309 : memref<1000000x32xf32, #tpu.memory_space<hbm>>) dst(%dma_wait3A_303 : memref<128x32xf32, #tpu.memory_space<vmem>>)
    %dma_wait3A_310 = arith.constant 96 : i32
    %dma_wait3A_311 = arith.constant 0 : i32
    %dma_wait3A_312 = arith.constant 0 : i32
    %dma_wait3A_313 = arith.constant 0 : i32
    %dma_wait3A_314 = arith.constant 0 : i32
    %dma_wait3A_315 = tpu.memref_slice %arg8[%dma_wait3A_311, %dma_wait3A_312, %dma_wait3A_313, %dma_wait3A_314] : memref<2x4x8x129xf32, #tpu.memory_space<vmem>> -> memref<2x4x8x128xf32, #tpu.memory_space<vmem>>
    %dma_wait3A_316 = arith.constant 0 : i32
    %dma_wait3A_317 = arith.constant 0 : i32
    %dma_wait3A_318 = arith.constant 0 : i32
    %dma_wait3A_319 = arith.constant 0 : i32
    %dma_wait3A_320 = tpu.memref_slice %arg4[%dma_wait3A_310, %dma_wait3A_316, %dma_wait3A_317, %add3A, %dma_wait3A_318, %dma_wait3A_319] : memref<100x2x4x32x8x128xf32, #tpu.memory_space<hbm>> -> memref<1x2x4x1x8x128xf32, #tpu.memory_space<hbm>>
    %dma_wait3A_321 = tpu.memref_squeeze %dma_wait3A_320 : memref<1x2x4x1x8x128xf32, #tpu.memory_space<hbm>> -> memref<2x4x8x128xf32, #tpu.memory_space<hbm>>
    %dma_wait3A_322 = arith.constant 0 : i32
    %dma_wait3A_323 = arith.constant 0 : i32
    %dma_wait3A_324 = arith.constant 0 : i32
    %dma_wait3A_325 = arith.constant 0 : i32
    %dma_wait3A_326 = tpu.memref_slice %arg4[%dma_wait3A_310, %dma_wait3A_322, %dma_wait3A_323, %add3A, %dma_wait3A_324, %dma_wait3A_325] : memref<100x2x4x32x8x128xf32, #tpu.memory_space<hbm>> -> memref<1x2x4x1x8x128xf32, #tpu.memory_space<hbm>>
    %dma_wait3A_327 = tpu.memref_squeeze %dma_wait3A_326 : memref<1x2x4x1x8x128xf32, #tpu.memory_space<hbm>> -> memref<2x4x8x128xf32, #tpu.memory_space<hbm>>
    %dma_wait3A_328 = arith.constant 0 : i32
    %dma_wait3A_329 = arith.constant 0 : i32
    %dma_wait3A_330 = arith.constant 0 : i32
    %dma_wait3A_331 = arith.constant 0 : i32
    %dma_wait3A_332 = tpu.memref_slice %arg8[%dma_wait3A_328, %dma_wait3A_329, %dma_wait3A_330, %dma_wait3A_331] : memref<2x4x8x129xf32, #tpu.memory_space<vmem>> -> memref<2x4x8x128xf32, #tpu.memory_space<vmem>>
    tpu.wait_dma2 semaphore(%arg12 : memref<!tpu.dma_semaphore, #tpu.memory_space<semaphore_mem>>) src(%dma_wait3A_332 : memref<2x4x8x128xf32, #tpu.memory_space<vmem>>) dst(%dma_wait3A_327 : memref<2x4x8x128xf32, #tpu.memory_space<hbm>>)
    %scan3A_333 = arith.constant 0 : i32
    %scan3A_334 = arith.constant 0 : i32
    %scan3A_335 = arith.constant 16 : i32
    %scan3A_336 = arith.addi %scan3A_334, %scan3A_335 : i32
    %scan3A_337 = arith.constant 1 : i32
    scf.for %scan3A_480 = %scan3A_334 to %scan3A_336 step %scan3A_337  : i32 {
      %mul3A_481 = arith.constant 8 : i32
      %mul3A_482 = arith.muli %scan3A_480, %mul3A_481 : i32
      %add3A_483 = arith.constant 0 : i32
      %add3A_484 = arith.addi %mul3A_482, %add3A_483 : i32
      %broadcast_in_dim3A_485 = arith.constant 0 : i32
      %broadcast_in_dim3A_486 = vector.broadcast %broadcast_in_dim3A_485 : i32 to vector<16xi32>
      %add3A_487 = vector.broadcast %add3A_484 : i32 to vector<16xi32>
      %add3A_488 = arith.addi %broadcast_in_dim3A_486, %add3A_487 : vector<16xi32>
      %add3A_489 = arith.constant 0 : i32
      %add3A_490 = arith.addi %add3A_489, %add3A_484 : i32
      %get3A = arith.index_cast %add3A_490 : i32 to index
      %get3A_491 = arith.constant 0 : index
      %get3A_492 = tpu.vector_load %arg6[%get3A, %get3A_491] {strides = array<i32>} : memref<256x32xf32, #tpu.memory_space<vmem>>, vector<16xf32>,
      %add3A_493 = arith.constant 0 : i32
      %add3A_494 = arith.addi %add3A_493, %add3A_484 : i32
      %get3A_495 = arith.index_cast %add3A_494 : i32 to index
      %get3A_496 = arith.constant 16 : index
      %get3A_497 = tpu.vector_load %arg6[%get3A_495, %get3A_496] {strides = array<i32>} : memref<256x32xf32, #tpu.memory_space<vmem>>, vector<16xf32>,
      tpu.vector_store_idx %arg8[%broadcast_in_dim3A_3, %select_n3A, %select_n3A_83, %add3A_488], %get3A_492 : memref<2x4x8x129xf32, #tpu.memory_space<vmem>>[vector<16xi32>, vector<16xi32>, vector<16xi32>, vector<16xi32>], vector<16xf32>,
      tpu.vector_store_idx %arg8[%broadcast_in_dim3A_3, %select_n3A_63, %select_n3A_108, %add3A_488], %get3A_497 : memref<2x4x8x129xf32, #tpu.memory_space<vmem>>[vector<16xi32>, vector<16xi32>, vector<16xi32>, vector<16xi32>], vector<16xf32>,
      %add3A_498 = arith.constant 128 : i32
      %add3A_499 = arith.addi %add3A_498, %add3A_484 : i32
      %get3A_500 = arith.index_cast %add3A_499 : i32 to index
      %get3A_501 = arith.constant 0 : index
      %get3A_502 = tpu.vector_load %arg6[%get3A_500, %get3A_501] {strides = array<i32>} : memref<256x32xf32, #tpu.memory_space<vmem>>, vector<16xf32>,
      %add3A_503 = arith.constant 128 : i32
      %add3A_504 = arith.addi %add3A_503, %add3A_484 : i32
      %get3A_505 = arith.index_cast %add3A_504 : i32 to index
      %get3A_506 = arith.constant 16 : index
      %get3A_507 = tpu.vector_load %arg6[%get3A_505, %get3A_506] {strides = array<i32>} : memref<256x32xf32, #tpu.memory_space<vmem>>, vector<16xf32>,
      tpu.vector_store_idx %arg8[%add3A_6, %select_n3A, %select_n3A_83, %add3A_488], %get3A_502 : memref<2x4x8x129xf32, #tpu.memory_space<vmem>>[vector<16xi32>, vector<16xi32>, vector<16xi32>, vector<16xi32>], vector<16xf32>,
      tpu.vector_store_idx %arg8[%add3A_6, %select_n3A_63, %select_n3A_108, %add3A_488], %get3A_507 : memref<2x4x8x129xf32, #tpu.memory_space<vmem>>[vector<16xi32>, vector<16xi32>, vector<16xi32>, vector<16xi32>], vector<16xf32>,
      %mul3A_508 = arith.constant 8 : i32
      %mul3A_509 = arith.muli %scan3A_480, %mul3A_508 : i32
      %add3A_510 = arith.constant 1 : i32
      %add3A_511 = arith.addi %mul3A_509, %add3A_510 : i32
      %broadcast_in_dim3A_512 = arith.constant 0 : i32
      %broadcast_in_dim3A_513 = vector.broadcast %broadcast_in_dim3A_512 : i32 to vector<16xi32>
      %add3A_514 = vector.broadcast %add3A_511 : i32 to vector<16xi32>
      %add3A_515 = arith.addi %broadcast_in_dim3A_513, %add3A_514 : vector<16xi32>
      %add3A_516 = arith.constant 0 : i32
      %add3A_517 = arith.addi %add3A_516, %add3A_511 : i32
      %get3A_518 = arith.index_cast %add3A_517 : i32 to index
      %get3A_519 = arith.constant 0 : index
      %get3A_520 = tpu.vector_load %arg6[%get3A_518, %get3A_519] {strides = array<i32>} : memref<256x32xf32, #tpu.memory_space<vmem>>, vector<16xf32>,
      %add3A_521 = arith.constant 0 : i32
      %add3A_522 = arith.addi %add3A_521, %add3A_511 : i32
      %get3A_523 = arith.index_cast %add3A_522 : i32 to index
      %get3A_524 = arith.constant 16 : index
      %get3A_525 = tpu.vector_load %arg6[%get3A_523, %get3A_524] {strides = array<i32>} : memref<256x32xf32, #tpu.memory_space<vmem>>, vector<16xf32>,
      tpu.vector_store_idx %arg8[%broadcast_in_dim3A_3, %select_n3A, %select_n3A_83, %add3A_515], %get3A_520 : memref<2x4x8x129xf32, #tpu.memory_space<vmem>>[vector<16xi32>, vector<16xi32>, vector<16xi32>, vector<16xi32>], vector<16xf32>,
      tpu.vector_store_idx %arg8[%broadcast_in_dim3A_3, %select_n3A_63, %select_n3A_108, %add3A_515], %get3A_525 : memref<2x4x8x129xf32, #tpu.memory_space<vmem>>[vector<16xi32>, vector<16xi32>, vector<16xi32>, vector<16xi32>], vector<16xf32>,
      %add3A_526 = arith.constant 128 : i32
      %add3A_527 = arith.addi %add3A_526, %add3A_511 : i32
      %get3A_528 = arith.index_cast %add3A_527 : i32 to index
      %get3A_529 = arith.constant 0 : index
      %get3A_530 = tpu.vector_load %arg6[%get3A_528, %get3A_529] {strides = array<i32>} : memref<256x32xf32, #tpu.memory_space<vmem>>, vector<16xf32>,
      %add3A_531 = arith.constant 128 : i32
      %add3A_532 = arith.addi %add3A_531, %add3A_511 : i32
      %get3A_533 = arith.index_cast %add3A_532 : i32 to index
      %get3A_534 = arith.constant 16 : index
      %get3A_535 = tpu.vector_load %arg6[%get3A_533, %get3A_534] {strides = array<i32>} : memref<256x32xf32, #tpu.memory_space<vmem>>, vector<16xf32>,
      tpu.vector_store_idx %arg8[%add3A_6, %select_n3A, %select_n3A_83, %add3A_515], %get3A_530 : memref<2x4x8x129xf32, #tpu.memory_space<vmem>>[vector<16xi32>, vector<16xi32>, vector<16xi32>, vector<16xi32>], vector<16xf32>,
      tpu.vector_store_idx %arg8[%add3A_6, %select_n3A_63, %select_n3A_108, %add3A_515], %get3A_535 : memref<2x4x8x129xf32, #tpu.memory_space<vmem>>[vector<16xi32>, vector<16xi32>, vector<16xi32>, vector<16xi32>], vector<16xf32>,
      %mul3A_536 = arith.constant 8 : i32
      %mul3A_537 = arith.muli %scan3A_480, %mul3A_536 : i32
      %add3A_538 = arith.constant 2 : i32
      %add3A_539 = arith.addi %mul3A_537, %add3A_538 : i32
      %broadcast_in_dim3A_540 = arith.constant 0 : i32
      %broadcast_in_dim3A_541 = vector.broadcast %broadcast_in_dim3A_540 : i32 to vector<16xi32>
      %add3A_542 = vector.broadcast %add3A_539 : i32 to vector<16xi32>
      %add3A_543 = arith.addi %broadcast_in_dim3A_541, %add3A_542 : vector<16xi32>
      %add3A_544 = arith.constant 0 : i32
      %add3A_545 = arith.addi %add3A_544, %add3A_539 : i32
      %get3A_546 = arith.index_cast %add3A_545 : i32 to index
      %get3A_547 = arith.constant 0 : index
      %get3A_548 = tpu.vector_load %arg6[%get3A_546, %get3A_547] {strides = array<i32>} : memref<256x32xf32, #tpu.memory_space<vmem>>, vector<16xf32>,
      %add3A_549 = arith.constant 0 : i32
      %add3A_550 = arith.addi %add3A_549, %add3A_539 : i32
      %get3A_551 = arith.index_cast %add3A_550 : i32 to index
      %get3A_552 = arith.constant 16 : index
      %get3A_553 = tpu.vector_load %arg6[%get3A_551, %get3A_552] {strides = array<i32>} : memref<256x32xf32, #tpu.memory_space<vmem>>, vector<16xf32>,
      tpu.vector_store_idx %arg8[%broadcast_in_dim3A_3, %select_n3A, %select_n3A_83, %add3A_543], %get3A_548 : memref<2x4x8x129xf32, #tpu.memory_space<vmem>>[vector<16xi32>, vector<16xi32>, vector<16xi32>, vector<16xi32>], vector<16xf32>,
      tpu.vector_store_idx %arg8[%broadcast_in_dim3A_3, %select_n3A_63, %select_n3A_108, %add3A_543], %get3A_553 : memref<2x4x8x129xf32, #tpu.memory_space<vmem>>[vector<16xi32>, vector<16xi32>, vector<16xi32>, vector<16xi32>], vector<16xf32>,
      %add3A_554 = arith.constant 128 : i32
      %add3A_555 = arith.addi %add3A_554, %add3A_539 : i32
      %get3A_556 = arith.index_cast %add3A_555 : i32 to index
      %get3A_557 = arith.constant 0 : index
      %get3A_558 = tpu.vector_load %arg6[%get3A_556, %get3A_557] {strides = array<i32>} : memref<256x32xf32, #tpu.memory_space<vmem>>, vector<16xf32>,
      %add3A_559 = arith.constant 128 : i32
      %add3A_560 = arith.addi %add3A_559, %add3A_539 : i32
      %get3A_561 = arith.index_cast %add3A_560 : i32 to index
      %get3A_562 = arith.constant 16 : index
      %get3A_563 = tpu.vector_load %arg6[%get3A_561, %get3A_562] {strides = array<i32>} : memref<256x32xf32, #tpu.memory_space<vmem>>, vector<16xf32>,
      tpu.vector_store_idx %arg8[%add3A_6, %select_n3A, %select_n3A_83, %add3A_543], %get3A_558 : memref<2x4x8x129xf32, #tpu.memory_space<vmem>>[vector<16xi32>, vector<16xi32>, vector<16xi32>, vector<16xi32>], vector<16xf32>,
      tpu.vector_store_idx %arg8[%add3A_6, %select_n3A_63, %select_n3A_108, %add3A_543], %get3A_563 : memref<2x4x8x129xf32, #tpu.memory_space<vmem>>[vector<16xi32>, vector<16xi32>, vector<16xi32>, vector<16xi32>], vector<16xf32>,
      %mul3A_564 = arith.constant 8 : i32
      %mul3A_565 = arith.muli %scan3A_480, %mul3A_564 : i32
      %add3A_566 = arith.constant 3 : i32
      %add3A_567 = arith.addi %mul3A_565, %add3A_566 : i32
      %broadcast_in_dim3A_568 = arith.constant 0 : i32
      %broadcast_in_dim3A_569 = vector.broadcast %broadcast_in_dim3A_568 : i32 to vector<16xi32>
      %add3A_570 = vector.broadcast %add3A_567 : i32 to vector<16xi32>
      %add3A_571 = arith.addi %broadcast_in_dim3A_569, %add3A_570 : vector<16xi32>
      %add3A_572 = arith.constant 0 : i32
      %add3A_573 = arith.addi %add3A_572, %add3A_567 : i32
      %get3A_574 = arith.index_cast %add3A_573 : i32 to index
      %get3A_575 = arith.constant 0 : index
      %get3A_576 = tpu.vector_load %arg6[%get3A_574, %get3A_575] {strides = array<i32>} : memref<256x32xf32, #tpu.memory_space<vmem>>, vector<16xf32>,
      %add3A_577 = arith.constant 0 : i32
      %add3A_578 = arith.addi %add3A_577, %add3A_567 : i32
      %get3A_579 = arith.index_cast %add3A_578 : i32 to index
      %get3A_580 = arith.constant 16 : index
      %get3A_581 = tpu.vector_load %arg6[%get3A_579, %get3A_580] {strides = array<i32>} : memref<256x32xf32, #tpu.memory_space<vmem>>, vector<16xf32>,
      tpu.vector_store_idx %arg8[%broadcast_in_dim3A_3, %select_n3A, %select_n3A_83, %add3A_571], %get3A_576 : memref<2x4x8x129xf32, #tpu.memory_space<vmem>>[vector<16xi32>, vector<16xi32>, vector<16xi32>, vector<16xi32>], vector<16xf32>,
      tpu.vector_store_idx %arg8[%broadcast_in_dim3A_3, %select_n3A_63, %select_n3A_108, %add3A_571], %get3A_581 : memref<2x4x8x129xf32, #tpu.memory_space<vmem>>[vector<16xi32>, vector<16xi32>, vector<16xi32>, vector<16xi32>], vector<16xf32>,
      %add3A_582 = arith.constant 128 : i32
      %add3A_583 = arith.addi %add3A_582, %add3A_567 : i32
      %get3A_584 = arith.index_cast %add3A_583 : i32 to index
      %get3A_585 = arith.constant 0 : index
      %get3A_586 = tpu.vector_load %arg6[%get3A_584, %get3A_585] {strides = array<i32>} : memref<256x32xf32, #tpu.memory_space<vmem>>, vector<16xf32>,
      %add3A_587 = arith.constant 128 : i32
      %add3A_588 = arith.addi %add3A_587, %add3A_567 : i32
      %get3A_589 = arith.index_cast %add3A_588 : i32 to index
      %get3A_590 = arith.constant 16 : index
      %get3A_591 = tpu.vector_load %arg6[%get3A_589, %get3A_590] {strides = array<i32>} : memref<256x32xf32, #tpu.memory_space<vmem>>, vector<16xf32>,
      tpu.vector_store_idx %arg8[%add3A_6, %select_n3A, %select_n3A_83, %add3A_571], %get3A_586 : memref<2x4x8x129xf32, #tpu.memory_space<vmem>>[vector<16xi32>, vector<16xi32>, vector<16xi32>, vector<16xi32>], vector<16xf32>,
      tpu.vector_store_idx %arg8[%add3A_6, %select_n3A_63, %select_n3A_108, %add3A_571], %get3A_591 : memref<2x4x8x129xf32, #tpu.memory_space<vmem>>[vector<16xi32>, vector<16xi32>, vector<16xi32>, vector<16xi32>], vector<16xf32>,
      %mul3A_592 = arith.constant 8 : i32
      %mul3A_593 = arith.muli %scan3A_480, %mul3A_592 : i32
      %add3A_594 = arith.constant 4 : i32
      %add3A_595 = arith.addi %mul3A_593, %add3A_594 : i32
      %broadcast_in_dim3A_596 = arith.constant 0 : i32
      %broadcast_in_dim3A_597 = vector.broadcast %broadcast_in_dim3A_596 : i32 to vector<16xi32>
      %add3A_598 = vector.broadcast %add3A_595 : i32 to vector<16xi32>
      %add3A_599 = arith.addi %broadcast_in_dim3A_597, %add3A_598 : vector<16xi32>
      %add3A_600 = arith.constant 0 : i32
      %add3A_601 = arith.addi %add3A_600, %add3A_595 : i32
      %get3A_602 = arith.index_cast %add3A_601 : i32 to index
      %get3A_603 = arith.constant 0 : index
      %get3A_604 = tpu.vector_load %arg6[%get3A_602, %get3A_603] {strides = array<i32>} : memref<256x32xf32, #tpu.memory_space<vmem>>, vector<16xf32>,
      %add3A_605 = arith.constant 0 : i32
      %add3A_606 = arith.addi %add3A_605, %add3A_595 : i32
      %get3A_607 = arith.index_cast %add3A_606 : i32 to index
      %get3A_608 = arith.constant 16 : index
      %get3A_609 = tpu.vector_load %arg6[%get3A_607, %get3A_608] {strides = array<i32>} : memref<256x32xf32, #tpu.memory_space<vmem>>, vector<16xf32>,
      tpu.vector_store_idx %arg8[%broadcast_in_dim3A_3, %select_n3A, %select_n3A_83, %add3A_599], %get3A_604 : memref<2x4x8x129xf32, #tpu.memory_space<vmem>>[vector<16xi32>, vector<16xi32>, vector<16xi32>, vector<16xi32>], vector<16xf32>,
      tpu.vector_store_idx %arg8[%broadcast_in_dim3A_3, %select_n3A_63, %select_n3A_108, %add3A_599], %get3A_609 : memref<2x4x8x129xf32, #tpu.memory_space<vmem>>[vector<16xi32>, vector<16xi32>, vector<16xi32>, vector<16xi32>], vector<16xf32>,
      %add3A_610 = arith.constant 128 : i32
      %add3A_611 = arith.addi %add3A_610, %add3A_595 : i32
      %get3A_612 = arith.index_cast %add3A_611 : i32 to index
      %get3A_613 = arith.constant 0 : index
      %get3A_614 = tpu.vector_load %arg6[%get3A_612, %get3A_613] {strides = array<i32>} : memref<256x32xf32, #tpu.memory_space<vmem>>, vector<16xf32>,
      %add3A_615 = arith.constant 128 : i32
      %add3A_616 = arith.addi %add3A_615, %add3A_595 : i32
      %get3A_617 = arith.index_cast %add3A_616 : i32 to index
      %get3A_618 = arith.constant 16 : index
      %get3A_619 = tpu.vector_load %arg6[%get3A_617, %get3A_618] {strides = array<i32>} : memref<256x32xf32, #tpu.memory_space<vmem>>, vector<16xf32>,
      tpu.vector_store_idx %arg8[%add3A_6, %select_n3A, %select_n3A_83, %add3A_599], %get3A_614 : memref<2x4x8x129xf32, #tpu.memory_space<vmem>>[vector<16xi32>, vector<16xi32>, vector<16xi32>, vector<16xi32>], vector<16xf32>,
      tpu.vector_store_idx %arg8[%add3A_6, %select_n3A_63, %select_n3A_108, %add3A_599], %get3A_619 : memref<2x4x8x129xf32, #tpu.memory_space<vmem>>[vector<16xi32>, vector<16xi32>, vector<16xi32>, vector<16xi32>], vector<16xf32>,
      %mul3A_620 = arith.constant 8 : i32
      %mul3A_621 = arith.muli %scan3A_480, %mul3A_620 : i32
      %add3A_622 = arith.constant 5 : i32
      %add3A_623 = arith.addi %mul3A_621, %add3A_622 : i32
      %broadcast_in_dim3A_624 = arith.constant 0 : i32
      %broadcast_in_dim3A_625 = vector.broadcast %broadcast_in_dim3A_624 : i32 to vector<16xi32>
      %add3A_626 = vector.broadcast %add3A_623 : i32 to vector<16xi32>
      %add3A_627 = arith.addi %broadcast_in_dim3A_625, %add3A_626 : vector<16xi32>
      %add3A_628 = arith.constant 0 : i32
      %add3A_629 = arith.addi %add3A_628, %add3A_623 : i32
      %get3A_630 = arith.index_cast %add3A_629 : i32 to index
      %get3A_631 = arith.constant 0 : index
      %get3A_632 = tpu.vector_load %arg6[%get3A_630, %get3A_631] {strides = array<i32>} : memref<256x32xf32, #tpu.memory_space<vmem>>, vector<16xf32>,
      %add3A_633 = arith.constant 0 : i32
      %add3A_634 = arith.addi %add3A_633, %add3A_623 : i32
      %get3A_635 = arith.index_cast %add3A_634 : i32 to index
      %get3A_636 = arith.constant 16 : index
      %get3A_637 = tpu.vector_load %arg6[%get3A_635, %get3A_636] {strides = array<i32>} : memref<256x32xf32, #tpu.memory_space<vmem>>, vector<16xf32>,
      tpu.vector_store_idx %arg8[%broadcast_in_dim3A_3, %select_n3A, %select_n3A_83, %add3A_627], %get3A_632 : memref<2x4x8x129xf32, #tpu.memory_space<vmem>>[vector<16xi32>, vector<16xi32>, vector<16xi32>, vector<16xi32>], vector<16xf32>,
      tpu.vector_store_idx %arg8[%broadcast_in_dim3A_3, %select_n3A_63, %select_n3A_108, %add3A_627], %get3A_637 : memref<2x4x8x129xf32, #tpu.memory_space<vmem>>[vector<16xi32>, vector<16xi32>, vector<16xi32>, vector<16xi32>], vector<16xf32>,
      %add3A_638 = arith.constant 128 : i32
      %add3A_639 = arith.addi %add3A_638, %add3A_623 : i32
      %get3A_640 = arith.index_cast %add3A_639 : i32 to index
      %get3A_641 = arith.constant 0 : index
      %get3A_642 = tpu.vector_load %arg6[%get3A_640, %get3A_641] {strides = array<i32>} : memref<256x32xf32, #tpu.memory_space<vmem>>, vector<16xf32>,
      %add3A_643 = arith.constant 128 : i32
      %add3A_644 = arith.addi %add3A_643, %add3A_623 : i32
      %get3A_645 = arith.index_cast %add3A_644 : i32 to index
      %get3A_646 = arith.constant 16 : index
      %get3A_647 = tpu.vector_load %arg6[%get3A_645, %get3A_646] {strides = array<i32>} : memref<256x32xf32, #tpu.memory_space<vmem>>, vector<16xf32>,
      tpu.vector_store_idx %arg8[%add3A_6, %select_n3A, %select_n3A_83, %add3A_627], %get3A_642 : memref<2x4x8x129xf32, #tpu.memory_space<vmem>>[vector<16xi32>, vector<16xi32>, vector<16xi32>, vector<16xi32>], vector<16xf32>,
      tpu.vector_store_idx %arg8[%add3A_6, %select_n3A_63, %select_n3A_108, %add3A_627], %get3A_647 : memref<2x4x8x129xf32, #tpu.memory_space<vmem>>[vector<16xi32>, vector<16xi32>, vector<16xi32>, vector<16xi32>], vector<16xf32>,
      %mul3A_648 = arith.constant 8 : i32
      %mul3A_649 = arith.muli %scan3A_480, %mul3A_648 : i32
      %add3A_650 = arith.constant 6 : i32
      %add3A_651 = arith.addi %mul3A_649, %add3A_650 : i32
      %broadcast_in_dim3A_652 = arith.constant 0 : i32
      %broadcast_in_dim3A_653 = vector.broadcast %broadcast_in_dim3A_652 : i32 to vector<16xi32>
      %add3A_654 = vector.broadcast %add3A_651 : i32 to vector<16xi32>
      %add3A_655 = arith.addi %broadcast_in_dim3A_653, %add3A_654 : vector<16xi32>
      %add3A_656 = arith.constant 0 : i32
      %add3A_657 = arith.addi %add3A_656, %add3A_651 : i32
      %get3A_658 = arith.index_cast %add3A_657 : i32 to index
      %get3A_659 = arith.constant 0 : index
      %get3A_660 = tpu.vector_load %arg6[%get3A_658, %get3A_659] {strides = array<i32>} : memref<256x32xf32, #tpu.memory_space<vmem>>, vector<16xf32>,
      %add3A_661 = arith.constant 0 : i32
      %add3A_662 = arith.addi %add3A_661, %add3A_651 : i32
      %get3A_663 = arith.index_cast %add3A_662 : i32 to index
      %get3A_664 = arith.constant 16 : index
      %get3A_665 = tpu.vector_load %arg6[%get3A_663, %get3A_664] {strides = array<i32>} : memref<256x32xf32, #tpu.memory_space<vmem>>, vector<16xf32>,
      tpu.vector_store_idx %arg8[%broadcast_in_dim3A_3, %select_n3A, %select_n3A_83, %add3A_655], %get3A_660 : memref<2x4x8x129xf32, #tpu.memory_space<vmem>>[vector<16xi32>, vector<16xi32>, vector<16xi32>, vector<16xi32>], vector<16xf32>,
      tpu.vector_store_idx %arg8[%broadcast_in_dim3A_3, %select_n3A_63, %select_n3A_108, %add3A_655], %get3A_665 : memref<2x4x8x129xf32, #tpu.memory_space<vmem>>[vector<16xi32>, vector<16xi32>, vector<16xi32>, vector<16xi32>], vector<16xf32>,
      %add3A_666 = arith.constant 128 : i32
      %add3A_667 = arith.addi %add3A_666, %add3A_651 : i32
      %get3A_668 = arith.index_cast %add3A_667 : i32 to index
      %get3A_669 = arith.constant 0 : index
      %get3A_670 = tpu.vector_load %arg6[%get3A_668, %get3A_669] {strides = array<i32>} : memref<256x32xf32, #tpu.memory_space<vmem>>, vector<16xf32>,
      %add3A_671 = arith.constant 128 : i32
      %add3A_672 = arith.addi %add3A_671, %add3A_651 : i32
      %get3A_673 = arith.index_cast %add3A_672 : i32 to index
      %get3A_674 = arith.constant 16 : index
      %get3A_675 = tpu.vector_load %arg6[%get3A_673, %get3A_674] {strides = array<i32>} : memref<256x32xf32, #tpu.memory_space<vmem>>, vector<16xf32>,
      tpu.vector_store_idx %arg8[%add3A_6, %select_n3A, %select_n3A_83, %add3A_655], %get3A_670 : memref<2x4x8x129xf32, #tpu.memory_space<vmem>>[vector<16xi32>, vector<16xi32>, vector<16xi32>, vector<16xi32>], vector<16xf32>,
      tpu.vector_store_idx %arg8[%add3A_6, %select_n3A_63, %select_n3A_108, %add3A_655], %get3A_675 : memref<2x4x8x129xf32, #tpu.memory_space<vmem>>[vector<16xi32>, vector<16xi32>, vector<16xi32>, vector<16xi32>], vector<16xf32>,
      %mul3A_676 = arith.constant 8 : i32
      %mul3A_677 = arith.muli %scan3A_480, %mul3A_676 : i32
      %add3A_678 = arith.constant 7 : i32
      %add3A_679 = arith.addi %mul3A_677, %add3A_678 : i32
      %broadcast_in_dim3A_680 = arith.constant 0 : i32
      %broadcast_in_dim3A_681 = vector.broadcast %broadcast_in_dim3A_680 : i32 to vector<16xi32>
      %add3A_682 = vector.broadcast %add3A_679 : i32 to vector<16xi32>
      %add3A_683 = arith.addi %broadcast_in_dim3A_681, %add3A_682 : vector<16xi32>
      %add3A_684 = arith.constant 0 : i32
      %add3A_685 = arith.addi %add3A_684, %add3A_679 : i32
      %get3A_686 = arith.index_cast %add3A_685 : i32 to index
      %get3A_687 = arith.constant 0 : index
      %get3A_688 = tpu.vector_load %arg6[%get3A_686, %get3A_687] {strides = array<i32>} : memref<256x32xf32, #tpu.memory_space<vmem>>, vector<16xf32>,
      %add3A_689 = arith.constant 0 : i32
      %add3A_690 = arith.addi %add3A_689, %add3A_679 : i32
      %get3A_691 = arith.index_cast %add3A_690 : i32 to index
      %get3A_692 = arith.constant 16 : index
      %get3A_693 = tpu.vector_load %arg6[%get3A_691, %get3A_692] {strides = array<i32>} : memref<256x32xf32, #tpu.memory_space<vmem>>, vector<16xf32>,
      tpu.vector_store_idx %arg8[%broadcast_in_dim3A_3, %select_n3A, %select_n3A_83, %add3A_683], %get3A_688 : memref<2x4x8x129xf32, #tpu.memory_space<vmem>>[vector<16xi32>, vector<16xi32>, vector<16xi32>, vector<16xi32>], vector<16xf32>,
      tpu.vector_store_idx %arg8[%broadcast_in_dim3A_3, %select_n3A_63, %select_n3A_108, %add3A_683], %get3A_693 : memref<2x4x8x129xf32, #tpu.memory_space<vmem>>[vector<16xi32>, vector<16xi32>, vector<16xi32>, vector<16xi32>], vector<16xf32>,
      %add3A_694 = arith.constant 128 : i32
      %add3A_695 = arith.addi %add3A_694, %add3A_679 : i32
      %get3A_696 = arith.index_cast %add3A_695 : i32 to index
      %get3A_697 = arith.constant 0 : index
      %get3A_698 = tpu.vector_load %arg6[%get3A_696, %get3A_697] {strides = array<i32>} : memref<256x32xf32, #tpu.memory_space<vmem>>, vector<16xf32>,
      %add3A_699 = arith.constant 128 : i32
      %add3A_700 = arith.addi %add3A_699, %add3A_679 : i32
      %get3A_701 = arith.index_cast %add3A_700 : i32 to index
      %get3A_702 = arith.constant 16 : index
      %get3A_703 = tpu.vector_load %arg6[%get3A_701, %get3A_702] {strides = array<i32>} : memref<256x32xf32, #tpu.memory_space<vmem>>, vector<16xf32>,
      tpu.vector_store_idx %arg8[%add3A_6, %select_n3A, %select_n3A_83, %add3A_683], %get3A_698 : memref<2x4x8x129xf32, #tpu.memory_space<vmem>>[vector<16xi32>, vector<16xi32>, vector<16xi32>, vector<16xi32>], vector<16xf32>,
      tpu.vector_store_idx %arg8[%add3A_6, %select_n3A_63, %select_n3A_108, %add3A_683], %get3A_703 : memref<2x4x8x129xf32, #tpu.memory_space<vmem>>[vector<16xi32>, vector<16xi32>, vector<16xi32>, vector<16xi32>], vector<16xf32>,
    }
    %scan3A_338 = arith.constant 16 : i32
    %dma_start3A_339 = arith.constant 98 : i32
    %dma_start3A_340 = arith.constant 0 : i32
    %dma_start3A_341 = arith.constant 0 : i32
    %dma_start3A_342 = arith.constant 0 : i32
    %dma_start3A_343 = arith.constant 0 : i32
    %dma_start3A_344 = tpu.memref_slice %arg8[%dma_start3A_340, %dma_start3A_341, %dma_start3A_342, %dma_start3A_343] : memref<2x4x8x129xf32, #tpu.memory_space<vmem>> -> memref<2x4x8x128xf32, #tpu.memory_space<vmem>>
    %dma_start3A_345 = arith.constant 0 : i32
    %dma_start3A_346 = arith.constant 0 : i32
    %dma_start3A_347 = arith.constant 0 : i32
    %dma_start3A_348 = arith.constant 0 : i32
    %dma_start3A_349 = tpu.memref_slice %arg4[%dma_start3A_339, %dma_start3A_345, %dma_start3A_346, %add3A, %dma_start3A_347, %dma_start3A_348] : memref<100x2x4x32x8x128xf32, #tpu.memory_space<hbm>> -> memref<1x2x4x1x8x128xf32, #tpu.memory_space<hbm>>
    %dma_start3A_350 = tpu.memref_squeeze %dma_start3A_349 : memref<1x2x4x1x8x128xf32, #tpu.memory_space<hbm>> -> memref<2x4x8x128xf32, #tpu.memory_space<hbm>>
    %dma_start3A_351 = arith.constant 0 : i32
    %dma_start3A_352 = arith.constant 0 : i32
    %dma_start3A_353 = arith.constant 0 : i32
    %dma_start3A_354 = arith.constant 0 : i32
    %dma_start3A_355 = tpu.memref_slice %arg4[%dma_start3A_339, %dma_start3A_351, %dma_start3A_352, %add3A, %dma_start3A_353, %dma_start3A_354] : memref<100x2x4x32x8x128xf32, #tpu.memory_space<hbm>> -> memref<1x2x4x1x8x128xf32, #tpu.memory_space<hbm>>
    %dma_start3A_356 = tpu.memref_squeeze %dma_start3A_355 : memref<1x2x4x1x8x128xf32, #tpu.memory_space<hbm>> -> memref<2x4x8x128xf32, #tpu.memory_space<hbm>>
    %dma_start3A_357 = arith.constant 0 : i32
    %dma_start3A_358 = arith.constant 0 : i32
    %dma_start3A_359 = arith.constant 0 : i32
    %dma_start3A_360 = arith.constant 0 : i32
    %dma_start3A_361 = tpu.memref_slice %arg8[%dma_start3A_357, %dma_start3A_358, %dma_start3A_359, %dma_start3A_360] : memref<2x4x8x129xf32, #tpu.memory_space<vmem>> -> memref<2x4x8x128xf32, #tpu.memory_space<vmem>>
    tpu.enqueue_dma source(%dma_start3A_361 : memref<2x4x8x128xf32, #tpu.memory_space<vmem>>) target(%dma_start3A_356 : memref<2x4x8x128xf32, #tpu.memory_space<hbm>>) target_semaphore(%arg12 : memref<!tpu.dma_semaphore, #tpu.memory_space<semaphore_mem>>)
    %dma_wait3A_362 = arith.constant 198 : i32
    %dma_wait3A_363 = arith.constant 0 : i32
    %dma_wait3A_364 = arith.constant 0 : i32
    %dma_wait3A_365 = tpu.memref_slice %arg7[%dma_wait3A_363, %dma_wait3A_364] : memref<256x32xf32, #tpu.memory_space<vmem>> -> memref<128x32xf32, #tpu.memory_space<vmem>>
    %dma_wait3A_366 = arith.constant 0 : i32
    %dma_wait3A_367 = tpu.memref_slice %arg5[%dma_wait3A_362, %dma_wait3A_366] : memref<200x128xi32, #tpu.memory_space<vmem>> -> memref<1x128xi32, #tpu.memory_space<vmem>>
    %dma_wait3A_368 = tpu.memref_squeeze %dma_wait3A_367 : memref<1x128xi32, #tpu.memory_space<vmem>> -> memref<128xi32, #tpu.memory_space<vmem>>
    %dma_wait3A_369 = arith.constant 0 : i32
    %dma_wait3A_370 = arith.constant 0 : i32
    %dma_wait3A_371 = tpu.memref_slice %arg3[%dma_wait3A_369, %dma_wait3A_370] : memref<1000000x32xf32, #tpu.memory_space<hbm>> -> memref<1000000x32xf32, #tpu.memory_space<hbm>>
    tpu.wait_indirect_dma semaphore(%arg11 : memref<!tpu.dma_semaphore, #tpu.memory_space<semaphore_mem>>) src(%dma_wait3A_371 : memref<1000000x32xf32, #tpu.memory_space<hbm>>) dst(%dma_wait3A_365 : memref<128x32xf32, #tpu.memory_space<vmem>>)
    %dma_wait3A_372 = arith.constant 199 : i32
    %dma_wait3A_373 = arith.constant 128 : i32
    %dma_wait3A_374 = arith.constant 0 : i32
    %dma_wait3A_375 = tpu.memref_slice %arg7[%dma_wait3A_373, %dma_wait3A_374] : memref<256x32xf32, #tpu.memory_space<vmem>> -> memref<128x32xf32, #tpu.memory_space<vmem>>
    %dma_wait3A_376 = arith.constant 0 : i32
    %dma_wait3A_377 = tpu.memref_slice %arg5[%dma_wait3A_372, %dma_wait3A_376] : memref<200x128xi32, #tpu.memory_space<vmem>> -> memref<1x128xi32, #tpu.memory_space<vmem>>
    %dma_wait3A_378 = tpu.memref_squeeze %dma_wait3A_377 : memref<1x128xi32, #tpu.memory_space<vmem>> -> memref<128xi32, #tpu.memory_space<vmem>>
    %dma_wait3A_379 = arith.constant 0 : i32
    %dma_wait3A_380 = arith.constant 0 : i32
    %dma_wait3A_381 = tpu.memref_slice %arg3[%dma_wait3A_379, %dma_wait3A_380] : memref<1000000x32xf32, #tpu.memory_space<hbm>> -> memref<1000000x32xf32, #tpu.memory_space<hbm>>
    tpu.wait_indirect_dma semaphore(%arg11 : memref<!tpu.dma_semaphore, #tpu.memory_space<semaphore_mem>>) src(%dma_wait3A_381 : memref<1000000x32xf32, #tpu.memory_space<hbm>>) dst(%dma_wait3A_375 : memref<128x32xf32, #tpu.memory_space<vmem>>)
    %dma_wait3A_382 = arith.constant 97 : i32
    %dma_wait3A_383 = arith.constant 0 : i32
    %dma_wait3A_384 = arith.constant 0 : i32
    %dma_wait3A_385 = arith.constant 0 : i32
    %dma_wait3A_386 = arith.constant 0 : i32
    %dma_wait3A_387 = tpu.memref_slice %arg9[%dma_wait3A_383, %dma_wait3A_384, %dma_wait3A_385, %dma_wait3A_386] : memref<2x4x8x129xf32, #tpu.memory_space<vmem>> -> memref<2x4x8x128xf32, #tpu.memory_space<vmem>>
    %dma_wait3A_388 = arith.constant 0 : i32
    %dma_wait3A_389 = arith.constant 0 : i32
    %dma_wait3A_390 = arith.constant 0 : i32
    %dma_wait3A_391 = arith.constant 0 : i32
    %dma_wait3A_392 = tpu.memref_slice %arg4[%dma_wait3A_382, %dma_wait3A_388, %dma_wait3A_389, %add3A, %dma_wait3A_390, %dma_wait3A_391] : memref<100x2x4x32x8x128xf32, #tpu.memory_space<hbm>> -> memref<1x2x4x1x8x128xf32, #tpu.memory_space<hbm>>
    %dma_wait3A_393 = tpu.memref_squeeze %dma_wait3A_392 : memref<1x2x4x1x8x128xf32, #tpu.memory_space<hbm>> -> memref<2x4x8x128xf32, #tpu.memory_space<hbm>>
    %dma_wait3A_394 = arith.constant 0 : i32
    %dma_wait3A_395 = arith.constant 0 : i32
    %dma_wait3A_396 = arith.constant 0 : i32
    %dma_wait3A_397 = arith.constant 0 : i32
    %dma_wait3A_398 = tpu.memref_slice %arg4[%dma_wait3A_382, %dma_wait3A_394, %dma_wait3A_395, %add3A, %dma_wait3A_396, %dma_wait3A_397] : memref<100x2x4x32x8x128xf32, #tpu.memory_space<hbm>> -> memref<1x2x4x1x8x128xf32, #tpu.memory_space<hbm>>
    %dma_wait3A_399 = tpu.memref_squeeze %dma_wait3A_398 : memref<1x2x4x1x8x128xf32, #tpu.memory_space<hbm>> -> memref<2x4x8x128xf32, #tpu.memory_space<hbm>>
    %dma_wait3A_400 = arith.constant 0 : i32
    %dma_wait3A_401 = arith.constant 0 : i32
    %dma_wait3A_402 = arith.constant 0 : i32
    %dma_wait3A_403 = arith.constant 0 : i32
    %dma_wait3A_404 = tpu.memref_slice %arg9[%dma_wait3A_400, %dma_wait3A_401, %dma_wait3A_402, %dma_wait3A_403] : memref<2x4x8x129xf32, #tpu.memory_space<vmem>> -> memref<2x4x8x128xf32, #tpu.memory_space<vmem>>
    tpu.wait_dma2 semaphore(%arg13 : memref<!tpu.dma_semaphore, #tpu.memory_space<semaphore_mem>>) src(%dma_wait3A_404 : memref<2x4x8x128xf32, #tpu.memory_space<vmem>>) dst(%dma_wait3A_399 : memref<2x4x8x128xf32, #tpu.memory_space<hbm>>)
    %scan3A_405 = arith.constant 0 : i32
    %scan3A_406 = arith.constant 0 : i32
    %scan3A_407 = arith.constant 16 : i32
    %scan3A_408 = arith.addi %scan3A_406, %scan3A_407 : i32
    %scan3A_409 = arith.constant 1 : i32
    scf.for %scan3A_480 = %scan3A_406 to %scan3A_408 step %scan3A_409  : i32 {
      %mul3A_481 = arith.constant 8 : i32
      %mul3A_482 = arith.muli %scan3A_480, %mul3A_481 : i32
      %add3A_483 = arith.constant 0 : i32
      %add3A_484 = arith.addi %mul3A_482, %add3A_483 : i32
      %broadcast_in_dim3A_485 = arith.constant 0 : i32
      %broadcast_in_dim3A_486 = vector.broadcast %broadcast_in_dim3A_485 : i32 to vector<16xi32>
      %add3A_487 = vector.broadcast %add3A_484 : i32 to vector<16xi32>
      %add3A_488 = arith.addi %broadcast_in_dim3A_486, %add3A_487 : vector<16xi32>
      %add3A_489 = arith.constant 0 : i32
      %add3A_490 = arith.addi %add3A_489, %add3A_484 : i32
      %get3A = arith.index_cast %add3A_490 : i32 to index
      %get3A_491 = arith.constant 0 : index
      %get3A_492 = tpu.vector_load %arg7[%get3A, %get3A_491] {strides = array<i32>} : memref<256x32xf32, #tpu.memory_space<vmem>>, vector<16xf32>,
      %add3A_493 = arith.constant 0 : i32
      %add3A_494 = arith.addi %add3A_493, %add3A_484 : i32
      %get3A_495 = arith.index_cast %add3A_494 : i32 to index
      %get3A_496 = arith.constant 16 : index
      %get3A_497 = tpu.vector_load %arg7[%get3A_495, %get3A_496] {strides = array<i32>} : memref<256x32xf32, #tpu.memory_space<vmem>>, vector<16xf32>,
      tpu.vector_store_idx %arg9[%broadcast_in_dim3A_3, %select_n3A, %select_n3A_83, %add3A_488], %get3A_492 : memref<2x4x8x129xf32, #tpu.memory_space<vmem>>[vector<16xi32>, vector<16xi32>, vector<16xi32>, vector<16xi32>], vector<16xf32>,
      tpu.vector_store_idx %arg9[%broadcast_in_dim3A_3, %select_n3A_63, %select_n3A_108, %add3A_488], %get3A_497 : memref<2x4x8x129xf32, #tpu.memory_space<vmem>>[vector<16xi32>, vector<16xi32>, vector<16xi32>, vector<16xi32>], vector<16xf32>,
      %add3A_498 = arith.constant 128 : i32
      %add3A_499 = arith.addi %add3A_498, %add3A_484 : i32
      %get3A_500 = arith.index_cast %add3A_499 : i32 to index
      %get3A_501 = arith.constant 0 : index
      %get3A_502 = tpu.vector_load %arg7[%get3A_500, %get3A_501] {strides = array<i32>} : memref<256x32xf32, #tpu.memory_space<vmem>>, vector<16xf32>,
      %add3A_503 = arith.constant 128 : i32
      %add3A_504 = arith.addi %add3A_503, %add3A_484 : i32
      %get3A_505 = arith.index_cast %add3A_504 : i32 to index
      %get3A_506 = arith.constant 16 : index
      %get3A_507 = tpu.vector_load %arg7[%get3A_505, %get3A_506] {strides = array<i32>} : memref<256x32xf32, #tpu.memory_space<vmem>>, vector<16xf32>,
      tpu.vector_store_idx %arg9[%add3A_6, %select_n3A, %select_n3A_83, %add3A_488], %get3A_502 : memref<2x4x8x129xf32, #tpu.memory_space<vmem>>[vector<16xi32>, vector<16xi32>, vector<16xi32>, vector<16xi32>], vector<16xf32>,
      tpu.vector_store_idx %arg9[%add3A_6, %select_n3A_63, %select_n3A_108, %add3A_488], %get3A_507 : memref<2x4x8x129xf32, #tpu.memory_space<vmem>>[vector<16xi32>, vector<16xi32>, vector<16xi32>, vector<16xi32>], vector<16xf32>,
      %mul3A_508 = arith.constant 8 : i32
      %mul3A_509 = arith.muli %scan3A_480, %mul3A_508 : i32
      %add3A_510 = arith.constant 1 : i32
      %add3A_511 = arith.addi %mul3A_509, %add3A_510 : i32
      %broadcast_in_dim3A_512 = arith.constant 0 : i32
      %broadcast_in_dim3A_513 = vector.broadcast %broadcast_in_dim3A_512 : i32 to vector<16xi32>
      %add3A_514 = vector.broadcast %add3A_511 : i32 to vector<16xi32>
      %add3A_515 = arith.addi %broadcast_in_dim3A_513, %add3A_514 : vector<16xi32>
      %add3A_516 = arith.constant 0 : i32
      %add3A_517 = arith.addi %add3A_516, %add3A_511 : i32
      %get3A_518 = arith.index_cast %add3A_517 : i32 to index
      %get3A_519 = arith.constant 0 : index
      %get3A_520 = tpu.vector_load %arg7[%get3A_518, %get3A_519] {strides = array<i32>} : memref<256x32xf32, #tpu.memory_space<vmem>>, vector<16xf32>,
      %add3A_521 = arith.constant 0 : i32
      %add3A_522 = arith.addi %add3A_521, %add3A_511 : i32
      %get3A_523 = arith.index_cast %add3A_522 : i32 to index
      %get3A_524 = arith.constant 16 : index
      %get3A_525 = tpu.vector_load %arg7[%get3A_523, %get3A_524] {strides = array<i32>} : memref<256x32xf32, #tpu.memory_space<vmem>>, vector<16xf32>,
      tpu.vector_store_idx %arg9[%broadcast_in_dim3A_3, %select_n3A, %select_n3A_83, %add3A_515], %get3A_520 : memref<2x4x8x129xf32, #tpu.memory_space<vmem>>[vector<16xi32>, vector<16xi32>, vector<16xi32>, vector<16xi32>], vector<16xf32>,
      tpu.vector_store_idx %arg9[%broadcast_in_dim3A_3, %select_n3A_63, %select_n3A_108, %add3A_515], %get3A_525 : memref<2x4x8x129xf32, #tpu.memory_space<vmem>>[vector<16xi32>, vector<16xi32>, vector<16xi32>, vector<16xi32>], vector<16xf32>,
      %add3A_526 = arith.constant 128 : i32
      %add3A_527 = arith.addi %add3A_526, %add3A_511 : i32
      %get3A_528 = arith.index_cast %add3A_527 : i32 to index
      %get3A_529 = arith.constant 0 : index
      %get3A_530 = tpu.vector_load %arg7[%get3A_528, %get3A_529] {strides = array<i32>} : memref<256x32xf32, #tpu.memory_space<vmem>>, vector<16xf32>,
      %add3A_531 = arith.constant 128 : i32
      %add3A_532 = arith.addi %add3A_531, %add3A_511 : i32
      %get3A_533 = arith.index_cast %add3A_532 : i32 to index
      %get3A_534 = arith.constant 16 : index
      %get3A_535 = tpu.vector_load %arg7[%get3A_533, %get3A_534] {strides = array<i32>} : memref<256x32xf32, #tpu.memory_space<vmem>>, vector<16xf32>,
      tpu.vector_store_idx %arg9[%add3A_6, %select_n3A, %select_n3A_83, %add3A_515], %get3A_530 : memref<2x4x8x129xf32, #tpu.memory_space<vmem>>[vector<16xi32>, vector<16xi32>, vector<16xi32>, vector<16xi32>], vector<16xf32>,
      tpu.vector_store_idx %arg9[%add3A_6, %select_n3A_63, %select_n3A_108, %add3A_515], %get3A_535 : memref<2x4x8x129xf32, #tpu.memory_space<vmem>>[vector<16xi32>, vector<16xi32>, vector<16xi32>, vector<16xi32>], vector<16xf32>,
      %mul3A_536 = arith.constant 8 : i32
      %mul3A_537 = arith.muli %scan3A_480, %mul3A_536 : i32
      %add3A_538 = arith.constant 2 : i32
      %add3A_539 = arith.addi %mul3A_537, %add3A_538 : i32
      %broadcast_in_dim3A_540 = arith.constant 0 : i32
      %broadcast_in_dim3A_541 = vector.broadcast %broadcast_in_dim3A_540 : i32 to vector<16xi32>
      %add3A_542 = vector.broadcast %add3A_539 : i32 to vector<16xi32>
      %add3A_543 = arith.addi %broadcast_in_dim3A_541, %add3A_542 : vector<16xi32>
      %add3A_544 = arith.constant 0 : i32
      %add3A_545 = arith.addi %add3A_544, %add3A_539 : i32
      %get3A_546 = arith.index_cast %add3A_545 : i32 to index
      %get3A_547 = arith.constant 0 : index
      %get3A_548 = tpu.vector_load %arg7[%get3A_546, %get3A_547] {strides = array<i32>} : memref<256x32xf32, #tpu.memory_space<vmem>>, vector<16xf32>,
      %add3A_549 = arith.constant 0 : i32
      %add3A_550 = arith.addi %add3A_549, %add3A_539 : i32
      %get3A_551 = arith.index_cast %add3A_550 : i32 to index
      %get3A_552 = arith.constant 16 : index
      %get3A_553 = tpu.vector_load %arg7[%get3A_551, %get3A_552] {strides = array<i32>} : memref<256x32xf32, #tpu.memory_space<vmem>>, vector<16xf32>,
      tpu.vector_store_idx %arg9[%broadcast_in_dim3A_3, %select_n3A, %select_n3A_83, %add3A_543], %get3A_548 : memref<2x4x8x129xf32, #tpu.memory_space<vmem>>[vector<16xi32>, vector<16xi32>, vector<16xi32>, vector<16xi32>], vector<16xf32>,
      tpu.vector_store_idx %arg9[%broadcast_in_dim3A_3, %select_n3A_63, %select_n3A_108, %add3A_543], %get3A_553 : memref<2x4x8x129xf32, #tpu.memory_space<vmem>>[vector<16xi32>, vector<16xi32>, vector<16xi32>, vector<16xi32>], vector<16xf32>,
      %add3A_554 = arith.constant 128 : i32
      %add3A_555 = arith.addi %add3A_554, %add3A_539 : i32
      %get3A_556 = arith.index_cast %add3A_555 : i32 to index
      %get3A_557 = arith.constant 0 : index
      %get3A_558 = tpu.vector_load %arg7[%get3A_556, %get3A_557] {strides = array<i32>} : memref<256x32xf32, #tpu.memory_space<vmem>>, vector<16xf32>,
      %add3A_559 = arith.constant 128 : i32
      %add3A_560 = arith.addi %add3A_559, %add3A_539 : i32
      %get3A_561 = arith.index_cast %add3A_560 : i32 to index
      %get3A_562 = arith.constant 16 : index
      %get3A_563 = tpu.vector_load %arg7[%get3A_561, %get3A_562] {strides = array<i32>} : memref<256x32xf32, #tpu.memory_space<vmem>>, vector<16xf32>,
      tpu.vector_store_idx %arg9[%add3A_6, %select_n3A, %select_n3A_83, %add3A_543], %get3A_558 : memref<2x4x8x129xf32, #tpu.memory_space<vmem>>[vector<16xi32>, vector<16xi32>, vector<16xi32>, vector<16xi32>], vector<16xf32>,
      tpu.vector_store_idx %arg9[%add3A_6, %select_n3A_63, %select_n3A_108, %add3A_543], %get3A_563 : memref<2x4x8x129xf32, #tpu.memory_space<vmem>>[vector<16xi32>, vector<16xi32>, vector<16xi32>, vector<16xi32>], vector<16xf32>,
      %mul3A_564 = arith.constant 8 : i32
      %mul3A_565 = arith.muli %scan3A_480, %mul3A_564 : i32
      %add3A_566 = arith.constant 3 : i32
      %add3A_567 = arith.addi %mul3A_565, %add3A_566 : i32
      %broadcast_in_dim3A_568 = arith.constant 0 : i32
      %broadcast_in_dim3A_569 = vector.broadcast %broadcast_in_dim3A_568 : i32 to vector<16xi32>
      %add3A_570 = vector.broadcast %add3A_567 : i32 to vector<16xi32>
      %add3A_571 = arith.addi %broadcast_in_dim3A_569, %add3A_570 : vector<16xi32>
      %add3A_572 = arith.constant 0 : i32
      %add3A_573 = arith.addi %add3A_572, %add3A_567 : i32
      %get3A_574 = arith.index_cast %add3A_573 : i32 to index
      %get3A_575 = arith.constant 0 : index
      %get3A_576 = tpu.vector_load %arg7[%get3A_574, %get3A_575] {strides = array<i32>} : memref<256x32xf32, #tpu.memory_space<vmem>>, vector<16xf32>,
      %add3A_577 = arith.constant 0 : i32
      %add3A_578 = arith.addi %add3A_577, %add3A_567 : i32
      %get3A_579 = arith.index_cast %add3A_578 : i32 to index
      %get3A_580 = arith.constant 16 : index
      %get3A_581 = tpu.vector_load %arg7[%get3A_579, %get3A_580] {strides = array<i32>} : memref<256x32xf32, #tpu.memory_space<vmem>>, vector<16xf32>,
      tpu.vector_store_idx %arg9[%broadcast_in_dim3A_3, %select_n3A, %select_n3A_83, %add3A_571], %get3A_576 : memref<2x4x8x129xf32, #tpu.memory_space<vmem>>[vector<16xi32>, vector<16xi32>, vector<16xi32>, vector<16xi32>], vector<16xf32>,
      tpu.vector_store_idx %arg9[%broadcast_in_dim3A_3, %select_n3A_63, %select_n3A_108, %add3A_571], %get3A_581 : memref<2x4x8x129xf32, #tpu.memory_space<vmem>>[vector<16xi32>, vector<16xi32>, vector<16xi32>, vector<16xi32>], vector<16xf32>,
      %add3A_582 = arith.constant 128 : i32
      %add3A_583 = arith.addi %add3A_582, %add3A_567 : i32
      %get3A_584 = arith.index_cast %add3A_583 : i32 to index
      %get3A_585 = arith.constant 0 : index
      %get3A_586 = tpu.vector_load %arg7[%get3A_584, %get3A_585] {strides = array<i32>} : memref<256x32xf32, #tpu.memory_space<vmem>>, vector<16xf32>,
      %add3A_587 = arith.constant 128 : i32
      %add3A_588 = arith.addi %add3A_587, %add3A_567 : i32
      %get3A_589 = arith.index_cast %add3A_588 : i32 to index
      %get3A_590 = arith.constant 16 : index
      %get3A_591 = tpu.vector_load %arg7[%get3A_589, %get3A_590] {strides = array<i32>} : memref<256x32xf32, #tpu.memory_space<vmem>>, vector<16xf32>,
      tpu.vector_store_idx %arg9[%add3A_6, %select_n3A, %select_n3A_83, %add3A_571], %get3A_586 : memref<2x4x8x129xf32, #tpu.memory_space<vmem>>[vector<16xi32>, vector<16xi32>, vector<16xi32>, vector<16xi32>], vector<16xf32>,
      tpu.vector_store_idx %arg9[%add3A_6, %select_n3A_63, %select_n3A_108, %add3A_571], %get3A_591 : memref<2x4x8x129xf32, #tpu.memory_space<vmem>>[vector<16xi32>, vector<16xi32>, vector<16xi32>, vector<16xi32>], vector<16xf32>,
      %mul3A_592 = arith.constant 8 : i32
      %mul3A_593 = arith.muli %scan3A_480, %mul3A_592 : i32
      %add3A_594 = arith.constant 4 : i32
      %add3A_595 = arith.addi %mul3A_593, %add3A_594 : i32
      %broadcast_in_dim3A_596 = arith.constant 0 : i32
      %broadcast_in_dim3A_597 = vector.broadcast %broadcast_in_dim3A_596 : i32 to vector<16xi32>
      %add3A_598 = vector.broadcast %add3A_595 : i32 to vector<16xi32>
      %add3A_599 = arith.addi %broadcast_in_dim3A_597, %add3A_598 : vector<16xi32>
      %add3A_600 = arith.constant 0 : i32
      %add3A_601 = arith.addi %add3A_600, %add3A_595 : i32
      %get3A_602 = arith.index_cast %add3A_601 : i32 to index
      %get3A_603 = arith.constant 0 : index
      %get3A_604 = tpu.vector_load %arg7[%get3A_602, %get3A_603] {strides = array<i32>} : memref<256x32xf32, #tpu.memory_space<vmem>>, vector<16xf32>,
      %add3A_605 = arith.constant 0 : i32
      %add3A_606 = arith.addi %add3A_605, %add3A_595 : i32
      %get3A_607 = arith.index_cast %add3A_606 : i32 to index
      %get3A_608 = arith.constant 16 : index
      %get3A_609 = tpu.vector_load %arg7[%get3A_607, %get3A_608] {strides = array<i32>} : memref<256x32xf32, #tpu.memory_space<vmem>>, vector<16xf32>,
      tpu.vector_store_idx %arg9[%broadcast_in_dim3A_3, %select_n3A, %select_n3A_83, %add3A_599], %get3A_604 : memref<2x4x8x129xf32, #tpu.memory_space<vmem>>[vector<16xi32>, vector<16xi32>, vector<16xi32>, vector<16xi32>], vector<16xf32>,
      tpu.vector_store_idx %arg9[%broadcast_in_dim3A_3, %select_n3A_63, %select_n3A_108, %add3A_599], %get3A_609 : memref<2x4x8x129xf32, #tpu.memory_space<vmem>>[vector<16xi32>, vector<16xi32>, vector<16xi32>, vector<16xi32>], vector<16xf32>,
      %add3A_610 = arith.constant 128 : i32
      %add3A_611 = arith.addi %add3A_610, %add3A_595 : i32
      %get3A_612 = arith.index_cast %add3A_611 : i32 to index
      %get3A_613 = arith.constant 0 : index
      %get3A_614 = tpu.vector_load %arg7[%get3A_612, %get3A_613] {strides = array<i32>} : memref<256x32xf32, #tpu.memory_space<vmem>>, vector<16xf32>,
      %add3A_615 = arith.constant 128 : i32
      %add3A_616 = arith.addi %add3A_615, %add3A_595 : i32
      %get3A_617 = arith.index_cast %add3A_616 : i32 to index
      %get3A_618 = arith.constant 16 : index
      %get3A_619 = tpu.vector_load %arg7[%get3A_617, %get3A_618] {strides = array<i32>} : memref<256x32xf32, #tpu.memory_space<vmem>>, vector<16xf32>,
      tpu.vector_store_idx %arg9[%add3A_6, %select_n3A, %select_n3A_83, %add3A_599], %get3A_614 : memref<2x4x8x129xf32, #tpu.memory_space<vmem>>[vector<16xi32>, vector<16xi32>, vector<16xi32>, vector<16xi32>], vector<16xf32>,
      tpu.vector_store_idx %arg9[%add3A_6, %select_n3A_63, %select_n3A_108, %add3A_599], %get3A_619 : memref<2x4x8x129xf32, #tpu.memory_space<vmem>>[vector<16xi32>, vector<16xi32>, vector<16xi32>, vector<16xi32>], vector<16xf32>,
      %mul3A_620 = arith.constant 8 : i32
      %mul3A_621 = arith.muli %scan3A_480, %mul3A_620 : i32
      %add3A_622 = arith.constant 5 : i32
      %add3A_623 = arith.addi %mul3A_621, %add3A_622 : i32
      %broadcast_in_dim3A_624 = arith.constant 0 : i32
      %broadcast_in_dim3A_625 = vector.broadcast %broadcast_in_dim3A_624 : i32 to vector<16xi32>
      %add3A_626 = vector.broadcast %add3A_623 : i32 to vector<16xi32>
      %add3A_627 = arith.addi %broadcast_in_dim3A_625, %add3A_626 : vector<16xi32>
      %add3A_628 = arith.constant 0 : i32
      %add3A_629 = arith.addi %add3A_628, %add3A_623 : i32
      %get3A_630 = arith.index_cast %add3A_629 : i32 to index
      %get3A_631 = arith.constant 0 : index
      %get3A_632 = tpu.vector_load %arg7[%get3A_630, %get3A_631] {strides = array<i32>} : memref<256x32xf32, #tpu.memory_space<vmem>>, vector<16xf32>,
      %add3A_633 = arith.constant 0 : i32
      %add3A_634 = arith.addi %add3A_633, %add3A_623 : i32
      %get3A_635 = arith.index_cast %add3A_634 : i32 to index
      %get3A_636 = arith.constant 16 : index
      %get3A_637 = tpu.vector_load %arg7[%get3A_635, %get3A_636] {strides = array<i32>} : memref<256x32xf32, #tpu.memory_space<vmem>>, vector<16xf32>,
      tpu.vector_store_idx %arg9[%broadcast_in_dim3A_3, %select_n3A, %select_n3A_83, %add3A_627], %get3A_632 : memref<2x4x8x129xf32, #tpu.memory_space<vmem>>[vector<16xi32>, vector<16xi32>, vector<16xi32>, vector<16xi32>], vector<16xf32>,
      tpu.vector_store_idx %arg9[%broadcast_in_dim3A_3, %select_n3A_63, %select_n3A_108, %add3A_627], %get3A_637 : memref<2x4x8x129xf32, #tpu.memory_space<vmem>>[vector<16xi32>, vector<16xi32>, vector<16xi32>, vector<16xi32>], vector<16xf32>,
      %add3A_638 = arith.constant 128 : i32
      %add3A_639 = arith.addi %add3A_638, %add3A_623 : i32
      %get3A_640 = arith.index_cast %add3A_639 : i32 to index
      %get3A_641 = arith.constant 0 : index
      %get3A_642 = tpu.vector_load %arg7[%get3A_640, %get3A_641] {strides = array<i32>} : memref<256x32xf32, #tpu.memory_space<vmem>>, vector<16xf32>,
      %add3A_643 = arith.constant 128 : i32
      %add3A_644 = arith.addi %add3A_643, %add3A_623 : i32
      %get3A_645 = arith.index_cast %add3A_644 : i32 to index
      %get3A_646 = arith.constant 16 : index
      %get3A_647 = tpu.vector_load %arg7[%get3A_645, %get3A_646] {strides = array<i32>} : memref<256x32xf32, #tpu.memory_space<vmem>>, vector<16xf32>,
      tpu.vector_store_idx %arg9[%add3A_6, %select_n3A, %select_n3A_83, %add3A_627], %get3A_642 : memref<2x4x8x129xf32, #tpu.memory_space<vmem>>[vector<16xi32>, vector<16xi32>, vector<16xi32>, vector<16xi32>], vector<16xf32>,
      tpu.vector_store_idx %arg9[%add3A_6, %select_n3A_63, %select_n3A_108, %add3A_627], %get3A_647 : memref<2x4x8x129xf32, #tpu.memory_space<vmem>>[vector<16xi32>, vector<16xi32>, vector<16xi32>, vector<16xi32>], vector<16xf32>,
      %mul3A_648 = arith.constant 8 : i32
      %mul3A_649 = arith.muli %scan3A_480, %mul3A_648 : i32
      %add3A_650 = arith.constant 6 : i32
      %add3A_651 = arith.addi %mul3A_649, %add3A_650 : i32
      %broadcast_in_dim3A_652 = arith.constant 0 : i32
      %broadcast_in_dim3A_653 = vector.broadcast %broadcast_in_dim3A_652 : i32 to vector<16xi32>
      %add3A_654 = vector.broadcast %add3A_651 : i32 to vector<16xi32>
      %add3A_655 = arith.addi %broadcast_in_dim3A_653, %add3A_654 : vector<16xi32>
      %add3A_656 = arith.constant 0 : i32
      %add3A_657 = arith.addi %add3A_656, %add3A_651 : i32
      %get3A_658 = arith.index_cast %add3A_657 : i32 to index
      %get3A_659 = arith.constant 0 : index
      %get3A_660 = tpu.vector_load %arg7[%get3A_658, %get3A_659] {strides = array<i32>} : memref<256x32xf32, #tpu.memory_space<vmem>>, vector<16xf32>,
      %add3A_661 = arith.constant 0 : i32
      %add3A_662 = arith.addi %add3A_661, %add3A_651 : i32
      %get3A_663 = arith.index_cast %add3A_662 : i32 to index
      %get3A_664 = arith.constant 16 : index
      %get3A_665 = tpu.vector_load %arg7[%get3A_663, %get3A_664] {strides = array<i32>} : memref<256x32xf32, #tpu.memory_space<vmem>>, vector<16xf32>,
      tpu.vector_store_idx %arg9[%broadcast_in_dim3A_3, %select_n3A, %select_n3A_83, %add3A_655], %get3A_660 : memref<2x4x8x129xf32, #tpu.memory_space<vmem>>[vector<16xi32>, vector<16xi32>, vector<16xi32>, vector<16xi32>], vector<16xf32>,
      tpu.vector_store_idx %arg9[%broadcast_in_dim3A_3, %select_n3A_63, %select_n3A_108, %add3A_655], %get3A_665 : memref<2x4x8x129xf32, #tpu.memory_space<vmem>>[vector<16xi32>, vector<16xi32>, vector<16xi32>, vector<16xi32>], vector<16xf32>,
      %add3A_666 = arith.constant 128 : i32
      %add3A_667 = arith.addi %add3A_666, %add3A_651 : i32
      %get3A_668 = arith.index_cast %add3A_667 : i32 to index
      %get3A_669 = arith.constant 0 : index
      %get3A_670 = tpu.vector_load %arg7[%get3A_668, %get3A_669] {strides = array<i32>} : memref<256x32xf32, #tpu.memory_space<vmem>>, vector<16xf32>,
      %add3A_671 = arith.constant 128 : i32
      %add3A_672 = arith.addi %add3A_671, %add3A_651 : i32
      %get3A_673 = arith.index_cast %add3A_672 : i32 to index
      %get3A_674 = arith.constant 16 : index
      %get3A_675 = tpu.vector_load %arg7[%get3A_673, %get3A_674] {strides = array<i32>} : memref<256x32xf32, #tpu.memory_space<vmem>>, vector<16xf32>,
      tpu.vector_store_idx %arg9[%add3A_6, %select_n3A, %select_n3A_83, %add3A_655], %get3A_670 : memref<2x4x8x129xf32, #tpu.memory_space<vmem>>[vector<16xi32>, vector<16xi32>, vector<16xi32>, vector<16xi32>], vector<16xf32>,
      tpu.vector_store_idx %arg9[%add3A_6, %select_n3A_63, %select_n3A_108, %add3A_655], %get3A_675 : memref<2x4x8x129xf32, #tpu.memory_space<vmem>>[vector<16xi32>, vector<16xi32>, vector<16xi32>, vector<16xi32>], vector<16xf32>,
      %mul3A_676 = arith.constant 8 : i32
      %mul3A_677 = arith.muli %scan3A_480, %mul3A_676 : i32
      %add3A_678 = arith.constant 7 : i32
      %add3A_679 = arith.addi %mul3A_677, %add3A_678 : i32
      %broadcast_in_dim3A_680 = arith.constant 0 : i32
      %broadcast_in_dim3A_681 = vector.broadcast %broadcast_in_dim3A_680 : i32 to vector<16xi32>
      %add3A_682 = vector.broadcast %add3A_679 : i32 to vector<16xi32>
      %add3A_683 = arith.addi %broadcast_in_dim3A_681, %add3A_682 : vector<16xi32>
      %add3A_684 = arith.constant 0 : i32
      %add3A_685 = arith.addi %add3A_684, %add3A_679 : i32
      %get3A_686 = arith.index_cast %add3A_685 : i32 to index
      %get3A_687 = arith.constant 0 : index
      %get3A_688 = tpu.vector_load %arg7[%get3A_686, %get3A_687] {strides = array<i32>} : memref<256x32xf32, #tpu.memory_space<vmem>>, vector<16xf32>,
      %add3A_689 = arith.constant 0 : i32
      %add3A_690 = arith.addi %add3A_689, %add3A_679 : i32
      %get3A_691 = arith.index_cast %add3A_690 : i32 to index
      %get3A_692 = arith.constant 16 : index
      %get3A_693 = tpu.vector_load %arg7[%get3A_691, %get3A_692] {strides = array<i32>} : memref<256x32xf32, #tpu.memory_space<vmem>>, vector<16xf32>,
      tpu.vector_store_idx %arg9[%broadcast_in_dim3A_3, %select_n3A, %select_n3A_83, %add3A_683], %get3A_688 : memref<2x4x8x129xf32, #tpu.memory_space<vmem>>[vector<16xi32>, vector<16xi32>, vector<16xi32>, vector<16xi32>], vector<16xf32>,
      tpu.vector_store_idx %arg9[%broadcast_in_dim3A_3, %select_n3A_63, %select_n3A_108, %add3A_683], %get3A_693 : memref<2x4x8x129xf32, #tpu.memory_space<vmem>>[vector<16xi32>, vector<16xi32>, vector<16xi32>, vector<16xi32>], vector<16xf32>,
      %add3A_694 = arith.constant 128 : i32
      %add3A_695 = arith.addi %add3A_694, %add3A_679 : i32
      %get3A_696 = arith.index_cast %add3A_695 : i32 to index
      %get3A_697 = arith.constant 0 : index
      %get3A_698 = tpu.vector_load %arg7[%get3A_696, %get3A_697] {strides = array<i32>} : memref<256x32xf32, #tpu.memory_space<vmem>>, vector<16xf32>,
      %add3A_699 = arith.constant 128 : i32
      %add3A_700 = arith.addi %add3A_699, %add3A_679 : i32
      %get3A_701 = arith.index_cast %add3A_700 : i32 to index
      %get3A_702 = arith.constant 16 : index
      %get3A_703 = tpu.vector_load %arg7[%get3A_701, %get3A_702] {strides = array<i32>} : memref<256x32xf32, #tpu.memory_space<vmem>>, vector<16xf32>,
      tpu.vector_store_idx %arg9[%add3A_6, %select_n3A, %select_n3A_83, %add3A_683], %get3A_698 : memref<2x4x8x129xf32, #tpu.memory_space<vmem>>[vector<16xi32>, vector<16xi32>, vector<16xi32>, vector<16xi32>], vector<16xf32>,
      tpu.vector_store_idx %arg9[%add3A_6, %select_n3A_63, %select_n3A_108, %add3A_683], %get3A_703 : memref<2x4x8x129xf32, #tpu.memory_space<vmem>>[vector<16xi32>, vector<16xi32>, vector<16xi32>, vector<16xi32>], vector<16xf32>,
    }
    %scan3A_410 = arith.constant 16 : i32
    %dma_start3A_411 = arith.constant 99 : i32
    %dma_start3A_412 = arith.constant 0 : i32
    %dma_start3A_413 = arith.constant 0 : i32
    %dma_start3A_414 = arith.constant 0 : i32
    %dma_start3A_415 = arith.constant 0 : i32
    %dma_start3A_416 = tpu.memref_slice %arg9[%dma_start3A_412, %dma_start3A_413, %dma_start3A_414, %dma_start3A_415] : memref<2x4x8x129xf32, #tpu.memory_space<vmem>> -> memref<2x4x8x128xf32, #tpu.memory_space<vmem>>
    %dma_start3A_417 = arith.constant 0 : i32
    %dma_start3A_418 = arith.constant 0 : i32
    %dma_start3A_419 = arith.constant 0 : i32
    %dma_start3A_420 = arith.constant 0 : i32
    %dma_start3A_421 = tpu.memref_slice %arg4[%dma_start3A_411, %dma_start3A_417, %dma_start3A_418, %add3A, %dma_start3A_419, %dma_start3A_420] : memref<100x2x4x32x8x128xf32, #tpu.memory_space<hbm>> -> memref<1x2x4x1x8x128xf32, #tpu.memory_space<hbm>>
    %dma_start3A_422 = tpu.memref_squeeze %dma_start3A_421 : memref<1x2x4x1x8x128xf32, #tpu.memory_space<hbm>> -> memref<2x4x8x128xf32, #tpu.memory_space<hbm>>
    %dma_start3A_423 = arith.constant 0 : i32
    %dma_start3A_424 = arith.constant 0 : i32
    %dma_start3A_425 = arith.constant 0 : i32
    %dma_start3A_426 = arith.constant 0 : i32
    %dma_start3A_427 = tpu.memref_slice %arg4[%dma_start3A_411, %dma_start3A_423, %dma_start3A_424, %add3A, %dma_start3A_425, %dma_start3A_426] : memref<100x2x4x32x8x128xf32, #tpu.memory_space<hbm>> -> memref<1x2x4x1x8x128xf32, #tpu.memory_space<hbm>>
    %dma_start3A_428 = tpu.memref_squeeze %dma_start3A_427 : memref<1x2x4x1x8x128xf32, #tpu.memory_space<hbm>> -> memref<2x4x8x128xf32, #tpu.memory_space<hbm>>
    %dma_start3A_429 = arith.constant 0 : i32
    %dma_start3A_430 = arith.constant 0 : i32
    %dma_start3A_431 = arith.constant 0 : i32
    %dma_start3A_432 = arith.constant 0 : i32
    %dma_start3A_433 = tpu.memref_slice %arg9[%dma_start3A_429, %dma_start3A_430, %dma_start3A_431, %dma_start3A_432] : memref<2x4x8x129xf32, #tpu.memory_space<vmem>> -> memref<2x4x8x128xf32, #tpu.memory_space<vmem>>
    tpu.enqueue_dma source(%dma_start3A_433 : memref<2x4x8x128xf32, #tpu.memory_space<vmem>>) target(%dma_start3A_428 : memref<2x4x8x128xf32, #tpu.memory_space<hbm>>) target_semaphore(%arg13 : memref<!tpu.dma_semaphore, #tpu.memory_space<semaphore_mem>>)
    %dma_wait3A_434 = arith.constant 98 : i32
    %dma_wait3A_435 = arith.constant 0 : i32
    %dma_wait3A_436 = arith.constant 0 : i32
    %dma_wait3A_437 = arith.constant 0 : i32
    %dma_wait3A_438 = arith.constant 0 : i32
    %dma_wait3A_439 = tpu.memref_slice %arg8[%dma_wait3A_435, %dma_wait3A_436, %dma_wait3A_437, %dma_wait3A_438] : memref<2x4x8x129xf32, #tpu.memory_space<vmem>> -> memref<2x4x8x128xf32, #tpu.memory_space<vmem>>
    %dma_wait3A_440 = arith.constant 0 : i32
    %dma_wait3A_441 = arith.constant 0 : i32
    %dma_wait3A_442 = arith.constant 0 : i32
    %dma_wait3A_443 = arith.constant 0 : i32
    %dma_wait3A_444 = tpu.memref_slice %arg4[%dma_wait3A_434, %dma_wait3A_440, %dma_wait3A_441, %add3A, %dma_wait3A_442, %dma_wait3A_443] : memref<100x2x4x32x8x128xf32, #tpu.memory_space<hbm>> -> memref<1x2x4x1x8x128xf32, #tpu.memory_space<hbm>>
    %dma_wait3A_445 = tpu.memref_squeeze %dma_wait3A_444 : memref<1x2x4x1x8x128xf32, #tpu.memory_space<hbm>> -> memref<2x4x8x128xf32, #tpu.memory_space<hbm>>
    %dma_wait3A_446 = arith.constant 0 : i32
    %dma_wait3A_447 = arith.constant 0 : i32
    %dma_wait3A_448 = arith.constant 0 : i32
    %dma_wait3A_449 = arith.constant 0 : i32
    %dma_wait3A_450 = tpu.memref_slice %arg4[%dma_wait3A_434, %dma_wait3A_446, %dma_wait3A_447, %add3A, %dma_wait3A_448, %dma_wait3A_449] : memref<100x2x4x32x8x128xf32, #tpu.memory_space<hbm>> -> memref<1x2x4x1x8x128xf32, #tpu.memory_space<hbm>>
    %dma_wait3A_451 = tpu.memref_squeeze %dma_wait3A_450 : memref<1x2x4x1x8x128xf32, #tpu.memory_space<hbm>> -> memref<2x4x8x128xf32, #tpu.memory_space<hbm>>
    %dma_wait3A_452 = arith.constant 0 : i32
    %dma_wait3A_453 = arith.constant 0 : i32
    %dma_wait3A_454 = arith.constant 0 : i32
    %dma_wait3A_455 = arith.constant 0 : i32
    %dma_wait3A_456 = tpu.memref_slice %arg8[%dma_wait3A_452, %dma_wait3A_453, %dma_wait3A_454, %dma_wait3A_455] : memref<2x4x8x129xf32, #tpu.memory_space<vmem>> -> memref<2x4x8x128xf32, #tpu.memory_space<vmem>>
    tpu.wait_dma2 semaphore(%arg12 : memref<!tpu.dma_semaphore, #tpu.memory_space<semaphore_mem>>) src(%dma_wait3A_456 : memref<2x4x8x128xf32, #tpu.memory_space<vmem>>) dst(%dma_wait3A_451 : memref<2x4x8x128xf32, #tpu.memory_space<hbm>>)
    %dma_wait3A_457 = arith.constant 99 : i32
    %dma_wait3A_458 = arith.constant 0 : i32
    %dma_wait3A_459 = arith.constant 0 : i32
    %dma_wait3A_460 = arith.constant 0 : i32
    %dma_wait3A_461 = arith.constant 0 : i32
    %dma_wait3A_462 = tpu.memref_slice %arg9[%dma_wait3A_458, %dma_wait3A_459, %dma_wait3A_460, %dma_wait3A_461] : memref<2x4x8x129xf32, #tpu.memory_space<vmem>> -> memref<2x4x8x128xf32, #tpu.memory_space<vmem>>
    %dma_wait3A_463 = arith.constant 0 : i32
    %dma_wait3A_464 = arith.constant 0 : i32
    %dma_wait3A_465 = arith.constant 0 : i32
    %dma_wait3A_466 = arith.constant 0 : i32
    %dma_wait3A_467 = tpu.memref_slice %arg4[%dma_wait3A_457, %dma_wait3A_463, %dma_wait3A_464, %add3A, %dma_wait3A_465, %dma_wait3A_466] : memref<100x2x4x32x8x128xf32, #tpu.memory_space<hbm>> -> memref<1x2x4x1x8x128xf32, #tpu.memory_space<hbm>>
    %dma_wait3A_468 = tpu.memref_squeeze %dma_wait3A_467 : memref<1x2x4x1x8x128xf32, #tpu.memory_space<hbm>> -> memref<2x4x8x128xf32, #tpu.memory_space<hbm>>
    %dma_wait3A_469 = arith.constant 0 : i32
    %dma_wait3A_470 = arith.constant 0 : i32
    %dma_wait3A_471 = arith.constant 0 : i32
    %dma_wait3A_472 = arith.constant 0 : i32
    %dma_wait3A_473 = tpu.memref_slice %arg4[%dma_wait3A_457, %dma_wait3A_469, %dma_wait3A_470, %add3A, %dma_wait3A_471, %dma_wait3A_472] : memref<100x2x4x32x8x128xf32, #tpu.memory_space<hbm>> -> memref<1x2x4x1x8x128xf32, #tpu.memory_space<hbm>>
    %dma_wait3A_474 = tpu.memref_squeeze %dma_wait3A_473 : memref<1x2x4x1x8x128xf32, #tpu.memory_space<hbm>> -> memref<2x4x8x128xf32, #tpu.memory_space<hbm>>
    %dma_wait3A_475 = arith.constant 0 : i32
    %dma_wait3A_476 = arith.constant 0 : i32
    %dma_wait3A_477 = arith.constant 0 : i32
    %dma_wait3A_478 = arith.constant 0 : i32
    %dma_wait3A_479 = tpu.memref_slice %arg9[%dma_wait3A_475, %dma_wait3A_476, %dma_wait3A_477, %dma_wait3A_478] : memref<2x4x8x129xf32, #tpu.memory_space<vmem>> -> memref<2x4x8x128xf32, #tpu.memory_space<vmem>>
    tpu.wait_dma2 semaphore(%arg13 : memref<!tpu.dma_semaphore, #tpu.memory_space<semaphore_mem>>) src(%dma_wait3A_479 : memref<2x4x8x128xf32, #tpu.memory_space<vmem>>) dst(%dma_wait3A_474 : memref<2x4x8x128xf32, #tpu.memory_space<hbm>>)
    return
  }
}

</mosaic_0001>

<sc_bundles>
// kernel: _run.3.cloned.1.call-start
scs
__scs_entry_jumppad:
0x0: {  	(pc) =	sbr.rel $0x88, $3  }
0x1: {  	(tag) =	ssettag $0x0;
	lr =	simm.s32 $0x1  }
0x2: {  	[smem:$0x3F9F] =	sst lr;
	_ =	strace $0xD0000000  }
0x3: {  	_ = 	snop  }
0x4: {  	_ = 	snop  }
0x5: {  	_ = 	snop  }
0x6: {  	_ = 	snop  }
0x7: {  	_ = 	snop  }
__scs_overlays_trampoline_lowered:
0x8: {  	[smem:$0x3FAE] =	sst s0  }
0x9: {  	[smem:$0x3FAF] =	sst s1  }
0xa: {  	[smem:$0x3FB0] =	sst s2  }
0xb: {  	[smem:$0x3FB1] =	sst s3  }
0xc: {  	[smem:$0x3FB2] =	sst s4  }
0xd: {  	[smem:$0x3FB3] =	sst s5  }
0xe: {  	[smem:$0x3FB4] =	sst s6  }
0xf: {  	[smem:$0x3FB5] =	sst s7  }
0x10: {  	[smem:$0x3FB6] =	sst s8  }
0x11: {  	[smem:$0x3FB7] =	sst s9;
	s0 =	simm.s32 @!p0 $0x0  }
0x12: {  	s1 =	sld [smem:$0x3F9D];
	s0 =	simm.s32 @p0 $0x1  }
0x13: {  	[smem:$0x3FB8] =	sst s0;
	s0 =	simm.s32 @!p1 $0x0  }
0x14: {  	s2 =	sld [smem:$0x3F9C];
	s0 =	simm.s32 @p1 $0x1  }
0x15: {  	[smem:$0x3FB9] =	sst s0;
	s0 =	simm.s32 @!p2 $0x0  }
0x16: {  	s3 =	sld [smem:$0x3FDB];
	s0 =	simm.s32 @p2 $0x1  }
0x17: {  	s4 =	simm.s32 $0x1BF5;
	[smem:$0x3FBB] =	sst s0  }
0x18: {  	s0 =	sld [smem:$0x3F9E];
	_ =	swait.ge [sflag:s4], $0x0  }
0x19: {  	s7 =	sld [smem:$0x3F9F]  }
0x1a: {  	s8 =	sadd.s32 $0xFFFFE003, lr  }
0x1b: {  	s9 =	sadd.s32 $0xFFFFFEF7, lr;
	s5 =	simm.s32 $0xFFFFFFFF;
	p2 =	slt.u32 s8, $0xFFFFF086  }
0x1c: {  	p1 =	slt.u32 s9, $0xF7A;
	s5 =	simm.s32 @!p2 $0x0  }
0x1d: {  	s5 =	simm.s32 @p1 $0x1;
	p0 =	seq.s32 s7, s2  }
0x1e: {  	s7 =	smul.u32 @!p0 $0xF7A, s2;
	p2 =	seq.s32 @!p0 s5, $0x0  }
0x1f: {  	s9 =	smul.u32 $0xF7A, s1;
	s8 =	simm.s32 @!p0 $0x1BF5;
	p2 =	por !p2, p0  }
0x20: {  	[sflag:s8] =	ssyncset.s32 @!p0 $0xFFFFF086;
	s6 =	sadd.s32 @!p0 s3, s7;
	s7 =	simm.s32 @!p0 $0x108  }
0x21: {  	s3 =	sadd.s32 s3, s9;
	s6 =	sadd.s32 @!p0 $0x88, s6;
	s7 =	simm.s32 @p2 $0x1082  }
0x22: {  	[simem:s7], [sflag:s8] =	dma.local @!p0 [hbm:s6], $0xF7A  }
0x23: {  	s9 =	sor.u32 $0xD0000000, s2;
	s6 =	simm.s32 $0x108;
	_ =	swait.ge @!p0 [sflag:s8], $0x0  }
0x24: {  	s3 =	sadd.s32 $0x88, s3;
	s6 =	simm.s32 @!p1 $0x1082;
	[sflag:s4] =	ssyncset.s32 $0xFFFFF086  }
0x25: {  	[simem:s6], [sflag:s4] =	dma.local [hbm:s3], $0xF7A  }
0x26: {  	[smem:$0x3F9F] =	sst s1;
	(tag) =	ssettag s2;
	_ =	strace s9  }
0x27: {  	s1 =	sld [smem:$0x3FAF]  }
0x28: {  	s2 =	sld [smem:$0x3FB0]  }
0x29: {  	s4 =	sld [smem:$0x3FB2]  }
0x2a: {  	p0 =	seq.s32 s5, $0x0;
	s5 =	sld [smem:$0x3FB3]  }
0x2b: {  	s6 =	sld [smem:$0x3FB4]  }
0x2c: {  	s7 =	sld [smem:$0x3FB5]  }
0x2d: {  	s3 =	simm.s32 $0x108;
	s8 =	sld [smem:$0x3FB6]  }
0x2e: {  	s3 =	simm.s32 @!p0 $0x1082;
	s9 =	sld [smem:$0x3FB7]  }
0x2f: {  	lr =	sadd.s32 s0, s3;
	s0 =	sld [smem:$0x3FAE]  }
0x30: {  	s3 =	sld [smem:$0x3FB1]  }
0x31: {  	[smem:$0x3FBA] =	sst s10  }
0x32: {  	s10 =	sld [smem:$0x3FB8];
	_ =	sdelay $0x3  }
0x33: {  	p0 =	seq.s32 s10, $0x1;
	s10 =	sld [smem:$0x3FBA];
	_ =	sdelay $0x3  }
0x34: {  	[smem:$0x3FBA] =	sst s10  }
0x35: {  	s10 =	sld [smem:$0x3FB9];
	_ =	sdelay $0x3  }
0x36: {  	p1 =	seq.s32 s10, $0x1;
	s10 =	sld [smem:$0x3FBA];
	_ =	sdelay $0x3  }
0x37: {  	[smem:$0x3FBA] =	sst s10  }
0x38: {  	s10 =	sld [smem:$0x3FBB]  }
0x39: {  	_ = 	snop;
	(pc) =	sbr.ind lr, $3  }
0x3a: {  	_ = 	snop  }
0x3b: {  	_ = 	snop  }
0x3c: {  	p2 =	seq.s32 s10, $0x1;
	s10 =	sld [smem:$0x3FBA]  }
0x3d: {  	_ =	shalt  }
0x3e: {  	_ =	shalt  }
0x3f: {  	_ =	shalt  }
0x40: {  	_ =	shalt  }
0x41: {  	_ =	shalt  }
0x42: {  	_ =	shalt  }
0x43: {  	_ =	shalt  }
0x44: {  	_ =	shalt  }
0x45: {  	_ =	shalt  }
0x46: {  	_ =	shalt  }
0x47: {  	_ =	shalt  }
0x48: {  	_ =	shalt  }
0x49: {  	_ =	shalt  }
0x4a: {  	_ =	shalt  }
0x4b: {  	_ =	shalt  }
0x4c: {  	_ =	shalt  }
0x4d: {  	_ =	shalt  }
0x4e: {  	_ =	shalt  }
0x4f: {  	_ =	shalt  }
0x50: {  	_ =	shalt  }
0x51: {  	_ =	shalt  }
0x52: {  	_ =	shalt  }
0x53: {  	_ =	shalt  }
0x54: {  	_ =	shalt  }
0x55: {  	_ =	shalt  }
0x56: {  	_ =	shalt  }
0x57: {  	_ =	shalt  }
0x58: {  	_ =	shalt  }
0x59: {  	_ =	shalt  }
0x5a: {  	_ =	shalt  }
0x5b: {  	_ =	shalt  }
0x5c: {  	_ =	shalt  }
0x5d: {  	_ =	shalt  }
0x5e: {  	_ =	shalt  }
0x5f: {  	_ =	shalt  }
0x60: {  	_ =	shalt  }
0x61: {  	_ =	shalt  }
0x62: {  	_ =	shalt  }
0x63: {  	_ =	shalt  }
0x64: {  	_ =	shalt  }
0x65: {  	_ =	shalt  }
0x66: {  	_ =	shalt  }
0x67: {  	_ =	shalt  }
0x68: {  	_ =	shalt  }
0x69: {  	_ =	shalt  }
0x6a: {  	_ =	shalt  }
0x6b: {  	_ =	shalt  }
0x6c: {  	_ =	shalt  }
0x6d: {  	_ =	shalt  }
0x6e: {  	_ =	shalt  }
0x6f: {  	_ =	shalt  }
0x70: {  	_ =	shalt  }
0x71: {  	_ =	shalt  }
0x72: {  	_ =	shalt  }
0x73: {  	_ =	shalt  }
0x74: {  	_ =	shalt  }
0x75: {  	_ =	shalt  }
0x76: {  	_ =	shalt  }
0x77: {  	_ =	shalt  }
0x78: {  	_ =	shalt  }
0x79: {  	_ =	shalt  }
0x7a: {  	_ =	shalt  }
0x7b: {  	_ =	shalt  }
0x7c: {  	_ =	shalt  }
0x7d: {  	_ =	shalt  }
0x7e: {  	_ =	shalt  }
0x7f: {  	_ =	shalt  }
0x80: {  	_ =	shalt  }
0x81: {  	_ =	shalt  }
0x82: {  	_ =	shalt  }
0x83: {  	_ =	shalt  }
0x84: {  	_ =	shalt  }
0x85: {  	_ =	shalt  }
0x86: {  	_ =	shalt  }
0x87: {  	_ =	shalt  }
.Lfunc_end0:
.L_simem_size_0:
called_computation_lowered:
.L_overlay_start_0:
0x88: {  	s2 =	sld [smem:$0x3FD9]  }
0x89: {  	s3 =	sld [smem:$0x3FFE];
	_ =	sdelay $0x1  }
0x8a: {  	s1 =	srdreg.scid  }
0x8b: {  	s0 =	sand.u32 $0x1, s1  }
0x8c: {  	s17 =	sshll.u32 s0, $0xA;
	s2 =	sadd.s32 s3, s2  }
0x8d: {  	s2 =	sadd.s32 s2, s17  }
0x8e: {  	[smem:$0x3FC6] =	sst s2  }
0x8f: {  	_ = 	snop  }
0x90: {  	s2 =	sld [smem:$0x3FD0];
	(tm) =	ssettm $0x1  }
0x91: {  	s18 =	sld [smem:$0x3FFB];
	_ =	sdelay $0x3  }
0x92: {  	_ =	strace s18  }
0x93: {  	s3 =	sld [smem:$0x3FFC];
	_ =	sdelay $0x3  }
0x94: {  	_ =	strace s3  }
0x95: {  	s3 =	sld [smem:$0x3FFD];
	_ =	sdelay $0x3  }
0x96: {  	_ =	strace s3  }
0x97: {  	_ =	strace $0x8FFFFFFF  }
0x98: {  	s19 =	sld [smem:$0x3FDB];
	_ =	sdelay $0x1  }
0x99: {  	s4 =	simm.s32 $_scs_section_size  }
0x9a: {  	s5 =	simm.s32 $_size__tile_overlayer_lowered;
	s6 =	simm.s32 $_tile_overlayer_lowered  }
0x9b: {  	s22 =	simm.s32 $0x1BFF;
	s21 =	sshll.u32 s6, $0x1;
	s3 =	sadd.s32 s4, s19  }
0x9c: {  	s7 =	simm.s32 $0x0;
	s20 =	sshll.u32 s5, $0x1;
	s5 =	sadd.s32 s21, s3  }
0x9d: {  	[timem:s7], [sflag:s22] =	dma.local [hbm:s5], s20  }
0x9e: {  	_ =	swait.ge [sflag:s22], s20  }
0x9f: {  	s4 =	ssub.s32 $0x0, s20;
	[sflag:s22] =	ssyncset.done $0x0  }
0xa0: {  	[sflag:s22] =	ssyncadd.s32 s4;
	_ =	sdelay $0x1  }
0xa1: {  	s23 =	simm.s32 $0x1B8B  }
0xa2: {  	_ =	swait.ge [sflag:s23], $0x1  }
0xa3: {  	[sflag:s23] =	ssyncset.done $0x0  }
0xa4: {  	s25 =	simm.s32 $0x1B8E;
	s24 =	sld [smem:$0x3FFE];
	[sflag:s23] =	ssyncadd.s32 $0xFFFFFFFF  }
0xa5: {  	s26 =	simm.s32 $execute0_lowered;
	[smem:$0x3FD2] =	sst s25  }
0xa6: {  	s5 =	sshll.u32 s26, $0x1;
	_ =	strace $0x80000046;
	[dreg:$0x1] =	wrdreg $0xFFFFFFFF  }
0xa7: {  	s28 =	simm.s32 $_size_execute0_lowered;
	s3 =	sadd.s32 s3, s5;
	[dreg:$0x0] =	wrdreg $0x0  }
0xa8: {  	s5 =	sshll.u32 s28, $0x1;
	[dreg:$0x2] =	wrdreg s3  }
0xa9: {  	[dreg:$0x3] =	wrdreg s5  }
0xaa: {  	[dreg:$0x4] =	wrdreg $0xC0  }
0xab: {  	_ =	task [dreg:s7], $0x5FFFF  }
0xac: {  	[dreg:$0x1] =	wrdreg $0xFFFFFFFF  }
0xad: {  	[dreg:$0x0] =	wrdreg $0x60  }
0xae: {  	[dreg:$0x2] =	wrdreg s24  }
0xaf: {  	[dreg:$0x3] =	wrdreg s2  }
0xb0: {  	[dreg:$0x4] =	wrdreg $0x9  }
0xb1: {  	_ =	task.clear_ibuf [dreg:s7], $0x5FFFF;
	_ =	strace $0x90000046  }
0xb2: {  	s29 =	simm.s32 $0x9;
	_ =	strace $0x80000048  }
0xb3: {  	_ =	swait.ge [sflag:s29], $0x1  }
0xb4: {  	[sflag:s29] =	ssyncadd.s32 $0xFFFFFFFF  }
0xb5: {  	_ =	strace $0x90000048  }
0xb6: {  	_ =	sfence  }
0xb7: {  	s30 =	sld [smem:$0x0];
	_ =	sdelay $0x2  }
0xb8: {  	s31 =	sshll.u32 s1, $0xD;
	s1 =	sshrl.u32 s1, $0x2  }
0xb9: {  	s3 =	sand.u32 $0x4000, s31;
	s1 =	sadd.s32 s1, s30  }
0xba: {  	s0 =	sor.u32 s3, s0;
	s1 =	sshll.u32 s1, $0x11  }
0xbb: {  	s0 =	sor.u32 s1, s0  }
0xbc: {  	s0 =	sadd.s32 $0x8F2B, s0  }
0xbd: {  	[sflag:s0] =	ssyncadd.remote.s32 $0x1  }
0xbe: {  	_ =	sfence.sel $0xFFFF  }
0xbf: {  	[dreg:$0x0] =	wrdreg $0xFFFFFFFF;
	(pc) =	sbr.abs _section_cstart, $3  }
0xc0: {  	[dreg:$0x1] =	wrdreg $0xFFFFFFFF  }
0xc1: {  	_ =	task.clear_ibuf [dreg:s7], $0x2FFFF;
	_ =	strace $0x9FFFFFFF  }
0xc2: {  	(tm) =	ssettm $0x7FFFFFFF  }
0xc3: {  	_ =	shalt  }
tec
execute0_lowered:
.L_overlay_start_1:
0x0: {  	(tag) =	ssettag $0x1  }
0x1: {  	s0 =	rddreg [dreg:$0x0];
	v0 =	vlaneseq.u32  }
0x2: {  	s1 =	srdreg.scid;
	s3 =	stileid.u32;
	v0 =	vmul.u32 $0x88, v0  }
0x3: {  	s2 =	rddreg [dreg:$0x1];
	v1 =	vimm.s32 $0x0;
	vm0 =	vcmask $0x300;
	s13 =	simm.s32 $0x80;
	s15 =	simm.s32 $0x5  }
0x4: {  	s16 =	simm.s32 $0x6400;
	s17 =	simm.s32 $0x7400;
	s19 =	simm.s32 $0x8400;
	v1 =	vsel vm0, $0x3, v1;
	v2 =	vadd.s32 $0x880, v0  }
0x5: {  	s21 =	simm.s32 $0x9400;
	s22 =	simm.s32 $0x1;
	s23 =	simm.s32 $0xA400;
	v3 =	vadd.s32 $0x1100, v0;
	v4 =	vadd.s32 $0x1980, v0;
	v5 =	vor.u32 $0x1, v0  }
0x6: {  	s26 =	simm.s32 $0x2;
	s28 =	simm.s32 $0xC600;
	s31 =	simm.s32 $0x3;
	v6 =	vadd.s32 $0x881, v0;
	v7 =	vadd.s32 $0x1101, v0;
	v8 =	vadd.s32 $0x1981, v0  }
0x7: {  	s1 =	sand.u32 $0x1, s1;
	s4 =	sshll.u32 s3, $0x1;
	s3 =	simm.s32 $0x0;
	v9 =	vor.u32 $0x2, v0;
	v10 =	vadd.s32 $0x882, v0;
	v11 =	vadd.s32 $0x1102, v0  }
0x8: {  	s8 =	sadd.s32 $0x8000, s2;
	s5 =	sor.u32 s1, s4;
	[smem:$0x7FF] =	sst s3;
	v12 =	vadd.s32 $0x1982, v0;
	v13 =	vor.u32 $0x3, v0;
	v14 =	vadd.s32 $0x883, v0  }
0x9: {  	s1 =	ssub.s32 $0x2, s1;
	s4 =	sshll.u32 s5, $0x4;
	_ =	strace $0x80000047;
	v15 =	vadd.s32 $0x1103, v0;
	v16 =	vadd.s32 $0x1983, v0;
	v17 =	vor.u32 $0x4, v0  }
0xa: {  	s7 =	sshrl.u32 s1, $0x1;
	s5 =	sshll.u32 s5, $0x7;
	v18 =	vadd.s32 $0x884, v0;
	v19 =	vadd.s32 $0x1104, v0;
	v20 =	vadd.s32 $0x1984, v0;
	s6 =	sadd.s32 s4, s0  }
0xb: {  	v21 =	vor.u32 $0x5, v0;
	v22 =	vadd.s32 $0x885, v0;
	v23 =	vadd.s32 $0x1105, v0;
	s4 =	sadd.s32 $0xF42A00, s0;
	s29 =	ssub.s32 s1, s7;
	s7 =	sadd.s32 s2, s5  }
0xc: {  	v24 =	vadd.s32 $0x1985, v0;
	v25 =	vor.u32 $0x6, v0;
	v26 =	vadd.s32 $0x886, v0;
	s9 =	sadd.s32 s5, s8;
	s1 =	simm.s32 $0x4;
	s30 =	sadd.s32 $0x600, s6  }
0xd: {  	v27 =	vadd.s32 $0x1106, v0;
	v28 =	vadd.s32 $0x1986, v0;
	v29 =	vor.u32 $0x7, v0;
	s10 =	sadd.s32 $0x310000, s7;
	s0 =	smax.u32 s29, $0x1;
	[dreg:$0x3] =	wrdreg s30  }
0xe: {  	v30 =	vadd.s32 $0x887, v0;
	v31 =	vadd.s32 $0x1107, v0;
	v32 =	vadd.s32 $0x1987, v0;
	s11 =	sadd.s32 $0x318000, s7;
	[dreg:$0x4] =	wrdreg s0;
	s0 =	simm.s32 $0x0  }
.LBB2_1:
0xf: {  	s6 =	rddreg [dreg:$0x3];
	s12 =	simm.s32 $0x1000  }
0x10: {  	[tilespmem:s3], [sflag:$0x5] =	stream.strided.gather [hbm4b:s6+s13], $0x6400, s12, s13, $0x38;
	[tilespmem:$0xE800] =	vst v63  }
0x11: {  	_ =	swait.ge [sflag:s15], $0x6400  }
0x12: {  	[sflag:s15] =	ssyncset.done $0x0  }
0x13: {  	[sflag:s15] =	ssyncadd.s32 $0xFFFF9C00  }
0x14: {  	[tilespmem:s16], [sflag:$0x1] =	stream.indirect.gather [hbm4b:s4+s13], $0x20, s3, s13, $0xb8;
	[tilespmem:$0xE800] =	vst v63  }
0x15: {  	_ = 	snop  }
0x16: {  	[tilespmem:s17], [sflag:$0x1] =	stream.indirect.gather [hbm4b:s4+s13], $0x20, s13, s13, $0xb8;
	[tilespmem:$0xE800] =	vst v63  }
0x17: {  	s29 =	simm.s32 $0x100  }
0x18: {  	[tilespmem:s19], [sflag:$0x2] =	stream.indirect.gather [hbm4b:s4+s13], $0x20, s29, s13, $0xb8;
	[tilespmem:$0xE800] =	vst v63  }
0x19: {  	s30 =	simm.s32 $0x180  }
0x1a: {  	[tilespmem:s21], [sflag:$0x2] =	stream.indirect.gather [hbm4b:s4+s13], $0x20, s30, s13, $0xb8;
	[tilespmem:$0xE800] =	vst v63  }
0x1b: {  	_ =	swait.ge [sflag:s22], $0x1000  }
0x1c: {  	v33 =	vmov s3;
	[sflag:s22] =	ssyncset.done $0x0  }
0x1d: {  	v33 =	vshrl.u32 v33, $0x3;
	[sflag:s22] =	ssyncadd.s32 $0xFFFFF000  }
0x1e: {  	v33 =	vshll.u32 v33, v1;
	_ =	swait.ge [sflag:s22], $0x1000  }
0x1f: {  	v33 =	vbroadcast v33, $0x0;
	[sflag:s22] =	ssyncset.done $0x0  }
0x20: {  	s14 =	simm.s32 $0x0;
	[sflag:s22] =	ssyncadd.s32 $0xFFFFF000  }
0x21: {  	v35 =	vadd.s32 v0, v33;
	v34 =	vld [tilespmem:s14+$0x6400]  }
0x22: {  	v37 =	vadd.s32 v2, v33;
	v36 =	vld [tilespmem:s14+$0x6410];
	_ =	sdelay $0x3  }
0x23: {  	[tilespmem:v35+s23+$0x0] =	vst.idx.msk $0xffff, v34  }
0x24: {  	[tilespmem:v37+s23+$0x0] =	vst.idx.msk $0xffff, v36  }
0x25: {  	v58 =	vadd.s32 v3, v33;
	v34 =	vld [tilespmem:s14+$0x7400]  }
0x26: {  	s18 =	simm.s32 $0x1;
	v33 =	vadd.s32 v4, v33;
	v36 =	vld [tilespmem:s14+$0x7410]  }
0x27: {  	v59 =	vmov s18  }
0x28: {  	v37 =	vshrl.u32 v59, $0x3  }
0x29: {  	v37 =	vshll.u32 v37, v1  }
0x2a: {  	v60 =	vbroadcast v37, $0x0;
	[tilespmem:v58+s23+$0x0] =	vst.idx.msk $0xffff, v34  }
0x2b: {  	[tilespmem:v33+s23+$0x0] =	vst.idx.msk $0xffff, v36  }
0x2c: {  	v61 =	vadd.s32 v5, v60;
	v33 =	vld [tilespmem:s14+$0x6420]  }
0x2d: {  	v37 =	vadd.s32 v6, v60;
	v36 =	vld [tilespmem:s14+$0x6430];
	_ =	sdelay $0x3  }
0x2e: {  	[tilespmem:v61+s23+$0x0] =	vst.idx.msk $0xffff, v33  }
0x2f: {  	[tilespmem:v37+s23+$0x0] =	vst.idx.msk $0xffff, v36  }
0x30: {  	v62 =	vadd.s32 v7, v60;
	v33 =	vld [tilespmem:s14+$0x7420]  }
0x31: {  	s12 =	simm.s32 $0x2;
	v34 =	vadd.s32 v8, v60;
	v36 =	vld [tilespmem:s14+$0x7430]  }
0x32: {  	v63 =	vmov s12  }
0x33: {  	v37 =	vshrl.u32 v63, $0x3  }
0x34: {  	v37 =	vshll.u32 v37, v1  }
0x35: {  	v40 =	vbroadcast v37, $0x0;
	[tilespmem:v62+s23+$0x0] =	vst.idx.msk $0xffff, v33  }
0x36: {  	[tilespmem:v34+s23+$0x0] =	vst.idx.msk $0xffff, v36  }
0x37: {  	v41 =	vadd.s32 v9, v40;
	v34 =	vld [tilespmem:s14+$0x6440]  }
0x38: {  	v37 =	vadd.s32 v10, v40;
	v36 =	vld [tilespmem:s14+$0x6450];
	_ =	sdelay $0x3  }
0x39: {  	[tilespmem:v41+s23+$0x0] =	vst.idx.msk $0xffff, v34  }
0x3a: {  	[tilespmem:v37+s23+$0x0] =	vst.idx.msk $0xffff, v36  }
0x3b: {  	v42 =	vadd.s32 v11, v40;
	v34 =	vld [tilespmem:s14+$0x7440]  }
0x3c: {  	s20 =	simm.s32 $0x3;
	v33 =	vadd.s32 v12, v40;
	v36 =	vld [tilespmem:s14+$0x7450]  }
0x3d: {  	v43 =	vmov s20  }
0x3e: {  	v37 =	vshrl.u32 v43, $0x3  }
0x3f: {  	v37 =	vshll.u32 v37, v1  }
0x40: {  	v44 =	vbroadcast v37, $0x0;
	[tilespmem:v42+s23+$0x0] =	vst.idx.msk $0xffff, v34  }
0x41: {  	[tilespmem:v33+s23+$0x0] =	vst.idx.msk $0xffff, v36  }
0x42: {  	v45 =	vadd.s32 v13, v44;
	v33 =	vld [tilespmem:s14+$0x6460]  }
0x43: {  	v37 =	vadd.s32 v14, v44;
	v36 =	vld [tilespmem:s14+$0x6470];
	_ =	sdelay $0x3  }
0x44: {  	[tilespmem:v45+s23+$0x0] =	vst.idx.msk $0xffff, v33  }
0x45: {  	[tilespmem:v37+s23+$0x0] =	vst.idx.msk $0xffff, v36  }
0x46: {  	v46 =	vadd.s32 v15, v44;
	v33 =	vld [tilespmem:s14+$0x7460]  }
0x47: {  	s24 =	simm.s32 $0x4;
	v34 =	vadd.s32 v16, v44;
	v36 =	vld [tilespmem:s14+$0x7470]  }
0x48: {  	v47 =	vmov s24  }
0x49: {  	v37 =	vshrl.u32 v47, $0x3  }
0x4a: {  	v37 =	vshll.u32 v37, v1  }
0x4b: {  	v48 =	vbroadcast v37, $0x0;
	[tilespmem:v46+s23+$0x0] =	vst.idx.msk $0xffff, v33  }
0x4c: {  	[tilespmem:v34+s23+$0x0] =	vst.idx.msk $0xffff, v36  }
0x4d: {  	v49 =	vadd.s32 v17, v48;
	v34 =	vld [tilespmem:s14+$0x6480]  }
0x4e: {  	v37 =	vadd.s32 v18, v48;
	v36 =	vld [tilespmem:s14+$0x6490];
	_ =	sdelay $0x3  }
0x4f: {  	[tilespmem:v49+s23+$0x0] =	vst.idx.msk $0xffff, v34  }
0x50: {  	[tilespmem:v37+s23+$0x0] =	vst.idx.msk $0xffff, v36  }
0x51: {  	v50 =	vadd.s32 v19, v48;
	v34 =	vld [tilespmem:s14+$0x7480]  }
0x52: {  	s25 =	simm.s32 $0x5;
	v33 =	vadd.s32 v20, v48;
	v36 =	vld [tilespmem:s14+$0x7490]  }
0x53: {  	v51 =	vmov s25  }
0x54: {  	v37 =	vshrl.u32 v51, $0x3  }
0x55: {  	v37 =	vshll.u32 v37, v1  }
0x56: {  	v52 =	vbroadcast v37, $0x0;
	[tilespmem:v50+s23+$0x0] =	vst.idx.msk $0xffff, v34  }
0x57: {  	[tilespmem:v33+s23+$0x0] =	vst.idx.msk $0xffff, v36  }
0x58: {  	v53 =	vadd.s32 v21, v52;
	v33 =	vld [tilespmem:s14+$0x64A0]  }
0x59: {  	v37 =	vadd.s32 v22, v52;
	v36 =	vld [tilespmem:s14+$0x64B0];
	_ =	sdelay $0x3  }
0x5a: {  	[tilespmem:v53+s23+$0x0] =	vst.idx.msk $0xffff, v33  }
0x5b: {  	[tilespmem:v37+s23+$0x0] =	vst.idx.msk $0xffff, v36  }
0x5c: {  	v54 =	vadd.s32 v23, v52;
	v33 =	vld [tilespmem:s14+$0x74A0]  }
0x5d: {  	s29 =	simm.s32 $0x6;
	v34 =	vadd.s32 v24, v52;
	v36 =	vld [tilespmem:s14+$0x74B0]  }
0x5e: {  	v55 =	vmov s29  }
0x5f: {  	v37 =	vshrl.u32 v55, $0x3  }
0x60: {  	v37 =	vshll.u32 v37, v1  }
0x61: {  	v56 =	vbroadcast v37, $0x0;
	[tilespmem:v54+s23+$0x0] =	vst.idx.msk $0xffff, v33  }
0x62: {  	[tilespmem:v34+s23+$0x0] =	vst.idx.msk $0xffff, v36  }
0x63: {  	v57 =	vadd.s32 v25, v56;
	v34 =	vld [tilespmem:s14+$0x64C0]  }
0x64: {  	v37 =	vadd.s32 v26, v56;
	v36 =	vld [tilespmem:s14+$0x64D0];
	_ =	sdelay $0x3  }
0x65: {  	[tilespmem:v57+s23+$0x0] =	vst.idx.msk $0xffff, v34  }
0x66: {  	[tilespmem:v37+s23+$0x0] =	vst.idx.msk $0xffff, v36  }
0x67: {  	v58 =	vadd.s32 v27, v56;
	v34 =	vld [tilespmem:s14+$0x74C0]  }
0x68: {  	s30 =	simm.s32 $0x7;
	v33 =	vadd.s32 v28, v56;
	v36 =	vld [tilespmem:s14+$0x74D0]  }
0x69: {  	v59 =	vmov s30  }
0x6a: {  	v37 =	vshrl.u32 v59, $0x3  }
0x6b: {  	v37 =	vshll.u32 v37, v1  }
0x6c: {  	v60 =	vbroadcast v37, $0x0;
	[tilespmem:v58+s23+$0x0] =	vst.idx.msk $0xffff, v34  }
0x6d: {  	[tilespmem:v33+s23+$0x0] =	vst.idx.msk $0xffff, v36  }
0x6e: {  	v61 =	vadd.s32 v29, v60;
	v33 =	vld [tilespmem:s14+$0x64E0]  }
0x6f: {  	v37 =	vadd.s32 v30, v60;
	v36 =	vld [tilespmem:s14+$0x64F0];
	_ =	sdelay $0x3  }
0x70: {  	[tilespmem:v61+s23+$0x0] =	vst.idx.msk $0xffff, v33  }
0x71: {  	[tilespmem:v37+s23+$0x0] =	vst.idx.msk $0xffff, v36  }
0x72: {  	v62 =	vadd.s32 v31, v60;
	v36 =	vld [tilespmem:s14+$0x74E0]  }
0x73: {  	s18 =	simm.s32 $0x8;
	v35 =	vadd.s32 v32, v60;
	v34 =	vld [tilespmem:s14+$0x74F0]  }
0x74: {  	v63 =	vmov s18  }
0x75: {  	v33 =	vshrl.u32 v63, $0x3  }
0x76: {  	v33 =	vshll.u32 v33, v1  }
0x77: {  	s20 =	simm.s32 $0x800;
	s14 =	simm.s32 $0x100;
	v33 =	vbroadcast v33, $0x0;
	[tilespmem:v62+s23+$0x0] =	vst.idx.msk $0xffff, v36  }
.LBB2_2:
0x78: {  	s24 =	sshra.s32 s20, $0x2;
	p0 =	sne.s32 s20, $0x3C00;
	s20 =	sadd.s32 $0x400, s20;
	[tilespmem:v35+s23+$0x0] =	vst.idx.msk $0xffff, v34  }
0x79: {  	v34 =	vld [tilespmem:s14+$0x6400];
	v35 =	vadd.s32 v0, v33  }
0x7a: {  	v37 =	vadd.s32 v2, v33;
	v36 =	vld [tilespmem:s14+$0x6410];
	_ =	sdelay $0x3  }
0x7b: {  	[tilespmem:v35+s23+$0x0] =	vst.idx.msk $0xffff, v34  }
0x7c: {  	[tilespmem:v37+s23+$0x0] =	vst.idx.msk $0xffff, v36  }
0x7d: {  	v35 =	vadd.s32 v3, v33;
	v34 =	vld [tilespmem:s14+$0x7400]  }
0x7e: {  	s25 =	sadd.s32 $0x1, s18;
	v33 =	vadd.s32 v4, v33;
	v36 =	vld [tilespmem:s14+$0x7410]  }
0x7f: {  	v37 =	vmov s25  }
0x80: {  	v37 =	vshrl.u32 v37, $0x3  }
0x81: {  	v37 =	vshll.u32 v37, v1  }
0x82: {  	[tilespmem:v35+s23+$0x0] =	vst.idx.msk $0xffff, v34;
	v34 =	vbroadcast v37, $0x0  }
0x83: {  	[tilespmem:v33+s23+$0x0] =	vst.idx.msk $0xffff, v36  }
0x84: {  	v33 =	vld [tilespmem:s14+$0x6420];
	v35 =	vadd.s32 v5, v34  }
0x85: {  	v37 =	vadd.s32 v6, v34;
	v36 =	vld [tilespmem:s14+$0x6430];
	_ =	sdelay $0x3  }
0x86: {  	[tilespmem:v35+s23+$0x0] =	vst.idx.msk $0xffff, v33  }
0x87: {  	[tilespmem:v37+s23+$0x0] =	vst.idx.msk $0xffff, v36  }
0x88: {  	v35 =	vadd.s32 v7, v34;
	v33 =	vld [tilespmem:s14+$0x7420]  }
0x89: {  	s25 =	sadd.s32 $0x2, s18;
	v34 =	vadd.s32 v8, v34;
	v36 =	vld [tilespmem:s14+$0x7430]  }
0x8a: {  	v37 =	vmov s25  }
0x8b: {  	v37 =	vshrl.u32 v37, $0x3  }
0x8c: {  	v37 =	vshll.u32 v37, v1  }
0x8d: {  	[tilespmem:v35+s23+$0x0] =	vst.idx.msk $0xffff, v33;
	v33 =	vbroadcast v37, $0x0  }
0x8e: {  	[tilespmem:v34+s23+$0x0] =	vst.idx.msk $0xffff, v36  }
0x8f: {  	v34 =	vld [tilespmem:s14+$0x6440];
	v35 =	vadd.s32 v9, v33  }
0x90: {  	v37 =	vadd.s32 v10, v33;
	v36 =	vld [tilespmem:s14+$0x6450];
	_ =	sdelay $0x3  }
0x91: {  	[tilespmem:v35+s23+$0x0] =	vst.idx.msk $0xffff, v34  }
0x92: {  	[tilespmem:v37+s23+$0x0] =	vst.idx.msk $0xffff, v36  }
0x93: {  	v35 =	vadd.s32 v11, v33;
	v34 =	vld [tilespmem:s14+$0x7440]  }
0x94: {  	s25 =	sadd.s32 $0x3, s18;
	v33 =	vadd.s32 v12, v33;
	v36 =	vld [tilespmem:s14+$0x7450]  }
0x95: {  	v37 =	vmov s25  }
0x96: {  	v37 =	vshrl.u32 v37, $0x3  }
0x97: {  	v37 =	vshll.u32 v37, v1  }
0x98: {  	[tilespmem:v35+s23+$0x0] =	vst.idx.msk $0xffff, v34;
	v34 =	vbroadcast v37, $0x0  }
0x99: {  	[tilespmem:v33+s23+$0x0] =	vst.idx.msk $0xffff, v36  }
0x9a: {  	v33 =	vld [tilespmem:s14+$0x6460];
	v35 =	vadd.s32 v13, v34  }
0x9b: {  	v37 =	vadd.s32 v14, v34;
	v36 =	vld [tilespmem:s14+$0x6470];
	_ =	sdelay $0x3  }
0x9c: {  	[tilespmem:v35+s23+$0x0] =	vst.idx.msk $0xffff, v33  }
0x9d: {  	[tilespmem:v37+s23+$0x0] =	vst.idx.msk $0xffff, v36  }
0x9e: {  	v35 =	vadd.s32 v15, v34;
	v33 =	vld [tilespmem:s14+$0x7460]  }
0x9f: {  	s25 =	sadd.s32 $0x4, s18;
	v34 =	vadd.s32 v16, v34;
	v36 =	vld [tilespmem:s14+$0x7470]  }
0xa0: {  	v37 =	vmov s25  }
0xa1: {  	v37 =	vshrl.u32 v37, $0x3  }
0xa2: {  	v37 =	vshll.u32 v37, v1  }
0xa3: {  	[tilespmem:v35+s23+$0x0] =	vst.idx.msk $0xffff, v33;
	v33 =	vbroadcast v37, $0x0  }
0xa4: {  	[tilespmem:v34+s23+$0x0] =	vst.idx.msk $0xffff, v36  }
0xa5: {  	v34 =	vld [tilespmem:s14+$0x6480];
	v35 =	vadd.s32 v17, v33  }
0xa6: {  	v37 =	vadd.s32 v18, v33;
	v36 =	vld [tilespmem:s14+$0x6490];
	_ =	sdelay $0x3  }
0xa7: {  	[tilespmem:v35+s23+$0x0] =	vst.idx.msk $0xffff, v34  }
0xa8: {  	[tilespmem:v37+s23+$0x0] =	vst.idx.msk $0xffff, v36  }
0xa9: {  	v35 =	vadd.s32 v19, v33;
	v34 =	vld [tilespmem:s14+$0x7480]  }
0xaa: {  	s25 =	sadd.s32 $0x5, s18;
	v33 =	vadd.s32 v20, v33;
	v36 =	vld [tilespmem:s14+$0x7490]  }
0xab: {  	v37 =	vmov s25  }
0xac: {  	v37 =	vshrl.u32 v37, $0x3  }
0xad: {  	v37 =	vshll.u32 v37, v1  }
0xae: {  	[tilespmem:v35+s23+$0x0] =	vst.idx.msk $0xffff, v34;
	v34 =	vbroadcast v37, $0x0  }
0xaf: {  	[tilespmem:v33+s23+$0x0] =	vst.idx.msk $0xffff, v36  }
0xb0: {  	v33 =	vld [tilespmem:s14+$0x64A0];
	v35 =	vadd.s32 v21, v34  }
0xb1: {  	v37 =	vadd.s32 v22, v34;
	v36 =	vld [tilespmem:s14+$0x64B0];
	_ =	sdelay $0x3  }
0xb2: {  	[tilespmem:v35+s23+$0x0] =	vst.idx.msk $0xffff, v33  }
0xb3: {  	[tilespmem:v37+s23+$0x0] =	vst.idx.msk $0xffff, v36  }
0xb4: {  	v35 =	vadd.s32 v23, v34;
	v33 =	vld [tilespmem:s14+$0x74A0]  }
0xb5: {  	s25 =	sadd.s32 $0x6, s18;
	v34 =	vadd.s32 v24, v34;
	v36 =	vld [tilespmem:s14+$0x74B0]  }
0xb6: {  	v37 =	vmov s25  }
0xb7: {  	v37 =	vshrl.u32 v37, $0x3  }
0xb8: {  	v37 =	vshll.u32 v37, v1  }
0xb9: {  	[tilespmem:v35+s23+$0x0] =	vst.idx.msk $0xffff, v33;
	v33 =	vbroadcast v37, $0x0  }
0xba: {  	[tilespmem:v34+s23+$0x0] =	vst.idx.msk $0xffff, v36  }
0xbb: {  	v34 =	vld [tilespmem:s14+$0x64C0];
	v35 =	vadd.s32 v25, v33  }
0xbc: {  	v37 =	vadd.s32 v26, v33;
	v36 =	vld [tilespmem:s14+$0x64D0];
	_ =	sdelay $0x3  }
0xbd: {  	[tilespmem:v35+s23+$0x0] =	vst.idx.msk $0xffff, v34  }
0xbe: {  	[tilespmem:v37+s23+$0x0] =	vst.idx.msk $0xffff, v36  }
0xbf: {  	v35 =	vadd.s32 v27, v33;
	v34 =	vld [tilespmem:s14+$0x74C0]  }
0xc0: {  	s25 =	sadd.s32 $0x7, s18;
	v33 =	vadd.s32 v28, v33;
	v36 =	vld [tilespmem:s14+$0x74D0]  }
0xc1: {  	v37 =	vmov s25  }
0xc2: {  	v37 =	vshrl.u32 v37, $0x3  }
0xc3: {  	v37 =	vshll.u32 v37, v1  }
0xc4: {  	[tilespmem:v35+s23+$0x0] =	vst.idx.msk $0xffff, v34;
	v35 =	vbroadcast v37, $0x0  }
0xc5: {  	[tilespmem:v33+s23+$0x0] =	vst.idx.msk $0xffff, v36  }
0xc6: {  	v33 =	vld [tilespmem:s14+$0x64E0];
	v34 =	vadd.s32 v29, v35  }
0xc7: {  	v37 =	vadd.s32 v30, v35;
	v36 =	vld [tilespmem:s14+$0x64F0];
	_ =	sdelay $0x3  }
0xc8: {  	[tilespmem:v34+s23+$0x0] =	vst.idx.msk $0xffff, v33  }
0xc9: {  	[tilespmem:v37+s23+$0x0] =	vst.idx.msk $0xffff, v36  }
0xca: {  	v37 =	vadd.s32 v31, v35;
	v36 =	vld [tilespmem:s14+$0x74E0]  }
.Ltmp0:
0xcb: {  	s18 =	sadd.s32 $0x8, s18;
	v35 =	vadd.s32 v32, v35;
	v34 =	vld [tilespmem:s14+$0x74F0];
	s14 =	smov.u32 s24;
	(pc) =	sbr.rel @p0 .LBB2_2-.Ltmp0, $4  }
0xcc: {  	v33 =	vmov s18  }
0xcd: {  	v33 =	vshrl.u32 v33, $0x3  }
0xce: {  	v33 =	vshll.u32 v33, v1  }
0xcf: {  	v33 =	vbroadcast v33, $0x0;
	[tilespmem:v37+s23+$0x0] =	vst.idx.msk $0xffff, v36  }
0xd0: {  	_ =	sdelay $0x3  }
0xd1: {  	[tilespmem:v35+s23+$0x0] =	vst.idx.msk $0xffff, v34  }
0xd2: {  	v34 =	vld [tilespmem:s14+$0x6400];
	v57 =	vadd.s32 v0, v33  }
0xd3: {  	v36 =	vld [tilespmem:s14+$0x6410];
	v37 =	vadd.s32 v2, v33;
	_ =	sdelay $0x3  }
0xd4: {  	[tilespmem:v57+s23+$0x0] =	vst.idx.msk $0xffff, v34  }
0xd5: {  	[tilespmem:v37+s23+$0x0] =	vst.idx.msk $0xffff, v36  }
0xd6: {  	v58 =	vadd.s32 v3, v33;
	v34 =	vld [tilespmem:s14+$0x7400]  }
0xd7: {  	s20 =	sadd.s32 $0x1, s18;
	v59 =	vadd.s32 v4, v33;
	v36 =	vld [tilespmem:s14+$0x7410]  }
0xd8: {  	v60 =	vmov s20  }
0xd9: {  	v37 =	vshrl.u32 v60, $0x3  }
0xda: {  	v37 =	vshll.u32 v37, v1  }
0xdb: {  	v61 =	vbroadcast v37, $0x0;
	[tilespmem:v58+s23+$0x0] =	vst.idx.msk $0xffff, v34  }
0xdc: {  	[tilespmem:v59+s23+$0x0] =	vst.idx.msk $0xffff, v36  }
0xdd: {  	v62 =	vadd.s32 v5, v61;
	v33 =	vld [tilespmem:s14+$0x6420]  }
0xde: {  	v37 =	vadd.s32 v6, v61;
	v36 =	vld [tilespmem:s14+$0x6430];
	_ =	sdelay $0x3  }
0xdf: {  	[tilespmem:v62+s23+$0x0] =	vst.idx.msk $0xffff, v33  }
0xe0: {  	[tilespmem:v37+s23+$0x0] =	vst.idx.msk $0xffff, v36  }
0xe1: {  	v63 =	vadd.s32 v7, v61;
	v33 =	vld [tilespmem:s14+$0x7420]  }
0xe2: {  	s24 =	sadd.s32 $0x2, s18;
	v34 =	vadd.s32 v8, v61;
	v36 =	vld [tilespmem:s14+$0x7430]  }
0xe3: {  	v40 =	vmov s24  }
0xe4: {  	v37 =	vshrl.u32 v40, $0x3  }
0xe5: {  	v37 =	vshll.u32 v37, v1  }
0xe6: {  	v41 =	vbroadcast v37, $0x0;
	[tilespmem:v63+s23+$0x0] =	vst.idx.msk $0xffff, v33  }
0xe7: {  	[tilespmem:v34+s23+$0x0] =	vst.idx.msk $0xffff, v36  }
0xe8: {  	v42 =	vadd.s32 v9, v41;
	v34 =	vld [tilespmem:s14+$0x6440]  }
0xe9: {  	v37 =	vadd.s32 v10, v41;
	v36 =	vld [tilespmem:s14+$0x6450];
	_ =	sdelay $0x3  }
0xea: {  	[tilespmem:v42+s23+$0x0] =	vst.idx.msk $0xffff, v34  }
0xeb: {  	[tilespmem:v37+s23+$0x0] =	vst.idx.msk $0xffff, v36  }
0xec: {  	v43 =	vadd.s32 v11, v41;
	v34 =	vld [tilespmem:s14+$0x7440]  }
0xed: {  	s25 =	sadd.s32 $0x3, s18;
	v33 =	vadd.s32 v12, v41;
	v36 =	vld [tilespmem:s14+$0x7450]  }
0xee: {  	v44 =	vmov s25  }
0xef: {  	v37 =	vshrl.u32 v44, $0x3  }
0xf0: {  	v37 =	vshll.u32 v37, v1  }
0xf1: {  	v45 =	vbroadcast v37, $0x0;
	[tilespmem:v43+s23+$0x0] =	vst.idx.msk $0xffff, v34  }
0xf2: {  	[tilespmem:v33+s23+$0x0] =	vst.idx.msk $0xffff, v36  }
0xf3: {  	v46 =	vadd.s32 v13, v45;
	v33 =	vld [tilespmem:s14+$0x6460]  }
0xf4: {  	v37 =	vadd.s32 v14, v45;
	v36 =	vld [tilespmem:s14+$0x6470];
	_ =	sdelay $0x3  }
0xf5: {  	[tilespmem:v46+s23+$0x0] =	vst.idx.msk $0xffff, v33  }
0xf6: {  	[tilespmem:v37+s23+$0x0] =	vst.idx.msk $0xffff, v36  }
0xf7: {  	v47 =	vadd.s32 v15, v45;
	v33 =	vld [tilespmem:s14+$0x7460]  }
0xf8: {  	s29 =	sadd.s32 $0x4, s18;
	v34 =	vadd.s32 v16, v45;
	v36 =	vld [tilespmem:s14+$0x7470]  }
0xf9: {  	v48 =	vmov s29  }
0xfa: {  	v37 =	vshrl.u32 v48, $0x3  }
0xfb: {  	v37 =	vshll.u32 v37, v1  }
0xfc: {  	v49 =	vbroadcast v37, $0x0;
	[tilespmem:v47+s23+$0x0] =	vst.idx.msk $0xffff, v33  }
0xfd: {  	[tilespmem:v34+s23+$0x0] =	vst.idx.msk $0xffff, v36  }
0xfe: {  	v50 =	vadd.s32 v17, v49;
	v34 =	vld [tilespmem:s14+$0x6480]  }
0xff: {  	v37 =	vadd.s32 v18, v49;
	v36 =	vld [tilespmem:s14+$0x6490];
	_ =	sdelay $0x3  }
0x100: {  	[tilespmem:v50+s23+$0x0] =	vst.idx.msk $0xffff, v34  }
0x101: {  	[tilespmem:v37+s23+$0x0] =	vst.idx.msk $0xffff, v36  }
0x102: {  	v51 =	vadd.s32 v19, v49;
	v34 =	vld [tilespmem:s14+$0x7480]  }
0x103: {  	s30 =	sadd.s32 $0x5, s18;
	v33 =	vadd.s32 v20, v49;
	v36 =	vld [tilespmem:s14+$0x7490]  }
0x104: {  	v52 =	vmov s30  }
0x105: {  	v37 =	vshrl.u32 v52, $0x3  }
0x106: {  	v37 =	vshll.u32 v37, v1  }
0x107: {  	v53 =	vbroadcast v37, $0x0;
	[tilespmem:v51+s23+$0x0] =	vst.idx.msk $0xffff, v34  }
0x108: {  	[tilespmem:v33+s23+$0x0] =	vst.idx.msk $0xffff, v36  }
0x109: {  	v54 =	vadd.s32 v21, v53;
	v33 =	vld [tilespmem:s14+$0x64A0]  }
0x10a: {  	v37 =	vadd.s32 v22, v53;
	v36 =	vld [tilespmem:s14+$0x64B0];
	_ =	sdelay $0x3  }
0x10b: {  	[tilespmem:v54+s23+$0x0] =	vst.idx.msk $0xffff, v33  }
0x10c: {  	[tilespmem:v37+s23+$0x0] =	vst.idx.msk $0xffff, v36  }
0x10d: {  	v55 =	vadd.s32 v23, v53;
	v33 =	vld [tilespmem:s14+$0x74A0]  }
0x10e: {  	s6 =	sadd.s32 $0x6, s18;
	v34 =	vadd.s32 v24, v53;
	v36 =	vld [tilespmem:s14+$0x74B0]  }
0x10f: {  	v56 =	vmov s6  }
0x110: {  	v37 =	vshrl.u32 v56, $0x3  }
0x111: {  	v37 =	vshll.u32 v37, v1  }
0x112: {  	v57 =	vbroadcast v37, $0x0;
	[tilespmem:v55+s23+$0x0] =	vst.idx.msk $0xffff, v33  }
0x113: {  	[tilespmem:v34+s23+$0x0] =	vst.idx.msk $0xffff, v36  }
0x114: {  	v58 =	vadd.s32 v25, v57;
	v34 =	vld [tilespmem:s14+$0x64C0]  }
0x115: {  	v37 =	vadd.s32 v26, v57;
	v36 =	vld [tilespmem:s14+$0x64D0];
	_ =	sdelay $0x3  }
0x116: {  	[tilespmem:v58+s23+$0x0] =	vst.idx.msk $0xffff, v34  }
0x117: {  	[tilespmem:v37+s23+$0x0] =	vst.idx.msk $0xffff, v36  }
0x118: {  	v59 =	vadd.s32 v27, v57;
	v34 =	vld [tilespmem:s14+$0x74C0]  }
0x119: {  	s12 =	sadd.s32 $0x7, s18;
	v33 =	vadd.s32 v28, v57;
	v36 =	vld [tilespmem:s14+$0x74D0]  }
0x11a: {  	v60 =	vmov s12  }
0x11b: {  	v37 =	vshrl.u32 v60, $0x3  }
0x11c: {  	v37 =	vshll.u32 v37, v1  }
0x11d: {  	v61 =	vbroadcast v37, $0x0;
	[tilespmem:v59+s23+$0x0] =	vst.idx.msk $0xffff, v34  }
0x11e: {  	[tilespmem:v33+s23+$0x0] =	vst.idx.msk $0xffff, v36  }
0x11f: {  	v62 =	vadd.s32 v29, v61;
	v33 =	vld [tilespmem:s14+$0x64E0]  }
0x120: {  	v37 =	vadd.s32 v30, v61;
	v36 =	vld [tilespmem:s14+$0x64F0];
	_ =	sdelay $0x3  }
0x121: {  	[tilespmem:v62+s23+$0x0] =	vst.idx.msk $0xffff, v33  }
0x122: {  	[tilespmem:v37+s23+$0x0] =	vst.idx.msk $0xffff, v36  }
0x123: {  	v63 =	vadd.s32 v31, v61;
	v33 =	vld [tilespmem:s14+$0x74E0]  }
0x124: {  	v34 =	vadd.s32 v32, v61;
	v36 =	vld [tilespmem:s14+$0x74F0];
	_ =	sdelay $0x3  }
0x125: {  	[tilespmem:v63+s23+$0x0] =	vst.idx.msk $0xffff, v33  }
0x126: {  	s20 =	simm.s32 $0xA400;
	[tilespmem:v34+s23+$0x0] =	vst.idx.msk $0xffff, v36  }
0x127: {  	[hbm4b:s7+s3] =	stream.linear.scatter [tilespmem:s20], [sflag:$0x3], $0x80, $0x38;
	[tilespmem:$0xE800] =	vst v63  }
0x128: {  	s24 =	simm.s32 $0xA488;
	s25 =	sadd.s32 $0x10, s7  }
0x129: {  	[hbm4b:s25+s3] =	stream.linear.scatter [tilespmem:s24], [sflag:$0x3], $0x80, $0x38;
	[tilespmem:$0xE800] =	vst v63  }
0x12a: {  	s18 =	simm.s32 $0xA620;
	s29 =	simm.s32 $0xA510;
	s30 =	sadd.s32 $0x20, s7  }
0x12b: {  	[hbm4b:s30+s3] =	stream.linear.scatter [tilespmem:s29], [sflag:$0x3], $0x80, $0x38;
	[tilespmem:$0xE800] =	vst v63  }
0x12c: {  	s6 =	simm.s32 $0xA598;
	s12 =	sadd.s32 $0x30, s7;
	s14 =	simm.s32 $0x440  }
0x12d: {  	[hbm4b:s12+s3] =	stream.linear.scatter [tilespmem:s6], [sflag:$0x3], $0x80, $0x38;
	[tilespmem:$0xE800] =	vst v63  }
0x12e: {  	s20 =	sadd.s32 $0x40, s7;
	s24 =	simm.s32 $0xA6A8;
	s25 =	sadd.s32 $0x50, s7  }
0x12f: {  	[hbm4b:s20+s3] =	stream.linear.scatter [tilespmem:s18], [sflag:$0x3], $0x80, $0x38;
	[tilespmem:$0xE800] =	vst v63  }
0x130: {  	s29 =	simm.s32 $0xA730;
	s30 =	sadd.s32 $0x60, s7;
	s20 =	simm.s32 $0x2200  }
0x131: {  	[hbm4b:s25+s3] =	stream.linear.scatter [tilespmem:s24], [sflag:$0x3], $0x80, $0x38;
	[tilespmem:$0xE800] =	vst v63  }
0x132: {  	s18 =	sadd.s32 $0x1000, s7;
	s24 =	simm.s32 $0xA7B8;
	s25 =	sadd.s32 $0x70, s7  }
0x133: {  	[hbm4b:s30+s3] =	stream.linear.scatter [tilespmem:s29], [sflag:$0x3], $0x80, $0x38;
	[tilespmem:$0xE800] =	vst v63  }
.LBB2_4:
0x134: {  	[hbm4b:s25+s3] =	stream.linear.scatter [tilespmem:s24], [sflag:$0x3], $0x80, $0x38;
	[tilespmem:$0xE800] =	vst v63  }
0x135: {  	s24 =	smov.u32 s14;
	s14 =	smov.u32 s20  }
0x136: {  	s29 =	sadd.s32 $0x1100, s20;
	s14 =	sshra.s32 s14, $0x2;
	s25 =	sadd.s32 $0xA400, s24  }
0x137: {  	[hbm4b:s18+s3] =	stream.linear.scatter [tilespmem:s25], [sflag:$0x3], $0x80, $0x38;
	[tilespmem:$0xE800] =	vst v63  }
0x138: {  	p0 =	sne.s32 s20, $0x7700;
	s20 =	sadd.s32 $0xA488, s24;
	s25 =	sadd.s32 $0x10, s18  }
0x139: {  	[hbm4b:s25+s3] =	stream.linear.scatter [tilespmem:s20], [sflag:$0x3], $0x80, $0x38;
	[tilespmem:$0xE800] =	vst v63  }
0x13a: {  	s20 =	sadd.s32 $0xA510, s24;
	s25 =	sadd.s32 $0x20, s18  }
0x13b: {  	[hbm4b:s25+s3] =	stream.linear.scatter [tilespmem:s20], [sflag:$0x3], $0x80, $0x38;
	[tilespmem:$0xE800] =	vst v63  }
0x13c: {  	s20 =	sadd.s32 $0xA598, s24;
	s25 =	sadd.s32 $0x30, s18  }
0x13d: {  	[hbm4b:s25+s3] =	stream.linear.scatter [tilespmem:s20], [sflag:$0x3], $0x80, $0x38;
	[tilespmem:$0xE800] =	vst v63  }
0x13e: {  	s20 =	sadd.s32 $0xA620, s24;
	s25 =	sadd.s32 $0x40, s18  }
0x13f: {  	[hbm4b:s25+s3] =	stream.linear.scatter [tilespmem:s20], [sflag:$0x3], $0x80, $0x38;
	[tilespmem:$0xE800] =	vst v63  }
.Ltmp1:
0x140: {  	s20 =	sadd.s32 $0xA6A8, s24;
	s25 =	sadd.s32 $0x50, s18;
	(pc) =	sbr.rel @p0 .LBB2_4-.Ltmp1, $4  }
0x141: {  	[hbm4b:s25+s3] =	stream.linear.scatter [tilespmem:s20], [sflag:$0x3], $0x80, $0x38;
	[tilespmem:$0xE800] =	vst v63  }
0x142: {  	s20 =	sadd.s32 $0xA730, s24;
	s25 =	sadd.s32 $0x60, s18;
	s24 =	sadd.s32 $0xA7B8, s24  }
0x143: {  	[hbm4b:s25+s3] =	stream.linear.scatter [tilespmem:s20], [sflag:$0x3], $0x80, $0x38;
	[tilespmem:$0xE800] =	vst v63  }
0x144: {  	s25 =	sadd.s32 $0x70, s18;
	s18 =	sadd.s32 $0x1000, s18;
	s20 =	smov.u32 s29  }
0x145: {  	[hbm4b:s25+s3] =	stream.linear.scatter [tilespmem:s24], [sflag:$0x3], $0x80, $0x38;
	[tilespmem:$0xE800] =	vst v63  }
0x146: {  	s20 =	sadd.s32 $0xA400, s14  }
0x147: {  	[hbm4b:s18+s3] =	stream.linear.scatter [tilespmem:s20], [sflag:$0x3], $0x80, $0x38;
	[tilespmem:$0xE800] =	vst v63  }
0x148: {  	s24 =	sadd.s32 $0xA488, s14;
	s25 =	sadd.s32 $0x10, s18  }
0x149: {  	[hbm4b:s25+s3] =	stream.linear.scatter [tilespmem:s24], [sflag:$0x3], $0x80, $0x38;
	[tilespmem:$0xE800] =	vst v63  }
0x14a: {  	s29 =	sadd.s32 $0xA510, s14;
	s30 =	sadd.s32 $0x20, s18  }
0x14b: {  	[hbm4b:s30+s3] =	stream.linear.scatter [tilespmem:s29], [sflag:$0x3], $0x80, $0x38;
	[tilespmem:$0xE800] =	vst v63  }
0x14c: {  	s6 =	sadd.s32 $0xA598, s14;
	s12 =	sadd.s32 $0x30, s18  }
0x14d: {  	[hbm4b:s12+s3] =	stream.linear.scatter [tilespmem:s6], [sflag:$0x3], $0x80, $0x38;
	[tilespmem:$0xE800] =	vst v63  }
0x14e: {  	s24 =	sadd.s32 $0xA620, s14;
	s25 =	sadd.s32 $0x40, s18  }
0x14f: {  	[hbm4b:s25+s3] =	stream.linear.scatter [tilespmem:s24], [sflag:$0x3], $0x80, $0x38;
	[tilespmem:$0xE800] =	vst v63  }
0x150: {  	s29 =	sadd.s32 $0xA6A8, s14;
	s30 =	sadd.s32 $0x50, s18  }
0x151: {  	[hbm4b:s30+s3] =	stream.linear.scatter [tilespmem:s29], [sflag:$0x3], $0x80, $0x38;
	[tilespmem:$0xE800] =	vst v63  }
0x152: {  	s6 =	sadd.s32 $0xA730, s14;
	s12 =	sadd.s32 $0x60, s18  }
0x153: {  	[hbm4b:s12+s3] =	stream.linear.scatter [tilespmem:s6], [sflag:$0x3], $0x80, $0x38;
	[tilespmem:$0xE800] =	vst v63  }
0x154: {  	s24 =	sadd.s32 $0xA7B8, s14;
	s25 =	sadd.s32 $0x70, s18  }
0x155: {  	[hbm4b:s25+s3] =	stream.linear.scatter [tilespmem:s24], [sflag:$0x3], $0x80, $0x38;
	[tilespmem:$0xE800] =	vst v63  }
0x156: {  	s6 =	simm.s32 $0x200  }
0x157: {  	[tilespmem:s16], [sflag:$0x1] =	stream.indirect.gather [hbm4b:s4+s13], $0x20, s6, s13, $0xb8;
	[tilespmem:$0xE800] =	vst v63  }
0x158: {  	s29 =	simm.s32 $0x280  }
0x159: {  	[tilespmem:s17], [sflag:$0x1] =	stream.indirect.gather [hbm4b:s4+s13], $0x20, s29, s13, $0xb8;
	[tilespmem:$0xE800] =	vst v63  }
0x15a: {  	s30 =	simm.s32 $0x0;
	_ =	swait.ge [sflag:s26], $0x1000  }
0x15b: {  	v33 =	vmov s30;
	[sflag:s26] =	ssyncset.done $0x0  }
0x15c: {  	v33 =	vshrl.u32 v33, $0x3;
	[sflag:s26] =	ssyncadd.s32 $0xFFFFF000  }
0x15d: {  	v33 =	vshll.u32 v33, v1;
	_ =	swait.ge [sflag:s26], $0x1000  }
0x15e: {  	v33 =	vbroadcast v33, $0x0;
	[sflag:s26] =	ssyncset.done $0x0  }
0x15f: {  	s14 =	simm.s32 $0x0;
	[sflag:s26] =	ssyncadd.s32 $0xFFFFF000  }
0x160: {  	v35 =	vadd.s32 v0, v33;
	v34 =	vld [tilespmem:s14+$0x8400]  }
0x161: {  	v37 =	vadd.s32 v2, v33;
	v36 =	vld [tilespmem:s14+$0x8410];
	_ =	sdelay $0x3  }
0x162: {  	[tilespmem:v35+s28+$0x0] =	vst.idx.msk $0xffff, v34  }
0x163: {  	[tilespmem:v37+s28+$0x0] =	vst.idx.msk $0xffff, v36  }
0x164: {  	v58 =	vadd.s32 v3, v33;
	v34 =	vld [tilespmem:s14+$0x9400]  }
0x165: {  	v33 =	vadd.s32 v4, v33;
	s6 =	simm.s32 $0x1;
	v36 =	vld [tilespmem:s14+$0x9410]  }
0x166: {  	v59 =	vmov s6  }
0x167: {  	v37 =	vshrl.u32 v59, $0x3  }
0x168: {  	v37 =	vshll.u32 v37, v1  }
0x169: {  	v60 =	vbroadcast v37, $0x0;
	[tilespmem:v58+s28+$0x0] =	vst.idx.msk $0xffff, v34  }
0x16a: {  	[tilespmem:v33+s28+$0x0] =	vst.idx.msk $0xffff, v36  }
0x16b: {  	v61 =	vadd.s32 v5, v60;
	v33 =	vld [tilespmem:s14+$0x8420]  }
0x16c: {  	v37 =	vadd.s32 v6, v60;
	v36 =	vld [tilespmem:s14+$0x8430];
	_ =	sdelay $0x3  }
0x16d: {  	[tilespmem:v61+s28+$0x0] =	vst.idx.msk $0xffff, v33  }
0x16e: {  	[tilespmem:v37+s28+$0x0] =	vst.idx.msk $0xffff, v36  }
0x16f: {  	v62 =	vadd.s32 v7, v60;
	v33 =	vld [tilespmem:s14+$0x9420]  }
0x170: {  	s12 =	simm.s32 $0x2;
	v34 =	vadd.s32 v8, v60;
	v36 =	vld [tilespmem:s14+$0x9430]  }
0x171: {  	v63 =	vmov s12  }
0x172: {  	v37 =	vshrl.u32 v63, $0x3  }
0x173: {  	v37 =	vshll.u32 v37, v1  }
0x174: {  	v40 =	vbroadcast v37, $0x0;
	[tilespmem:v62+s28+$0x0] =	vst.idx.msk $0xffff, v33  }
0x175: {  	[tilespmem:v34+s28+$0x0] =	vst.idx.msk $0xffff, v36  }
0x176: {  	v41 =	vadd.s32 v9, v40;
	v34 =	vld [tilespmem:s14+$0x8440]  }
0x177: {  	v37 =	vadd.s32 v10, v40;
	v36 =	vld [tilespmem:s14+$0x8450];
	_ =	sdelay $0x3  }
0x178: {  	[tilespmem:v41+s28+$0x0] =	vst.idx.msk $0xffff, v34  }
0x179: {  	[tilespmem:v37+s28+$0x0] =	vst.idx.msk $0xffff, v36  }
0x17a: {  	v42 =	vadd.s32 v11, v40;
	v34 =	vld [tilespmem:s14+$0x9440]  }
0x17b: {  	s20 =	simm.s32 $0x3;
	v33 =	vadd.s32 v12, v40;
	v36 =	vld [tilespmem:s14+$0x9450]  }
0x17c: {  	v43 =	vmov s20  }
0x17d: {  	v37 =	vshrl.u32 v43, $0x3  }
0x17e: {  	v37 =	vshll.u32 v37, v1  }
0x17f: {  	v44 =	vbroadcast v37, $0x0;
	[tilespmem:v42+s28+$0x0] =	vst.idx.msk $0xffff, v34  }
0x180: {  	[tilespmem:v33+s28+$0x0] =	vst.idx.msk $0xffff, v36  }
0x181: {  	v45 =	vadd.s32 v13, v44;
	v33 =	vld [tilespmem:s14+$0x8460]  }
0x182: {  	v37 =	vadd.s32 v14, v44;
	v36 =	vld [tilespmem:s14+$0x8470];
	_ =	sdelay $0x3  }
0x183: {  	[tilespmem:v45+s28+$0x0] =	vst.idx.msk $0xffff, v33  }
0x184: {  	[tilespmem:v37+s28+$0x0] =	vst.idx.msk $0xffff, v36  }
0x185: {  	v46 =	vadd.s32 v15, v44;
	v33 =	vld [tilespmem:s14+$0x9460]  }
0x186: {  	s24 =	simm.s32 $0x4;
	v34 =	vadd.s32 v16, v44;
	v36 =	vld [tilespmem:s14+$0x9470]  }
0x187: {  	v47 =	vmov s24  }
0x188: {  	v37 =	vshrl.u32 v47, $0x3  }
0x189: {  	v37 =	vshll.u32 v37, v1  }
0x18a: {  	v48 =	vbroadcast v37, $0x0;
	[tilespmem:v46+s28+$0x0] =	vst.idx.msk $0xffff, v33  }
0x18b: {  	[tilespmem:v34+s28+$0x0] =	vst.idx.msk $0xffff, v36  }
0x18c: {  	v49 =	vadd.s32 v17, v48;
	v34 =	vld [tilespmem:s14+$0x8480]  }
0x18d: {  	v37 =	vadd.s32 v18, v48;
	v36 =	vld [tilespmem:s14+$0x8490];
	_ =	sdelay $0x3  }
0x18e: {  	[tilespmem:v49+s28+$0x0] =	vst.idx.msk $0xffff, v34  }
0x18f: {  	[tilespmem:v37+s28+$0x0] =	vst.idx.msk $0xffff, v36  }
0x190: {  	v50 =	vadd.s32 v19, v48;
	v34 =	vld [tilespmem:s14+$0x9480]  }
0x191: {  	s25 =	simm.s32 $0x5;
	v33 =	vadd.s32 v20, v48;
	v36 =	vld [tilespmem:s14+$0x9490]  }
0x192: {  	v51 =	vmov s25  }
0x193: {  	v37 =	vshrl.u32 v51, $0x3  }
0x194: {  	v37 =	vshll.u32 v37, v1  }
0x195: {  	v52 =	vbroadcast v37, $0x0;
	[tilespmem:v50+s28+$0x0] =	vst.idx.msk $0xffff, v34  }
0x196: {  	[tilespmem:v33+s28+$0x0] =	vst.idx.msk $0xffff, v36  }
0x197: {  	v53 =	vadd.s32 v21, v52;
	v33 =	vld [tilespmem:s14+$0x84A0]  }
0x198: {  	v37 =	vadd.s32 v22, v52;
	v36 =	vld [tilespmem:s14+$0x84B0];
	_ =	sdelay $0x3  }
0x199: {  	[tilespmem:v53+s28+$0x0] =	vst.idx.msk $0xffff, v33  }
0x19a: {  	[tilespmem:v37+s28+$0x0] =	vst.idx.msk $0xffff, v36  }
0x19b: {  	v54 =	vadd.s32 v23, v52;
	v33 =	vld [tilespmem:s14+$0x94A0]  }
0x19c: {  	s29 =	simm.s32 $0x6;
	v34 =	vadd.s32 v24, v52;
	v36 =	vld [tilespmem:s14+$0x94B0]  }
0x19d: {  	v55 =	vmov s29  }
0x19e: {  	v37 =	vshrl.u32 v55, $0x3  }
0x19f: {  	v37 =	vshll.u32 v37, v1  }
0x1a0: {  	v56 =	vbroadcast v37, $0x0;
	[tilespmem:v54+s28+$0x0] =	vst.idx.msk $0xffff, v33  }
0x1a1: {  	[tilespmem:v34+s28+$0x0] =	vst.idx.msk $0xffff, v36  }
0x1a2: {  	v57 =	vadd.s32 v25, v56;
	v34 =	vld [tilespmem:s14+$0x84C0]  }
0x1a3: {  	v37 =	vadd.s32 v26, v56;
	v36 =	vld [tilespmem:s14+$0x84D0];
	_ =	sdelay $0x3  }
0x1a4: {  	[tilespmem:v57+s28+$0x0] =	vst.idx.msk $0xffff, v34  }
0x1a5: {  	[tilespmem:v37+s28+$0x0] =	vst.idx.msk $0xffff, v36  }
0x1a6: {  	v58 =	vadd.s32 v27, v56;
	v34 =	vld [tilespmem:s14+$0x94C0]  }
0x1a7: {  	s30 =	simm.s32 $0x7;
	v33 =	vadd.s32 v28, v56;
	v36 =	vld [tilespmem:s14+$0x94D0]  }
0x1a8: {  	v59 =	vmov s30  }
0x1a9: {  	v37 =	vshrl.u32 v59, $0x3  }
0x1aa: {  	v37 =	vshll.u32 v37, v1  }
0x1ab: {  	v60 =	vbroadcast v37, $0x0;
	[tilespmem:v58+s28+$0x0] =	vst.idx.msk $0xffff, v34  }
0x1ac: {  	[tilespmem:v33+s28+$0x0] =	vst.idx.msk $0xffff, v36  }
0x1ad: {  	v61 =	vadd.s32 v29, v60;
	v33 =	vld [tilespmem:s14+$0x84E0]  }
0x1ae: {  	v37 =	vadd.s32 v30, v60;
	v36 =	vld [tilespmem:s14+$0x84F0];
	_ =	sdelay $0x3  }
0x1af: {  	[tilespmem:v61+s28+$0x0] =	vst.idx.msk $0xffff, v33  }
0x1b0: {  	[tilespmem:v37+s28+$0x0] =	vst.idx.msk $0xffff, v36  }
0x1b1: {  	v62 =	vadd.s32 v31, v60;
	v36 =	vld [tilespmem:s14+$0x94E0]  }
0x1b2: {  	s18 =	simm.s32 $0x8;
	v35 =	vadd.s32 v32, v60;
	v34 =	vld [tilespmem:s14+$0x94F0]  }
0x1b3: {  	v63 =	vmov s18  }
0x1b4: {  	v33 =	vshrl.u32 v63, $0x3  }
0x1b5: {  	v33 =	vshll.u32 v33, v1  }
0x1b6: {  	s20 =	simm.s32 $0x800;
	s14 =	simm.s32 $0x100;
	v33 =	vbroadcast v33, $0x0;
	[tilespmem:v62+s28+$0x0] =	vst.idx.msk $0xffff, v36  }
.LBB2_6:
0x1b7: {  	s24 =	sshra.s32 s20, $0x2;
	p0 =	sne.s32 s20, $0x3C00;
	s20 =	sadd.s32 $0x400, s20;
	[tilespmem:v35+s28+$0x0] =	vst.idx.msk $0xffff, v34  }
0x1b8: {  	v34 =	vld [tilespmem:s14+$0x8400];
	v35 =	vadd.s32 v0, v33  }
0x1b9: {  	v37 =	vadd.s32 v2, v33;
	v36 =	vld [tilespmem:s14+$0x8410];
	_ =	sdelay $0x3  }
0x1ba: {  	[tilespmem:v35+s28+$0x0] =	vst.idx.msk $0xffff, v34  }
0x1bb: {  	[tilespmem:v37+s28+$0x0] =	vst.idx.msk $0xffff, v36  }
0x1bc: {  	v35 =	vadd.s32 v3, v33;
	v34 =	vld [tilespmem:s14+$0x9400]  }
0x1bd: {  	s25 =	sadd.s32 $0x1, s18;
	v33 =	vadd.s32 v4, v33;
	v36 =	vld [tilespmem:s14+$0x9410]  }
0x1be: {  	v37 =	vmov s25  }
0x1bf: {  	v37 =	vshrl.u32 v37, $0x3  }
0x1c0: {  	v37 =	vshll.u32 v37, v1  }
0x1c1: {  	[tilespmem:v35+s28+$0x0] =	vst.idx.msk $0xffff, v34;
	v34 =	vbroadcast v37, $0x0  }
0x1c2: {  	[tilespmem:v33+s28+$0x0] =	vst.idx.msk $0xffff, v36  }
0x1c3: {  	v33 =	vld [tilespmem:s14+$0x8420];
	v35 =	vadd.s32 v5, v34  }
0x1c4: {  	v37 =	vadd.s32 v6, v34;
	v36 =	vld [tilespmem:s14+$0x8430];
	_ =	sdelay $0x3  }
0x1c5: {  	[tilespmem:v35+s28+$0x0] =	vst.idx.msk $0xffff, v33  }
0x1c6: {  	[tilespmem:v37+s28+$0x0] =	vst.idx.msk $0xffff, v36  }
0x1c7: {  	v35 =	vadd.s32 v7, v34;
	v33 =	vld [tilespmem:s14+$0x9420]  }
0x1c8: {  	s25 =	sadd.s32 $0x2, s18;
	v34 =	vadd.s32 v8, v34;
	v36 =	vld [tilespmem:s14+$0x9430]  }
0x1c9: {  	v37 =	vmov s25  }
0x1ca: {  	v37 =	vshrl.u32 v37, $0x3  }
0x1cb: {  	v37 =	vshll.u32 v37, v1  }
0x1cc: {  	[tilespmem:v35+s28+$0x0] =	vst.idx.msk $0xffff, v33;
	v33 =	vbroadcast v37, $0x0  }
0x1cd: {  	[tilespmem:v34+s28+$0x0] =	vst.idx.msk $0xffff, v36  }
0x1ce: {  	v34 =	vld [tilespmem:s14+$0x8440];
	v35 =	vadd.s32 v9, v33  }
0x1cf: {  	v37 =	vadd.s32 v10, v33;
	v36 =	vld [tilespmem:s14+$0x8450];
	_ =	sdelay $0x3  }
0x1d0: {  	[tilespmem:v35+s28+$0x0] =	vst.idx.msk $0xffff, v34  }
0x1d1: {  	[tilespmem:v37+s28+$0x0] =	vst.idx.msk $0xffff, v36  }
0x1d2: {  	v35 =	vadd.s32 v11, v33;
	v34 =	vld [tilespmem:s14+$0x9440]  }
0x1d3: {  	s25 =	sadd.s32 $0x3, s18;
	v33 =	vadd.s32 v12, v33;
	v36 =	vld [tilespmem:s14+$0x9450]  }
0x1d4: {  	v37 =	vmov s25  }
0x1d5: {  	v37 =	vshrl.u32 v37, $0x3  }
0x1d6: {  	v37 =	vshll.u32 v37, v1  }
0x1d7: {  	[tilespmem:v35+s28+$0x0] =	vst.idx.msk $0xffff, v34;
	v34 =	vbroadcast v37, $0x0  }
0x1d8: {  	[tilespmem:v33+s28+$0x0] =	vst.idx.msk $0xffff, v36  }
0x1d9: {  	v33 =	vld [tilespmem:s14+$0x8460];
	v35 =	vadd.s32 v13, v34  }
0x1da: {  	v37 =	vadd.s32 v14, v34;
	v36 =	vld [tilespmem:s14+$0x8470];
	_ =	sdelay $0x3  }
0x1db: {  	[tilespmem:v35+s28+$0x0] =	vst.idx.msk $0xffff, v33  }
0x1dc: {  	[tilespmem:v37+s28+$0x0] =	vst.idx.msk $0xffff, v36  }
0x1dd: {  	v35 =	vadd.s32 v15, v34;
	v33 =	vld [tilespmem:s14+$0x9460]  }
0x1de: {  	s25 =	sadd.s32 $0x4, s18;
	v34 =	vadd.s32 v16, v34;
	v36 =	vld [tilespmem:s14+$0x9470]  }
0x1df: {  	v37 =	vmov s25  }
0x1e0: {  	v37 =	vshrl.u32 v37, $0x3  }
0x1e1: {  	v37 =	vshll.u32 v37, v1  }
0x1e2: {  	[tilespmem:v35+s28+$0x0] =	vst.idx.msk $0xffff, v33;
	v33 =	vbroadcast v37, $0x0  }
0x1e3: {  	[tilespmem:v34+s28+$0x0] =	vst.idx.msk $0xffff, v36  }
0x1e4: {  	v34 =	vld [tilespmem:s14+$0x8480];
	v35 =	vadd.s32 v17, v33  }
0x1e5: {  	v37 =	vadd.s32 v18, v33;
	v36 =	vld [tilespmem:s14+$0x8490];
	_ =	sdelay $0x3  }
0x1e6: {  	[tilespmem:v35+s28+$0x0] =	vst.idx.msk $0xffff, v34  }
0x1e7: {  	[tilespmem:v37+s28+$0x0] =	vst.idx.msk $0xffff, v36  }
0x1e8: {  	v35 =	vadd.s32 v19, v33;
	v34 =	vld [tilespmem:s14+$0x9480]  }
0x1e9: {  	s25 =	sadd.s32 $0x5, s18;
	v33 =	vadd.s32 v20, v33;
	v36 =	vld [tilespmem:s14+$0x9490]  }
0x1ea: {  	v37 =	vmov s25  }
0x1eb: {  	v37 =	vshrl.u32 v37, $0x3  }
0x1ec: {  	v37 =	vshll.u32 v37, v1  }
0x1ed: {  	[tilespmem:v35+s28+$0x0] =	vst.idx.msk $0xffff, v34;
	v34 =	vbroadcast v37, $0x0  }
0x1ee: {  	[tilespmem:v33+s28+$0x0] =	vst.idx.msk $0xffff, v36  }
0x1ef: {  	v33 =	vld [tilespmem:s14+$0x84A0];
	v35 =	vadd.s32 v21, v34  }
0x1f0: {  	v37 =	vadd.s32 v22, v34;
	v36 =	vld [tilespmem:s14+$0x84B0];
	_ =	sdelay $0x3  }
0x1f1: {  	[tilespmem:v35+s28+$0x0] =	vst.idx.msk $0xffff, v33  }
0x1f2: {  	[tilespmem:v37+s28+$0x0] =	vst.idx.msk $0xffff, v36  }
0x1f3: {  	v35 =	vadd.s32 v23, v34;
	v33 =	vld [tilespmem:s14+$0x94A0]  }
0x1f4: {  	s25 =	sadd.s32 $0x6, s18;
	v34 =	vadd.s32 v24, v34;
	v36 =	vld [tilespmem:s14+$0x94B0]  }
0x1f5: {  	v37 =	vmov s25  }
0x1f6: {  	v37 =	vshrl.u32 v37, $0x3  }
0x1f7: {  	v37 =	vshll.u32 v37, v1  }
0x1f8: {  	[tilespmem:v35+s28+$0x0] =	vst.idx.msk $0xffff, v33;
	v33 =	vbroadcast v37, $0x0  }
0x1f9: {  	[tilespmem:v34+s28+$0x0] =	vst.idx.msk $0xffff, v36  }
0x1fa: {  	v34 =	vld [tilespmem:s14+$0x84C0];
	v35 =	vadd.s32 v25, v33  }
0x1fb: {  	v37 =	vadd.s32 v26, v33;
	v36 =	vld [tilespmem:s14+$0x84D0];
	_ =	sdelay $0x3  }
0x1fc: {  	[tilespmem:v35+s28+$0x0] =	vst.idx.msk $0xffff, v34  }
0x1fd: {  	[tilespmem:v37+s28+$0x0] =	vst.idx.msk $0xffff, v36  }
0x1fe: {  	v35 =	vadd.s32 v27, v33;
	v34 =	vld [tilespmem:s14+$0x94C0]  }
0x1ff: {  	s25 =	sadd.s32 $0x7, s18;
	v33 =	vadd.s32 v28, v33;
	v36 =	vld [tilespmem:s14+$0x94D0]  }
0x200: {  	v37 =	vmov s25  }
0x201: {  	v37 =	vshrl.u32 v37, $0x3  }
0x202: {  	v37 =	vshll.u32 v37, v1  }
0x203: {  	[tilespmem:v35+s28+$0x0] =	vst.idx.msk $0xffff, v34;
	v35 =	vbroadcast v37, $0x0  }
0x204: {  	[tilespmem:v33+s28+$0x0] =	vst.idx.msk $0xffff, v36  }
0x205: {  	v33 =	vld [tilespmem:s14+$0x84E0];
	v34 =	vadd.s32 v29, v35  }
0x206: {  	v37 =	vadd.s32 v30, v35;
	v36 =	vld [tilespmem:s14+$0x84F0];
	_ =	sdelay $0x3  }
0x207: {  	[tilespmem:v34+s28+$0x0] =	vst.idx.msk $0xffff, v33  }
0x208: {  	[tilespmem:v37+s28+$0x0] =	vst.idx.msk $0xffff, v36  }
0x209: {  	v37 =	vadd.s32 v31, v35;
	v36 =	vld [tilespmem:s14+$0x94E0]  }
.Ltmp2:
0x20a: {  	s18 =	sadd.s32 $0x8, s18;
	v35 =	vadd.s32 v32, v35;
	v34 =	vld [tilespmem:s14+$0x94F0];
	s14 =	smov.u32 s24;
	(pc) =	sbr.rel @p0 .LBB2_6-.Ltmp2, $4  }
0x20b: {  	v33 =	vmov s18  }
0x20c: {  	v33 =	vshrl.u32 v33, $0x3  }
0x20d: {  	v33 =	vshll.u32 v33, v1  }
0x20e: {  	v33 =	vbroadcast v33, $0x0;
	[tilespmem:v37+s28+$0x0] =	vst.idx.msk $0xffff, v36  }
0x20f: {  	_ =	sdelay $0x3  }
0x210: {  	[tilespmem:v35+s28+$0x0] =	vst.idx.msk $0xffff, v34  }
0x211: {  	v34 =	vld [tilespmem:s14+$0x8400];
	v57 =	vadd.s32 v0, v33  }
0x212: {  	v36 =	vld [tilespmem:s14+$0x8410];
	v37 =	vadd.s32 v2, v33;
	_ =	sdelay $0x3  }
0x213: {  	[tilespmem:v57+s28+$0x0] =	vst.idx.msk $0xffff, v34  }
0x214: {  	[tilespmem:v37+s28+$0x0] =	vst.idx.msk $0xffff, v36  }
0x215: {  	v58 =	vadd.s32 v3, v33;
	v34 =	vld [tilespmem:s14+$0x9400]  }
0x216: {  	s20 =	sadd.s32 $0x1, s18;
	v59 =	vadd.s32 v4, v33;
	v36 =	vld [tilespmem:s14+$0x9410]  }
0x217: {  	v60 =	vmov s20  }
0x218: {  	v37 =	vshrl.u32 v60, $0x3  }
0x219: {  	v37 =	vshll.u32 v37, v1  }
0x21a: {  	v61 =	vbroadcast v37, $0x0;
	[tilespmem:v58+s28+$0x0] =	vst.idx.msk $0xffff, v34  }
0x21b: {  	[tilespmem:v59+s28+$0x0] =	vst.idx.msk $0xffff, v36  }
0x21c: {  	v62 =	vadd.s32 v5, v61;
	v33 =	vld [tilespmem:s14+$0x8420]  }
0x21d: {  	v37 =	vadd.s32 v6, v61;
	v36 =	vld [tilespmem:s14+$0x8430];
	_ =	sdelay $0x3  }
0x21e: {  	[tilespmem:v62+s28+$0x0] =	vst.idx.msk $0xffff, v33  }
0x21f: {  	[tilespmem:v37+s28+$0x0] =	vst.idx.msk $0xffff, v36  }
0x220: {  	v63 =	vadd.s32 v7, v61;
	v33 =	vld [tilespmem:s14+$0x9420]  }
0x221: {  	s24 =	sadd.s32 $0x2, s18;
	v34 =	vadd.s32 v8, v61;
	v36 =	vld [tilespmem:s14+$0x9430]  }
0x222: {  	v40 =	vmov s24  }
0x223: {  	v37 =	vshrl.u32 v40, $0x3  }
0x224: {  	v37 =	vshll.u32 v37, v1  }
0x225: {  	v41 =	vbroadcast v37, $0x0;
	[tilespmem:v63+s28+$0x0] =	vst.idx.msk $0xffff, v33  }
0x226: {  	[tilespmem:v34+s28+$0x0] =	vst.idx.msk $0xffff, v36  }
0x227: {  	v42 =	vadd.s32 v9, v41;
	v34 =	vld [tilespmem:s14+$0x8440]  }
0x228: {  	v37 =	vadd.s32 v10, v41;
	v36 =	vld [tilespmem:s14+$0x8450];
	_ =	sdelay $0x3  }
0x229: {  	[tilespmem:v42+s28+$0x0] =	vst.idx.msk $0xffff, v34  }
0x22a: {  	[tilespmem:v37+s28+$0x0] =	vst.idx.msk $0xffff, v36  }
0x22b: {  	v43 =	vadd.s32 v11, v41;
	v34 =	vld [tilespmem:s14+$0x9440]  }
0x22c: {  	s25 =	sadd.s32 $0x3, s18;
	v33 =	vadd.s32 v12, v41;
	v36 =	vld [tilespmem:s14+$0x9450]  }
0x22d: {  	v44 =	vmov s25  }
0x22e: {  	v37 =	vshrl.u32 v44, $0x3  }
0x22f: {  	v37 =	vshll.u32 v37, v1  }
0x230: {  	v45 =	vbroadcast v37, $0x0;
	[tilespmem:v43+s28+$0x0] =	vst.idx.msk $0xffff, v34  }
0x231: {  	[tilespmem:v33+s28+$0x0] =	vst.idx.msk $0xffff, v36  }
0x232: {  	v46 =	vadd.s32 v13, v45;
	v33 =	vld [tilespmem:s14+$0x8460]  }
0x233: {  	v37 =	vadd.s32 v14, v45;
	v36 =	vld [tilespmem:s14+$0x8470];
	_ =	sdelay $0x3  }
0x234: {  	[tilespmem:v46+s28+$0x0] =	vst.idx.msk $0xffff, v33  }
0x235: {  	[tilespmem:v37+s28+$0x0] =	vst.idx.msk $0xffff, v36  }
0x236: {  	v47 =	vadd.s32 v15, v45;
	v33 =	vld [tilespmem:s14+$0x9460]  }
0x237: {  	s29 =	sadd.s32 $0x4, s18;
	v34 =	vadd.s32 v16, v45;
	v36 =	vld [tilespmem:s14+$0x9470]  }
0x238: {  	v48 =	vmov s29  }
0x239: {  	v37 =	vshrl.u32 v48, $0x3  }
0x23a: {  	v37 =	vshll.u32 v37, v1  }
0x23b: {  	v49 =	vbroadcast v37, $0x0;
	[tilespmem:v47+s28+$0x0] =	vst.idx.msk $0xffff, v33  }
0x23c: {  	[tilespmem:v34+s28+$0x0] =	vst.idx.msk $0xffff, v36  }
0x23d: {  	v50 =	vadd.s32 v17, v49;
	v34 =	vld [tilespmem:s14+$0x8480]  }
0x23e: {  	v37 =	vadd.s32 v18, v49;
	v36 =	vld [tilespmem:s14+$0x8490];
	_ =	sdelay $0x3  }
0x23f: {  	[tilespmem:v50+s28+$0x0] =	vst.idx.msk $0xffff, v34  }
0x240: {  	[tilespmem:v37+s28+$0x0] =	vst.idx.msk $0xffff, v36  }
0x241: {  	v51 =	vadd.s32 v19, v49;
	v34 =	vld [tilespmem:s14+$0x9480]  }
0x242: {  	s30 =	sadd.s32 $0x5, s18;
	v33 =	vadd.s32 v20, v49;
	v36 =	vld [tilespmem:s14+$0x9490]  }
0x243: {  	v52 =	vmov s30  }
0x244: {  	v37 =	vshrl.u32 v52, $0x3  }
0x245: {  	v37 =	vshll.u32 v37, v1  }
0x246: {  	v53 =	vbroadcast v37, $0x0;
	[tilespmem:v51+s28+$0x0] =	vst.idx.msk $0xffff, v34  }
0x247: {  	[tilespmem:v33+s28+$0x0] =	vst.idx.msk $0xffff, v36  }
0x248: {  	v54 =	vadd.s32 v21, v53;
	v33 =	vld [tilespmem:s14+$0x84A0]  }
0x249: {  	v37 =	vadd.s32 v22, v53;
	v36 =	vld [tilespmem:s14+$0x84B0];
	_ =	sdelay $0x3  }
0x24a: {  	[tilespmem:v54+s28+$0x0] =	vst.idx.msk $0xffff, v33  }
0x24b: {  	[tilespmem:v37+s28+$0x0] =	vst.idx.msk $0xffff, v36  }
0x24c: {  	v55 =	vadd.s32 v23, v53;
	v33 =	vld [tilespmem:s14+$0x94A0]  }
0x24d: {  	s6 =	sadd.s32 $0x6, s18;
	v34 =	vadd.s32 v24, v53;
	v36 =	vld [tilespmem:s14+$0x94B0]  }
0x24e: {  	v56 =	vmov s6  }
0x24f: {  	v37 =	vshrl.u32 v56, $0x3  }
0x250: {  	v37 =	vshll.u32 v37, v1  }
0x251: {  	v57 =	vbroadcast v37, $0x0;
	[tilespmem:v55+s28+$0x0] =	vst.idx.msk $0xffff, v33  }
0x252: {  	[tilespmem:v34+s28+$0x0] =	vst.idx.msk $0xffff, v36  }
0x253: {  	v58 =	vadd.s32 v25, v57;
	v34 =	vld [tilespmem:s14+$0x84C0]  }
0x254: {  	v37 =	vadd.s32 v26, v57;
	v36 =	vld [tilespmem:s14+$0x84D0];
	_ =	sdelay $0x3  }
0x255: {  	[tilespmem:v58+s28+$0x0] =	vst.idx.msk $0xffff, v34  }
0x256: {  	[tilespmem:v37+s28+$0x0] =	vst.idx.msk $0xffff, v36  }
0x257: {  	v59 =	vadd.s32 v27, v57;
	v34 =	vld [tilespmem:s14+$0x94C0]  }
0x258: {  	s12 =	sadd.s32 $0x7, s18;
	v33 =	vadd.s32 v28, v57;
	v36 =	vld [tilespmem:s14+$0x94D0]  }
0x259: {  	v60 =	vmov s12  }
0x25a: {  	v37 =	vshrl.u32 v60, $0x3  }
0x25b: {  	v37 =	vshll.u32 v37, v1  }
0x25c: {  	v61 =	vbroadcast v37, $0x0;
	[tilespmem:v59+s28+$0x0] =	vst.idx.msk $0xffff, v34  }
0x25d: {  	[tilespmem:v33+s28+$0x0] =	vst.idx.msk $0xffff, v36  }
0x25e: {  	v62 =	vadd.s32 v29, v61;
	v33 =	vld [tilespmem:s14+$0x84E0]  }
0x25f: {  	v37 =	vadd.s32 v30, v61;
	v36 =	vld [tilespmem:s14+$0x84F0];
	_ =	sdelay $0x3  }
0x260: {  	[tilespmem:v62+s28+$0x0] =	vst.idx.msk $0xffff, v33  }
0x261: {  	[tilespmem:v37+s28+$0x0] =	vst.idx.msk $0xffff, v36  }
0x262: {  	v63 =	vadd.s32 v31, v61;
	v33 =	vld [tilespmem:s14+$0x94E0]  }
0x263: {  	v34 =	vadd.s32 v32, v61;
	v36 =	vld [tilespmem:s14+$0x94F0];
	_ =	sdelay $0x3  }
0x264: {  	[tilespmem:v63+s28+$0x0] =	vst.idx.msk $0xffff, v33  }
0x265: {  	s20 =	simm.s32 $0xC600;
	[tilespmem:v34+s28+$0x0] =	vst.idx.msk $0xffff, v36  }
0x266: {  	[hbm4b:s9+s3] =	stream.linear.scatter [tilespmem:s20], [sflag:$0x4], $0x80, $0x38;
	[tilespmem:$0xE800] =	vst v63  }
0x267: {  	s24 =	simm.s32 $0xC688;
	s25 =	sadd.s32 $0x10, s9  }
0x268: {  	[hbm4b:s25+s3] =	stream.linear.scatter [tilespmem:s24], [sflag:$0x4], $0x80, $0x38;
	[tilespmem:$0xE800] =	vst v63  }
0x269: {  	s18 =	simm.s32 $0xC820;
	s29 =	simm.s32 $0xC710;
	s30 =	sadd.s32 $0x20, s9  }
0x26a: {  	[hbm4b:s30+s3] =	stream.linear.scatter [tilespmem:s29], [sflag:$0x4], $0x80, $0x38;
	[tilespmem:$0xE800] =	vst v63  }
0x26b: {  	s6 =	simm.s32 $0xC798;
	s12 =	sadd.s32 $0x30, s9;
	s14 =	simm.s32 $0x440  }
0x26c: {  	[hbm4b:s12+s3] =	stream.linear.scatter [tilespmem:s6], [sflag:$0x4], $0x80, $0x38;
	[tilespmem:$0xE800] =	vst v63  }
0x26d: {  	s20 =	sadd.s32 $0x40, s9;
	s24 =	simm.s32 $0xC8A8;
	s25 =	sadd.s32 $0x50, s9  }
0x26e: {  	[hbm4b:s20+s3] =	stream.linear.scatter [tilespmem:s18], [sflag:$0x4], $0x80, $0x38;
	[tilespmem:$0xE800] =	vst v63  }
0x26f: {  	s29 =	simm.s32 $0xC930;
	s30 =	sadd.s32 $0x60, s9;
	s20 =	simm.s32 $0x2200  }
0x270: {  	[hbm4b:s25+s3] =	stream.linear.scatter [tilespmem:s24], [sflag:$0x4], $0x80, $0x38;
	[tilespmem:$0xE800] =	vst v63  }
0x271: {  	s18 =	sadd.s32 $0x1000, s9;
	s24 =	simm.s32 $0xC9B8;
	s25 =	sadd.s32 $0x70, s9  }
0x272: {  	[hbm4b:s30+s3] =	stream.linear.scatter [tilespmem:s29], [sflag:$0x4], $0x80, $0x38;
	[tilespmem:$0xE800] =	vst v63  }
.LBB2_8:
0x273: {  	[hbm4b:s25+s3] =	stream.linear.scatter [tilespmem:s24], [sflag:$0x4], $0x80, $0x38;
	[tilespmem:$0xE800] =	vst v63  }
0x274: {  	s24 =	smov.u32 s14;
	s14 =	smov.u32 s20  }
0x275: {  	s29 =	sadd.s32 $0x1100, s20;
	s14 =	sshra.s32 s14, $0x2;
	s25 =	sadd.s32 $0xC600, s24  }
0x276: {  	[hbm4b:s18+s3] =	stream.linear.scatter [tilespmem:s25], [sflag:$0x4], $0x80, $0x38;
	[tilespmem:$0xE800] =	vst v63  }
0x277: {  	p0 =	sne.s32 s20, $0x7700;
	s20 =	sadd.s32 $0xC688, s24;
	s25 =	sadd.s32 $0x10, s18  }
0x278: {  	[hbm4b:s25+s3] =	stream.linear.scatter [tilespmem:s20], [sflag:$0x4], $0x80, $0x38;
	[tilespmem:$0xE800] =	vst v63  }
0x279: {  	s20 =	sadd.s32 $0xC710, s24;
	s25 =	sadd.s32 $0x20, s18  }
0x27a: {  	[hbm4b:s25+s3] =	stream.linear.scatter [tilespmem:s20], [sflag:$0x4], $0x80, $0x38;
	[tilespmem:$0xE800] =	vst v63  }
0x27b: {  	s20 =	sadd.s32 $0xC798, s24;
	s25 =	sadd.s32 $0x30, s18  }
0x27c: {  	[hbm4b:s25+s3] =	stream.linear.scatter [tilespmem:s20], [sflag:$0x4], $0x80, $0x38;
	[tilespmem:$0xE800] =	vst v63  }
0x27d: {  	s20 =	sadd.s32 $0xC820, s24;
	s25 =	sadd.s32 $0x40, s18  }
0x27e: {  	[hbm4b:s25+s3] =	stream.linear.scatter [tilespmem:s20], [sflag:$0x4], $0x80, $0x38;
	[tilespmem:$0xE800] =	vst v63  }
.Ltmp3:
0x27f: {  	s20 =	sadd.s32 $0xC8A8, s24;
	s25 =	sadd.s32 $0x50, s18;
	(pc) =	sbr.rel @p0 .LBB2_8-.Ltmp3, $4  }
0x280: {  	[hbm4b:s25+s3] =	stream.linear.scatter [tilespmem:s20], [sflag:$0x4], $0x80, $0x38;
	[tilespmem:$0xE800] =	vst v63  }
0x281: {  	s20 =	sadd.s32 $0xC930, s24;
	s25 =	sadd.s32 $0x60, s18;
	s24 =	sadd.s32 $0xC9B8, s24  }
0x282: {  	[hbm4b:s25+s3] =	stream.linear.scatter [tilespmem:s20], [sflag:$0x4], $0x80, $0x38;
	[tilespmem:$0xE800] =	vst v63  }
0x283: {  	s25 =	sadd.s32 $0x70, s18;
	s18 =	sadd.s32 $0x1000, s18;
	s20 =	smov.u32 s29  }
0x284: {  	[hbm4b:s25+s3] =	stream.linear.scatter [tilespmem:s24], [sflag:$0x4], $0x80, $0x38;
	[tilespmem:$0xE800] =	vst v63  }
0x285: {  	s20 =	sadd.s32 $0xC600, s14  }
0x286: {  	[hbm4b:s18+s3] =	stream.linear.scatter [tilespmem:s20], [sflag:$0x4], $0x80, $0x38;
	[tilespmem:$0xE800] =	vst v63  }
0x287: {  	s24 =	sadd.s32 $0xC688, s14;
	s25 =	sadd.s32 $0x10, s18  }
0x288: {  	[hbm4b:s25+s3] =	stream.linear.scatter [tilespmem:s24], [sflag:$0x4], $0x80, $0x38;
	[tilespmem:$0xE800] =	vst v63  }
0x289: {  	s29 =	sadd.s32 $0xC710, s14;
	s30 =	sadd.s32 $0x20, s18  }
0x28a: {  	[hbm4b:s30+s3] =	stream.linear.scatter [tilespmem:s29], [sflag:$0x4], $0x80, $0x38;
	[tilespmem:$0xE800] =	vst v63  }
0x28b: {  	s6 =	sadd.s32 $0xC798, s14;
	s12 =	sadd.s32 $0x30, s18  }
0x28c: {  	[hbm4b:s12+s3] =	stream.linear.scatter [tilespmem:s6], [sflag:$0x4], $0x80, $0x38;
	[tilespmem:$0xE800] =	vst v63  }
0x28d: {  	s24 =	sadd.s32 $0xC820, s14;
	s25 =	sadd.s32 $0x40, s18  }
0x28e: {  	[hbm4b:s25+s3] =	stream.linear.scatter [tilespmem:s24], [sflag:$0x4], $0x80, $0x38;
	[tilespmem:$0xE800] =	vst v63  }
0x28f: {  	s29 =	sadd.s32 $0xC8A8, s14;
	s30 =	sadd.s32 $0x50, s18  }
0x290: {  	[hbm4b:s30+s3] =	stream.linear.scatter [tilespmem:s29], [sflag:$0x4], $0x80, $0x38;
	[tilespmem:$0xE800] =	vst v63  }
0x291: {  	s6 =	sadd.s32 $0xC930, s14;
	s12 =	sadd.s32 $0x60, s18  }
0x292: {  	[hbm4b:s12+s3] =	stream.linear.scatter [tilespmem:s6], [sflag:$0x4], $0x80, $0x38;
	[tilespmem:$0xE800] =	vst v63  }
0x293: {  	s25 =	sadd.s32 $0xC9B8, s14;
	s29 =	sadd.s32 $0x70, s18  }
0x294: {  	[hbm4b:s29+s3] =	stream.linear.scatter [tilespmem:s25], [sflag:$0x4], $0x80, $0x38;
	[tilespmem:$0xE800] =	vst v63  }
0x295: {  	s6 =	simm.s32 $0x300  }
0x296: {  	[tilespmem:s19], [sflag:$0x2] =	stream.indirect.gather [hbm4b:s4+s13], $0x20, s6, s13, $0xb8;
	[tilespmem:$0xE800] =	vst v63  }
0x297: {  	s14 =	simm.s32 $0x1;
	s30 =	simm.s32 $0x380  }
0x298: {  	[tilespmem:s21], [sflag:$0x2] =	stream.indirect.gather [hbm4b:s4+s13], $0x20, s30, s13, $0xb8;
	[tilespmem:$0xE800] =	vst v63  }
.LBB2_10:
0x299: {  	_ =	swait.ge [sflag:s22], $0x1000  }
0x29a: {  	[sflag:s22] =	ssyncset.done $0x0  }
0x29b: {  	[sflag:s22] =	ssyncadd.s32 $0xFFFFF000  }
0x29c: {  	s18 =	simm.s32 $0x0;
	_ =	swait.ge [sflag:s22], $0x1000  }
0x29d: {  	v33 =	vmov s18;
	[sflag:s22] =	ssyncset.done $0x0  }
0x29e: {  	v33 =	vshrl.u32 v33, $0x3;
	[sflag:s22] =	ssyncadd.s32 $0xFFFFF000  }
0x29f: {  	v33 =	vshll.u32 v33, v1;
	_ =	swait.ge [sflag:s31], $0x2000  }
0x2a0: {  	v33 =	vbroadcast v33, $0x0;
	[sflag:s31] =	ssyncset.done $0x0  }
0x2a1: {  	s18 =	simm.s32 $0x0;
	[sflag:s31] =	ssyncadd.s32 $0xFFFFE000  }
0x2a2: {  	v35 =	vadd.s32 v0, v33;
	v34 =	vld [tilespmem:s18+$0x6400]  }
0x2a3: {  	v37 =	vadd.s32 v2, v33;
	v36 =	vld [tilespmem:s18+$0x6410];
	_ =	sdelay $0x3  }
0x2a4: {  	[tilespmem:v35+s23+$0x0] =	vst.idx.msk $0xffff, v34  }
0x2a5: {  	[tilespmem:v37+s23+$0x0] =	vst.idx.msk $0xffff, v36  }
0x2a6: {  	v58 =	vadd.s32 v3, v33;
	v34 =	vld [tilespmem:s18+$0x7400]  }
0x2a7: {  	s20 =	simm.s32 $0x1;
	v33 =	vadd.s32 v4, v33;
	v36 =	vld [tilespmem:s18+$0x7410]  }
0x2a8: {  	v59 =	vmov s20  }
0x2a9: {  	v37 =	vshrl.u32 v59, $0x3  }
0x2aa: {  	v37 =	vshll.u32 v37, v1  }
0x2ab: {  	v60 =	vbroadcast v37, $0x0;
	[tilespmem:v58+s23+$0x0] =	vst.idx.msk $0xffff, v34  }
0x2ac: {  	[tilespmem:v33+s23+$0x0] =	vst.idx.msk $0xffff, v36  }
0x2ad: {  	v61 =	vadd.s32 v5, v60;
	v33 =	vld [tilespmem:s18+$0x6420]  }
0x2ae: {  	v37 =	vadd.s32 v6, v60;
	v36 =	vld [tilespmem:s18+$0x6430];
	_ =	sdelay $0x3  }
0x2af: {  	[tilespmem:v61+s23+$0x0] =	vst.idx.msk $0xffff, v33  }
0x2b0: {  	[tilespmem:v37+s23+$0x0] =	vst.idx.msk $0xffff, v36  }
0x2b1: {  	v62 =	vadd.s32 v7, v60;
	v33 =	vld [tilespmem:s18+$0x7420]  }
0x2b2: {  	s6 =	simm.s32 $0x2;
	v34 =	vadd.s32 v8, v60;
	v36 =	vld [tilespmem:s18+$0x7430]  }
0x2b3: {  	v63 =	vmov s6  }
0x2b4: {  	v37 =	vshrl.u32 v63, $0x3  }
0x2b5: {  	v37 =	vshll.u32 v37, v1  }
0x2b6: {  	v40 =	vbroadcast v37, $0x0;
	[tilespmem:v62+s23+$0x0] =	vst.idx.msk $0xffff, v33  }
0x2b7: {  	[tilespmem:v34+s23+$0x0] =	vst.idx.msk $0xffff, v36  }
0x2b8: {  	v41 =	vadd.s32 v9, v40;
	v34 =	vld [tilespmem:s18+$0x6440]  }
0x2b9: {  	v37 =	vadd.s32 v10, v40;
	v36 =	vld [tilespmem:s18+$0x6450];
	_ =	sdelay $0x3  }
0x2ba: {  	[tilespmem:v41+s23+$0x0] =	vst.idx.msk $0xffff, v34  }
0x2bb: {  	[tilespmem:v37+s23+$0x0] =	vst.idx.msk $0xffff, v36  }
0x2bc: {  	v42 =	vadd.s32 v11, v40;
	v34 =	vld [tilespmem:s18+$0x7440]  }
0x2bd: {  	s12 =	simm.s32 $0x3;
	v33 =	vadd.s32 v12, v40;
	v36 =	vld [tilespmem:s18+$0x7450]  }
0x2be: {  	v43 =	vmov s12  }
0x2bf: {  	v37 =	vshrl.u32 v43, $0x3  }
0x2c0: {  	v37 =	vshll.u32 v37, v1  }
0x2c1: {  	v44 =	vbroadcast v37, $0x0;
	[tilespmem:v42+s23+$0x0] =	vst.idx.msk $0xffff, v34  }
0x2c2: {  	[tilespmem:v33+s23+$0x0] =	vst.idx.msk $0xffff, v36  }
0x2c3: {  	v45 =	vadd.s32 v13, v44;
	v33 =	vld [tilespmem:s18+$0x6460]  }
0x2c4: {  	v37 =	vadd.s32 v14, v44;
	v36 =	vld [tilespmem:s18+$0x6470];
	_ =	sdelay $0x3  }
0x2c5: {  	[tilespmem:v45+s23+$0x0] =	vst.idx.msk $0xffff, v33  }
0x2c6: {  	[tilespmem:v37+s23+$0x0] =	vst.idx.msk $0xffff, v36  }
0x2c7: {  	v46 =	vadd.s32 v15, v44;
	v33 =	vld [tilespmem:s18+$0x7460]  }
0x2c8: {  	s24 =	simm.s32 $0x4;
	v34 =	vadd.s32 v16, v44;
	v36 =	vld [tilespmem:s18+$0x7470]  }
0x2c9: {  	v47 =	vmov s24  }
0x2ca: {  	v37 =	vshrl.u32 v47, $0x3  }
0x2cb: {  	v37 =	vshll.u32 v37, v1  }
0x2cc: {  	v48 =	vbroadcast v37, $0x0;
	[tilespmem:v46+s23+$0x0] =	vst.idx.msk $0xffff, v33  }
0x2cd: {  	[tilespmem:v34+s23+$0x0] =	vst.idx.msk $0xffff, v36  }
0x2ce: {  	v49 =	vadd.s32 v17, v48;
	v34 =	vld [tilespmem:s18+$0x6480]  }
0x2cf: {  	v37 =	vadd.s32 v18, v48;
	v36 =	vld [tilespmem:s18+$0x6490];
	_ =	sdelay $0x3  }
0x2d0: {  	[tilespmem:v49+s23+$0x0] =	vst.idx.msk $0xffff, v34  }
0x2d1: {  	[tilespmem:v37+s23+$0x0] =	vst.idx.msk $0xffff, v36  }
0x2d2: {  	v50 =	vadd.s32 v19, v48;
	v34 =	vld [tilespmem:s18+$0x7480]  }
0x2d3: {  	s25 =	simm.s32 $0x5;
	v33 =	vadd.s32 v20, v48;
	v36 =	vld [tilespmem:s18+$0x7490]  }
0x2d4: {  	v51 =	vmov s25  }
0x2d5: {  	v37 =	vshrl.u32 v51, $0x3  }
0x2d6: {  	v37 =	vshll.u32 v37, v1  }
0x2d7: {  	v52 =	vbroadcast v37, $0x0;
	[tilespmem:v50+s23+$0x0] =	vst.idx.msk $0xffff, v34  }
0x2d8: {  	[tilespmem:v33+s23+$0x0] =	vst.idx.msk $0xffff, v36  }
0x2d9: {  	v53 =	vadd.s32 v21, v52;
	v33 =	vld [tilespmem:s18+$0x64A0]  }
0x2da: {  	v37 =	vadd.s32 v22, v52;
	v36 =	vld [tilespmem:s18+$0x64B0];
	_ =	sdelay $0x3  }
0x2db: {  	[tilespmem:v53+s23+$0x0] =	vst.idx.msk $0xffff, v33  }
0x2dc: {  	[tilespmem:v37+s23+$0x0] =	vst.idx.msk $0xffff, v36  }
0x2dd: {  	v54 =	vadd.s32 v23, v52;
	v33 =	vld [tilespmem:s18+$0x74A0]  }
0x2de: {  	s29 =	simm.s32 $0x6;
	v34 =	vadd.s32 v24, v52;
	v36 =	vld [tilespmem:s18+$0x74B0]  }
0x2df: {  	v55 =	vmov s29  }
0x2e0: {  	v37 =	vshrl.u32 v55, $0x3  }
0x2e1: {  	v37 =	vshll.u32 v37, v1  }
0x2e2: {  	v56 =	vbroadcast v37, $0x0;
	[tilespmem:v54+s23+$0x0] =	vst.idx.msk $0xffff, v33  }
0x2e3: {  	[tilespmem:v34+s23+$0x0] =	vst.idx.msk $0xffff, v36  }
0x2e4: {  	v57 =	vadd.s32 v25, v56;
	v34 =	vld [tilespmem:s18+$0x64C0]  }
0x2e5: {  	v37 =	vadd.s32 v26, v56;
	v36 =	vld [tilespmem:s18+$0x64D0];
	_ =	sdelay $0x3  }
0x2e6: {  	[tilespmem:v57+s23+$0x0] =	vst.idx.msk $0xffff, v34  }
0x2e7: {  	[tilespmem:v37+s23+$0x0] =	vst.idx.msk $0xffff, v36  }
0x2e8: {  	v58 =	vadd.s32 v27, v56;
	v34 =	vld [tilespmem:s18+$0x74C0]  }
0x2e9: {  	s30 =	simm.s32 $0x7;
	v33 =	vadd.s32 v28, v56;
	v36 =	vld [tilespmem:s18+$0x74D0]  }
0x2ea: {  	v59 =	vmov s30  }
0x2eb: {  	v37 =	vshrl.u32 v59, $0x3  }
0x2ec: {  	v37 =	vshll.u32 v37, v1  }
0x2ed: {  	v60 =	vbroadcast v37, $0x0;
	[tilespmem:v58+s23+$0x0] =	vst.idx.msk $0xffff, v34  }
0x2ee: {  	[tilespmem:v33+s23+$0x0] =	vst.idx.msk $0xffff, v36  }
0x2ef: {  	v61 =	vadd.s32 v29, v60;
	v33 =	vld [tilespmem:s18+$0x64E0]  }
0x2f0: {  	v37 =	vadd.s32 v30, v60;
	v36 =	vld [tilespmem:s18+$0x64F0];
	_ =	sdelay $0x3  }
0x2f1: {  	[tilespmem:v61+s23+$0x0] =	vst.idx.msk $0xffff, v33  }
0x2f2: {  	[tilespmem:v37+s23+$0x0] =	vst.idx.msk $0xffff, v36  }
0x2f3: {  	v62 =	vadd.s32 v31, v60;
	v36 =	vld [tilespmem:s18+$0x74E0]  }
0x2f4: {  	s20 =	simm.s32 $0x8;
	v35 =	vadd.s32 v32, v60;
	v34 =	vld [tilespmem:s18+$0x74F0]  }
0x2f5: {  	v63 =	vmov s20  }
0x2f6: {  	v33 =	vshrl.u32 v63, $0x3  }
0x2f7: {  	v33 =	vshll.u32 v33, v1  }
0x2f8: {  	s24 =	simm.s32 $0x800;
	s18 =	simm.s32 $0x100;
	v33 =	vbroadcast v33, $0x0;
	[tilespmem:v62+s23+$0x0] =	vst.idx.msk $0xffff, v36  }
.LBB2_11:
0x2f9: {  	s25 =	sshra.s32 s24, $0x2;
	p0 =	sne.s32 s24, $0x3C00;
	s24 =	sadd.s32 $0x400, s24;
	[tilespmem:v35+s23+$0x0] =	vst.idx.msk $0xffff, v34  }
0x2fa: {  	v34 =	vld [tilespmem:s18+$0x6400];
	v35 =	vadd.s32 v0, v33  }
0x2fb: {  	v37 =	vadd.s32 v2, v33;
	v36 =	vld [tilespmem:s18+$0x6410];
	_ =	sdelay $0x3  }
0x2fc: {  	[tilespmem:v35+s23+$0x0] =	vst.idx.msk $0xffff, v34  }
0x2fd: {  	[tilespmem:v37+s23+$0x0] =	vst.idx.msk $0xffff, v36  }
0x2fe: {  	v35 =	vadd.s32 v3, v33;
	v34 =	vld [tilespmem:s18+$0x7400]  }
0x2ff: {  	s29 =	sadd.s32 $0x1, s20;
	v33 =	vadd.s32 v4, v33;
	v36 =	vld [tilespmem:s18+$0x7410]  }
0x300: {  	v37 =	vmov s29  }
0x301: {  	v37 =	vshrl.u32 v37, $0x3  }
0x302: {  	v37 =	vshll.u32 v37, v1  }
0x303: {  	[tilespmem:v35+s23+$0x0] =	vst.idx.msk $0xffff, v34;
	v34 =	vbroadcast v37, $0x0  }
0x304: {  	[tilespmem:v33+s23+$0x0] =	vst.idx.msk $0xffff, v36  }
0x305: {  	v33 =	vld [tilespmem:s18+$0x6420];
	v35 =	vadd.s32 v5, v34  }
0x306: {  	v37 =	vadd.s32 v6, v34;
	v36 =	vld [tilespmem:s18+$0x6430];
	_ =	sdelay $0x3  }
0x307: {  	[tilespmem:v35+s23+$0x0] =	vst.idx.msk $0xffff, v33  }
0x308: {  	[tilespmem:v37+s23+$0x0] =	vst.idx.msk $0xffff, v36  }
0x309: {  	v35 =	vadd.s32 v7, v34;
	v33 =	vld [tilespmem:s18+$0x7420]  }
0x30a: {  	s29 =	sadd.s32 $0x2, s20;
	v34 =	vadd.s32 v8, v34;
	v36 =	vld [tilespmem:s18+$0x7430]  }
0x30b: {  	v37 =	vmov s29  }
0x30c: {  	v37 =	vshrl.u32 v37, $0x3  }
0x30d: {  	v37 =	vshll.u32 v37, v1  }
0x30e: {  	[tilespmem:v35+s23+$0x0] =	vst.idx.msk $0xffff, v33;
	v33 =	vbroadcast v37, $0x0  }
0x30f: {  	[tilespmem:v34+s23+$0x0] =	vst.idx.msk $0xffff, v36  }
0x310: {  	v34 =	vld [tilespmem:s18+$0x6440];
	v35 =	vadd.s32 v9, v33  }
0x311: {  	v37 =	vadd.s32 v10, v33;
	v36 =	vld [tilespmem:s18+$0x6450];
	_ =	sdelay $0x3  }
0x312: {  	[tilespmem:v35+s23+$0x0] =	vst.idx.msk $0xffff, v34  }
0x313: {  	[tilespmem:v37+s23+$0x0] =	vst.idx.msk $0xffff, v36  }
0x314: {  	v35 =	vadd.s32 v11, v33;
	v34 =	vld [tilespmem:s18+$0x7440]  }
0x315: {  	s29 =	sadd.s32 $0x3, s20;
	v33 =	vadd.s32 v12, v33;
	v36 =	vld [tilespmem:s18+$0x7450]  }
0x316: {  	v37 =	vmov s29  }
0x317: {  	v37 =	vshrl.u32 v37, $0x3  }
0x318: {  	v37 =	vshll.u32 v37, v1  }
0x319: {  	[tilespmem:v35+s23+$0x0] =	vst.idx.msk $0xffff, v34;
	v34 =	vbroadcast v37, $0x0  }
0x31a: {  	[tilespmem:v33+s23+$0x0] =	vst.idx.msk $0xffff, v36  }
0x31b: {  	v33 =	vld [tilespmem:s18+$0x6460];
	v35 =	vadd.s32 v13, v34  }
0x31c: {  	v37 =	vadd.s32 v14, v34;
	v36 =	vld [tilespmem:s18+$0x6470];
	_ =	sdelay $0x3  }
0x31d: {  	[tilespmem:v35+s23+$0x0] =	vst.idx.msk $0xffff, v33  }
0x31e: {  	[tilespmem:v37+s23+$0x0] =	vst.idx.msk $0xffff, v36  }
0x31f: {  	v35 =	vadd.s32 v15, v34;
	v33 =	vld [tilespmem:s18+$0x7460]  }
0x320: {  	s29 =	sadd.s32 $0x4, s20;
	v34 =	vadd.s32 v16, v34;
	v36 =	vld [tilespmem:s18+$0x7470]  }
0x321: {  	v37 =	vmov s29  }
0x322: {  	v37 =	vshrl.u32 v37, $0x3  }
0x323: {  	v37 =	vshll.u32 v37, v1  }
0x324: {  	[tilespmem:v35+s23+$0x0] =	vst.idx.msk $0xffff, v33;
	v33 =	vbroadcast v37, $0x0  }
0x325: {  	[tilespmem:v34+s23+$0x0] =	vst.idx.msk $0xffff, v36  }
0x326: {  	v34 =	vld [tilespmem:s18+$0x6480];
	v35 =	vadd.s32 v17, v33  }
0x327: {  	v37 =	vadd.s32 v18, v33;
	v36 =	vld [tilespmem:s18+$0x6490];
	_ =	sdelay $0x3  }
0x328: {  	[tilespmem:v35+s23+$0x0] =	vst.idx.msk $0xffff, v34  }
0x329: {  	[tilespmem:v37+s23+$0x0] =	vst.idx.msk $0xffff, v36  }
0x32a: {  	v35 =	vadd.s32 v19, v33;
	v34 =	vld [tilespmem:s18+$0x7480]  }
0x32b: {  	s29 =	sadd.s32 $0x5, s20;
	v33 =	vadd.s32 v20, v33;
	v36 =	vld [tilespmem:s18+$0x7490]  }
0x32c: {  	v37 =	vmov s29  }
0x32d: {  	v37 =	vshrl.u32 v37, $0x3  }
0x32e: {  	v37 =	vshll.u32 v37, v1  }
0x32f: {  	[tilespmem:v35+s23+$0x0] =	vst.idx.msk $0xffff, v34;
	v34 =	vbroadcast v37, $0x0  }
0x330: {  	[tilespmem:v33+s23+$0x0] =	vst.idx.msk $0xffff, v36  }
0x331: {  	v33 =	vld [tilespmem:s18+$0x64A0];
	v35 =	vadd.s32 v21, v34  }
0x332: {  	v37 =	vadd.s32 v22, v34;
	v36 =	vld [tilespmem:s18+$0x64B0];
	_ =	sdelay $0x3  }
0x333: {  	[tilespmem:v35+s23+$0x0] =	vst.idx.msk $0xffff, v33  }
0x334: {  	[tilespmem:v37+s23+$0x0] =	vst.idx.msk $0xffff, v36  }
0x335: {  	v35 =	vadd.s32 v23, v34;
	v33 =	vld [tilespmem:s18+$0x74A0]  }
0x336: {  	s29 =	sadd.s32 $0x6, s20;
	v34 =	vadd.s32 v24, v34;
	v36 =	vld [tilespmem:s18+$0x74B0]  }
0x337: {  	v37 =	vmov s29  }
0x338: {  	v37 =	vshrl.u32 v37, $0x3  }
0x339: {  	v37 =	vshll.u32 v37, v1  }
0x33a: {  	[tilespmem:v35+s23+$0x0] =	vst.idx.msk $0xffff, v33;
	v33 =	vbroadcast v37, $0x0  }
0x33b: {  	[tilespmem:v34+s23+$0x0] =	vst.idx.msk $0xffff, v36  }
0x33c: {  	v34 =	vld [tilespmem:s18+$0x64C0];
	v35 =	vadd.s32 v25, v33  }
0x33d: {  	v37 =	vadd.s32 v26, v33;
	v36 =	vld [tilespmem:s18+$0x64D0];
	_ =	sdelay $0x3  }
0x33e: {  	[tilespmem:v35+s23+$0x0] =	vst.idx.msk $0xffff, v34  }
0x33f: {  	[tilespmem:v37+s23+$0x0] =	vst.idx.msk $0xffff, v36  }
0x340: {  	v35 =	vadd.s32 v27, v33;
	v34 =	vld [tilespmem:s18+$0x74C0]  }
0x341: {  	s29 =	sadd.s32 $0x7, s20;
	v33 =	vadd.s32 v28, v33;
	v36 =	vld [tilespmem:s18+$0x74D0]  }
0x342: {  	v37 =	vmov s29  }
0x343: {  	v37 =	vshrl.u32 v37, $0x3  }
0x344: {  	v37 =	vshll.u32 v37, v1  }
0x345: {  	[tilespmem:v35+s23+$0x0] =	vst.idx.msk $0xffff, v34;
	v35 =	vbroadcast v37, $0x0  }
0x346: {  	[tilespmem:v33+s23+$0x0] =	vst.idx.msk $0xffff, v36  }
0x347: {  	v33 =	vld [tilespmem:s18+$0x64E0];
	v34 =	vadd.s32 v29, v35  }
0x348: {  	v37 =	vadd.s32 v30, v35;
	v36 =	vld [tilespmem:s18+$0x64F0];
	_ =	sdelay $0x3  }
0x349: {  	[tilespmem:v34+s23+$0x0] =	vst.idx.msk $0xffff, v33  }
0x34a: {  	[tilespmem:v37+s23+$0x0] =	vst.idx.msk $0xffff, v36  }
0x34b: {  	v37 =	vadd.s32 v31, v35;
	v36 =	vld [tilespmem:s18+$0x74E0]  }
.Ltmp4:
0x34c: {  	s20 =	sadd.s32 $0x8, s20;
	v35 =	vadd.s32 v32, v35;
	v34 =	vld [tilespmem:s18+$0x74F0];
	s18 =	smov.u32 s25;
	(pc) =	sbr.rel @p0 .LBB2_11-.Ltmp4, $4  }
0x34d: {  	v33 =	vmov s20  }
0x34e: {  	v33 =	vshrl.u32 v33, $0x3  }
0x34f: {  	v33 =	vshll.u32 v33, v1  }
0x350: {  	v33 =	vbroadcast v33, $0x0;
	[tilespmem:v37+s23+$0x0] =	vst.idx.msk $0xffff, v36  }
0x351: {  	_ =	sdelay $0x3  }
0x352: {  	[tilespmem:v35+s23+$0x0] =	vst.idx.msk $0xffff, v34  }
0x353: {  	v34 =	vld [tilespmem:s18+$0x6400];
	v57 =	vadd.s32 v0, v33  }
0x354: {  	v36 =	vld [tilespmem:s18+$0x6410];
	v37 =	vadd.s32 v2, v33;
	_ =	sdelay $0x3  }
0x355: {  	[tilespmem:v57+s23+$0x0] =	vst.idx.msk $0xffff, v34  }
0x356: {  	[tilespmem:v37+s23+$0x0] =	vst.idx.msk $0xffff, v36  }
0x357: {  	v58 =	vadd.s32 v3, v33;
	v34 =	vld [tilespmem:s18+$0x7400]  }
0x358: {  	s24 =	sadd.s32 $0x1, s20;
	v59 =	vadd.s32 v4, v33;
	v36 =	vld [tilespmem:s18+$0x7410]  }
0x359: {  	v60 =	vmov s24  }
0x35a: {  	v37 =	vshrl.u32 v60, $0x3  }
0x35b: {  	v37 =	vshll.u32 v37, v1  }
0x35c: {  	v61 =	vbroadcast v37, $0x0;
	[tilespmem:v58+s23+$0x0] =	vst.idx.msk $0xffff, v34  }
0x35d: {  	[tilespmem:v59+s23+$0x0] =	vst.idx.msk $0xffff, v36  }
0x35e: {  	v62 =	vadd.s32 v5, v61;
	v33 =	vld [tilespmem:s18+$0x6420]  }
0x35f: {  	v37 =	vadd.s32 v6, v61;
	v36 =	vld [tilespmem:s18+$0x6430];
	_ =	sdelay $0x3  }
0x360: {  	[tilespmem:v62+s23+$0x0] =	vst.idx.msk $0xffff, v33  }
0x361: {  	[tilespmem:v37+s23+$0x0] =	vst.idx.msk $0xffff, v36  }
0x362: {  	v63 =	vadd.s32 v7, v61;
	v33 =	vld [tilespmem:s18+$0x7420]  }
0x363: {  	s6 =	sadd.s32 $0x2, s20;
	v34 =	vadd.s32 v8, v61;
	v36 =	vld [tilespmem:s18+$0x7430]  }
0x364: {  	v40 =	vmov s6  }
0x365: {  	v37 =	vshrl.u32 v40, $0x3  }
0x366: {  	v37 =	vshll.u32 v37, v1  }
0x367: {  	v41 =	vbroadcast v37, $0x0;
	[tilespmem:v63+s23+$0x0] =	vst.idx.msk $0xffff, v33  }
0x368: {  	[tilespmem:v34+s23+$0x0] =	vst.idx.msk $0xffff, v36  }
0x369: {  	v42 =	vadd.s32 v9, v41;
	v34 =	vld [tilespmem:s18+$0x6440]  }
0x36a: {  	v37 =	vadd.s32 v10, v41;
	v36 =	vld [tilespmem:s18+$0x6450];
	_ =	sdelay $0x3  }
0x36b: {  	[tilespmem:v42+s23+$0x0] =	vst.idx.msk $0xffff, v34  }
0x36c: {  	[tilespmem:v37+s23+$0x0] =	vst.idx.msk $0xffff, v36  }
0x36d: {  	v43 =	vadd.s32 v11, v41;
	v34 =	vld [tilespmem:s18+$0x7440]  }
0x36e: {  	s12 =	sadd.s32 $0x3, s20;
	v33 =	vadd.s32 v12, v41;
	v36 =	vld [tilespmem:s18+$0x7450]  }
0x36f: {  	v44 =	vmov s12  }
0x370: {  	v37 =	vshrl.u32 v44, $0x3  }
0x371: {  	v37 =	vshll.u32 v37, v1  }
0x372: {  	v45 =	vbroadcast v37, $0x0;
	[tilespmem:v43+s23+$0x0] =	vst.idx.msk $0xffff, v34  }
0x373: {  	[tilespmem:v33+s23+$0x0] =	vst.idx.msk $0xffff, v36  }
0x374: {  	v46 =	vadd.s32 v13, v45;
	v33 =	vld [tilespmem:s18+$0x6460]  }
0x375: {  	v37 =	vadd.s32 v14, v45;
	v36 =	vld [tilespmem:s18+$0x6470];
	_ =	sdelay $0x3  }
0x376: {  	[tilespmem:v46+s23+$0x0] =	vst.idx.msk $0xffff, v33  }
0x377: {  	[tilespmem:v37+s23+$0x0] =	vst.idx.msk $0xffff, v36  }
0x378: {  	v47 =	vadd.s32 v15, v45;
	v33 =	vld [tilespmem:s18+$0x7460]  }
0x379: {  	s25 =	sadd.s32 $0x4, s20;
	v34 =	vadd.s32 v16, v45;
	v36 =	vld [tilespmem:s18+$0x7470]  }
0x37a: {  	v48 =	vmov s25  }
0x37b: {  	v37 =	vshrl.u32 v48, $0x3  }
0x37c: {  	v37 =	vshll.u32 v37, v1  }
0x37d: {  	v49 =	vbroadcast v37, $0x0;
	[tilespmem:v47+s23+$0x0] =	vst.idx.msk $0xffff, v33  }
0x37e: {  	[tilespmem:v34+s23+$0x0] =	vst.idx.msk $0xffff, v36  }
0x37f: {  	v50 =	vadd.s32 v17, v49;
	v34 =	vld [tilespmem:s18+$0x6480]  }
0x380: {  	v37 =	vadd.s32 v18, v49;
	v36 =	vld [tilespmem:s18+$0x6490];
	_ =	sdelay $0x3  }
0x381: {  	[tilespmem:v50+s23+$0x0] =	vst.idx.msk $0xffff, v34  }
0x382: {  	[tilespmem:v37+s23+$0x0] =	vst.idx.msk $0xffff, v36  }
0x383: {  	v51 =	vadd.s32 v19, v49;
	v34 =	vld [tilespmem:s18+$0x7480]  }
0x384: {  	s6 =	sadd.s32 $0x5, s20;
	v33 =	vadd.s32 v20, v49;
	v36 =	vld [tilespmem:s18+$0x7490]  }
0x385: {  	v52 =	vmov s6  }
0x386: {  	v37 =	vshrl.u32 v52, $0x3  }
0x387: {  	v37 =	vshll.u32 v37, v1  }
0x388: {  	v53 =	vbroadcast v37, $0x0;
	[tilespmem:v51+s23+$0x0] =	vst.idx.msk $0xffff, v34  }
0x389: {  	[tilespmem:v33+s23+$0x0] =	vst.idx.msk $0xffff, v36  }
0x38a: {  	v54 =	vadd.s32 v21, v53;
	v33 =	vld [tilespmem:s18+$0x64A0]  }
0x38b: {  	v37 =	vadd.s32 v22, v53;
	v36 =	vld [tilespmem:s18+$0x64B0];
	_ =	sdelay $0x3  }
0x38c: {  	[tilespmem:v54+s23+$0x0] =	vst.idx.msk $0xffff, v33  }
0x38d: {  	[tilespmem:v37+s23+$0x0] =	vst.idx.msk $0xffff, v36  }
0x38e: {  	v55 =	vadd.s32 v23, v53;
	v33 =	vld [tilespmem:s18+$0x74A0]  }
0x38f: {  	s12 =	sadd.s32 $0x6, s20;
	v34 =	vadd.s32 v24, v53;
	v36 =	vld [tilespmem:s18+$0x74B0]  }
0x390: {  	v56 =	vmov s12  }
0x391: {  	v37 =	vshrl.u32 v56, $0x3  }
0x392: {  	v37 =	vshll.u32 v37, v1  }
0x393: {  	v57 =	vbroadcast v37, $0x0;
	[tilespmem:v55+s23+$0x0] =	vst.idx.msk $0xffff, v33  }
0x394: {  	[tilespmem:v34+s23+$0x0] =	vst.idx.msk $0xffff, v36  }
0x395: {  	v58 =	vadd.s32 v25, v57;
	v34 =	vld [tilespmem:s18+$0x64C0]  }
0x396: {  	v37 =	vadd.s32 v26, v57;
	v36 =	vld [tilespmem:s18+$0x64D0];
	_ =	sdelay $0x3  }
0x397: {  	[tilespmem:v58+s23+$0x0] =	vst.idx.msk $0xffff, v34  }
0x398: {  	[tilespmem:v37+s23+$0x0] =	vst.idx.msk $0xffff, v36  }
0x399: {  	v59 =	vadd.s32 v27, v57;
	v34 =	vld [tilespmem:s18+$0x74C0]  }
0x39a: {  	s24 =	sadd.s32 $0x7, s20;
	v33 =	vadd.s32 v28, v57;
	v36 =	vld [tilespmem:s18+$0x74D0]  }
0x39b: {  	v60 =	vmov s24  }
0x39c: {  	v37 =	vshrl.u32 v60, $0x3  }
0x39d: {  	v37 =	vshll.u32 v37, v1  }
0x39e: {  	v61 =	vbroadcast v37, $0x0;
	[tilespmem:v59+s23+$0x0] =	vst.idx.msk $0xffff, v34  }
0x39f: {  	[tilespmem:v33+s23+$0x0] =	vst.idx.msk $0xffff, v36  }
0x3a0: {  	v62 =	vadd.s32 v29, v61;
	v33 =	vld [tilespmem:s18+$0x64E0]  }
0x3a1: {  	v37 =	vadd.s32 v30, v61;
	v36 =	vld [tilespmem:s18+$0x64F0];
	_ =	sdelay $0x3  }
0x3a2: {  	[tilespmem:v62+s23+$0x0] =	vst.idx.msk $0xffff, v33  }
0x3a3: {  	[tilespmem:v37+s23+$0x0] =	vst.idx.msk $0xffff, v36  }
0x3a4: {  	v63 =	vadd.s32 v31, v61;
	v33 =	vld [tilespmem:s18+$0x74E0]  }
0x3a5: {  	v34 =	vadd.s32 v32, v61;
	v36 =	vld [tilespmem:s18+$0x74F0];
	_ =	sdelay $0x2  }
0x3a6: {  	s25 =	sshll.u32 s14, $0x10  }
0x3a7: {  	s18 =	sor.u32 s5, s25;
	[tilespmem:v63+s23+$0x0] =	vst.idx.msk $0xffff, v33  }
0x3a8: {  	s6 =	simm.s32 $0xA400;
	s24 =	sadd.s32 s2, s18;
	[tilespmem:v34+s23+$0x0] =	vst.idx.msk $0xffff, v36  }
0x3a9: {  	[hbm4b:s24+s3] =	stream.linear.scatter [tilespmem:s6], [sflag:$0x3], $0x80, $0x38;
	[tilespmem:$0xE800] =	vst v63  }
0x3aa: {  	s12 =	simm.s32 $0xA488;
	s25 =	sadd.s32 $0x10, s24  }
0x3ab: {  	[hbm4b:s25+s3] =	stream.linear.scatter [tilespmem:s12], [sflag:$0x3], $0x80, $0x38;
	[tilespmem:$0xE800] =	vst v63  }
0x3ac: {  	s29 =	simm.s32 $0xA7B8;
	s6 =	simm.s32 $0xA510;
	s12 =	sadd.s32 $0x20, s24  }
0x3ad: {  	[hbm4b:s12+s3] =	stream.linear.scatter [tilespmem:s6], [sflag:$0x3], $0x80, $0x38;
	[tilespmem:$0xE800] =	vst v63  }
0x3ae: {  	s20 =	simm.s32 $0x440;
	s6 =	simm.s32 $0xA598;
	s12 =	sadd.s32 $0x30, s24  }
0x3af: {  	[hbm4b:s12+s3] =	stream.linear.scatter [tilespmem:s6], [sflag:$0x3], $0x80, $0x38;
	[tilespmem:$0xE800] =	vst v63  }
0x3b0: {  	s30 =	sadd.s32 $0x70, s24;
	s6 =	simm.s32 $0xA620;
	s12 =	sadd.s32 $0x40, s24  }
0x3b1: {  	[hbm4b:s12+s3] =	stream.linear.scatter [tilespmem:s6], [sflag:$0x3], $0x80, $0x38;
	[tilespmem:$0xE800] =	vst v63  }
0x3b2: {  	s25 =	simm.s32 $0x2200;
	s6 =	simm.s32 $0xA6A8;
	s12 =	sadd.s32 $0x50, s24  }
0x3b3: {  	[hbm4b:s12+s3] =	stream.linear.scatter [tilespmem:s6], [sflag:$0x3], $0x80, $0x38;
	[tilespmem:$0xE800] =	vst v63  }
0x3b4: {  	s6 =	simm.s32 $0xA730;
	s12 =	sadd.s32 $0x60, s24;
	s24 =	sadd.s32 $0x1000, s24  }
0x3b5: {  	[hbm4b:s12+s3] =	stream.linear.scatter [tilespmem:s6], [sflag:$0x3], $0x80, $0x38;
	[tilespmem:$0xE800] =	vst v63  }
.LBB2_13:
0x3b6: {  	[hbm4b:s30+s3] =	stream.linear.scatter [tilespmem:s29], [sflag:$0x3], $0x80, $0x38;
	[tilespmem:$0xE800] =	vst v63  }
0x3b7: {  	s29 =	smov.u32 s20;
	s20 =	smov.u32 s25  }
0x3b8: {  	s6 =	sadd.s32 $0x1100, s25;
	s20 =	sshra.s32 s20, $0x2;
	s30 =	sadd.s32 $0xA400, s29  }
0x3b9: {  	[hbm4b:s24+s3] =	stream.linear.scatter [tilespmem:s30], [sflag:$0x3], $0x80, $0x38;
	[tilespmem:$0xE800] =	vst v63  }
0x3ba: {  	p0 =	sne.s32 s25, $0x7700;
	s25 =	sadd.s32 $0xA488, s29;
	s30 =	sadd.s32 $0x10, s24  }
0x3bb: {  	[hbm4b:s30+s3] =	stream.linear.scatter [tilespmem:s25], [sflag:$0x3], $0x80, $0x38;
	[tilespmem:$0xE800] =	vst v63  }
0x3bc: {  	s25 =	sadd.s32 $0xA510, s29;
	s30 =	sadd.s32 $0x20, s24  }
0x3bd: {  	[hbm4b:s30+s3] =	stream.linear.scatter [tilespmem:s25], [sflag:$0x3], $0x80, $0x38;
	[tilespmem:$0xE800] =	vst v63  }
0x3be: {  	s25 =	sadd.s32 $0xA598, s29;
	s30 =	sadd.s32 $0x30, s24  }
0x3bf: {  	[hbm4b:s30+s3] =	stream.linear.scatter [tilespmem:s25], [sflag:$0x3], $0x80, $0x38;
	[tilespmem:$0xE800] =	vst v63  }
0x3c0: {  	s25 =	sadd.s32 $0xA620, s29;
	s30 =	sadd.s32 $0x40, s24  }
0x3c1: {  	[hbm4b:s30+s3] =	stream.linear.scatter [tilespmem:s25], [sflag:$0x3], $0x80, $0x38;
	[tilespmem:$0xE800] =	vst v63  }
.Ltmp5:
0x3c2: {  	s25 =	sadd.s32 $0xA6A8, s29;
	s30 =	sadd.s32 $0x50, s24;
	(pc) =	sbr.rel @p0 .LBB2_13-.Ltmp5, $4  }
0x3c3: {  	[hbm4b:s30+s3] =	stream.linear.scatter [tilespmem:s25], [sflag:$0x3], $0x80, $0x38;
	[tilespmem:$0xE800] =	vst v63  }
0x3c4: {  	s25 =	sadd.s32 $0xA730, s29;
	s30 =	sadd.s32 $0x60, s24;
	s29 =	sadd.s32 $0xA7B8, s29  }
0x3c5: {  	[hbm4b:s30+s3] =	stream.linear.scatter [tilespmem:s25], [sflag:$0x3], $0x80, $0x38;
	[tilespmem:$0xE800] =	vst v63  }
0x3c6: {  	s30 =	sadd.s32 $0x70, s24;
	s24 =	sadd.s32 $0x1000, s24;
	s25 =	smov.u32 s6  }
0x3c7: {  	[hbm4b:s30+s3] =	stream.linear.scatter [tilespmem:s29], [sflag:$0x3], $0x80, $0x38;
	[tilespmem:$0xE800] =	vst v63  }
0x3c8: {  	s6 =	sadd.s32 $0xA400, s20  }
0x3c9: {  	[hbm4b:s24+s3] =	stream.linear.scatter [tilespmem:s6], [sflag:$0x3], $0x80, $0x38;
	[tilespmem:$0xE800] =	vst v63  }
0x3ca: {  	s12 =	sadd.s32 $0xA488, s20;
	s25 =	sadd.s32 $0x10, s24  }
0x3cb: {  	[hbm4b:s25+s3] =	stream.linear.scatter [tilespmem:s12], [sflag:$0x3], $0x80, $0x38;
	[tilespmem:$0xE800] =	vst v63  }
0x3cc: {  	s30 =	sadd.s32 $0xA510, s20;
	s12 =	sadd.s32 $0x20, s24  }
0x3cd: {  	[hbm4b:s12+s3] =	stream.linear.scatter [tilespmem:s30], [sflag:$0x3], $0x80, $0x38;
	[tilespmem:$0xE800] =	vst v63  }
0x3ce: {  	s30 =	sadd.s32 $0xA598, s20;
	s12 =	sadd.s32 $0x30, s24  }
0x3cf: {  	[hbm4b:s12+s3] =	stream.linear.scatter [tilespmem:s30], [sflag:$0x3], $0x80, $0x38;
	[tilespmem:$0xE800] =	vst v63  }
0x3d0: {  	s30 =	sadd.s32 $0xA620, s20;
	s12 =	sadd.s32 $0x40, s24  }
0x3d1: {  	[hbm4b:s12+s3] =	stream.linear.scatter [tilespmem:s30], [sflag:$0x3], $0x80, $0x38;
	[tilespmem:$0xE800] =	vst v63  }
0x3d2: {  	s30 =	sadd.s32 $0xA6A8, s20;
	s12 =	sadd.s32 $0x50, s24  }
0x3d3: {  	[hbm4b:s12+s3] =	stream.linear.scatter [tilespmem:s30], [sflag:$0x3], $0x80, $0x38;
	[tilespmem:$0xE800] =	vst v63  }
0x3d4: {  	s30 =	sadd.s32 $0xA730, s20;
	s12 =	sadd.s32 $0x60, s24  }
0x3d5: {  	[hbm4b:s12+s3] =	stream.linear.scatter [tilespmem:s30], [sflag:$0x3], $0x80, $0x38;
	[tilespmem:$0xE800] =	vst v63  }
0x3d6: {  	s30 =	sadd.s32 $0xA7B8, s20;
	s20 =	sshll.u32 s14, $0x9  }
0x3d7: {  	s12 =	sadd.s32 $0x70, s24;
	s20 =	sand.u32 $0x3FFFFE00, s20  }
0x3d8: {  	[hbm4b:s12+s3] =	stream.linear.scatter [tilespmem:s30], [sflag:$0x3], $0x80, $0x38;
	[tilespmem:$0xE800] =	vst v63  }
0x3d9: {  	s6 =	sadd.s32 $0x200, s20  }
0x3da: {  	[tilespmem:s16], [sflag:$0x1] =	stream.indirect.gather [hbm4b:s4+s13], $0x20, s6, s13, $0xb8;
	[tilespmem:$0xE800] =	vst v63  }
0x3db: {  	s24 =	sadd.s32 $0x280, s20  }
0x3dc: {  	[tilespmem:s17], [sflag:$0x1] =	stream.indirect.gather [hbm4b:s4+s13], $0x20, s24, s13, $0xb8;
	[tilespmem:$0xE800] =	vst v63  }
0x3dd: {  	_ =	swait.ge [sflag:s26], $0x1000  }
0x3de: {  	[sflag:s26] =	ssyncset.done $0x0  }
0x3df: {  	[sflag:s26] =	ssyncadd.s32 $0xFFFFF000  }
0x3e0: {  	s25 =	simm.s32 $0x0;
	_ =	swait.ge [sflag:s26], $0x1000  }
0x3e1: {  	v33 =	vmov s25;
	[sflag:s26] =	ssyncset.done $0x0  }
0x3e2: {  	v33 =	vshrl.u32 v33, $0x3;
	[sflag:s26] =	ssyncadd.s32 $0xFFFFF000  }
0x3e3: {  	v33 =	vshll.u32 v33, v1;
	_ =	swait.ge [sflag:s1], $0x2000  }
0x3e4: {  	v33 =	vbroadcast v33, $0x0;
	[sflag:s1] =	ssyncset.done $0x0  }
0x3e5: {  	s24 =	simm.s32 $0x0;
	[sflag:s1] =	ssyncadd.s32 $0xFFFFE000  }
0x3e6: {  	v35 =	vadd.s32 v0, v33;
	v34 =	vld [tilespmem:s24+$0x8400]  }
0x3e7: {  	v37 =	vadd.s32 v2, v33;
	v36 =	vld [tilespmem:s24+$0x8410];
	_ =	sdelay $0x3  }
0x3e8: {  	[tilespmem:v35+s28+$0x0] =	vst.idx.msk $0xffff, v34  }
0x3e9: {  	[tilespmem:v37+s28+$0x0] =	vst.idx.msk $0xffff, v36  }
0x3ea: {  	v58 =	vadd.s32 v3, v33;
	v34 =	vld [tilespmem:s24+$0x9400]  }
0x3eb: {  	v33 =	vadd.s32 v4, v33;
	s30 =	simm.s32 $0x1;
	v36 =	vld [tilespmem:s24+$0x9410]  }
0x3ec: {  	v59 =	vmov s30  }
0x3ed: {  	v37 =	vshrl.u32 v59, $0x3  }
0x3ee: {  	v37 =	vshll.u32 v37, v1  }
0x3ef: {  	v60 =	vbroadcast v37, $0x0;
	[tilespmem:v58+s28+$0x0] =	vst.idx.msk $0xffff, v34  }
0x3f0: {  	[tilespmem:v33+s28+$0x0] =	vst.idx.msk $0xffff, v36  }
0x3f1: {  	v61 =	vadd.s32 v5, v60;
	v33 =	vld [tilespmem:s24+$0x8420]  }
0x3f2: {  	v37 =	vadd.s32 v6, v60;
	v36 =	vld [tilespmem:s24+$0x8430];
	_ =	sdelay $0x3  }
0x3f3: {  	[tilespmem:v61+s28+$0x0] =	vst.idx.msk $0xffff, v33  }
0x3f4: {  	[tilespmem:v37+s28+$0x0] =	vst.idx.msk $0xffff, v36  }
0x3f5: {  	v62 =	vadd.s32 v7, v60;
	v33 =	vld [tilespmem:s24+$0x9420]  }
0x3f6: {  	s12 =	simm.s32 $0x2;
	v34 =	vadd.s32 v8, v60;
	v36 =	vld [tilespmem:s24+$0x9430]  }
0x3f7: {  	v63 =	vmov s12  }
0x3f8: {  	v37 =	vshrl.u32 v63, $0x3  }
0x3f9: {  	v37 =	vshll.u32 v37, v1  }
0x3fa: {  	v40 =	vbroadcast v37, $0x0;
	[tilespmem:v62+s28+$0x0] =	vst.idx.msk $0xffff, v33  }
0x3fb: {  	[tilespmem:v34+s28+$0x0] =	vst.idx.msk $0xffff, v36  }
0x3fc: {  	v41 =	vadd.s32 v9, v40;
	v34 =	vld [tilespmem:s24+$0x8440]  }
0x3fd: {  	v37 =	vadd.s32 v10, v40;
	v36 =	vld [tilespmem:s24+$0x8450];
	_ =	sdelay $0x3  }
0x3fe: {  	[tilespmem:v41+s28+$0x0] =	vst.idx.msk $0xffff, v34  }
0x3ff: {  	[tilespmem:v37+s28+$0x0] =	vst.idx.msk $0xffff, v36  }
0x400: {  	v42 =	vadd.s32 v11, v40;
	v34 =	vld [tilespmem:s24+$0x9440]  }
0x401: {  	s25 =	simm.s32 $0x3;
	v33 =	vadd.s32 v12, v40;
	v36 =	vld [tilespmem:s24+$0x9450]  }
0x402: {  	v43 =	vmov s25  }
0x403: {  	v37 =	vshrl.u32 v43, $0x3  }
0x404: {  	v37 =	vshll.u32 v37, v1  }
0x405: {  	v44 =	vbroadcast v37, $0x0;
	[tilespmem:v42+s28+$0x0] =	vst.idx.msk $0xffff, v34  }
0x406: {  	[tilespmem:v33+s28+$0x0] =	vst.idx.msk $0xffff, v36  }
0x407: {  	v45 =	vadd.s32 v13, v44;
	v33 =	vld [tilespmem:s24+$0x8460]  }
0x408: {  	v37 =	vadd.s32 v14, v44;
	v36 =	vld [tilespmem:s24+$0x8470];
	_ =	sdelay $0x3  }
0x409: {  	[tilespmem:v45+s28+$0x0] =	vst.idx.msk $0xffff, v33  }
0x40a: {  	[tilespmem:v37+s28+$0x0] =	vst.idx.msk $0xffff, v36  }
0x40b: {  	v46 =	vadd.s32 v15, v44;
	v33 =	vld [tilespmem:s24+$0x9460]  }
0x40c: {  	s30 =	simm.s32 $0x4;
	v34 =	vadd.s32 v16, v44;
	v36 =	vld [tilespmem:s24+$0x9470]  }
0x40d: {  	v47 =	vmov s30  }
0x40e: {  	v37 =	vshrl.u32 v47, $0x3  }
0x40f: {  	v37 =	vshll.u32 v37, v1  }
0x410: {  	v48 =	vbroadcast v37, $0x0;
	[tilespmem:v46+s28+$0x0] =	vst.idx.msk $0xffff, v33  }
0x411: {  	[tilespmem:v34+s28+$0x0] =	vst.idx.msk $0xffff, v36  }
0x412: {  	v49 =	vadd.s32 v17, v48;
	v34 =	vld [tilespmem:s24+$0x8480]  }
0x413: {  	v37 =	vadd.s32 v18, v48;
	v36 =	vld [tilespmem:s24+$0x8490];
	_ =	sdelay $0x3  }
0x414: {  	[tilespmem:v49+s28+$0x0] =	vst.idx.msk $0xffff, v34  }
0x415: {  	[tilespmem:v37+s28+$0x0] =	vst.idx.msk $0xffff, v36  }
0x416: {  	v50 =	vadd.s32 v19, v48;
	v34 =	vld [tilespmem:s24+$0x9480]  }
0x417: {  	s12 =	simm.s32 $0x5;
	v33 =	vadd.s32 v20, v48;
	v36 =	vld [tilespmem:s24+$0x9490]  }
0x418: {  	v51 =	vmov s12  }
0x419: {  	v37 =	vshrl.u32 v51, $0x3  }
0x41a: {  	v37 =	vshll.u32 v37, v1  }
0x41b: {  	v52 =	vbroadcast v37, $0x0;
	[tilespmem:v50+s28+$0x0] =	vst.idx.msk $0xffff, v34  }
0x41c: {  	[tilespmem:v33+s28+$0x0] =	vst.idx.msk $0xffff, v36  }
0x41d: {  	v53 =	vadd.s32 v21, v52;
	v33 =	vld [tilespmem:s24+$0x84A0]  }
0x41e: {  	v37 =	vadd.s32 v22, v52;
	v36 =	vld [tilespmem:s24+$0x84B0];
	_ =	sdelay $0x3  }
0x41f: {  	[tilespmem:v53+s28+$0x0] =	vst.idx.msk $0xffff, v33  }
0x420: {  	[tilespmem:v37+s28+$0x0] =	vst.idx.msk $0xffff, v36  }
0x421: {  	v54 =	vadd.s32 v23, v52;
	v33 =	vld [tilespmem:s24+$0x94A0]  }
0x422: {  	s25 =	simm.s32 $0x6;
	v34 =	vadd.s32 v24, v52;
	v36 =	vld [tilespmem:s24+$0x94B0]  }
0x423: {  	v55 =	vmov s25  }
0x424: {  	v37 =	vshrl.u32 v55, $0x3  }
0x425: {  	v37 =	vshll.u32 v37, v1  }
0x426: {  	v56 =	vbroadcast v37, $0x0;
	[tilespmem:v54+s28+$0x0] =	vst.idx.msk $0xffff, v33  }
0x427: {  	[tilespmem:v34+s28+$0x0] =	vst.idx.msk $0xffff, v36  }
0x428: {  	v57 =	vadd.s32 v25, v56;
	v34 =	vld [tilespmem:s24+$0x84C0]  }
0x429: {  	v37 =	vadd.s32 v26, v56;
	v36 =	vld [tilespmem:s24+$0x84D0];
	_ =	sdelay $0x3  }
0x42a: {  	[tilespmem:v57+s28+$0x0] =	vst.idx.msk $0xffff, v34  }
0x42b: {  	[tilespmem:v37+s28+$0x0] =	vst.idx.msk $0xffff, v36  }
0x42c: {  	v58 =	vadd.s32 v27, v56;
	v34 =	vld [tilespmem:s24+$0x94C0]  }
0x42d: {  	s30 =	simm.s32 $0x7;
	v33 =	vadd.s32 v28, v56;
	v36 =	vld [tilespmem:s24+$0x94D0]  }
0x42e: {  	v59 =	vmov s30  }
0x42f: {  	v37 =	vshrl.u32 v59, $0x3  }
0x430: {  	v37 =	vshll.u32 v37, v1  }
0x431: {  	v60 =	vbroadcast v37, $0x0;
	[tilespmem:v58+s28+$0x0] =	vst.idx.msk $0xffff, v34  }
0x432: {  	[tilespmem:v33+s28+$0x0] =	vst.idx.msk $0xffff, v36  }
0x433: {  	v61 =	vadd.s32 v29, v60;
	v33 =	vld [tilespmem:s24+$0x84E0]  }
0x434: {  	v37 =	vadd.s32 v30, v60;
	v36 =	vld [tilespmem:s24+$0x84F0];
	_ =	sdelay $0x3  }
0x435: {  	[tilespmem:v61+s28+$0x0] =	vst.idx.msk $0xffff, v33  }
0x436: {  	[tilespmem:v37+s28+$0x0] =	vst.idx.msk $0xffff, v36  }
0x437: {  	v62 =	vadd.s32 v31, v60;
	v36 =	vld [tilespmem:s24+$0x94E0]  }
0x438: {  	s25 =	simm.s32 $0x8;
	v35 =	vadd.s32 v32, v60;
	v34 =	vld [tilespmem:s24+$0x94F0]  }
0x439: {  	v63 =	vmov s25  }
0x43a: {  	v33 =	vshrl.u32 v63, $0x3  }
0x43b: {  	v33 =	vshll.u32 v33, v1  }
0x43c: {  	s29 =	simm.s32 $0x800;
	s24 =	simm.s32 $0x100;
	v33 =	vbroadcast v33, $0x0;
	[tilespmem:v62+s28+$0x0] =	vst.idx.msk $0xffff, v36  }
.LBB2_15:
0x43d: {  	s30 =	sshra.s32 s29, $0x2;
	p0 =	sne.s32 s29, $0x3C00;
	s29 =	sadd.s32 $0x400, s29;
	[tilespmem:v35+s28+$0x0] =	vst.idx.msk $0xffff, v34  }
0x43e: {  	v34 =	vld [tilespmem:s24+$0x8400];
	v35 =	vadd.s32 v0, v33  }
0x43f: {  	v37 =	vadd.s32 v2, v33;
	v36 =	vld [tilespmem:s24+$0x8410];
	_ =	sdelay $0x3  }
0x440: {  	[tilespmem:v35+s28+$0x0] =	vst.idx.msk $0xffff, v34  }
0x441: {  	[tilespmem:v37+s28+$0x0] =	vst.idx.msk $0xffff, v36  }
0x442: {  	v35 =	vadd.s32 v3, v33;
	v34 =	vld [tilespmem:s24+$0x9400]  }
0x443: {  	s6 =	sadd.s32 $0x1, s25;
	v33 =	vadd.s32 v4, v33;
	v36 =	vld [tilespmem:s24+$0x9410]  }
0x444: {  	v37 =	vmov s6  }
0x445: {  	v37 =	vshrl.u32 v37, $0x3  }
0x446: {  	v37 =	vshll.u32 v37, v1  }
0x447: {  	[tilespmem:v35+s28+$0x0] =	vst.idx.msk $0xffff, v34;
	v34 =	vbroadcast v37, $0x0  }
0x448: {  	[tilespmem:v33+s28+$0x0] =	vst.idx.msk $0xffff, v36  }
0x449: {  	v33 =	vld [tilespmem:s24+$0x8420];
	v35 =	vadd.s32 v5, v34  }
0x44a: {  	v37 =	vadd.s32 v6, v34;
	v36 =	vld [tilespmem:s24+$0x8430];
	_ =	sdelay $0x3  }
0x44b: {  	[tilespmem:v35+s28+$0x0] =	vst.idx.msk $0xffff, v33  }
0x44c: {  	[tilespmem:v37+s28+$0x0] =	vst.idx.msk $0xffff, v36  }
0x44d: {  	v35 =	vadd.s32 v7, v34;
	v33 =	vld [tilespmem:s24+$0x9420]  }
0x44e: {  	s6 =	sadd.s32 $0x2, s25;
	v34 =	vadd.s32 v8, v34;
	v36 =	vld [tilespmem:s24+$0x9430]  }
0x44f: {  	v37 =	vmov s6  }
0x450: {  	v37 =	vshrl.u32 v37, $0x3  }
0x451: {  	v37 =	vshll.u32 v37, v1  }
0x452: {  	[tilespmem:v35+s28+$0x0] =	vst.idx.msk $0xffff, v33;
	v33 =	vbroadcast v37, $0x0  }
0x453: {  	[tilespmem:v34+s28+$0x0] =	vst.idx.msk $0xffff, v36  }
0x454: {  	v34 =	vld [tilespmem:s24+$0x8440];
	v35 =	vadd.s32 v9, v33  }
0x455: {  	v37 =	vadd.s32 v10, v33;
	v36 =	vld [tilespmem:s24+$0x8450];
	_ =	sdelay $0x3  }
0x456: {  	[tilespmem:v35+s28+$0x0] =	vst.idx.msk $0xffff, v34  }
0x457: {  	[tilespmem:v37+s28+$0x0] =	vst.idx.msk $0xffff, v36  }
0x458: {  	v35 =	vadd.s32 v11, v33;
	v34 =	vld [tilespmem:s24+$0x9440]  }
0x459: {  	s6 =	sadd.s32 $0x3, s25;
	v33 =	vadd.s32 v12, v33;
	v36 =	vld [tilespmem:s24+$0x9450]  }
0x45a: {  	v37 =	vmov s6  }
0x45b: {  	v37 =	vshrl.u32 v37, $0x3  }
0x45c: {  	v37 =	vshll.u32 v37, v1  }
0x45d: {  	[tilespmem:v35+s28+$0x0] =	vst.idx.msk $0xffff, v34;
	v34 =	vbroadcast v37, $0x0  }
0x45e: {  	[tilespmem:v33+s28+$0x0] =	vst.idx.msk $0xffff, v36  }
0x45f: {  	v33 =	vld [tilespmem:s24+$0x8460];
	v35 =	vadd.s32 v13, v34  }
0x460: {  	v37 =	vadd.s32 v14, v34;
	v36 =	vld [tilespmem:s24+$0x8470];
	_ =	sdelay $0x3  }
0x461: {  	[tilespmem:v35+s28+$0x0] =	vst.idx.msk $0xffff, v33  }
0x462: {  	[tilespmem:v37+s28+$0x0] =	vst.idx.msk $0xffff, v36  }
0x463: {  	v35 =	vadd.s32 v15, v34;
	v33 =	vld [tilespmem:s24+$0x9460]  }
0x464: {  	s6 =	sadd.s32 $0x4, s25;
	v34 =	vadd.s32 v16, v34;
	v36 =	vld [tilespmem:s24+$0x9470]  }
0x465: {  	v37 =	vmov s6  }
0x466: {  	v37 =	vshrl.u32 v37, $0x3  }
0x467: {  	v37 =	vshll.u32 v37, v1  }
0x468: {  	[tilespmem:v35+s28+$0x0] =	vst.idx.msk $0xffff, v33;
	v33 =	vbroadcast v37, $0x0  }
0x469: {  	[tilespmem:v34+s28+$0x0] =	vst.idx.msk $0xffff, v36  }
0x46a: {  	v34 =	vld [tilespmem:s24+$0x8480];
	v35 =	vadd.s32 v17, v33  }
0x46b: {  	v37 =	vadd.s32 v18, v33;
	v36 =	vld [tilespmem:s24+$0x8490];
	_ =	sdelay $0x3  }
0x46c: {  	[tilespmem:v35+s28+$0x0] =	vst.idx.msk $0xffff, v34  }
0x46d: {  	[tilespmem:v37+s28+$0x0] =	vst.idx.msk $0xffff, v36  }
0x46e: {  	v35 =	vadd.s32 v19, v33;
	v34 =	vld [tilespmem:s24+$0x9480]  }
0x46f: {  	s6 =	sadd.s32 $0x5, s25;
	v33 =	vadd.s32 v20, v33;
	v36 =	vld [tilespmem:s24+$0x9490]  }
0x470: {  	v37 =	vmov s6  }
0x471: {  	v37 =	vshrl.u32 v37, $0x3  }
0x472: {  	v37 =	vshll.u32 v37, v1  }
0x473: {  	[tilespmem:v35+s28+$0x0] =	vst.idx.msk $0xffff, v34;
	v34 =	vbroadcast v37, $0x0  }
0x474: {  	[tilespmem:v33+s28+$0x0] =	vst.idx.msk $0xffff, v36  }
0x475: {  	v33 =	vld [tilespmem:s24+$0x84A0];
	v35 =	vadd.s32 v21, v34  }
0x476: {  	v37 =	vadd.s32 v22, v34;
	v36 =	vld [tilespmem:s24+$0x84B0];
	_ =	sdelay $0x3  }
0x477: {  	[tilespmem:v35+s28+$0x0] =	vst.idx.msk $0xffff, v33  }
0x478: {  	[tilespmem:v37+s28+$0x0] =	vst.idx.msk $0xffff, v36  }
0x479: {  	v35 =	vadd.s32 v23, v34;
	v33 =	vld [tilespmem:s24+$0x94A0]  }
0x47a: {  	s6 =	sadd.s32 $0x6, s25;
	v34 =	vadd.s32 v24, v34;
	v36 =	vld [tilespmem:s24+$0x94B0]  }
0x47b: {  	v37 =	vmov s6  }
0x47c: {  	v37 =	vshrl.u32 v37, $0x3  }
0x47d: {  	v37 =	vshll.u32 v37, v1  }
0x47e: {  	[tilespmem:v35+s28+$0x0] =	vst.idx.msk $0xffff, v33;
	v33 =	vbroadcast v37, $0x0  }
0x47f: {  	[tilespmem:v34+s28+$0x0] =	vst.idx.msk $0xffff, v36  }
0x480: {  	v34 =	vld [tilespmem:s24+$0x84C0];
	v35 =	vadd.s32 v25, v33  }
0x481: {  	v37 =	vadd.s32 v26, v33;
	v36 =	vld [tilespmem:s24+$0x84D0];
	_ =	sdelay $0x3  }
0x482: {  	[tilespmem:v35+s28+$0x0] =	vst.idx.msk $0xffff, v34  }
0x483: {  	[tilespmem:v37+s28+$0x0] =	vst.idx.msk $0xffff, v36  }
0x484: {  	v35 =	vadd.s32 v27, v33;
	v34 =	vld [tilespmem:s24+$0x94C0]  }
0x485: {  	s6 =	sadd.s32 $0x7, s25;
	v33 =	vadd.s32 v28, v33;
	v36 =	vld [tilespmem:s24+$0x94D0]  }
0x486: {  	v37 =	vmov s6  }
0x487: {  	v37 =	vshrl.u32 v37, $0x3  }
0x488: {  	v37 =	vshll.u32 v37, v1  }
0x489: {  	[tilespmem:v35+s28+$0x0] =	vst.idx.msk $0xffff, v34;
	v35 =	vbroadcast v37, $0x0  }
0x48a: {  	[tilespmem:v33+s28+$0x0] =	vst.idx.msk $0xffff, v36  }
0x48b: {  	v33 =	vld [tilespmem:s24+$0x84E0];
	v34 =	vadd.s32 v29, v35  }
0x48c: {  	v37 =	vadd.s32 v30, v35;
	v36 =	vld [tilespmem:s24+$0x84F0];
	_ =	sdelay $0x3  }
0x48d: {  	[tilespmem:v34+s28+$0x0] =	vst.idx.msk $0xffff, v33  }
0x48e: {  	[tilespmem:v37+s28+$0x0] =	vst.idx.msk $0xffff, v36  }
0x48f: {  	v37 =	vadd.s32 v31, v35;
	v36 =	vld [tilespmem:s24+$0x94E0]  }
.Ltmp6:
0x490: {  	s25 =	sadd.s32 $0x8, s25;
	v35 =	vadd.s32 v32, v35;
	v34 =	vld [tilespmem:s24+$0x94F0];
	s24 =	smov.u32 s30;
	(pc) =	sbr.rel @p0 .LBB2_15-.Ltmp6, $4  }
0x491: {  	v33 =	vmov s25  }
0x492: {  	v33 =	vshrl.u32 v33, $0x3  }
0x493: {  	v33 =	vshll.u32 v33, v1  }
0x494: {  	v33 =	vbroadcast v33, $0x0;
	[tilespmem:v37+s28+$0x0] =	vst.idx.msk $0xffff, v36  }
0x495: {  	_ =	sdelay $0x3  }
0x496: {  	[tilespmem:v35+s28+$0x0] =	vst.idx.msk $0xffff, v34  }
0x497: {  	v34 =	vld [tilespmem:s24+$0x8400];
	v57 =	vadd.s32 v0, v33  }
0x498: {  	v36 =	vld [tilespmem:s24+$0x8410];
	v37 =	vadd.s32 v2, v33;
	_ =	sdelay $0x3  }
0x499: {  	[tilespmem:v57+s28+$0x0] =	vst.idx.msk $0xffff, v34  }
0x49a: {  	[tilespmem:v37+s28+$0x0] =	vst.idx.msk $0xffff, v36  }
0x49b: {  	v58 =	vadd.s32 v3, v33;
	v34 =	vld [tilespmem:s24+$0x9400]  }
0x49c: {  	s6 =	sadd.s32 $0x1, s25;
	v59 =	vadd.s32 v4, v33;
	v36 =	vld [tilespmem:s24+$0x9410]  }
0x49d: {  	v60 =	vmov s6  }
0x49e: {  	v37 =	vshrl.u32 v60, $0x3  }
0x49f: {  	v37 =	vshll.u32 v37, v1  }
0x4a0: {  	v61 =	vbroadcast v37, $0x0;
	[tilespmem:v58+s28+$0x0] =	vst.idx.msk $0xffff, v34  }
0x4a1: {  	[tilespmem:v59+s28+$0x0] =	vst.idx.msk $0xffff, v36  }
0x4a2: {  	v62 =	vadd.s32 v5, v61;
	v33 =	vld [tilespmem:s24+$0x8420]  }
0x4a3: {  	v37 =	vadd.s32 v6, v61;
	v36 =	vld [tilespmem:s24+$0x8430];
	_ =	sdelay $0x3  }
0x4a4: {  	[tilespmem:v62+s28+$0x0] =	vst.idx.msk $0xffff, v33  }
0x4a5: {  	[tilespmem:v37+s28+$0x0] =	vst.idx.msk $0xffff, v36  }
0x4a6: {  	v63 =	vadd.s32 v7, v61;
	v33 =	vld [tilespmem:s24+$0x9420]  }
0x4a7: {  	s12 =	sadd.s32 $0x2, s25;
	v34 =	vadd.s32 v8, v61;
	v36 =	vld [tilespmem:s24+$0x9430]  }
0x4a8: {  	v40 =	vmov s12  }
0x4a9: {  	v37 =	vshrl.u32 v40, $0x3  }
0x4aa: {  	v37 =	vshll.u32 v37, v1  }
0x4ab: {  	v41 =	vbroadcast v37, $0x0;
	[tilespmem:v63+s28+$0x0] =	vst.idx.msk $0xffff, v33  }
0x4ac: {  	[tilespmem:v34+s28+$0x0] =	vst.idx.msk $0xffff, v36  }
0x4ad: {  	v42 =	vadd.s32 v9, v41;
	v34 =	vld [tilespmem:s24+$0x8440]  }
0x4ae: {  	v37 =	vadd.s32 v10, v41;
	v36 =	vld [tilespmem:s24+$0x8450];
	_ =	sdelay $0x3  }
0x4af: {  	[tilespmem:v42+s28+$0x0] =	vst.idx.msk $0xffff, v34  }
0x4b0: {  	[tilespmem:v37+s28+$0x0] =	vst.idx.msk $0xffff, v36  }
0x4b1: {  	v43 =	vadd.s32 v11, v41;
	v34 =	vld [tilespmem:s24+$0x9440]  }
0x4b2: {  	s12 =	sadd.s32 $0x3, s25;
	v33 =	vadd.s32 v12, v41;
	v36 =	vld [tilespmem:s24+$0x9450]  }
0x4b3: {  	v44 =	vmov s12  }
0x4b4: {  	v37 =	vshrl.u32 v44, $0x3  }
0x4b5: {  	v37 =	vshll.u32 v37, v1  }
0x4b6: {  	v45 =	vbroadcast v37, $0x0;
	[tilespmem:v43+s28+$0x0] =	vst.idx.msk $0xffff, v34  }
0x4b7: {  	[tilespmem:v33+s28+$0x0] =	vst.idx.msk $0xffff, v36  }
0x4b8: {  	v46 =	vadd.s32 v13, v45;
	v33 =	vld [tilespmem:s24+$0x8460]  }
0x4b9: {  	v37 =	vadd.s32 v14, v45;
	v36 =	vld [tilespmem:s24+$0x8470];
	_ =	sdelay $0x3  }
0x4ba: {  	[tilespmem:v46+s28+$0x0] =	vst.idx.msk $0xffff, v33  }
0x4bb: {  	[tilespmem:v37+s28+$0x0] =	vst.idx.msk $0xffff, v36  }
0x4bc: {  	v47 =	vadd.s32 v15, v45;
	v33 =	vld [tilespmem:s24+$0x9460]  }
0x4bd: {  	s12 =	sadd.s32 $0x4, s25;
	v34 =	vadd.s32 v16, v45;
	v36 =	vld [tilespmem:s24+$0x9470]  }
0x4be: {  	v48 =	vmov s12  }
0x4bf: {  	v37 =	vshrl.u32 v48, $0x3  }
0x4c0: {  	v37 =	vshll.u32 v37, v1  }
0x4c1: {  	v49 =	vbroadcast v37, $0x0;
	[tilespmem:v47+s28+$0x0] =	vst.idx.msk $0xffff, v33  }
0x4c2: {  	[tilespmem:v34+s28+$0x0] =	vst.idx.msk $0xffff, v36  }
0x4c3: {  	v50 =	vadd.s32 v17, v49;
	v34 =	vld [tilespmem:s24+$0x8480]  }
0x4c4: {  	v37 =	vadd.s32 v18, v49;
	v36 =	vld [tilespmem:s24+$0x8490];
	_ =	sdelay $0x3  }
0x4c5: {  	[tilespmem:v50+s28+$0x0] =	vst.idx.msk $0xffff, v34  }
0x4c6: {  	[tilespmem:v37+s28+$0x0] =	vst.idx.msk $0xffff, v36  }
0x4c7: {  	v51 =	vadd.s32 v19, v49;
	v34 =	vld [tilespmem:s24+$0x9480]  }
0x4c8: {  	s12 =	sadd.s32 $0x5, s25;
	v33 =	vadd.s32 v20, v49;
	v36 =	vld [tilespmem:s24+$0x9490]  }
0x4c9: {  	v52 =	vmov s12  }
0x4ca: {  	v37 =	vshrl.u32 v52, $0x3  }
0x4cb: {  	v37 =	vshll.u32 v37, v1  }
0x4cc: {  	v53 =	vbroadcast v37, $0x0;
	[tilespmem:v51+s28+$0x0] =	vst.idx.msk $0xffff, v34  }
0x4cd: {  	[tilespmem:v33+s28+$0x0] =	vst.idx.msk $0xffff, v36  }
0x4ce: {  	v54 =	vadd.s32 v21, v53;
	v33 =	vld [tilespmem:s24+$0x84A0]  }
0x4cf: {  	v37 =	vadd.s32 v22, v53;
	v36 =	vld [tilespmem:s24+$0x84B0];
	_ =	sdelay $0x3  }
0x4d0: {  	[tilespmem:v54+s28+$0x0] =	vst.idx.msk $0xffff, v33  }
0x4d1: {  	[tilespmem:v37+s28+$0x0] =	vst.idx.msk $0xffff, v36  }
0x4d2: {  	v55 =	vadd.s32 v23, v53;
	v33 =	vld [tilespmem:s24+$0x94A0]  }
0x4d3: {  	s12 =	sadd.s32 $0x6, s25;
	v34 =	vadd.s32 v24, v53;
	v36 =	vld [tilespmem:s24+$0x94B0]  }
0x4d4: {  	v56 =	vmov s12  }
0x4d5: {  	v37 =	vshrl.u32 v56, $0x3  }
0x4d6: {  	v37 =	vshll.u32 v37, v1  }
0x4d7: {  	v57 =	vbroadcast v37, $0x0;
	[tilespmem:v55+s28+$0x0] =	vst.idx.msk $0xffff, v33  }
0x4d8: {  	[tilespmem:v34+s28+$0x0] =	vst.idx.msk $0xffff, v36  }
0x4d9: {  	v58 =	vadd.s32 v25, v57;
	v34 =	vld [tilespmem:s24+$0x84C0]  }
0x4da: {  	v37 =	vadd.s32 v26, v57;
	v36 =	vld [tilespmem:s24+$0x84D0];
	_ =	sdelay $0x3  }
0x4db: {  	[tilespmem:v58+s28+$0x0] =	vst.idx.msk $0xffff, v34  }
0x4dc: {  	[tilespmem:v37+s28+$0x0] =	vst.idx.msk $0xffff, v36  }
0x4dd: {  	v59 =	vadd.s32 v27, v57;
	v34 =	vld [tilespmem:s24+$0x94C0]  }
0x4de: {  	s12 =	sadd.s32 $0x7, s25;
	v33 =	vadd.s32 v28, v57;
	v36 =	vld [tilespmem:s24+$0x94D0]  }
0x4df: {  	v60 =	vmov s12  }
0x4e0: {  	v37 =	vshrl.u32 v60, $0x3  }
0x4e1: {  	v37 =	vshll.u32 v37, v1  }
0x4e2: {  	v61 =	vbroadcast v37, $0x0;
	[tilespmem:v59+s28+$0x0] =	vst.idx.msk $0xffff, v34  }
0x4e3: {  	[tilespmem:v33+s28+$0x0] =	vst.idx.msk $0xffff, v36  }
0x4e4: {  	v62 =	vadd.s32 v29, v61;
	v33 =	vld [tilespmem:s24+$0x84E0]  }
0x4e5: {  	v37 =	vadd.s32 v30, v61;
	v36 =	vld [tilespmem:s24+$0x84F0];
	_ =	sdelay $0x3  }
0x4e6: {  	[tilespmem:v62+s28+$0x0] =	vst.idx.msk $0xffff, v33  }
0x4e7: {  	[tilespmem:v37+s28+$0x0] =	vst.idx.msk $0xffff, v36  }
0x4e8: {  	v63 =	vadd.s32 v31, v61;
	v33 =	vld [tilespmem:s24+$0x94E0]  }
0x4e9: {  	v34 =	vadd.s32 v32, v61;
	v36 =	vld [tilespmem:s24+$0x94F0];
	_ =	sdelay $0x3  }
0x4ea: {  	[tilespmem:v63+s28+$0x0] =	vst.idx.msk $0xffff, v33  }
0x4eb: {  	s6 =	sadd.s32 s18, s8;
	s24 =	simm.s32 $0xC600;
	[tilespmem:v34+s28+$0x0] =	vst.idx.msk $0xffff, v36  }
0x4ec: {  	[hbm4b:s6+s3] =	stream.linear.scatter [tilespmem:s24], [sflag:$0x4], $0x80, $0x38;
	[tilespmem:$0xE800] =	vst v63  }
0x4ed: {  	s25 =	simm.s32 $0xC688;
	s12 =	sadd.s32 $0x10, s6  }
0x4ee: {  	[hbm4b:s12+s3] =	stream.linear.scatter [tilespmem:s25], [sflag:$0x4], $0x80, $0x38;
	[tilespmem:$0xE800] =	vst v63  }
0x4ef: {  	s25 =	simm.s32 $0xC710;
	s12 =	sadd.s32 $0x20, s6  }
0x4f0: {  	[hbm4b:s12+s3] =	stream.linear.scatter [tilespmem:s25], [sflag:$0x4], $0x80, $0x38;
	[tilespmem:$0xE800] =	vst v63  }
0x4f1: {  	s25 =	simm.s32 $0xC798;
	s12 =	sadd.s32 $0x30, s6  }
0x4f2: {  	[hbm4b:s12+s3] =	stream.linear.scatter [tilespmem:s25], [sflag:$0x4], $0x80, $0x38;
	[tilespmem:$0xE800] =	vst v63  }
0x4f3: {  	s25 =	simm.s32 $0xC820;
	s12 =	sadd.s32 $0x40, s6  }
0x4f4: {  	[hbm4b:s12+s3] =	stream.linear.scatter [tilespmem:s25], [sflag:$0x4], $0x80, $0x38;
	[tilespmem:$0xE800] =	vst v63  }
0x4f5: {  	s29 =	simm.s32 $0xC9B8;
	s25 =	simm.s32 $0xC8A8;
	s12 =	sadd.s32 $0x50, s6  }
0x4f6: {  	[hbm4b:s12+s3] =	stream.linear.scatter [tilespmem:s25], [sflag:$0x4], $0x80, $0x38;
	[tilespmem:$0xE800] =	vst v63  }
0x4f7: {  	s18 =	simm.s32 $0x440;
	s24 =	simm.s32 $0xC930;
	s25 =	sadd.s32 $0x60, s6  }
0x4f8: {  	[hbm4b:s25+s3] =	stream.linear.scatter [tilespmem:s24], [sflag:$0x4], $0x80, $0x38;
	[tilespmem:$0xE800] =	vst v63  }
0x4f9: {  	s30 =	sadd.s32 $0x70, s6;
	s25 =	simm.s32 $0x2200;
	s24 =	sadd.s32 $0x1000, s6  }
.LBB2_17:
0x4fa: {  	[hbm4b:s30+s3] =	stream.linear.scatter [tilespmem:s29], [sflag:$0x4], $0x80, $0x38;
	[tilespmem:$0xE800] =	vst v63  }
0x4fb: {  	s6 =	smov.u32 s18;
	s18 =	smov.u32 s25  }
0x4fc: {  	s12 =	sadd.s32 $0x1100, s25;
	s18 =	sshra.s32 s18, $0x2;
	s29 =	sadd.s32 $0xC600, s6  }
0x4fd: {  	[hbm4b:s24+s3] =	stream.linear.scatter [tilespmem:s29], [sflag:$0x4], $0x80, $0x38;
	[tilespmem:$0xE800] =	vst v63  }
0x4fe: {  	p0 =	sne.s32 s25, $0x7700;
	s25 =	sadd.s32 $0xC688, s6;
	s29 =	sadd.s32 $0x10, s24  }
0x4ff: {  	[hbm4b:s29+s3] =	stream.linear.scatter [tilespmem:s25], [sflag:$0x4], $0x80, $0x38;
	[tilespmem:$0xE800] =	vst v63  }
0x500: {  	s25 =	sadd.s32 $0xC710, s6;
	s29 =	sadd.s32 $0x20, s24  }
0x501: {  	[hbm4b:s29+s3] =	stream.linear.scatter [tilespmem:s25], [sflag:$0x4], $0x80, $0x38;
	[tilespmem:$0xE800] =	vst v63  }
0x502: {  	s25 =	sadd.s32 $0xC798, s6;
	s29 =	sadd.s32 $0x30, s24  }
0x503: {  	[hbm4b:s29+s3] =	stream.linear.scatter [tilespmem:s25], [sflag:$0x4], $0x80, $0x38;
	[tilespmem:$0xE800] =	vst v63  }
0x504: {  	s25 =	sadd.s32 $0xC820, s6;
	s29 =	sadd.s32 $0x40, s24  }
0x505: {  	[hbm4b:s29+s3] =	stream.linear.scatter [tilespmem:s25], [sflag:$0x4], $0x80, $0x38;
	[tilespmem:$0xE800] =	vst v63  }
.Ltmp7:
0x506: {  	s25 =	sadd.s32 $0xC8A8, s6;
	s29 =	sadd.s32 $0x50, s24;
	(pc) =	sbr.rel @p0 .LBB2_17-.Ltmp7, $4  }
0x507: {  	[hbm4b:s29+s3] =	stream.linear.scatter [tilespmem:s25], [sflag:$0x4], $0x80, $0x38;
	[tilespmem:$0xE800] =	vst v63  }
0x508: {  	s30 =	sadd.s32 $0x70, s24;
	s25 =	sadd.s32 $0xC930, s6;
	s29 =	sadd.s32 $0x60, s24  }
0x509: {  	[hbm4b:s29+s3] =	stream.linear.scatter [tilespmem:s25], [sflag:$0x4], $0x80, $0x38;
	[tilespmem:$0xE800] =	vst v63  }
0x50a: {  	s24 =	sadd.s32 $0x1000, s24;
	s29 =	sadd.s32 $0xC9B8, s6;
	s25 =	smov.u32 s12  }
0x50b: {  	[hbm4b:s30+s3] =	stream.linear.scatter [tilespmem:s29], [sflag:$0x4], $0x80, $0x38;
	[tilespmem:$0xE800] =	vst v63  }
0x50c: {  	s6 =	sadd.s32 $0xC600, s18  }
0x50d: {  	[hbm4b:s24+s3] =	stream.linear.scatter [tilespmem:s6], [sflag:$0x4], $0x80, $0x38;
	[tilespmem:$0xE800] =	vst v63  }
0x50e: {  	s25 =	sadd.s32 $0xC688, s18;
	s12 =	sadd.s32 $0x10, s24  }
0x50f: {  	[hbm4b:s12+s3] =	stream.linear.scatter [tilespmem:s25], [sflag:$0x4], $0x80, $0x38;
	[tilespmem:$0xE800] =	vst v63  }
0x510: {  	s29 =	sadd.s32 $0xC710, s18;
	s30 =	sadd.s32 $0x20, s24  }
0x511: {  	[hbm4b:s30+s3] =	stream.linear.scatter [tilespmem:s29], [sflag:$0x4], $0x80, $0x38;
	[tilespmem:$0xE800] =	vst v63  }
0x512: {  	s12 =	sadd.s32 $0xC798, s18;
	s25 =	sadd.s32 $0x30, s24  }
0x513: {  	[hbm4b:s25+s3] =	stream.linear.scatter [tilespmem:s12], [sflag:$0x4], $0x80, $0x38;
	[tilespmem:$0xE800] =	vst v63  }
0x514: {  	s29 =	sadd.s32 $0xC820, s18;
	s30 =	sadd.s32 $0x40, s24  }
0x515: {  	[hbm4b:s30+s3] =	stream.linear.scatter [tilespmem:s29], [sflag:$0x4], $0x80, $0x38;
	[tilespmem:$0xE800] =	vst v63  }
0x516: {  	s12 =	sadd.s32 $0xC8A8, s18;
	s25 =	sadd.s32 $0x50, s24  }
0x517: {  	[hbm4b:s25+s3] =	stream.linear.scatter [tilespmem:s12], [sflag:$0x4], $0x80, $0x38;
	[tilespmem:$0xE800] =	vst v63  }
0x518: {  	s14 =	sadd.s32 $0x1, s14;
	s29 =	sadd.s32 $0xC930, s18;
	s30 =	sadd.s32 $0x60, s24  }
0x519: {  	[hbm4b:s30+s3] =	stream.linear.scatter [tilespmem:s29], [sflag:$0x4], $0x80, $0x38;
	[tilespmem:$0xE800] =	vst v63  }
0x51a: {  	p0 =	sne.s32 s14, $0x31;
	s18 =	sadd.s32 $0xC9B8, s18;
	s25 =	sadd.s32 $0x70, s24  }
0x51b: {  	[hbm4b:s25+s3] =	stream.linear.scatter [tilespmem:s18], [sflag:$0x4], $0x80, $0x38;
	[tilespmem:$0xE800] =	vst v63  }
.Ltmp8:
0x51c: {  	_ = 	snop;
	(pc) =	sbr.rel @p0 .LBB2_10-.Ltmp8, $4  }
0x51d: {  	s29 =	sadd.s32 $0x300, s20  }
0x51e: {  	[tilespmem:s19], [sflag:$0x2] =	stream.indirect.gather [hbm4b:s4+s13], $0x20, s29, s13, $0xb8;
	[tilespmem:$0xE800] =	vst v63  }
0x51f: {  	s30 =	sadd.s32 $0x380, s20  }
0x520: {  	[tilespmem:s21], [sflag:$0x2] =	stream.indirect.gather [hbm4b:s4+s13], $0x20, s30, s13, $0xb8;
	[tilespmem:$0xE800] =	vst v63  }
0x521: {  	_ =	swait.ge [sflag:s22], $0x1000  }
0x522: {  	[sflag:s22] =	ssyncset.done $0x0  }
0x523: {  	[sflag:s22] =	ssyncadd.s32 $0xFFFFF000  }
0x524: {  	s6 =	simm.s32 $0x0;
	_ =	swait.ge [sflag:s22], $0x1000  }
0x525: {  	v33 =	vmov s6;
	[sflag:s22] =	ssyncset.done $0x0  }
0x526: {  	v33 =	vshrl.u32 v33, $0x3;
	[sflag:s22] =	ssyncadd.s32 $0xFFFFF000  }
0x527: {  	v33 =	vshll.u32 v33, v1;
	_ =	swait.ge [sflag:s31], $0x2000  }
0x528: {  	v33 =	vbroadcast v33, $0x0;
	[sflag:s31] =	ssyncset.done $0x0  }
0x529: {  	s14 =	simm.s32 $0x0;
	[sflag:s31] =	ssyncadd.s32 $0xFFFFE000  }
0x52a: {  	v35 =	vadd.s32 v0, v33;
	v34 =	vld [tilespmem:s14+$0x6400]  }
0x52b: {  	v37 =	vadd.s32 v2, v33;
	v36 =	vld [tilespmem:s14+$0x6410];
	_ =	sdelay $0x3  }
0x52c: {  	[tilespmem:v35+s23+$0x0] =	vst.idx.msk $0xffff, v34  }
0x52d: {  	[tilespmem:v37+s23+$0x0] =	vst.idx.msk $0xffff, v36  }
0x52e: {  	v58 =	vadd.s32 v3, v33;
	v34 =	vld [tilespmem:s14+$0x7400]  }
0x52f: {  	s12 =	simm.s32 $0x1;
	v33 =	vadd.s32 v4, v33;
	v36 =	vld [tilespmem:s14+$0x7410]  }
0x530: {  	v59 =	vmov s12  }
0x531: {  	v37 =	vshrl.u32 v59, $0x3  }
0x532: {  	v37 =	vshll.u32 v37, v1  }
0x533: {  	v60 =	vbroadcast v37, $0x0;
	[tilespmem:v58+s23+$0x0] =	vst.idx.msk $0xffff, v34  }
0x534: {  	[tilespmem:v33+s23+$0x0] =	vst.idx.msk $0xffff, v36  }
0x535: {  	v61 =	vadd.s32 v5, v60;
	v33 =	vld [tilespmem:s14+$0x6420]  }
0x536: {  	v37 =	vadd.s32 v6, v60;
	v36 =	vld [tilespmem:s14+$0x6430];
	_ =	sdelay $0x3  }
0x537: {  	[tilespmem:v61+s23+$0x0] =	vst.idx.msk $0xffff, v33  }
0x538: {  	[tilespmem:v37+s23+$0x0] =	vst.idx.msk $0xffff, v36  }
0x539: {  	v62 =	vadd.s32 v7, v60;
	v33 =	vld [tilespmem:s14+$0x7420]  }
0x53a: {  	s18 =	simm.s32 $0x2;
	v34 =	vadd.s32 v8, v60;
	v36 =	vld [tilespmem:s14+$0x7430]  }
0x53b: {  	v63 =	vmov s18  }
0x53c: {  	v37 =	vshrl.u32 v63, $0x3  }
0x53d: {  	v37 =	vshll.u32 v37, v1  }
0x53e: {  	v40 =	vbroadcast v37, $0x0;
	[tilespmem:v62+s23+$0x0] =	vst.idx.msk $0xffff, v33  }
0x53f: {  	[tilespmem:v34+s23+$0x0] =	vst.idx.msk $0xffff, v36  }
0x540: {  	v41 =	vadd.s32 v9, v40;
	v34 =	vld [tilespmem:s14+$0x6440]  }
0x541: {  	v37 =	vadd.s32 v10, v40;
	v36 =	vld [tilespmem:s14+$0x6450];
	_ =	sdelay $0x3  }
0x542: {  	[tilespmem:v41+s23+$0x0] =	vst.idx.msk $0xffff, v34  }
0x543: {  	[tilespmem:v37+s23+$0x0] =	vst.idx.msk $0xffff, v36  }
0x544: {  	v42 =	vadd.s32 v11, v40;
	v34 =	vld [tilespmem:s14+$0x7440]  }
0x545: {  	s20 =	simm.s32 $0x3;
	v33 =	vadd.s32 v12, v40;
	v36 =	vld [tilespmem:s14+$0x7450]  }
0x546: {  	v43 =	vmov s20  }
0x547: {  	v37 =	vshrl.u32 v43, $0x3  }
0x548: {  	v37 =	vshll.u32 v37, v1  }
0x549: {  	v44 =	vbroadcast v37, $0x0;
	[tilespmem:v42+s23+$0x0] =	vst.idx.msk $0xffff, v34  }
0x54a: {  	[tilespmem:v33+s23+$0x0] =	vst.idx.msk $0xffff, v36  }
0x54b: {  	v45 =	vadd.s32 v13, v44;
	v33 =	vld [tilespmem:s14+$0x6460]  }
0x54c: {  	v37 =	vadd.s32 v14, v44;
	v36 =	vld [tilespmem:s14+$0x6470];
	_ =	sdelay $0x3  }
0x54d: {  	[tilespmem:v45+s23+$0x0] =	vst.idx.msk $0xffff, v33  }
0x54e: {  	[tilespmem:v37+s23+$0x0] =	vst.idx.msk $0xffff, v36  }
0x54f: {  	v46 =	vadd.s32 v15, v44;
	v33 =	vld [tilespmem:s14+$0x7460]  }
0x550: {  	s24 =	simm.s32 $0x4;
	v34 =	vadd.s32 v16, v44;
	v36 =	vld [tilespmem:s14+$0x7470]  }
0x551: {  	v47 =	vmov s24  }
0x552: {  	v37 =	vshrl.u32 v47, $0x3  }
0x553: {  	v37 =	vshll.u32 v37, v1  }
0x554: {  	v48 =	vbroadcast v37, $0x0;
	[tilespmem:v46+s23+$0x0] =	vst.idx.msk $0xffff, v33  }
0x555: {  	[tilespmem:v34+s23+$0x0] =	vst.idx.msk $0xffff, v36  }
0x556: {  	v49 =	vadd.s32 v17, v48;
	v34 =	vld [tilespmem:s14+$0x6480]  }
0x557: {  	v37 =	vadd.s32 v18, v48;
	v36 =	vld [tilespmem:s14+$0x6490];
	_ =	sdelay $0x3  }
0x558: {  	[tilespmem:v49+s23+$0x0] =	vst.idx.msk $0xffff, v34  }
0x559: {  	[tilespmem:v37+s23+$0x0] =	vst.idx.msk $0xffff, v36  }
0x55a: {  	v50 =	vadd.s32 v19, v48;
	v34 =	vld [tilespmem:s14+$0x7480]  }
0x55b: {  	s25 =	simm.s32 $0x5;
	v33 =	vadd.s32 v20, v48;
	v36 =	vld [tilespmem:s14+$0x7490]  }
0x55c: {  	v51 =	vmov s25  }
0x55d: {  	v37 =	vshrl.u32 v51, $0x3  }
0x55e: {  	v37 =	vshll.u32 v37, v1  }
0x55f: {  	v52 =	vbroadcast v37, $0x0;
	[tilespmem:v50+s23+$0x0] =	vst.idx.msk $0xffff, v34  }
0x560: {  	[tilespmem:v33+s23+$0x0] =	vst.idx.msk $0xffff, v36  }
0x561: {  	v53 =	vadd.s32 v21, v52;
	v33 =	vld [tilespmem:s14+$0x64A0]  }
0x562: {  	v37 =	vadd.s32 v22, v52;
	v36 =	vld [tilespmem:s14+$0x64B0];
	_ =	sdelay $0x3  }
0x563: {  	[tilespmem:v53+s23+$0x0] =	vst.idx.msk $0xffff, v33  }
0x564: {  	[tilespmem:v37+s23+$0x0] =	vst.idx.msk $0xffff, v36  }
0x565: {  	v54 =	vadd.s32 v23, v52;
	v33 =	vld [tilespmem:s14+$0x74A0]  }
0x566: {  	s29 =	simm.s32 $0x6;
	v34 =	vadd.s32 v24, v52;
	v36 =	vld [tilespmem:s14+$0x74B0]  }
0x567: {  	v55 =	vmov s29  }
0x568: {  	v37 =	vshrl.u32 v55, $0x3  }
0x569: {  	v37 =	vshll.u32 v37, v1  }
0x56a: {  	v56 =	vbroadcast v37, $0x0;
	[tilespmem:v54+s23+$0x0] =	vst.idx.msk $0xffff, v33  }
0x56b: {  	[tilespmem:v34+s23+$0x0] =	vst.idx.msk $0xffff, v36  }
0x56c: {  	v57 =	vadd.s32 v25, v56;
	v34 =	vld [tilespmem:s14+$0x64C0]  }
0x56d: {  	v37 =	vadd.s32 v26, v56;
	v36 =	vld [tilespmem:s14+$0x64D0];
	_ =	sdelay $0x3  }
0x56e: {  	[tilespmem:v57+s23+$0x0] =	vst.idx.msk $0xffff, v34  }
0x56f: {  	[tilespmem:v37+s23+$0x0] =	vst.idx.msk $0xffff, v36  }
0x570: {  	v58 =	vadd.s32 v27, v56;
	v34 =	vld [tilespmem:s14+$0x74C0]  }
0x571: {  	s30 =	simm.s32 $0x7;
	v33 =	vadd.s32 v28, v56;
	v36 =	vld [tilespmem:s14+$0x74D0]  }
0x572: {  	v59 =	vmov s30  }
0x573: {  	v37 =	vshrl.u32 v59, $0x3  }
0x574: {  	v37 =	vshll.u32 v37, v1  }
0x575: {  	v60 =	vbroadcast v37, $0x0;
	[tilespmem:v58+s23+$0x0] =	vst.idx.msk $0xffff, v34  }
0x576: {  	[tilespmem:v33+s23+$0x0] =	vst.idx.msk $0xffff, v36  }
0x577: {  	v61 =	vadd.s32 v29, v60;
	v33 =	vld [tilespmem:s14+$0x64E0]  }
0x578: {  	v37 =	vadd.s32 v30, v60;
	v36 =	vld [tilespmem:s14+$0x64F0];
	_ =	sdelay $0x3  }
0x579: {  	[tilespmem:v61+s23+$0x0] =	vst.idx.msk $0xffff, v33  }
0x57a: {  	[tilespmem:v37+s23+$0x0] =	vst.idx.msk $0xffff, v36  }
0x57b: {  	v62 =	vadd.s32 v31, v60;
	v36 =	vld [tilespmem:s14+$0x74E0]  }
0x57c: {  	s18 =	simm.s32 $0x8;
	v35 =	vadd.s32 v32, v60;
	v34 =	vld [tilespmem:s14+$0x74F0]  }
0x57d: {  	v63 =	vmov s18  }
0x57e: {  	v33 =	vshrl.u32 v63, $0x3  }
0x57f: {  	v33 =	vshll.u32 v33, v1  }
0x580: {  	s20 =	simm.s32 $0x800;
	s14 =	simm.s32 $0x100;
	v33 =	vbroadcast v33, $0x0;
	[tilespmem:v62+s23+$0x0] =	vst.idx.msk $0xffff, v36  }
.LBB2_20:
0x581: {  	s24 =	sshra.s32 s20, $0x2;
	p0 =	sne.s32 s20, $0x3C00;
	s20 =	sadd.s32 $0x400, s20;
	[tilespmem:v35+s23+$0x0] =	vst.idx.msk $0xffff, v34  }
0x582: {  	v34 =	vld [tilespmem:s14+$0x6400];
	v35 =	vadd.s32 v0, v33  }
0x583: {  	v37 =	vadd.s32 v2, v33;
	v36 =	vld [tilespmem:s14+$0x6410];
	_ =	sdelay $0x3  }
0x584: {  	[tilespmem:v35+s23+$0x0] =	vst.idx.msk $0xffff, v34  }
0x585: {  	[tilespmem:v37+s23+$0x0] =	vst.idx.msk $0xffff, v36  }
0x586: {  	v35 =	vadd.s32 v3, v33;
	v34 =	vld [tilespmem:s14+$0x7400]  }
0x587: {  	s6 =	sadd.s32 $0x1, s18;
	v33 =	vadd.s32 v4, v33;
	v36 =	vld [tilespmem:s14+$0x7410]  }
0x588: {  	v37 =	vmov s6  }
0x589: {  	v37 =	vshrl.u32 v37, $0x3  }
0x58a: {  	v37 =	vshll.u32 v37, v1  }
0x58b: {  	[tilespmem:v35+s23+$0x0] =	vst.idx.msk $0xffff, v34;
	v34 =	vbroadcast v37, $0x0  }
0x58c: {  	[tilespmem:v33+s23+$0x0] =	vst.idx.msk $0xffff, v36  }
0x58d: {  	v33 =	vld [tilespmem:s14+$0x6420];
	v35 =	vadd.s32 v5, v34  }
0x58e: {  	v37 =	vadd.s32 v6, v34;
	v36 =	vld [tilespmem:s14+$0x6430];
	_ =	sdelay $0x3  }
0x58f: {  	[tilespmem:v35+s23+$0x0] =	vst.idx.msk $0xffff, v33  }
0x590: {  	[tilespmem:v37+s23+$0x0] =	vst.idx.msk $0xffff, v36  }
0x591: {  	v35 =	vadd.s32 v7, v34;
	v33 =	vld [tilespmem:s14+$0x7420]  }
0x592: {  	s6 =	sadd.s32 $0x2, s18;
	v34 =	vadd.s32 v8, v34;
	v36 =	vld [tilespmem:s14+$0x7430]  }
0x593: {  	v37 =	vmov s6  }
0x594: {  	v37 =	vshrl.u32 v37, $0x3  }
0x595: {  	v37 =	vshll.u32 v37, v1  }
0x596: {  	[tilespmem:v35+s23+$0x0] =	vst.idx.msk $0xffff, v33;
	v33 =	vbroadcast v37, $0x0  }
0x597: {  	[tilespmem:v34+s23+$0x0] =	vst.idx.msk $0xffff, v36  }
0x598: {  	v34 =	vld [tilespmem:s14+$0x6440];
	v35 =	vadd.s32 v9, v33  }
0x599: {  	v37 =	vadd.s32 v10, v33;
	v36 =	vld [tilespmem:s14+$0x6450];
	_ =	sdelay $0x3  }
0x59a: {  	[tilespmem:v35+s23+$0x0] =	vst.idx.msk $0xffff, v34  }
0x59b: {  	[tilespmem:v37+s23+$0x0] =	vst.idx.msk $0xffff, v36  }
0x59c: {  	v35 =	vadd.s32 v11, v33;
	v34 =	vld [tilespmem:s14+$0x7440]  }
0x59d: {  	s6 =	sadd.s32 $0x3, s18;
	v33 =	vadd.s32 v12, v33;
	v36 =	vld [tilespmem:s14+$0x7450]  }
0x59e: {  	v37 =	vmov s6  }
0x59f: {  	v37 =	vshrl.u32 v37, $0x3  }
0x5a0: {  	v37 =	vshll.u32 v37, v1  }
0x5a1: {  	[tilespmem:v35+s23+$0x0] =	vst.idx.msk $0xffff, v34;
	v34 =	vbroadcast v37, $0x0  }
0x5a2: {  	[tilespmem:v33+s23+$0x0] =	vst.idx.msk $0xffff, v36  }
0x5a3: {  	v33 =	vld [tilespmem:s14+$0x6460];
	v35 =	vadd.s32 v13, v34  }
0x5a4: {  	v37 =	vadd.s32 v14, v34;
	v36 =	vld [tilespmem:s14+$0x6470];
	_ =	sdelay $0x3  }
0x5a5: {  	[tilespmem:v35+s23+$0x0] =	vst.idx.msk $0xffff, v33  }
0x5a6: {  	[tilespmem:v37+s23+$0x0] =	vst.idx.msk $0xffff, v36  }
0x5a7: {  	v35 =	vadd.s32 v15, v34;
	v33 =	vld [tilespmem:s14+$0x7460]  }
0x5a8: {  	s6 =	sadd.s32 $0x4, s18;
	v34 =	vadd.s32 v16, v34;
	v36 =	vld [tilespmem:s14+$0x7470]  }
0x5a9: {  	v37 =	vmov s6  }
0x5aa: {  	v37 =	vshrl.u32 v37, $0x3  }
0x5ab: {  	v37 =	vshll.u32 v37, v1  }
0x5ac: {  	[tilespmem:v35+s23+$0x0] =	vst.idx.msk $0xffff, v33;
	v33 =	vbroadcast v37, $0x0  }
0x5ad: {  	[tilespmem:v34+s23+$0x0] =	vst.idx.msk $0xffff, v36  }
0x5ae: {  	v34 =	vld [tilespmem:s14+$0x6480];
	v35 =	vadd.s32 v17, v33  }
0x5af: {  	v37 =	vadd.s32 v18, v33;
	v36 =	vld [tilespmem:s14+$0x6490];
	_ =	sdelay $0x3  }
0x5b0: {  	[tilespmem:v35+s23+$0x0] =	vst.idx.msk $0xffff, v34  }
0x5b1: {  	[tilespmem:v37+s23+$0x0] =	vst.idx.msk $0xffff, v36  }
0x5b2: {  	v35 =	vadd.s32 v19, v33;
	v34 =	vld [tilespmem:s14+$0x7480]  }
0x5b3: {  	s6 =	sadd.s32 $0x5, s18;
	v33 =	vadd.s32 v20, v33;
	v36 =	vld [tilespmem:s14+$0x7490]  }
0x5b4: {  	v37 =	vmov s6  }
0x5b5: {  	v37 =	vshrl.u32 v37, $0x3  }
0x5b6: {  	v37 =	vshll.u32 v37, v1  }
0x5b7: {  	[tilespmem:v35+s23+$0x0] =	vst.idx.msk $0xffff, v34;
	v34 =	vbroadcast v37, $0x0  }
0x5b8: {  	[tilespmem:v33+s23+$0x0] =	vst.idx.msk $0xffff, v36  }
0x5b9: {  	v33 =	vld [tilespmem:s14+$0x64A0];
	v35 =	vadd.s32 v21, v34  }
0x5ba: {  	v37 =	vadd.s32 v22, v34;
	v36 =	vld [tilespmem:s14+$0x64B0];
	_ =	sdelay $0x3  }
0x5bb: {  	[tilespmem:v35+s23+$0x0] =	vst.idx.msk $0xffff, v33  }
0x5bc: {  	[tilespmem:v37+s23+$0x0] =	vst.idx.msk $0xffff, v36  }
0x5bd: {  	v35 =	vadd.s32 v23, v34;
	v33 =	vld [tilespmem:s14+$0x74A0]  }
0x5be: {  	s6 =	sadd.s32 $0x6, s18;
	v34 =	vadd.s32 v24, v34;
	v36 =	vld [tilespmem:s14+$0x74B0]  }
0x5bf: {  	v37 =	vmov s6  }
0x5c0: {  	v37 =	vshrl.u32 v37, $0x3  }
0x5c1: {  	v37 =	vshll.u32 v37, v1  }
0x5c2: {  	[tilespmem:v35+s23+$0x0] =	vst.idx.msk $0xffff, v33;
	v33 =	vbroadcast v37, $0x0  }
0x5c3: {  	[tilespmem:v34+s23+$0x0] =	vst.idx.msk $0xffff, v36  }
0x5c4: {  	v34 =	vld [tilespmem:s14+$0x64C0];
	v35 =	vadd.s32 v25, v33  }
0x5c5: {  	v37 =	vadd.s32 v26, v33;
	v36 =	vld [tilespmem:s14+$0x64D0];
	_ =	sdelay $0x3  }
0x5c6: {  	[tilespmem:v35+s23+$0x0] =	vst.idx.msk $0xffff, v34  }
0x5c7: {  	[tilespmem:v37+s23+$0x0] =	vst.idx.msk $0xffff, v36  }
0x5c8: {  	v35 =	vadd.s32 v27, v33;
	v34 =	vld [tilespmem:s14+$0x74C0]  }
0x5c9: {  	s6 =	sadd.s32 $0x7, s18;
	v33 =	vadd.s32 v28, v33;
	v36 =	vld [tilespmem:s14+$0x74D0]  }
0x5ca: {  	v37 =	vmov s6  }
0x5cb: {  	v37 =	vshrl.u32 v37, $0x3  }
0x5cc: {  	v37 =	vshll.u32 v37, v1  }
0x5cd: {  	[tilespmem:v35+s23+$0x0] =	vst.idx.msk $0xffff, v34;
	v35 =	vbroadcast v37, $0x0  }
0x5ce: {  	[tilespmem:v33+s23+$0x0] =	vst.idx.msk $0xffff, v36  }
0x5cf: {  	v33 =	vld [tilespmem:s14+$0x64E0];
	v34 =	vadd.s32 v29, v35  }
0x5d0: {  	v37 =	vadd.s32 v30, v35;
	v36 =	vld [tilespmem:s14+$0x64F0];
	_ =	sdelay $0x3  }
0x5d1: {  	[tilespmem:v34+s23+$0x0] =	vst.idx.msk $0xffff, v33  }
0x5d2: {  	[tilespmem:v37+s23+$0x0] =	vst.idx.msk $0xffff, v36  }
0x5d3: {  	v37 =	vadd.s32 v31, v35;
	v36 =	vld [tilespmem:s14+$0x74E0]  }
.Ltmp9:
0x5d4: {  	s18 =	sadd.s32 $0x8, s18;
	v35 =	vadd.s32 v32, v35;
	v34 =	vld [tilespmem:s14+$0x74F0];
	s14 =	smov.u32 s24;
	(pc) =	sbr.rel @p0 .LBB2_20-.Ltmp9, $4  }
0x5d5: {  	v33 =	vmov s18  }
0x5d6: {  	v33 =	vshrl.u32 v33, $0x3  }
0x5d7: {  	v33 =	vshll.u32 v33, v1  }
0x5d8: {  	v33 =	vbroadcast v33, $0x0;
	[tilespmem:v37+s23+$0x0] =	vst.idx.msk $0xffff, v36  }
0x5d9: {  	_ =	sdelay $0x3  }
0x5da: {  	[tilespmem:v35+s23+$0x0] =	vst.idx.msk $0xffff, v34  }
0x5db: {  	v34 =	vld [tilespmem:s14+$0x6400];
	v57 =	vadd.s32 v0, v33  }
0x5dc: {  	v36 =	vld [tilespmem:s14+$0x6410];
	v37 =	vadd.s32 v2, v33;
	_ =	sdelay $0x3  }
0x5dd: {  	[tilespmem:v57+s23+$0x0] =	vst.idx.msk $0xffff, v34  }
0x5de: {  	[tilespmem:v37+s23+$0x0] =	vst.idx.msk $0xffff, v36  }
0x5df: {  	v58 =	vadd.s32 v3, v33;
	v34 =	vld [tilespmem:s14+$0x7400]  }
0x5e0: {  	s6 =	sadd.s32 $0x1, s18;
	v59 =	vadd.s32 v4, v33;
	v36 =	vld [tilespmem:s14+$0x7410]  }
0x5e1: {  	v60 =	vmov s6  }
0x5e2: {  	v37 =	vshrl.u32 v60, $0x3  }
0x5e3: {  	v37 =	vshll.u32 v37, v1  }
0x5e4: {  	v61 =	vbroadcast v37, $0x0;
	[tilespmem:v58+s23+$0x0] =	vst.idx.msk $0xffff, v34  }
0x5e5: {  	[tilespmem:v59+s23+$0x0] =	vst.idx.msk $0xffff, v36  }
0x5e6: {  	v62 =	vadd.s32 v5, v61;
	v33 =	vld [tilespmem:s14+$0x6420]  }
0x5e7: {  	v37 =	vadd.s32 v6, v61;
	v36 =	vld [tilespmem:s14+$0x6430];
	_ =	sdelay $0x3  }
0x5e8: {  	[tilespmem:v62+s23+$0x0] =	vst.idx.msk $0xffff, v33  }
0x5e9: {  	[tilespmem:v37+s23+$0x0] =	vst.idx.msk $0xffff, v36  }
0x5ea: {  	v63 =	vadd.s32 v7, v61;
	v33 =	vld [tilespmem:s14+$0x7420]  }
0x5eb: {  	s24 =	sadd.s32 $0x2, s18;
	v34 =	vadd.s32 v8, v61;
	v36 =	vld [tilespmem:s14+$0x7430]  }
0x5ec: {  	v40 =	vmov s24  }
0x5ed: {  	v37 =	vshrl.u32 v40, $0x3  }
0x5ee: {  	v37 =	vshll.u32 v37, v1  }
0x5ef: {  	v41 =	vbroadcast v37, $0x0;
	[tilespmem:v63+s23+$0x0] =	vst.idx.msk $0xffff, v33  }
0x5f0: {  	[tilespmem:v34+s23+$0x0] =	vst.idx.msk $0xffff, v36  }
0x5f1: {  	v42 =	vadd.s32 v9, v41;
	v34 =	vld [tilespmem:s14+$0x6440]  }
0x5f2: {  	v37 =	vadd.s32 v10, v41;
	v36 =	vld [tilespmem:s14+$0x6450];
	_ =	sdelay $0x3  }
0x5f3: {  	[tilespmem:v42+s23+$0x0] =	vst.idx.msk $0xffff, v34  }
0x5f4: {  	[tilespmem:v37+s23+$0x0] =	vst.idx.msk $0xffff, v36  }
0x5f5: {  	v43 =	vadd.s32 v11, v41;
	v34 =	vld [tilespmem:s14+$0x7440]  }
0x5f6: {  	s25 =	sadd.s32 $0x3, s18;
	v33 =	vadd.s32 v12, v41;
	v36 =	vld [tilespmem:s14+$0x7450]  }
0x5f7: {  	v44 =	vmov s25  }
0x5f8: {  	v37 =	vshrl.u32 v44, $0x3  }
0x5f9: {  	v37 =	vshll.u32 v37, v1  }
0x5fa: {  	v45 =	vbroadcast v37, $0x0;
	[tilespmem:v43+s23+$0x0] =	vst.idx.msk $0xffff, v34  }
0x5fb: {  	[tilespmem:v33+s23+$0x0] =	vst.idx.msk $0xffff, v36  }
0x5fc: {  	v46 =	vadd.s32 v13, v45;
	v33 =	vld [tilespmem:s14+$0x6460]  }
0x5fd: {  	v37 =	vadd.s32 v14, v45;
	v36 =	vld [tilespmem:s14+$0x6470];
	_ =	sdelay $0x3  }
0x5fe: {  	[tilespmem:v46+s23+$0x0] =	vst.idx.msk $0xffff, v33  }
0x5ff: {  	[tilespmem:v37+s23+$0x0] =	vst.idx.msk $0xffff, v36  }
0x600: {  	v47 =	vadd.s32 v15, v45;
	v33 =	vld [tilespmem:s14+$0x7460]  }
0x601: {  	s29 =	sadd.s32 $0x4, s18;
	v34 =	vadd.s32 v16, v45;
	v36 =	vld [tilespmem:s14+$0x7470]  }
0x602: {  	v48 =	vmov s29  }
0x603: {  	v37 =	vshrl.u32 v48, $0x3  }
0x604: {  	v37 =	vshll.u32 v37, v1  }
0x605: {  	v49 =	vbroadcast v37, $0x0;
	[tilespmem:v47+s23+$0x0] =	vst.idx.msk $0xffff, v33  }
0x606: {  	[tilespmem:v34+s23+$0x0] =	vst.idx.msk $0xffff, v36  }
0x607: {  	v50 =	vadd.s32 v17, v49;
	v34 =	vld [tilespmem:s14+$0x6480]  }
0x608: {  	v37 =	vadd.s32 v18, v49;
	v36 =	vld [tilespmem:s14+$0x6490];
	_ =	sdelay $0x3  }
0x609: {  	[tilespmem:v50+s23+$0x0] =	vst.idx.msk $0xffff, v34  }
0x60a: {  	[tilespmem:v37+s23+$0x0] =	vst.idx.msk $0xffff, v36  }
0x60b: {  	v51 =	vadd.s32 v19, v49;
	v34 =	vld [tilespmem:s14+$0x7480]  }
0x60c: {  	s30 =	sadd.s32 $0x5, s18;
	v33 =	vadd.s32 v20, v49;
	v36 =	vld [tilespmem:s14+$0x7490]  }
0x60d: {  	v52 =	vmov s30  }
0x60e: {  	v37 =	vshrl.u32 v52, $0x3  }
0x60f: {  	v37 =	vshll.u32 v37, v1  }
0x610: {  	v53 =	vbroadcast v37, $0x0;
	[tilespmem:v51+s23+$0x0] =	vst.idx.msk $0xffff, v34  }
0x611: {  	[tilespmem:v33+s23+$0x0] =	vst.idx.msk $0xffff, v36  }
0x612: {  	v54 =	vadd.s32 v21, v53;
	v33 =	vld [tilespmem:s14+$0x64A0]  }
0x613: {  	v37 =	vadd.s32 v22, v53;
	v36 =	vld [tilespmem:s14+$0x64B0];
	_ =	sdelay $0x3  }
0x614: {  	[tilespmem:v54+s23+$0x0] =	vst.idx.msk $0xffff, v33  }
0x615: {  	[tilespmem:v37+s23+$0x0] =	vst.idx.msk $0xffff, v36  }
0x616: {  	v55 =	vadd.s32 v23, v53;
	v33 =	vld [tilespmem:s14+$0x74A0]  }
0x617: {  	s12 =	sadd.s32 $0x6, s18;
	v34 =	vadd.s32 v24, v53;
	v36 =	vld [tilespmem:s14+$0x74B0]  }
0x618: {  	v56 =	vmov s12  }
0x619: {  	v37 =	vshrl.u32 v56, $0x3  }
0x61a: {  	v37 =	vshll.u32 v37, v1  }
0x61b: {  	v57 =	vbroadcast v37, $0x0;
	[tilespmem:v55+s23+$0x0] =	vst.idx.msk $0xffff, v33  }
0x61c: {  	[tilespmem:v34+s23+$0x0] =	vst.idx.msk $0xffff, v36  }
0x61d: {  	v58 =	vadd.s32 v25, v57;
	v34 =	vld [tilespmem:s14+$0x64C0]  }
0x61e: {  	v37 =	vadd.s32 v26, v57;
	v36 =	vld [tilespmem:s14+$0x64D0];
	_ =	sdelay $0x3  }
0x61f: {  	[tilespmem:v58+s23+$0x0] =	vst.idx.msk $0xffff, v34  }
0x620: {  	[tilespmem:v37+s23+$0x0] =	vst.idx.msk $0xffff, v36  }
0x621: {  	v59 =	vadd.s32 v27, v57;
	v34 =	vld [tilespmem:s14+$0x74C0]  }
0x622: {  	s20 =	sadd.s32 $0x7, s18;
	v33 =	vadd.s32 v28, v57;
	v36 =	vld [tilespmem:s14+$0x74D0]  }
0x623: {  	v60 =	vmov s20  }
0x624: {  	v37 =	vshrl.u32 v60, $0x3  }
0x625: {  	v37 =	vshll.u32 v37, v1  }
0x626: {  	v61 =	vbroadcast v37, $0x0;
	[tilespmem:v59+s23+$0x0] =	vst.idx.msk $0xffff, v34  }
0x627: {  	[tilespmem:v33+s23+$0x0] =	vst.idx.msk $0xffff, v36  }
0x628: {  	v62 =	vadd.s32 v29, v61;
	v33 =	vld [tilespmem:s14+$0x64E0]  }
0x629: {  	v37 =	vadd.s32 v30, v61;
	v36 =	vld [tilespmem:s14+$0x64F0];
	_ =	sdelay $0x3  }
0x62a: {  	[tilespmem:v62+s23+$0x0] =	vst.idx.msk $0xffff, v33  }
0x62b: {  	[tilespmem:v37+s23+$0x0] =	vst.idx.msk $0xffff, v36  }
0x62c: {  	v63 =	vadd.s32 v31, v61;
	v33 =	vld [tilespmem:s14+$0x74E0]  }
0x62d: {  	v34 =	vadd.s32 v32, v61;
	v36 =	vld [tilespmem:s14+$0x74F0];
	_ =	sdelay $0x3  }
0x62e: {  	[tilespmem:v63+s23+$0x0] =	vst.idx.msk $0xffff, v33  }
0x62f: {  	s24 =	simm.s32 $0xA400;
	[tilespmem:v34+s23+$0x0] =	vst.idx.msk $0xffff, v36  }
0x630: {  	[hbm4b:s10+s3] =	stream.linear.scatter [tilespmem:s24], [sflag:$0x3], $0x80, $0x38;
	[tilespmem:$0xE800] =	vst v63  }
0x631: {  	s25 =	simm.s32 $0xA488;
	s12 =	sadd.s32 $0x10, s10  }
0x632: {  	[hbm4b:s12+s3] =	stream.linear.scatter [tilespmem:s25], [sflag:$0x3], $0x80, $0x38;
	[tilespmem:$0xE800] =	vst v63  }
0x633: {  	s18 =	simm.s32 $0xA620;
	s29 =	simm.s32 $0xA510;
	s30 =	sadd.s32 $0x20, s10  }
0x634: {  	[hbm4b:s30+s3] =	stream.linear.scatter [tilespmem:s29], [sflag:$0x3], $0x80, $0x38;
	[tilespmem:$0xE800] =	vst v63  }
0x635: {  	s20 =	sadd.s32 $0x40, s10;
	s14 =	sadd.s32 $0x30, s10;
	s12 =	simm.s32 $0xA598  }
0x636: {  	[hbm4b:s14+s3] =	stream.linear.scatter [tilespmem:s12], [sflag:$0x3], $0x80, $0x38;
	[tilespmem:$0xE800] =	vst v63  }
0x637: {  	s24 =	simm.s32 $0xA6A8;
	s25 =	sadd.s32 $0x50, s10;
	s29 =	simm.s32 $0xA730  }
0x638: {  	[hbm4b:s20+s3] =	stream.linear.scatter [tilespmem:s18], [sflag:$0x3], $0x80, $0x38;
	[tilespmem:$0xE800] =	vst v63  }
0x639: {  	s30 =	sadd.s32 $0x60, s10;
	s14 =	simm.s32 $0x440;
	s20 =	simm.s32 $0x2200  }
0x63a: {  	[hbm4b:s25+s3] =	stream.linear.scatter [tilespmem:s24], [sflag:$0x3], $0x80, $0x38;
	[tilespmem:$0xE800] =	vst v63  }
0x63b: {  	s18 =	sadd.s32 $0x1000, s10;
	s24 =	simm.s32 $0xA7B8;
	s25 =	sadd.s32 $0x70, s10  }
0x63c: {  	[hbm4b:s30+s3] =	stream.linear.scatter [tilespmem:s29], [sflag:$0x3], $0x80, $0x38;
	[tilespmem:$0xE800] =	vst v63  }
.LBB2_22:
0x63d: {  	[hbm4b:s25+s3] =	stream.linear.scatter [tilespmem:s24], [sflag:$0x3], $0x80, $0x38;
	[tilespmem:$0xE800] =	vst v63  }
0x63e: {  	s6 =	smov.u32 s14;
	s12 =	smov.u32 s20  }
0x63f: {  	s14 =	sshra.s32 s12, $0x2;
	s12 =	sadd.s32 $0x1100, s20;
	s24 =	sadd.s32 $0xA400, s6  }
0x640: {  	[hbm4b:s18+s3] =	stream.linear.scatter [tilespmem:s24], [sflag:$0x3], $0x80, $0x38;
	[tilespmem:$0xE800] =	vst v63  }
0x641: {  	p0 =	sne.s32 s20, $0x7700;
	s20 =	sadd.s32 $0xA488, s6;
	s24 =	sadd.s32 $0x10, s18  }
0x642: {  	[hbm4b:s24+s3] =	stream.linear.scatter [tilespmem:s20], [sflag:$0x3], $0x80, $0x38;
	[tilespmem:$0xE800] =	vst v63  }
0x643: {  	s20 =	sadd.s32 $0xA510, s6;
	s24 =	sadd.s32 $0x20, s18  }
0x644: {  	[hbm4b:s24+s3] =	stream.linear.scatter [tilespmem:s20], [sflag:$0x3], $0x80, $0x38;
	[tilespmem:$0xE800] =	vst v63  }
0x645: {  	s20 =	sadd.s32 $0xA598, s6;
	s24 =	sadd.s32 $0x30, s18  }
0x646: {  	[hbm4b:s24+s3] =	stream.linear.scatter [tilespmem:s20], [sflag:$0x3], $0x80, $0x38;
	[tilespmem:$0xE800] =	vst v63  }
0x647: {  	s20 =	sadd.s32 $0xA620, s6;
	s24 =	sadd.s32 $0x40, s18  }
0x648: {  	[hbm4b:s24+s3] =	stream.linear.scatter [tilespmem:s20], [sflag:$0x3], $0x80, $0x38;
	[tilespmem:$0xE800] =	vst v63  }
.Ltmp10:
0x649: {  	s20 =	sadd.s32 $0xA6A8, s6;
	s24 =	sadd.s32 $0x50, s18;
	(pc) =	sbr.rel @p0 .LBB2_22-.Ltmp10, $4  }
0x64a: {  	[hbm4b:s24+s3] =	stream.linear.scatter [tilespmem:s20], [sflag:$0x3], $0x80, $0x38;
	[tilespmem:$0xE800] =	vst v63  }
0x64b: {  	s25 =	sadd.s32 $0x70, s18;
	s20 =	sadd.s32 $0xA730, s6;
	s24 =	sadd.s32 $0x60, s18  }
0x64c: {  	[hbm4b:s24+s3] =	stream.linear.scatter [tilespmem:s20], [sflag:$0x3], $0x80, $0x38;
	[tilespmem:$0xE800] =	vst v63  }
0x64d: {  	s18 =	sadd.s32 $0x1000, s18;
	s24 =	sadd.s32 $0xA7B8, s6;
	s20 =	smov.u32 s12  }
0x64e: {  	[hbm4b:s25+s3] =	stream.linear.scatter [tilespmem:s24], [sflag:$0x3], $0x80, $0x38;
	[tilespmem:$0xE800] =	vst v63  }
0x64f: {  	s6 =	sadd.s32 $0xA400, s14  }
0x650: {  	[hbm4b:s18+s3] =	stream.linear.scatter [tilespmem:s6], [sflag:$0x3], $0x80, $0x38;
	[tilespmem:$0xE800] =	vst v63  }
0x651: {  	s25 =	sadd.s32 $0xA488, s14;
	s12 =	sadd.s32 $0x10, s18  }
0x652: {  	[hbm4b:s12+s3] =	stream.linear.scatter [tilespmem:s25], [sflag:$0x3], $0x80, $0x38;
	[tilespmem:$0xE800] =	vst v63  }
0x653: {  	s29 =	sadd.s32 $0xA510, s14;
	s30 =	sadd.s32 $0x20, s18  }
0x654: {  	[hbm4b:s30+s3] =	stream.linear.scatter [tilespmem:s29], [sflag:$0x3], $0x80, $0x38;
	[tilespmem:$0xE800] =	vst v63  }
0x655: {  	s20 =	sadd.s32 $0x30, s18;
	s12 =	sadd.s32 $0xA598, s14  }
0x656: {  	[hbm4b:s20+s3] =	stream.linear.scatter [tilespmem:s12], [sflag:$0x3], $0x80, $0x38;
	[tilespmem:$0xE800] =	vst v63  }
0x657: {  	s24 =	sadd.s32 $0xA620, s14;
	s25 =	sadd.s32 $0x40, s18  }
0x658: {  	[hbm4b:s25+s3] =	stream.linear.scatter [tilespmem:s24], [sflag:$0x3], $0x80, $0x38;
	[tilespmem:$0xE800] =	vst v63  }
0x659: {  	s29 =	sadd.s32 $0xA6A8, s14;
	s30 =	sadd.s32 $0x50, s18  }
0x65a: {  	[hbm4b:s30+s3] =	stream.linear.scatter [tilespmem:s29], [sflag:$0x3], $0x80, $0x38;
	[tilespmem:$0xE800] =	vst v63  }
0x65b: {  	s20 =	sadd.s32 $0xA730, s14;
	s24 =	sadd.s32 $0x60, s18  }
0x65c: {  	[hbm4b:s24+s3] =	stream.linear.scatter [tilespmem:s20], [sflag:$0x3], $0x80, $0x38;
	[tilespmem:$0xE800] =	vst v63  }
0x65d: {  	s25 =	sadd.s32 $0xA7B8, s14;
	s29 =	sadd.s32 $0x70, s18  }
0x65e: {  	[hbm4b:s29+s3] =	stream.linear.scatter [tilespmem:s25], [sflag:$0x3], $0x80, $0x38;
	[tilespmem:$0xE800] =	vst v63  }
0x65f: {  	_ =	swait.ge [sflag:s26], $0x1000  }
0x660: {  	[sflag:s26] =	ssyncset.done $0x0  }
0x661: {  	[sflag:s26] =	ssyncadd.s32 $0xFFFFF000  }
0x662: {  	s30 =	simm.s32 $0x0;
	_ =	swait.ge [sflag:s26], $0x1000  }
0x663: {  	v33 =	vmov s30;
	[sflag:s26] =	ssyncset.done $0x0  }
0x664: {  	v33 =	vshrl.u32 v33, $0x3;
	[sflag:s26] =	ssyncadd.s32 $0xFFFFF000  }
0x665: {  	v33 =	vshll.u32 v33, v1;
	_ =	swait.ge [sflag:s1], $0x2000  }
0x666: {  	v33 =	vbroadcast v33, $0x0;
	[sflag:s1] =	ssyncset.done $0x0  }
0x667: {  	s14 =	simm.s32 $0x0;
	[sflag:s1] =	ssyncadd.s32 $0xFFFFE000  }
0x668: {  	v35 =	vadd.s32 v0, v33;
	v34 =	vld [tilespmem:s14+$0x8400]  }
0x669: {  	v37 =	vadd.s32 v2, v33;
	v36 =	vld [tilespmem:s14+$0x8410];
	_ =	sdelay $0x3  }
0x66a: {  	[tilespmem:v35+s28+$0x0] =	vst.idx.msk $0xffff, v34  }
0x66b: {  	[tilespmem:v37+s28+$0x0] =	vst.idx.msk $0xffff, v36  }
0x66c: {  	v58 =	vadd.s32 v3, v33;
	v34 =	vld [tilespmem:s14+$0x9400]  }
0x66d: {  	s12 =	simm.s32 $0x1;
	v33 =	vadd.s32 v4, v33;
	v36 =	vld [tilespmem:s14+$0x9410]  }
0x66e: {  	v59 =	vmov s12  }
0x66f: {  	v37 =	vshrl.u32 v59, $0x3  }
0x670: {  	v37 =	vshll.u32 v37, v1  }
0x671: {  	v60 =	vbroadcast v37, $0x0;
	[tilespmem:v58+s28+$0x0] =	vst.idx.msk $0xffff, v34  }
0x672: {  	[tilespmem:v33+s28+$0x0] =	vst.idx.msk $0xffff, v36  }
0x673: {  	v61 =	vadd.s32 v5, v60;
	v33 =	vld [tilespmem:s14+$0x8420]  }
0x674: {  	v37 =	vadd.s32 v6, v60;
	v36 =	vld [tilespmem:s14+$0x8430];
	_ =	sdelay $0x3  }
0x675: {  	[tilespmem:v61+s28+$0x0] =	vst.idx.msk $0xffff, v33  }
0x676: {  	[tilespmem:v37+s28+$0x0] =	vst.idx.msk $0xffff, v36  }
0x677: {  	v62 =	vadd.s32 v7, v60;
	v33 =	vld [tilespmem:s14+$0x9420]  }
0x678: {  	s18 =	simm.s32 $0x2;
	v34 =	vadd.s32 v8, v60;
	v36 =	vld [tilespmem:s14+$0x9430]  }
0x679: {  	v63 =	vmov s18  }
0x67a: {  	v37 =	vshrl.u32 v63, $0x3  }
0x67b: {  	v37 =	vshll.u32 v37, v1  }
0x67c: {  	v40 =	vbroadcast v37, $0x0;
	[tilespmem:v62+s28+$0x0] =	vst.idx.msk $0xffff, v33  }
0x67d: {  	[tilespmem:v34+s28+$0x0] =	vst.idx.msk $0xffff, v36  }
0x67e: {  	v41 =	vadd.s32 v9, v40;
	v34 =	vld [tilespmem:s14+$0x8440]  }
0x67f: {  	v37 =	vadd.s32 v10, v40;
	v36 =	vld [tilespmem:s14+$0x8450];
	_ =	sdelay $0x3  }
0x680: {  	[tilespmem:v41+s28+$0x0] =	vst.idx.msk $0xffff, v34  }
0x681: {  	[tilespmem:v37+s28+$0x0] =	vst.idx.msk $0xffff, v36  }
0x682: {  	v42 =	vadd.s32 v11, v40;
	v34 =	vld [tilespmem:s14+$0x9440]  }
0x683: {  	s20 =	simm.s32 $0x3;
	v33 =	vadd.s32 v12, v40;
	v36 =	vld [tilespmem:s14+$0x9450]  }
0x684: {  	v43 =	vmov s20  }
0x685: {  	v37 =	vshrl.u32 v43, $0x3  }
0x686: {  	v37 =	vshll.u32 v37, v1  }
0x687: {  	v44 =	vbroadcast v37, $0x0;
	[tilespmem:v42+s28+$0x0] =	vst.idx.msk $0xffff, v34  }
0x688: {  	[tilespmem:v33+s28+$0x0] =	vst.idx.msk $0xffff, v36  }
0x689: {  	v45 =	vadd.s32 v13, v44;
	v33 =	vld [tilespmem:s14+$0x8460]  }
0x68a: {  	v37 =	vadd.s32 v14, v44;
	v36 =	vld [tilespmem:s14+$0x8470];
	_ =	sdelay $0x3  }
0x68b: {  	[tilespmem:v45+s28+$0x0] =	vst.idx.msk $0xffff, v33  }
0x68c: {  	[tilespmem:v37+s28+$0x0] =	vst.idx.msk $0xffff, v36  }
0x68d: {  	v46 =	vadd.s32 v15, v44;
	v33 =	vld [tilespmem:s14+$0x9460]  }
0x68e: {  	s24 =	simm.s32 $0x4;
	v34 =	vadd.s32 v16, v44;
	v36 =	vld [tilespmem:s14+$0x9470]  }
0x68f: {  	v47 =	vmov s24  }
0x690: {  	v37 =	vshrl.u32 v47, $0x3  }
0x691: {  	v37 =	vshll.u32 v37, v1  }
0x692: {  	v48 =	vbroadcast v37, $0x0;
	[tilespmem:v46+s28+$0x0] =	vst.idx.msk $0xffff, v33  }
0x693: {  	[tilespmem:v34+s28+$0x0] =	vst.idx.msk $0xffff, v36  }
0x694: {  	v49 =	vadd.s32 v17, v48;
	v34 =	vld [tilespmem:s14+$0x8480]  }
0x695: {  	v37 =	vadd.s32 v18, v48;
	v36 =	vld [tilespmem:s14+$0x8490];
	_ =	sdelay $0x3  }
0x696: {  	[tilespmem:v49+s28+$0x0] =	vst.idx.msk $0xffff, v34  }
0x697: {  	[tilespmem:v37+s28+$0x0] =	vst.idx.msk $0xffff, v36  }
0x698: {  	v50 =	vadd.s32 v19, v48;
	v34 =	vld [tilespmem:s14+$0x9480]  }
0x699: {  	s25 =	simm.s32 $0x5;
	v33 =	vadd.s32 v20, v48;
	v36 =	vld [tilespmem:s14+$0x9490]  }
0x69a: {  	v51 =	vmov s25  }
0x69b: {  	v37 =	vshrl.u32 v51, $0x3  }
0x69c: {  	v37 =	vshll.u32 v37, v1  }
0x69d: {  	v52 =	vbroadcast v37, $0x0;
	[tilespmem:v50+s28+$0x0] =	vst.idx.msk $0xffff, v34  }
0x69e: {  	[tilespmem:v33+s28+$0x0] =	vst.idx.msk $0xffff, v36  }
0x69f: {  	v53 =	vadd.s32 v21, v52;
	v33 =	vld [tilespmem:s14+$0x84A0]  }
0x6a0: {  	v37 =	vadd.s32 v22, v52;
	v36 =	vld [tilespmem:s14+$0x84B0];
	_ =	sdelay $0x3  }
0x6a1: {  	[tilespmem:v53+s28+$0x0] =	vst.idx.msk $0xffff, v33  }
0x6a2: {  	[tilespmem:v37+s28+$0x0] =	vst.idx.msk $0xffff, v36  }
0x6a3: {  	v54 =	vadd.s32 v23, v52;
	v33 =	vld [tilespmem:s14+$0x94A0]  }
0x6a4: {  	s29 =	simm.s32 $0x6;
	v34 =	vadd.s32 v24, v52;
	v36 =	vld [tilespmem:s14+$0x94B0]  }
0x6a5: {  	v55 =	vmov s29  }
0x6a6: {  	v37 =	vshrl.u32 v55, $0x3  }
0x6a7: {  	v37 =	vshll.u32 v37, v1  }
0x6a8: {  	v56 =	vbroadcast v37, $0x0;
	[tilespmem:v54+s28+$0x0] =	vst.idx.msk $0xffff, v33  }
0x6a9: {  	[tilespmem:v34+s28+$0x0] =	vst.idx.msk $0xffff, v36  }
0x6aa: {  	v57 =	vadd.s32 v25, v56;
	v34 =	vld [tilespmem:s14+$0x84C0]  }
0x6ab: {  	v37 =	vadd.s32 v26, v56;
	v36 =	vld [tilespmem:s14+$0x84D0];
	_ =	sdelay $0x3  }
0x6ac: {  	[tilespmem:v57+s28+$0x0] =	vst.idx.msk $0xffff, v34  }
0x6ad: {  	[tilespmem:v37+s28+$0x0] =	vst.idx.msk $0xffff, v36  }
0x6ae: {  	v58 =	vadd.s32 v27, v56;
	v34 =	vld [tilespmem:s14+$0x94C0]  }
0x6af: {  	s30 =	simm.s32 $0x7;
	v33 =	vadd.s32 v28, v56;
	v36 =	vld [tilespmem:s14+$0x94D0]  }
0x6b0: {  	v59 =	vmov s30  }
0x6b1: {  	v37 =	vshrl.u32 v59, $0x3  }
0x6b2: {  	v37 =	vshll.u32 v37, v1  }
0x6b3: {  	v60 =	vbroadcast v37, $0x0;
	[tilespmem:v58+s28+$0x0] =	vst.idx.msk $0xffff, v34  }
0x6b4: {  	[tilespmem:v33+s28+$0x0] =	vst.idx.msk $0xffff, v36  }
0x6b5: {  	v61 =	vadd.s32 v29, v60;
	v33 =	vld [tilespmem:s14+$0x84E0]  }
0x6b6: {  	v37 =	vadd.s32 v30, v60;
	v36 =	vld [tilespmem:s14+$0x84F0];
	_ =	sdelay $0x3  }
0x6b7: {  	[tilespmem:v61+s28+$0x0] =	vst.idx.msk $0xffff, v33  }
0x6b8: {  	[tilespmem:v37+s28+$0x0] =	vst.idx.msk $0xffff, v36  }
0x6b9: {  	v62 =	vadd.s32 v31, v60;
	v36 =	vld [tilespmem:s14+$0x94E0]  }
0x6ba: {  	s18 =	simm.s32 $0x8;
	v35 =	vadd.s32 v32, v60;
	v34 =	vld [tilespmem:s14+$0x94F0]  }
0x6bb: {  	v63 =	vmov s18  }
0x6bc: {  	v33 =	vshrl.u32 v63, $0x3  }
0x6bd: {  	v33 =	vshll.u32 v33, v1  }
0x6be: {  	s20 =	simm.s32 $0x800;
	s14 =	simm.s32 $0x100;
	v33 =	vbroadcast v33, $0x0;
	[tilespmem:v62+s28+$0x0] =	vst.idx.msk $0xffff, v36  }
.LBB2_24:
0x6bf: {  	s24 =	sshra.s32 s20, $0x2;
	p0 =	sne.s32 s20, $0x3C00;
	s20 =	sadd.s32 $0x400, s20;
	[tilespmem:v35+s28+$0x0] =	vst.idx.msk $0xffff, v34  }
0x6c0: {  	v34 =	vld [tilespmem:s14+$0x8400];
	v35 =	vadd.s32 v0, v33  }
0x6c1: {  	v37 =	vadd.s32 v2, v33;
	v36 =	vld [tilespmem:s14+$0x8410];
	_ =	sdelay $0x3  }
0x6c2: {  	[tilespmem:v35+s28+$0x0] =	vst.idx.msk $0xffff, v34  }
0x6c3: {  	[tilespmem:v37+s28+$0x0] =	vst.idx.msk $0xffff, v36  }
0x6c4: {  	v35 =	vadd.s32 v3, v33;
	v34 =	vld [tilespmem:s14+$0x9400]  }
0x6c5: {  	s6 =	sadd.s32 $0x1, s18;
	v33 =	vadd.s32 v4, v33;
	v36 =	vld [tilespmem:s14+$0x9410]  }
0x6c6: {  	v37 =	vmov s6  }
0x6c7: {  	v37 =	vshrl.u32 v37, $0x3  }
0x6c8: {  	v37 =	vshll.u32 v37, v1  }
0x6c9: {  	[tilespmem:v35+s28+$0x0] =	vst.idx.msk $0xffff, v34;
	v34 =	vbroadcast v37, $0x0  }
0x6ca: {  	[tilespmem:v33+s28+$0x0] =	vst.idx.msk $0xffff, v36  }
0x6cb: {  	v33 =	vld [tilespmem:s14+$0x8420];
	v35 =	vadd.s32 v5, v34  }
0x6cc: {  	v37 =	vadd.s32 v6, v34;
	v36 =	vld [tilespmem:s14+$0x8430];
	_ =	sdelay $0x3  }
0x6cd: {  	[tilespmem:v35+s28+$0x0] =	vst.idx.msk $0xffff, v33  }
0x6ce: {  	[tilespmem:v37+s28+$0x0] =	vst.idx.msk $0xffff, v36  }
0x6cf: {  	v35 =	vadd.s32 v7, v34;
	v33 =	vld [tilespmem:s14+$0x9420]  }
0x6d0: {  	s6 =	sadd.s32 $0x2, s18;
	v34 =	vadd.s32 v8, v34;
	v36 =	vld [tilespmem:s14+$0x9430]  }
0x6d1: {  	v37 =	vmov s6  }
0x6d2: {  	v37 =	vshrl.u32 v37, $0x3  }
0x6d3: {  	v37 =	vshll.u32 v37, v1  }
0x6d4: {  	[tilespmem:v35+s28+$0x0] =	vst.idx.msk $0xffff, v33;
	v33 =	vbroadcast v37, $0x0  }
0x6d5: {  	[tilespmem:v34+s28+$0x0] =	vst.idx.msk $0xffff, v36  }
0x6d6: {  	v34 =	vld [tilespmem:s14+$0x8440];
	v35 =	vadd.s32 v9, v33  }
0x6d7: {  	v37 =	vadd.s32 v10, v33;
	v36 =	vld [tilespmem:s14+$0x8450];
	_ =	sdelay $0x3  }
0x6d8: {  	[tilespmem:v35+s28+$0x0] =	vst.idx.msk $0xffff, v34  }
0x6d9: {  	[tilespmem:v37+s28+$0x0] =	vst.idx.msk $0xffff, v36  }
0x6da: {  	v35 =	vadd.s32 v11, v33;
	v34 =	vld [tilespmem:s14+$0x9440]  }
0x6db: {  	s6 =	sadd.s32 $0x3, s18;
	v33 =	vadd.s32 v12, v33;
	v36 =	vld [tilespmem:s14+$0x9450]  }
0x6dc: {  	v37 =	vmov s6  }
0x6dd: {  	v37 =	vshrl.u32 v37, $0x3  }
0x6de: {  	v37 =	vshll.u32 v37, v1  }
0x6df: {  	[tilespmem:v35+s28+$0x0] =	vst.idx.msk $0xffff, v34;
	v34 =	vbroadcast v37, $0x0  }
0x6e0: {  	[tilespmem:v33+s28+$0x0] =	vst.idx.msk $0xffff, v36  }
0x6e1: {  	v33 =	vld [tilespmem:s14+$0x8460];
	v35 =	vadd.s32 v13, v34  }
0x6e2: {  	v37 =	vadd.s32 v14, v34;
	v36 =	vld [tilespmem:s14+$0x8470];
	_ =	sdelay $0x3  }
0x6e3: {  	[tilespmem:v35+s28+$0x0] =	vst.idx.msk $0xffff, v33  }
0x6e4: {  	[tilespmem:v37+s28+$0x0] =	vst.idx.msk $0xffff, v36  }
0x6e5: {  	v35 =	vadd.s32 v15, v34;
	v33 =	vld [tilespmem:s14+$0x9460]  }
0x6e6: {  	s6 =	sadd.s32 $0x4, s18;
	v34 =	vadd.s32 v16, v34;
	v36 =	vld [tilespmem:s14+$0x9470]  }
0x6e7: {  	v37 =	vmov s6  }
0x6e8: {  	v37 =	vshrl.u32 v37, $0x3  }
0x6e9: {  	v37 =	vshll.u32 v37, v1  }
0x6ea: {  	[tilespmem:v35+s28+$0x0] =	vst.idx.msk $0xffff, v33;
	v33 =	vbroadcast v37, $0x0  }
0x6eb: {  	[tilespmem:v34+s28+$0x0] =	vst.idx.msk $0xffff, v36  }
0x6ec: {  	v34 =	vld [tilespmem:s14+$0x8480];
	v35 =	vadd.s32 v17, v33  }
0x6ed: {  	v37 =	vadd.s32 v18, v33;
	v36 =	vld [tilespmem:s14+$0x8490];
	_ =	sdelay $0x3  }
0x6ee: {  	[tilespmem:v35+s28+$0x0] =	vst.idx.msk $0xffff, v34  }
0x6ef: {  	[tilespmem:v37+s28+$0x0] =	vst.idx.msk $0xffff, v36  }
0x6f0: {  	v35 =	vadd.s32 v19, v33;
	v34 =	vld [tilespmem:s14+$0x9480]  }
0x6f1: {  	s6 =	sadd.s32 $0x5, s18;
	v33 =	vadd.s32 v20, v33;
	v36 =	vld [tilespmem:s14+$0x9490]  }
0x6f2: {  	v37 =	vmov s6  }
0x6f3: {  	v37 =	vshrl.u32 v37, $0x3  }
0x6f4: {  	v37 =	vshll.u32 v37, v1  }
0x6f5: {  	[tilespmem:v35+s28+$0x0] =	vst.idx.msk $0xffff, v34;
	v34 =	vbroadcast v37, $0x0  }
0x6f6: {  	[tilespmem:v33+s28+$0x0] =	vst.idx.msk $0xffff, v36  }
0x6f7: {  	v33 =	vld [tilespmem:s14+$0x84A0];
	v35 =	vadd.s32 v21, v34  }
0x6f8: {  	v37 =	vadd.s32 v22, v34;
	v36 =	vld [tilespmem:s14+$0x84B0];
	_ =	sdelay $0x3  }
0x6f9: {  	[tilespmem:v35+s28+$0x0] =	vst.idx.msk $0xffff, v33  }
0x6fa: {  	[tilespmem:v37+s28+$0x0] =	vst.idx.msk $0xffff, v36  }
0x6fb: {  	v35 =	vadd.s32 v23, v34;
	v33 =	vld [tilespmem:s14+$0x94A0]  }
0x6fc: {  	s6 =	sadd.s32 $0x6, s18;
	v34 =	vadd.s32 v24, v34;
	v36 =	vld [tilespmem:s14+$0x94B0]  }
0x6fd: {  	v37 =	vmov s6  }
0x6fe: {  	v37 =	vshrl.u32 v37, $0x3  }
0x6ff: {  	v37 =	vshll.u32 v37, v1  }
0x700: {  	[tilespmem:v35+s28+$0x0] =	vst.idx.msk $0xffff, v33;
	v33 =	vbroadcast v37, $0x0  }
0x701: {  	[tilespmem:v34+s28+$0x0] =	vst.idx.msk $0xffff, v36  }
0x702: {  	v34 =	vld [tilespmem:s14+$0x84C0];
	v35 =	vadd.s32 v25, v33  }
0x703: {  	v37 =	vadd.s32 v26, v33;
	v36 =	vld [tilespmem:s14+$0x84D0];
	_ =	sdelay $0x3  }
0x704: {  	[tilespmem:v35+s28+$0x0] =	vst.idx.msk $0xffff, v34  }
0x705: {  	[tilespmem:v37+s28+$0x0] =	vst.idx.msk $0xffff, v36  }
0x706: {  	v35 =	vadd.s32 v27, v33;
	v34 =	vld [tilespmem:s14+$0x94C0]  }
0x707: {  	s6 =	sadd.s32 $0x7, s18;
	v33 =	vadd.s32 v28, v33;
	v36 =	vld [tilespmem:s14+$0x94D0]  }
0x708: {  	v37 =	vmov s6  }
0x709: {  	v37 =	vshrl.u32 v37, $0x3  }
0x70a: {  	v37 =	vshll.u32 v37, v1  }
0x70b: {  	[tilespmem:v35+s28+$0x0] =	vst.idx.msk $0xffff, v34;
	v35 =	vbroadcast v37, $0x0  }
0x70c: {  	[tilespmem:v33+s28+$0x0] =	vst.idx.msk $0xffff, v36  }
0x70d: {  	v33 =	vld [tilespmem:s14+$0x84E0];
	v34 =	vadd.s32 v29, v35  }
0x70e: {  	v37 =	vadd.s32 v30, v35;
	v36 =	vld [tilespmem:s14+$0x84F0];
	_ =	sdelay $0x3  }
0x70f: {  	[tilespmem:v34+s28+$0x0] =	vst.idx.msk $0xffff, v33  }
0x710: {  	[tilespmem:v37+s28+$0x0] =	vst.idx.msk $0xffff, v36  }
0x711: {  	v37 =	vadd.s32 v31, v35;
	v36 =	vld [tilespmem:s14+$0x94E0]  }
.Ltmp11:
0x712: {  	s18 =	sadd.s32 $0x8, s18;
	v35 =	vadd.s32 v32, v35;
	v34 =	vld [tilespmem:s14+$0x94F0];
	s14 =	smov.u32 s24;
	(pc) =	sbr.rel @p0 .LBB2_24-.Ltmp11, $4  }
0x713: {  	v33 =	vmov s18  }
0x714: {  	v33 =	vshrl.u32 v33, $0x3  }
0x715: {  	v33 =	vshll.u32 v33, v1  }
0x716: {  	v33 =	vbroadcast v33, $0x0;
	[tilespmem:v37+s28+$0x0] =	vst.idx.msk $0xffff, v36  }
0x717: {  	_ =	sdelay $0x3  }
0x718: {  	[tilespmem:v35+s28+$0x0] =	vst.idx.msk $0xffff, v34  }
0x719: {  	v34 =	vld [tilespmem:s14+$0x8400];
	v57 =	vadd.s32 v0, v33  }
0x71a: {  	v36 =	vld [tilespmem:s14+$0x8410];
	v37 =	vadd.s32 v2, v33;
	_ =	sdelay $0x3  }
0x71b: {  	[tilespmem:v57+s28+$0x0] =	vst.idx.msk $0xffff, v34  }
0x71c: {  	[tilespmem:v37+s28+$0x0] =	vst.idx.msk $0xffff, v36  }
0x71d: {  	v58 =	vadd.s32 v3, v33;
	v34 =	vld [tilespmem:s14+$0x9400]  }
0x71e: {  	s6 =	sadd.s32 $0x1, s18;
	v59 =	vadd.s32 v4, v33;
	v36 =	vld [tilespmem:s14+$0x9410]  }
0x71f: {  	v60 =	vmov s6  }
0x720: {  	v37 =	vshrl.u32 v60, $0x3  }
0x721: {  	v37 =	vshll.u32 v37, v1  }
0x722: {  	v61 =	vbroadcast v37, $0x0;
	[tilespmem:v58+s28+$0x0] =	vst.idx.msk $0xffff, v34  }
0x723: {  	[tilespmem:v59+s28+$0x0] =	vst.idx.msk $0xffff, v36  }
0x724: {  	v62 =	vadd.s32 v5, v61;
	v33 =	vld [tilespmem:s14+$0x8420]  }
0x725: {  	v37 =	vadd.s32 v6, v61;
	v36 =	vld [tilespmem:s14+$0x8430];
	_ =	sdelay $0x3  }
0x726: {  	[tilespmem:v62+s28+$0x0] =	vst.idx.msk $0xffff, v33  }
0x727: {  	[tilespmem:v37+s28+$0x0] =	vst.idx.msk $0xffff, v36  }
0x728: {  	v63 =	vadd.s32 v7, v61;
	v33 =	vld [tilespmem:s14+$0x9420]  }
0x729: {  	s24 =	sadd.s32 $0x2, s18;
	v34 =	vadd.s32 v8, v61;
	v36 =	vld [tilespmem:s14+$0x9430]  }
0x72a: {  	v40 =	vmov s24  }
0x72b: {  	v37 =	vshrl.u32 v40, $0x3  }
0x72c: {  	v37 =	vshll.u32 v37, v1  }
0x72d: {  	v41 =	vbroadcast v37, $0x0;
	[tilespmem:v63+s28+$0x0] =	vst.idx.msk $0xffff, v33  }
0x72e: {  	[tilespmem:v34+s28+$0x0] =	vst.idx.msk $0xffff, v36  }
0x72f: {  	v42 =	vadd.s32 v9, v41;
	v34 =	vld [tilespmem:s14+$0x8440]  }
0x730: {  	v37 =	vadd.s32 v10, v41;
	v36 =	vld [tilespmem:s14+$0x8450];
	_ =	sdelay $0x3  }
0x731: {  	[tilespmem:v42+s28+$0x0] =	vst.idx.msk $0xffff, v34  }
0x732: {  	[tilespmem:v37+s28+$0x0] =	vst.idx.msk $0xffff, v36  }
0x733: {  	v43 =	vadd.s32 v11, v41;
	v34 =	vld [tilespmem:s14+$0x9440]  }
0x734: {  	s25 =	sadd.s32 $0x3, s18;
	v33 =	vadd.s32 v12, v41;
	v36 =	vld [tilespmem:s14+$0x9450]  }
0x735: {  	v44 =	vmov s25  }
0x736: {  	v37 =	vshrl.u32 v44, $0x3  }
0x737: {  	v37 =	vshll.u32 v37, v1  }
0x738: {  	v45 =	vbroadcast v37, $0x0;
	[tilespmem:v43+s28+$0x0] =	vst.idx.msk $0xffff, v34  }
0x739: {  	[tilespmem:v33+s28+$0x0] =	vst.idx.msk $0xffff, v36  }
0x73a: {  	v46 =	vadd.s32 v13, v45;
	v33 =	vld [tilespmem:s14+$0x8460]  }
0x73b: {  	v37 =	vadd.s32 v14, v45;
	v36 =	vld [tilespmem:s14+$0x8470];
	_ =	sdelay $0x3  }
0x73c: {  	[tilespmem:v46+s28+$0x0] =	vst.idx.msk $0xffff, v33  }
0x73d: {  	[tilespmem:v37+s28+$0x0] =	vst.idx.msk $0xffff, v36  }
0x73e: {  	v47 =	vadd.s32 v15, v45;
	v33 =	vld [tilespmem:s14+$0x9460]  }
0x73f: {  	s29 =	sadd.s32 $0x4, s18;
	v34 =	vadd.s32 v16, v45;
	v36 =	vld [tilespmem:s14+$0x9470]  }
0x740: {  	v48 =	vmov s29  }
0x741: {  	v37 =	vshrl.u32 v48, $0x3  }
0x742: {  	v37 =	vshll.u32 v37, v1  }
0x743: {  	v49 =	vbroadcast v37, $0x0;
	[tilespmem:v47+s28+$0x0] =	vst.idx.msk $0xffff, v33  }
0x744: {  	[tilespmem:v34+s28+$0x0] =	vst.idx.msk $0xffff, v36  }
0x745: {  	v50 =	vadd.s32 v17, v49;
	v34 =	vld [tilespmem:s14+$0x8480]  }
0x746: {  	v37 =	vadd.s32 v18, v49;
	v36 =	vld [tilespmem:s14+$0x8490];
	_ =	sdelay $0x3  }
0x747: {  	[tilespmem:v50+s28+$0x0] =	vst.idx.msk $0xffff, v34  }
0x748: {  	[tilespmem:v37+s28+$0x0] =	vst.idx.msk $0xffff, v36  }
0x749: {  	v51 =	vadd.s32 v19, v49;
	v34 =	vld [tilespmem:s14+$0x9480]  }
0x74a: {  	s30 =	sadd.s32 $0x5, s18;
	v33 =	vadd.s32 v20, v49;
	v36 =	vld [tilespmem:s14+$0x9490]  }
0x74b: {  	v52 =	vmov s30  }
0x74c: {  	v37 =	vshrl.u32 v52, $0x3  }
0x74d: {  	v37 =	vshll.u32 v37, v1  }
0x74e: {  	v53 =	vbroadcast v37, $0x0;
	[tilespmem:v51+s28+$0x0] =	vst.idx.msk $0xffff, v34  }
0x74f: {  	[tilespmem:v33+s28+$0x0] =	vst.idx.msk $0xffff, v36  }
0x750: {  	v54 =	vadd.s32 v21, v53;
	v33 =	vld [tilespmem:s14+$0x84A0]  }
0x751: {  	v37 =	vadd.s32 v22, v53;
	v36 =	vld [tilespmem:s14+$0x84B0];
	_ =	sdelay $0x3  }
0x752: {  	[tilespmem:v54+s28+$0x0] =	vst.idx.msk $0xffff, v33  }
0x753: {  	[tilespmem:v37+s28+$0x0] =	vst.idx.msk $0xffff, v36  }
0x754: {  	v55 =	vadd.s32 v23, v53;
	v33 =	vld [tilespmem:s14+$0x94A0]  }
0x755: {  	s12 =	sadd.s32 $0x6, s18;
	v34 =	vadd.s32 v24, v53;
	v36 =	vld [tilespmem:s14+$0x94B0]  }
0x756: {  	v56 =	vmov s12  }
0x757: {  	v37 =	vshrl.u32 v56, $0x3  }
0x758: {  	v37 =	vshll.u32 v37, v1  }
0x759: {  	v57 =	vbroadcast v37, $0x0;
	[tilespmem:v55+s28+$0x0] =	vst.idx.msk $0xffff, v33  }
0x75a: {  	[tilespmem:v34+s28+$0x0] =	vst.idx.msk $0xffff, v36  }
0x75b: {  	v58 =	vadd.s32 v25, v57;
	v34 =	vld [tilespmem:s14+$0x84C0]  }
0x75c: {  	v37 =	vadd.s32 v26, v57;
	v36 =	vld [tilespmem:s14+$0x84D0];
	_ =	sdelay $0x3  }
0x75d: {  	[tilespmem:v58+s28+$0x0] =	vst.idx.msk $0xffff, v34  }
0x75e: {  	[tilespmem:v37+s28+$0x0] =	vst.idx.msk $0xffff, v36  }
0x75f: {  	v59 =	vadd.s32 v27, v57;
	v34 =	vld [tilespmem:s14+$0x94C0]  }
0x760: {  	s20 =	sadd.s32 $0x7, s18;
	v33 =	vadd.s32 v28, v57;
	v36 =	vld [tilespmem:s14+$0x94D0]  }
0x761: {  	v60 =	vmov s20  }
0x762: {  	v37 =	vshrl.u32 v60, $0x3  }
0x763: {  	v37 =	vshll.u32 v37, v1  }
0x764: {  	v61 =	vbroadcast v37, $0x0;
	[tilespmem:v59+s28+$0x0] =	vst.idx.msk $0xffff, v34  }
0x765: {  	[tilespmem:v33+s28+$0x0] =	vst.idx.msk $0xffff, v36  }
0x766: {  	v62 =	vadd.s32 v29, v61;
	v33 =	vld [tilespmem:s14+$0x84E0]  }
0x767: {  	v37 =	vadd.s32 v30, v61;
	v36 =	vld [tilespmem:s14+$0x84F0];
	_ =	sdelay $0x3  }
0x768: {  	[tilespmem:v62+s28+$0x0] =	vst.idx.msk $0xffff, v33  }
0x769: {  	[tilespmem:v37+s28+$0x0] =	vst.idx.msk $0xffff, v36  }
0x76a: {  	v63 =	vadd.s32 v31, v61;
	v33 =	vld [tilespmem:s14+$0x94E0]  }
0x76b: {  	v34 =	vadd.s32 v32, v61;
	v36 =	vld [tilespmem:s14+$0x94F0];
	_ =	sdelay $0x3  }
0x76c: {  	[tilespmem:v63+s28+$0x0] =	vst.idx.msk $0xffff, v33  }
0x76d: {  	s24 =	simm.s32 $0xC600;
	[tilespmem:v34+s28+$0x0] =	vst.idx.msk $0xffff, v36  }
0x76e: {  	[hbm4b:s11+s3] =	stream.linear.scatter [tilespmem:s24], [sflag:$0x4], $0x80, $0x38;
	[tilespmem:$0xE800] =	vst v63  }
0x76f: {  	s25 =	simm.s32 $0xC688;
	s12 =	sadd.s32 $0x10, s11  }
0x770: {  	[hbm4b:s12+s3] =	stream.linear.scatter [tilespmem:s25], [sflag:$0x4], $0x80, $0x38;
	[tilespmem:$0xE800] =	vst v63  }
0x771: {  	s18 =	simm.s32 $0xC820;
	s29 =	simm.s32 $0xC710;
	s30 =	sadd.s32 $0x20, s11  }
0x772: {  	[hbm4b:s30+s3] =	stream.linear.scatter [tilespmem:s29], [sflag:$0x4], $0x80, $0x38;
	[tilespmem:$0xE800] =	vst v63  }
0x773: {  	s20 =	sadd.s32 $0x40, s11;
	s14 =	sadd.s32 $0x30, s11;
	s12 =	simm.s32 $0xC798  }
0x774: {  	[hbm4b:s14+s3] =	stream.linear.scatter [tilespmem:s12], [sflag:$0x4], $0x80, $0x38;
	[tilespmem:$0xE800] =	vst v63  }
0x775: {  	s24 =	simm.s32 $0xC8A8;
	s25 =	sadd.s32 $0x50, s11;
	s29 =	simm.s32 $0xC930  }
0x776: {  	[hbm4b:s20+s3] =	stream.linear.scatter [tilespmem:s18], [sflag:$0x4], $0x80, $0x38;
	[tilespmem:$0xE800] =	vst v63  }
0x777: {  	s30 =	sadd.s32 $0x60, s11;
	s14 =	simm.s32 $0x440;
	s20 =	simm.s32 $0x2200  }
0x778: {  	[hbm4b:s25+s3] =	stream.linear.scatter [tilespmem:s24], [sflag:$0x4], $0x80, $0x38;
	[tilespmem:$0xE800] =	vst v63  }
0x779: {  	s18 =	sadd.s32 $0x1000, s11;
	s24 =	simm.s32 $0xC9B8;
	s25 =	sadd.s32 $0x70, s11  }
0x77a: {  	[hbm4b:s30+s3] =	stream.linear.scatter [tilespmem:s29], [sflag:$0x4], $0x80, $0x38;
	[tilespmem:$0xE800] =	vst v63  }
.LBB2_26:
0x77b: {  	[hbm4b:s25+s3] =	stream.linear.scatter [tilespmem:s24], [sflag:$0x4], $0x80, $0x38;
	[tilespmem:$0xE800] =	vst v63  }
0x77c: {  	s6 =	smov.u32 s14;
	s12 =	smov.u32 s20  }
0x77d: {  	s14 =	sshra.s32 s12, $0x2;
	s12 =	sadd.s32 $0x1100, s20;
	s24 =	sadd.s32 $0xC600, s6  }
0x77e: {  	[hbm4b:s18+s3] =	stream.linear.scatter [tilespmem:s24], [sflag:$0x4], $0x80, $0x38;
	[tilespmem:$0xE800] =	vst v63  }
0x77f: {  	p0 =	sne.s32 s20, $0x7700;
	s20 =	sadd.s32 $0xC688, s6;
	s24 =	sadd.s32 $0x10, s18  }
0x780: {  	[hbm4b:s24+s3] =	stream.linear.scatter [tilespmem:s20], [sflag:$0x4], $0x80, $0x38;
	[tilespmem:$0xE800] =	vst v63  }
0x781: {  	s20 =	sadd.s32 $0xC710, s6;
	s24 =	sadd.s32 $0x20, s18  }
0x782: {  	[hbm4b:s24+s3] =	stream.linear.scatter [tilespmem:s20], [sflag:$0x4], $0x80, $0x38;
	[tilespmem:$0xE800] =	vst v63  }
0x783: {  	s20 =	sadd.s32 $0xC798, s6;
	s24 =	sadd.s32 $0x30, s18  }
0x784: {  	[hbm4b:s24+s3] =	stream.linear.scatter [tilespmem:s20], [sflag:$0x4], $0x80, $0x38;
	[tilespmem:$0xE800] =	vst v63  }
0x785: {  	s20 =	sadd.s32 $0xC820, s6;
	s24 =	sadd.s32 $0x40, s18  }
0x786: {  	[hbm4b:s24+s3] =	stream.linear.scatter [tilespmem:s20], [sflag:$0x4], $0x80, $0x38;
	[tilespmem:$0xE800] =	vst v63  }
.Ltmp12:
0x787: {  	s20 =	sadd.s32 $0xC8A8, s6;
	s24 =	sadd.s32 $0x50, s18;
	(pc) =	sbr.rel @p0 .LBB2_26-.Ltmp12, $4  }
0x788: {  	[hbm4b:s24+s3] =	stream.linear.scatter [tilespmem:s20], [sflag:$0x4], $0x80, $0x38;
	[tilespmem:$0xE800] =	vst v63  }
0x789: {  	s25 =	sadd.s32 $0x70, s18;
	s20 =	sadd.s32 $0xC930, s6;
	s24 =	sadd.s32 $0x60, s18  }
0x78a: {  	[hbm4b:s24+s3] =	stream.linear.scatter [tilespmem:s20], [sflag:$0x4], $0x80, $0x38;
	[tilespmem:$0xE800] =	vst v63  }
0x78b: {  	s18 =	sadd.s32 $0x1000, s18;
	s24 =	sadd.s32 $0xC9B8, s6;
	s20 =	smov.u32 s12  }
0x78c: {  	[hbm4b:s25+s3] =	stream.linear.scatter [tilespmem:s24], [sflag:$0x4], $0x80, $0x38;
	[tilespmem:$0xE800] =	vst v63  }
0x78d: {  	s6 =	sadd.s32 $0xC600, s14  }
0x78e: {  	[hbm4b:s18+s3] =	stream.linear.scatter [tilespmem:s6], [sflag:$0x4], $0x80, $0x38;
	[tilespmem:$0xE800] =	vst v63  }
0x78f: {  	s25 =	sadd.s32 $0xC688, s14;
	s12 =	sadd.s32 $0x10, s18  }
0x790: {  	[hbm4b:s12+s3] =	stream.linear.scatter [tilespmem:s25], [sflag:$0x4], $0x80, $0x38;
	[tilespmem:$0xE800] =	vst v63  }
0x791: {  	s29 =	sadd.s32 $0xC710, s14;
	s30 =	sadd.s32 $0x20, s18  }
0x792: {  	[hbm4b:s30+s3] =	stream.linear.scatter [tilespmem:s29], [sflag:$0x4], $0x80, $0x38;
	[tilespmem:$0xE800] =	vst v63  }
0x793: {  	s20 =	sadd.s32 $0x30, s18;
	s12 =	sadd.s32 $0xC798, s14  }
0x794: {  	[hbm4b:s20+s3] =	stream.linear.scatter [tilespmem:s12], [sflag:$0x4], $0x80, $0x38;
	[tilespmem:$0xE800] =	vst v63  }
0x795: {  	s24 =	sadd.s32 $0xC820, s14;
	s25 =	sadd.s32 $0x40, s18  }
0x796: {  	[hbm4b:s25+s3] =	stream.linear.scatter [tilespmem:s24], [sflag:$0x4], $0x80, $0x38;
	[tilespmem:$0xE800] =	vst v63  }
0x797: {  	s29 =	sadd.s32 $0xC8A8, s14;
	s30 =	sadd.s32 $0x50, s18  }
0x798: {  	[hbm4b:s30+s3] =	stream.linear.scatter [tilespmem:s29], [sflag:$0x4], $0x80, $0x38;
	[tilespmem:$0xE800] =	vst v63  }
0x799: {  	s20 =	sadd.s32 $0xC930, s14;
	s24 =	sadd.s32 $0x60, s18  }
0x79a: {  	[hbm4b:s24+s3] =	stream.linear.scatter [tilespmem:s20], [sflag:$0x4], $0x80, $0x38;
	[tilespmem:$0xE800] =	vst v63  }
0x79b: {  	s25 =	sadd.s32 $0xC9B8, s14;
	s29 =	sadd.s32 $0x70, s18  }
0x79c: {  	[hbm4b:s29+s3] =	stream.linear.scatter [tilespmem:s25], [sflag:$0x4], $0x80, $0x38;
	[tilespmem:$0xE800] =	vst v63  }
0x79d: {  	_ =	swait.ge [sflag:s31], $0x2000  }
0x79e: {  	[sflag:s31] =	ssyncset.done $0x0  }
0x79f: {  	[sflag:s31] =	ssyncadd.s32 $0xFFFFE000  }
0x7a0: {  	_ =	swait.ge [sflag:s1], $0x2000  }
0x7a1: {  	s0 =	sadd.s32 $0x1, s0;
	s30 =	rddreg [dreg:$0x4]  }
0x7a2: {  	p0 =	sne.s32 s0, s30  }
.Ltmp13:
0x7a3: {  	_ = 	snop;
	(pc) =	sbr.rel @p0 .LBB2_1-.Ltmp13, $3  }
0x7a4: {  	_ =	sdelay $0x1  }
0x7a5: {  	[sflag:s1] =	ssyncset.done $0x0  }
0x7a6: {  	[sflag:s1] =	ssyncadd.s32 $0xFFFFE000  }
0x7a7: {  	_ =	sfence.sel $0x180000  }
0x7a8: {  	[bflag:$0x0] =	sbarrier.arrive $0xFFFF  }
0x7a9: {  	_ =	strace $0x90000047  }
0x7aa: {  	s0 =	stileid.u32;
	[bflag:$0x2] =	sbarrier.arrive $0xFFFF  }
0x7ab: {  	p0 =	sne.s32 s0, $0x0;
	s0 =	rddreg [dreg:$0x2]  }
0x7ac: {  	s0 =	sadd.s32 @!p0 $0x100000, s0  }
0x7ad: {  	[sflag:s0] =	ssyncadd.tile.s32 @!p0 $0x1;
	_ =	shalt  }
.Lfunc_end2:
_tile_overlayer_lowered:
.L_overlay_start_2:
0x7ae: {  	(tag) =	ssettag $0x2  }
0x7af: {  	s0 =	rddreg [dreg:$0x0];
	s2 =	stileid.u32  }
0x7b0: {  	s1 =	rddreg [dreg:$0x1];
	p0 =	sne.s32 s2, $0x0  }
0x7b1: {  	s3 =	rddreg [dreg:$0x2];
	[bflag:$0x3] =	sbarrier.arrive $0xFFFF;
	s2 =	simm.s32 @!p0 $0x1C05  }
0x7b2: {  	[timem:s3], [sflag:s2] =	dma.local @!p0 [hbm:s0], s1  }
0x7b3: {  	s0 =	simm.s32 @!p0 $0x5  }
0x7b4: {  	_ =	swait.ge @!p0 [sflag:s0], s1  }
0x7b5: {  	s1 =	ssub.s32 @!p0 $0x0, s1;
	[sflag:s0] =	ssyncset.done @!p0 $0x0  }
0x7b6: {  	[sflag:s0] =	ssyncadd.s32 @!p0 s1  }
0x7b7: {  	[bflag:$0x3] =	sbarrier.arrive $0xFFFF  }
0x7b8: {  	_ =	shalt  }

</sc_bundles>
